<compile_context>
chip_gen: v7x
topology: tpu7x:2x2x1
jax: 0.10.2.dev20260603
libtpu: 0.0.44.dev20260713+nightly
codegen_flags: <defaults>
</compile_context>

<pallas_src>
import functools

import jax
import jax.numpy as jnp
import numpy as np
from jax import lax
from jax.experimental import pallas as pl
from jax.experimental.pallas import tpu as pltpu
from jax.experimental.pallas import tpu_sc as plsc

_F = 26
_FIELD = 1000
_TOTAL = _F * _FIELD
_D = 16
_B = 4096
_P = (_F * (_F - 1)) // 2
_PP = 336
_NIDX = 2 * _PP
_NCHUNK = _NIDX // 112
_NW = 32
_EPW = _B // _NW
_TAB = _NIDX + 32

_mesh = plsc.VectorSubcoreMesh(
    core_axis_name="c", subcore_axis_name="s", num_cores=2, num_subcores=16
)

_RC = 1000
_NCH = _TOTAL // _RC
_NU = _F * _NCH
_UPW = -(-_NU // _NW)


@functools.partial(
    pl.kernel,
    out_type=jax.ShapeDtypeStruct((_F * _TOTAL, _D), jnp.float32),
    mesh=_mesh,
    scratch_types=[
        pltpu.VMEM((2, _D, _RC), jnp.float32),
        pltpu.VMEM((2, _RC, _D), jnp.float32),
        pltpu.SemaphoreType.DMA,
        pltpu.SemaphoreType.DMA,
        pltpu.SemaphoreType.DMA,
        pltpu.SemaphoreType.DMA,
    ],
    compiler_params=pltpu.CompilerParams(
        needs_layout_passes=False, use_tc_tiling_on_sc=False
    ),
)
def _tr_sc(et_hbm, er_hbm, st_v, ot_v, si0, si1, so0, so1):
    wid = lax.axis_index("s") * 2 + lax.axis_index("c")
    sis = (si0, si1)
    sos = (so0, so1)
    rlane = lax.iota(jnp.int32, 16)

    def unit(t, buf):
        return wid + (t * 2 + buf) * _NW

    def stage(u, buf):
        j = u // _NCH
        r0 = (u % _NCH) * _RC
        pltpu.async_copy(
            et_hbm.at[j, :, pl.ds(r0, _RC)], st_v.at[buf], sis[buf]
        )

    def stage_wait(u, buf):
        j = u // _NCH
        r0 = (u % _NCH) * _RC
        pltpu.make_async_copy(
            et_hbm.at[j, :, pl.ds(r0, _RC)], st_v.at[buf], sis[buf]
        ).wait()

    def transpose(buf):
        def grp(rg, _):
            base = rg * _D
            ridx = rlane + base
            for d in range(_D):
                vals = st_v[buf, d, pl.ds(base, _D)]
                plsc.store_scatter(
                    ot_v.at[buf],
                    [ridx, jnp.full((16,), d, dtype=jnp.int32)],
                    vals,
                )
            return _

        lax.fori_loop(0, _RC // _D, grp, 0)
        base = _RC - _D
        ridx = rlane + base
        for d in range(_D):
            vals = st_v[buf, d, pl.ds(base, _D)]
            plsc.store_scatter(
                ot_v.at[buf],
                [ridx, jnp.full((16,), d, dtype=jnp.int32)],
                vals,
            )

    def flush(u, buf):
        j = u // _NCH
        r0 = (u % _NCH) * _RC
        pltpu.async_copy(
            ot_v.at[buf], er_hbm.at[pl.ds(j * _TOTAL + r0, _RC), :], sos[buf]
        ).wait()

    @pl.when(unit(0, 0) < _NU)
    def _():
        stage(unit(0, 0), 0)

    def step(t, carry):
        u0 = unit(t, 0)
        u1 = unit(t, 1)

        @pl.when(u1 < _NU)
        def _():
            stage(u1, 1)

        @pl.when(u0 < _NU)
        def _():
            stage_wait(u0, 0)
            transpose(0)
            flush(u0, 0)

        @pl.when(unit(t + 1, 0) < _NU)
        def _():
            stage(unit(t + 1, 0), 0)

        @pl.when(u1 < _NU)
        def _():
            stage_wait(u1, 1)
            transpose(1)
            flush(u1, 1)

        return carry

    lax.fori_loop(0, _UPW // 2, step, 0)


def _build_tables():
    fidx = np.zeros(_TAB, np.int32)
    cadd = np.zeros(_TAB, np.int32)
    p = 0
    for i in range(_F - 1):
        for j in range(i + 1, _F):
            fidx[p] = i
            cadd[p] = j * _TOTAL + i * _FIELD
            fidx[_PP + p] = j
            cadd[_PP + p] = i * _TOTAL + j * _FIELD
            p += 1
    for q in range(_F):
        fidx[_NIDX + q] = q
        cadd[_NIDX + q] = q * _FIELD
    mask = np.zeros(_D, np.float32)
    mask[: _F - 16] = 1.0
    return fidx, cadd, mask


_TF, _TC, _LMASK = _build_tables()


@functools.partial(
    pl.kernel,
    out_type=jax.ShapeDtypeStruct((_B,), jnp.float32),
    mesh=_mesh,
    scratch_types=[
        pltpu.VMEM((_EPW * _F,), jnp.int32),
        pltpu.VMEM((_TOTAL,), jnp.float32),
        pltpu.VMEM((_TAB,), jnp.int32),
        pltpu.VMEM((_TAB,), jnp.int32),
        pltpu.VMEM((_D,), jnp.float32),
        pltpu.VMEM((_NIDX,), jnp.int32),
        pltpu.VMEM((_NIDX,), jnp.int32),
        pltpu.VMEM((2, _NIDX, _D), jnp.float32),
        pltpu.VMEM((_EPW,), jnp.float32),
        pltpu.SemaphoreType.DMA,
        pltpu.SemaphoreType.DMA,
    ],
    compiler_params=pltpu.CompilerParams(
        needs_layout_passes=False, use_tc_tiling_on_sc=False
    ),
)
def _ffm_sc(x_hbm, e_hbm, w_hbm, tf_hbm, tc_hbm, lm_hbm, out_hbm,
            x_v, w_v, tf_v, tc_v, lm_v, idx0_v, idx1_v, rows_v, res_v,
            sem0, sem1):
    wid = lax.axis_index("s") * 2 + lax.axis_index("c")
    base = wid * _EPW

    pltpu.sync_copy(x_hbm.at[pl.ds(base * _F, _EPW * _F)], x_v)
    pltpu.sync_copy(w_hbm, w_v)
    pltpu.sync_copy(tf_hbm, tf_v)
    pltpu.sync_copy(tc_hbm, tc_v)
    pltpu.sync_copy(lm_hbm, lm_v)

    sems = (sem0, sem1)
    idxs = (idx0_v, idx1_v)

    def build_indices(e, buf):
        xbase = e * _F
        ib = idxs[buf]
        for k in range(_NIDX // _D):
            fv = tf_v[pl.ds(k * _D, _D)]
            cv = tc_v[pl.ds(k * _D, _D)]
            xi = plsc.load_gather(x_v, [fv + xbase])
            ib[pl.ds(k * _D, _D)] = xi + cv

    def fire(buf):
        sem = sems[buf]
        ib = idxs[buf]
        for c in range(_NCHUNK):
            pltpu.async_copy(
                e_hbm.at[ib.at[pl.ds(c * 112, 112)]],
                rows_v.at[buf, pl.ds(c * 112, 112)],
                sem,
            )

    def drain(buf):
        sem = sems[buf]
        ib = idxs[buf]
        for c in range(_NCHUNK):
            pltpu.make_async_copy(
                e_hbm.at[ib.at[pl.ds(c * 112, 112)]],
                rows_v.at[buf, pl.ds(c * 112, 112)],
                sem,
            ).wait()

    def compute(e, buf):
        def pair_body(p, acc):
            q = p * 5
            for u in range(5):
                acc = acc + rows_v[buf, q + u, :] * rows_v[buf, _PP + q + u, :]
            return acc
        acc = lax.fori_loop(0, _P // 5, pair_body, jnp.zeros((_D,), jnp.float32))

        xbase = e * _F
        fv0 = tf_v[pl.ds(_NIDX, _D)]
        cv0 = tc_v[pl.ds(_NIDX, _D)]
        xi0 = plsc.load_gather(x_v, [fv0 + xbase])
        l0 = plsc.load_gather(w_v, [xi0 + cv0])
        fv1 = tf_v[pl.ds(_NIDX + _D, _D)]
        cv1 = tc_v[pl.ds(_NIDX + _D, _D)]
        xi1 = plsc.load_gather(x_v, [fv1 + xbase])
        l1 = plsc.load_gather(w_v, [xi1 + cv1]) * lm_v[...]

        s = jnp.sum(acc + l0 + l1)
        lane = lax.iota(jnp.int32, 16)
        ev = jnp.full((16,), e, dtype=jnp.int32)
        sv = jnp.full((16,), s, dtype=jnp.float32)
        plsc.store_scatter(res_v, [ev], sv, mask=lane == 0)

    build_indices(0, 0)
    fire(0)

    def group_body(t, carry):
        e0 = t * 2
        build_indices(e0 + 1, 1)
        fire(1)
        drain(0)
        compute(e0, 0)

        @pl.when(e0 + 2 < _EPW)
        def _():
            build_indices(e0 + 2, 0)
            fire(0)

        drain(1)
        compute(e0 + 1, 1)
        return carry

    lax.fori_loop(0, _EPW // 2, group_body, 0)

    pltpu.sync_copy(res_v, out_hbm.at[pl.ds(base, _EPW)])


def kernel(x, E, w, b):
    xf = x.reshape(-1).astype(jnp.int32)
    wf = w.reshape(-1)
    et = jnp.transpose(E, (0, 2, 1))
    er = _tr_sc(et)
    out = _ffm_sc(xf, er, wf, jnp.asarray(_TF), jnp.asarray(_TC),
                  jnp.asarray(_LMASK))
    return out + b[0]

# --- scband reference (transcript-rebuilt; emitter-appended) ---
"""Pipeline reference for scband-field-aware-factorization-machine-model-80582176408345 (READ-ONLY COPY).

The authoritative reference and input builder live on the scoring server;
editing this copy changes nothing except your own understanding.
"""

import jax, jax.numpy as jnp
import numpy as np

FIELD_DIMS = [1000] * 26
EMBED_DIM = 16
BATCH = 4096


def setup_inputs(seed: int = 0) -> dict:
    key = jax.random.key(seed)
    k1, k2, k3 = jax.random.split(key, 3)
    F = len(FIELD_DIMS)
    total = int(sum(FIELD_DIMS))
    # per-field indices in [0, field_dim); offsets are added inside reference
    x = jax.random.randint(k1, (BATCH, F), 0, min(FIELD_DIMS), dtype=jnp.int64)
    # F field-aware embedding tables, each (total_features, embed_dim), xavier-ish init
    E = jax.random.normal(k2, (F, total, EMBED_DIM), dtype=jnp.float32) * 0.01
    # linear (bias) term table + global bias, as in FeaturesBias
    w = jax.random.normal(k3, (total, 1), dtype=jnp.float32) * 0.01
    b = jnp.zeros((1,), dtype=jnp.float32)
    return {"x": x, "E": E, "w": w, "b": b}


def reference(x, E, w, b):
    F = len(FIELD_DIMS)
    offsets = jnp.asarray(np.concatenate(([0], np.cumsum(FIELD_DIMS)[:-1])), dtype=x.dtype)
    xo = x + offsets[None, :]  # (B, F) global feature ids
    # FeaturesBias: sum of per-feature biases + global bias -> (B, 1)
    linear = jnp.sum(jnp.take(w, xo, axis=0), axis=1) + b
    # FieldAwareFactorizationMachine: gather from every field-aware table
    gathered = jnp.take(E, xo, axis=1)  # (F, B, F, d); gathered[f] = table_f lookup of all fields
    terms = []
    for i in range(F - 1):
        for j in range(i + 1, F):
            # <v_{i,fj}, v_{j,fi}> elementwise product, standard FFM pairwise term
            terms.append(gathered[j][:, i, :] * gathered[i][:, j, :])
    ix = jnp.stack(terms, axis=1)  # (B, P, d) with P = F*(F-1)/2
    ffm_term = jnp.sum(jnp.sum(ix, axis=1), axis=1, keepdims=True)  # (B, 1)
    out = linear + ffm_term  # (B, 1)
    return out.squeeze(1)  # (B,)

if __name__ == "__main__":
    import jax
    _d = setup_inputs()
    print(jax.jit(kernel)(*tuple(_d.values())))

</pallas_src>

<mosaic_0001>
#map = affine_map<(d0, d1) -> (0, 0, 0)>
#map1 = affine_map<(d0, d1) -> (0, 0)>
module attributes {stable_mosaic.version = 14 : i64} {
  func.func @_tr_sc(%arg0: i32, %arg1: i32, %arg2: memref<26x16x26000xf32, #tpu.memory_space<hbm>>, %arg3: memref<676000x16xf32, #tpu.memory_space<hbm>>, %arg4: memref<2x16x1000xf32, #tpu.memory_space<vmem>>, %arg5: memref<2x1000x16xf32, #tpu.memory_space<vmem>>, %arg6: memref<!tpu.dma_semaphore, #tpu.memory_space<semaphore_mem>>, %arg7: memref<!tpu.dma_semaphore, #tpu.memory_space<semaphore_mem>>, %arg8: memref<!tpu.dma_semaphore, #tpu.memory_space<semaphore_mem>>, %arg9: memref<!tpu.dma_semaphore, #tpu.memory_space<semaphore_mem>>) attributes {dimension_semantics = [#tpu.dimension_semantics<core_parallel>, #tpu.dimension_semantics<subcore_parallel>], iteration_bounds = array<i64: 2, 16>, scalar_prefetch = 0 : i64, scratch_operands = 6 : i64, tpu.core_type = #tpu.core_type<sc_vector_subcore>, window_params = [{transform_indices = #map}, {transform_indices = #map1}]} {
    %mul3A = arith.constant 2 : i32
    %mul3A_0 = arith.muli %arg1, %mul3A : i32
    %add3A = arith.addi %mul3A_0, %arg0 : i32
    %iota3A = tpu.iota {dimensions = array<i32: 0>} : vector<16xi32>
    %add3A_1 = arith.constant 0 : i32
    %add3A_2 = arith.addi %add3A, %add3A_1 : i32
    %lt3A = arith.constant 676 : i32
    %lt3A_3 = arith.cmpi slt, %add3A_2, %lt3A : i32
    %convert_element_type3A = arith.extui %lt3A_3 : i1 to i32
    %cond3A = arith.constant 0 : i32
    %cond3A_4 = arith.cmpi ne, %convert_element_type3A, %cond3A : i32
    scf.if %cond3A_4 {
      %add3A_10 = arith.constant 0 : i32
      %add3A_11 = arith.addi %add3A, %add3A_10 : i32
      %jit3A = arith.constant 26 : i32
      %div3A = arith.divsi %add3A_11, %jit3A : i32
      %sign3A = arith.constant 0 : i32
      %sign3A_12 = arith.cmpi sgt, %add3A_11, %sign3A : i32
      %sign3A_13 = arith.extui %sign3A_12 : i1 to i32
      %sign3A_14 = arith.constant 0 : i32
      %sign3A_15 = arith.cmpi slt, %add3A_11, %sign3A_14 : i32
      %sign3A_16 = arith.extui %sign3A_15 : i1 to i32
      %sign3A_17 = arith.subi %sign3A_13, %sign3A_16 : i32
      %sign3A_18 = arith.constant 0 : i32
      %sign3A_19 = arith.cmpi sgt, %jit3A, %sign3A_18 : i32
      %sign3A_20 = arith.extui %sign3A_19 : i1 to i32
      %sign3A_21 = arith.constant 0 : i32
      %sign3A_22 = arith.cmpi slt, %jit3A, %sign3A_21 : i32
      %sign3A_23 = arith.extui %sign3A_22 : i1 to i32
      %sign3A_24 = arith.subi %sign3A_20, %sign3A_23 : i32
      %ne3A = arith.cmpi ne, %sign3A_17, %sign3A_24 : i32
      %rem3A = arith.remsi %add3A_11, %jit3A : i32
      %ne3A_25 = arith.constant 0 : i32
      %ne3A_26 = arith.cmpi ne, %rem3A, %ne3A_25 : i32
      %and3A = arith.andi %ne3A, %ne3A_26 : i1
      %sub3A = arith.constant 1 : i32
      %sub3A_27 = arith.subi %div3A, %sub3A : i32
      %select_n3A = arith.select %and3A, %sub3A_27, %div3A : i32
      %jit3A_28 = arith.constant 26 : i32
      %eq3A = arith.constant 0 : i32
      %eq3A_29 = arith.cmpi eq, %jit3A_28, %eq3A : i32
      %jit3A_30 = arith.constant 1 : i32
      %select_n3A_31 = arith.select %eq3A_29, %jit3A_30, %jit3A_28 : i32
      %rem3A_32 = arith.remsi %add3A_11, %select_n3A_31 : i32
      %ne3A_33 = arith.constant 0 : i32
      %ne3A_34 = arith.cmpi ne, %rem3A_32, %ne3A_33 : i32
      %lt3A_35 = arith.constant 0 : i32
      %lt3A_36 = arith.cmpi slt, %rem3A_32, %lt3A_35 : i32
      %lt3A_37 = arith.constant 0 : i32
      %lt3A_38 = arith.cmpi slt, %select_n3A_31, %lt3A_37 : i32
      %ne3A_39 = arith.xori %lt3A_36, %lt3A_38 : i1
      %and3A_40 = arith.andi %ne3A_39, %ne3A_34 : i1
      %add3A_41 = arith.addi %rem3A_32, %select_n3A_31 : i32
      %select_n3A_42 = arith.select %and3A_40, %add3A_41, %rem3A_32 : i32
      %mul3A_43 = arith.constant 1000 : i32
      %mul3A_44 = arith.muli %select_n3A_42, %mul3A_43 : i32
      %dma_start3A = arith.constant 0 : i32
      %dma_start3A_45 = arith.constant 0 : i32
      %dma_start3A_46 = arith.constant 0 : i32
      %dma_start3A_47 = tpu.memref_slice %arg4[%dma_start3A, %dma_start3A_45, %dma_start3A_46] : memref<2x16x1000xf32, #tpu.memory_space<vmem>> -> memref<1x16x1000xf32, #tpu.memory_space<vmem>>
      %dma_start3A_48 = tpu.memref_squeeze %dma_start3A_47 : memref<1x16x1000xf32, #tpu.memory_space<vmem>> -> memref<16x1000xf32, #tpu.memory_space<vmem>>
      %dma_start3A_49 = arith.constant 0 : i32
      %dma_start3A_50 = tpu.memref_slice %arg2[%select_n3A, %dma_start3A_49, %mul3A_44] : memref<26x16x26000xf32, #tpu.memory_space<hbm>> -> memref<1x16x1000xf32, #tpu.memory_space<hbm>>
      %dma_start3A_51 = tpu.memref_squeeze %dma_start3A_50 : memref<1x16x1000xf32, #tpu.memory_space<hbm>> -> memref<16x1000xf32, #tpu.memory_space<hbm>>
      %dma_start3A_52 = arith.constant 0 : i32
      %dma_start3A_53 = arith.constant 0 : i32
      %dma_start3A_54 = tpu.memref_slice %arg4[%dma_start3A, %dma_start3A_52, %dma_start3A_53] : memref<2x16x1000xf32, #tpu.memory_space<vmem>> -> memref<1x16x1000xf32, #tpu.memory_space<vmem>>
      %dma_start3A_55 = tpu.memref_squeeze %dma_start3A_54 : memref<1x16x1000xf32, #tpu.memory_space<vmem>> -> memref<16x1000xf32, #tpu.memory_space<vmem>>
      %dma_start3A_56 = arith.constant 0 : i32
      %dma_start3A_57 = tpu.memref_slice %arg2[%select_n3A, %dma_start3A_56, %mul3A_44] : memref<26x16x26000xf32, #tpu.memory_space<hbm>> -> memref<1x16x1000xf32, #tpu.memory_space<hbm>>
      %dma_start3A_58 = tpu.memref_squeeze %dma_start3A_57 : memref<1x16x1000xf32, #tpu.memory_space<hbm>> -> memref<16x1000xf32, #tpu.memory_space<hbm>>
      tpu.enqueue_dma source(%dma_start3A_58 : memref<16x1000xf32, #tpu.memory_space<hbm>>) target(%dma_start3A_55 : memref<16x1000xf32, #tpu.memory_space<vmem>>) target_semaphore(%arg6 : memref<!tpu.dma_semaphore, #tpu.memory_space<semaphore_mem>>)
    } else {
    }
    %scan3A = arith.constant 0 : i32
    %scan3A_5 = arith.constant 0 : i32
    %scan3A_6 = arith.constant 11 : i32
    %scan3A_7 = arith.addi %scan3A_5, %scan3A_6 : i32
    %scan3A_8 = arith.constant 1 : i32
    scf.for %scan3A_10 = %scan3A_5 to %scan3A_7 step %scan3A_8  : i32 {
      %mul3A_11 = arith.constant 2 : i32
      %mul3A_12 = arith.muli %scan3A_10, %mul3A_11 : i32
      %add3A_13 = arith.constant 0 : i32
      %add3A_14 = arith.addi %mul3A_12, %add3A_13 : i32
      %mul3A_15 = arith.constant 32 : i32
      %mul3A_16 = arith.muli %add3A_14, %mul3A_15 : i32
      %add3A_17 = arith.addi %add3A, %mul3A_16 : i32
      %mul3A_18 = arith.constant 2 : i32
      %mul3A_19 = arith.muli %scan3A_10, %mul3A_18 : i32
      %add3A_20 = arith.constant 1 : i32
      %add3A_21 = arith.addi %mul3A_19, %add3A_20 : i32
      %mul3A_22 = arith.constant 32 : i32
      %mul3A_23 = arith.muli %add3A_21, %mul3A_22 : i32
      %add3A_24 = arith.addi %add3A, %mul3A_23 : i32
      %lt3A_25 = arith.constant 676 : i32
      %lt3A_26 = arith.cmpi slt, %add3A_24, %lt3A_25 : i32
      %convert_element_type3A_27 = arith.extui %lt3A_26 : i1 to i32
      %cond3A_28 = arith.constant 0 : i32
      %cond3A_29 = arith.cmpi ne, %convert_element_type3A_27, %cond3A_28 : i32
      scf.if %cond3A_29 {
        %jit3A = arith.constant 26 : i32
        %div3A = arith.divsi %add3A_24, %jit3A : i32
        %sign3A = arith.constant 0 : i32
        %sign3A_54 = arith.cmpi sgt, %add3A_24, %sign3A : i32
        %sign3A_55 = arith.extui %sign3A_54 : i1 to i32
        %sign3A_56 = arith.constant 0 : i32
        %sign3A_57 = arith.cmpi slt, %add3A_24, %sign3A_56 : i32
        %sign3A_58 = arith.extui %sign3A_57 : i1 to i32
        %sign3A_59 = arith.subi %sign3A_55, %sign3A_58 : i32
        %sign3A_60 = arith.constant 0 : i32
        %sign3A_61 = arith.cmpi sgt, %jit3A, %sign3A_60 : i32
        %sign3A_62 = arith.extui %sign3A_61 : i1 to i32
        %sign3A_63 = arith.constant 0 : i32
        %sign3A_64 = arith.cmpi slt, %jit3A, %sign3A_63 : i32
        %sign3A_65 = arith.extui %sign3A_64 : i1 to i32
        %sign3A_66 = arith.subi %sign3A_62, %sign3A_65 : i32
        %ne3A = arith.cmpi ne, %sign3A_59, %sign3A_66 : i32
        %rem3A = arith.remsi %add3A_24, %jit3A : i32
        %ne3A_67 = arith.constant 0 : i32
        %ne3A_68 = arith.cmpi ne, %rem3A, %ne3A_67 : i32
        %and3A = arith.andi %ne3A, %ne3A_68 : i1
        %sub3A = arith.constant 1 : i32
        %sub3A_69 = arith.subi %div3A, %sub3A : i32
        %select_n3A = arith.select %and3A, %sub3A_69, %div3A : i32
        %jit3A_70 = arith.constant 26 : i32
        %eq3A = arith.constant 0 : i32
        %eq3A_71 = arith.cmpi eq, %jit3A_70, %eq3A : i32
        %jit3A_72 = arith.constant 1 : i32
        %select_n3A_73 = arith.select %eq3A_71, %jit3A_72, %jit3A_70 : i32
        %rem3A_74 = arith.remsi %add3A_24, %select_n3A_73 : i32
        %ne3A_75 = arith.constant 0 : i32
        %ne3A_76 = arith.cmpi ne, %rem3A_74, %ne3A_75 : i32
        %lt3A_77 = arith.constant 0 : i32
        %lt3A_78 = arith.cmpi slt, %rem3A_74, %lt3A_77 : i32
        %lt3A_79 = arith.constant 0 : i32
        %lt3A_80 = arith.cmpi slt, %select_n3A_73, %lt3A_79 : i32
        %ne3A_81 = arith.xori %lt3A_78, %lt3A_80 : i1
        %and3A_82 = arith.andi %ne3A_81, %ne3A_76 : i1
        %add3A_83 = arith.addi %rem3A_74, %select_n3A_73 : i32
        %select_n3A_84 = arith.select %and3A_82, %add3A_83, %rem3A_74 : i32
        %mul3A_85 = arith.constant 1000 : i32
        %mul3A_86 = arith.muli %select_n3A_84, %mul3A_85 : i32
        %dma_start3A = arith.constant 1 : i32
        %dma_start3A_87 = arith.constant 0 : i32
        %dma_start3A_88 = arith.constant 0 : i32
        %dma_start3A_89 = tpu.memref_slice %arg4[%dma_start3A, %dma_start3A_87, %dma_start3A_88] : memref<2x16x1000xf32, #tpu.memory_space<vmem>> -> memref<1x16x1000xf32, #tpu.memory_space<vmem>>
        %dma_start3A_90 = tpu.memref_squeeze %dma_start3A_89 : memref<1x16x1000xf32, #tpu.memory_space<vmem>> -> memref<16x1000xf32, #tpu.memory_space<vmem>>
        %dma_start3A_91 = arith.constant 0 : i32
        %dma_start3A_92 = tpu.memref_slice %arg2[%select_n3A, %dma_start3A_91, %mul3A_86] : memref<26x16x26000xf32, #tpu.memory_space<hbm>> -> memref<1x16x1000xf32, #tpu.memory_space<hbm>>
        %dma_start3A_93 = tpu.memref_squeeze %dma_start3A_92 : memref<1x16x1000xf32, #tpu.memory_space<hbm>> -> memref<16x1000xf32, #tpu.memory_space<hbm>>
        %dma_start3A_94 = arith.constant 0 : i32
        %dma_start3A_95 = arith.constant 0 : i32
        %dma_start3A_96 = tpu.memref_slice %arg4[%dma_start3A, %dma_start3A_94, %dma_start3A_95] : memref<2x16x1000xf32, #tpu.memory_space<vmem>> -> memref<1x16x1000xf32, #tpu.memory_space<vmem>>
        %dma_start3A_97 = tpu.memref_squeeze %dma_start3A_96 : memref<1x16x1000xf32, #tpu.memory_space<vmem>> -> memref<16x1000xf32, #tpu.memory_space<vmem>>
        %dma_start3A_98 = arith.constant 0 : i32
        %dma_start3A_99 = tpu.memref_slice %arg2[%select_n3A, %dma_start3A_98, %mul3A_86] : memref<26x16x26000xf32, #tpu.memory_space<hbm>> -> memref<1x16x1000xf32, #tpu.memory_space<hbm>>
        %dma_start3A_100 = tpu.memref_squeeze %dma_start3A_99 : memref<1x16x1000xf32, #tpu.memory_space<hbm>> -> memref<16x1000xf32, #tpu.memory_space<hbm>>
        tpu.enqueue_dma source(%dma_start3A_100 : memref<16x1000xf32, #tpu.memory_space<hbm>>) target(%dma_start3A_97 : memref<16x1000xf32, #tpu.memory_space<vmem>>) target_semaphore(%arg7 : memref<!tpu.dma_semaphore, #tpu.memory_space<semaphore_mem>>)
      } else {
      }
      %lt3A_30 = arith.constant 676 : i32
      %lt3A_31 = arith.cmpi slt, %add3A_17, %lt3A_30 : i32
      %convert_element_type3A_32 = arith.extui %lt3A_31 : i1 to i32
      %cond3A_33 = arith.constant 0 : i32
      %cond3A_34 = arith.cmpi ne, %convert_element_type3A_32, %cond3A_33 : i32
      scf.if %cond3A_34 {
        %jit3A = arith.constant 26 : i32
        %div3A = arith.divsi %add3A_17, %jit3A : i32
        %sign3A = arith.constant 0 : i32
        %sign3A_54 = arith.cmpi sgt, %add3A_17, %sign3A : i32
        %sign3A_55 = arith.extui %sign3A_54 : i1 to i32
        %sign3A_56 = arith.constant 0 : i32
        %sign3A_57 = arith.cmpi slt, %add3A_17, %sign3A_56 : i32
        %sign3A_58 = arith.extui %sign3A_57 : i1 to i32
        %sign3A_59 = arith.subi %sign3A_55, %sign3A_58 : i32
        %sign3A_60 = arith.constant 0 : i32
        %sign3A_61 = arith.cmpi sgt, %jit3A, %sign3A_60 : i32
        %sign3A_62 = arith.extui %sign3A_61 : i1 to i32
        %sign3A_63 = arith.constant 0 : i32
        %sign3A_64 = arith.cmpi slt, %jit3A, %sign3A_63 : i32
        %sign3A_65 = arith.extui %sign3A_64 : i1 to i32
        %sign3A_66 = arith.subi %sign3A_62, %sign3A_65 : i32
        %ne3A = arith.cmpi ne, %sign3A_59, %sign3A_66 : i32
        %rem3A = arith.remsi %add3A_17, %jit3A : i32
        %ne3A_67 = arith.constant 0 : i32
        %ne3A_68 = arith.cmpi ne, %rem3A, %ne3A_67 : i32
        %and3A = arith.andi %ne3A, %ne3A_68 : i1
        %sub3A = arith.constant 1 : i32
        %sub3A_69 = arith.subi %div3A, %sub3A : i32
        %select_n3A = arith.select %and3A, %sub3A_69, %div3A : i32
        %jit3A_70 = arith.constant 26 : i32
        %eq3A = arith.constant 0 : i32
        %eq3A_71 = arith.cmpi eq, %jit3A_70, %eq3A : i32
        %jit3A_72 = arith.constant 1 : i32
        %select_n3A_73 = arith.select %eq3A_71, %jit3A_72, %jit3A_70 : i32
        %rem3A_74 = arith.remsi %add3A_17, %select_n3A_73 : i32
        %ne3A_75 = arith.constant 0 : i32
        %ne3A_76 = arith.cmpi ne, %rem3A_74, %ne3A_75 : i32
        %lt3A_77 = arith.constant 0 : i32
        %lt3A_78 = arith.cmpi slt, %rem3A_74, %lt3A_77 : i32
        %lt3A_79 = arith.constant 0 : i32
        %lt3A_80 = arith.cmpi slt, %select_n3A_73, %lt3A_79 : i32
        %ne3A_81 = arith.xori %lt3A_78, %lt3A_80 : i1
        %and3A_82 = arith.andi %ne3A_81, %ne3A_76 : i1
        %add3A_83 = arith.addi %rem3A_74, %select_n3A_73 : i32
        %select_n3A_84 = arith.select %and3A_82, %add3A_83, %rem3A_74 : i32
        %mul3A_85 = arith.constant 1000 : i32
        %mul3A_86 = arith.muli %select_n3A_84, %mul3A_85 : i32
        %dma_wait3A = arith.constant 0 : i32
        %dma_wait3A_87 = arith.constant 0 : i32
        %dma_wait3A_88 = arith.constant 0 : i32
        %dma_wait3A_89 = tpu.memref_slice %arg4[%dma_wait3A, %dma_wait3A_87, %dma_wait3A_88] : memref<2x16x1000xf32, #tpu.memory_space<vmem>> -> memref<1x16x1000xf32, #tpu.memory_space<vmem>>
        %dma_wait3A_90 = tpu.memref_squeeze %dma_wait3A_89 : memref<1x16x1000xf32, #tpu.memory_space<vmem>> -> memref<16x1000xf32, #tpu.memory_space<vmem>>
        %dma_wait3A_91 = arith.constant 0 : i32
        %dma_wait3A_92 = tpu.memref_slice %arg2[%select_n3A, %dma_wait3A_91, %mul3A_86] : memref<26x16x26000xf32, #tpu.memory_space<hbm>> -> memref<1x16x1000xf32, #tpu.memory_space<hbm>>
        %dma_wait3A_93 = tpu.memref_squeeze %dma_wait3A_92 : memref<1x16x1000xf32, #tpu.memory_space<hbm>> -> memref<16x1000xf32, #tpu.memory_space<hbm>>
        %dma_wait3A_94 = arith.constant 0 : i32
        %dma_wait3A_95 = arith.constant 0 : i32
        %dma_wait3A_96 = tpu.memref_slice %arg4[%dma_wait3A, %dma_wait3A_94, %dma_wait3A_95] : memref<2x16x1000xf32, #tpu.memory_space<vmem>> -> memref<1x16x1000xf32, #tpu.memory_space<vmem>>
        %dma_wait3A_97 = tpu.memref_squeeze %dma_wait3A_96 : memref<1x16x1000xf32, #tpu.memory_space<vmem>> -> memref<16x1000xf32, #tpu.memory_space<vmem>>
        %dma_wait3A_98 = arith.constant 0 : i32
        %dma_wait3A_99 = tpu.memref_slice %arg2[%select_n3A, %dma_wait3A_98, %mul3A_86] : memref<26x16x26000xf32, #tpu.memory_space<hbm>> -> memref<1x16x1000xf32, #tpu.memory_space<hbm>>
        %dma_wait3A_100 = tpu.memref_squeeze %dma_wait3A_99 : memref<1x16x1000xf32, #tpu.memory_space<hbm>> -> memref<16x1000xf32, #tpu.memory_space<hbm>>
        tpu.wait_dma2 semaphore(%arg6 : memref<!tpu.dma_semaphore, #tpu.memory_space<semaphore_mem>>) src(%dma_wait3A_100 : memref<16x1000xf32, #tpu.memory_space<hbm>>) dst(%dma_wait3A_97 : memref<16x1000xf32, #tpu.memory_space<vmem>>)
        %scan3A_101 = arith.constant 0 : i32
        %scan3A_102 = arith.constant 0 : i32
        %scan3A_103 = arith.constant 62 : i32
        %scan3A_104 = arith.addi %scan3A_102, %scan3A_103 : i32
        %scan3A_105 = arith.constant 1 : i32
        scf.for %scan3A_385 = %scan3A_102 to %scan3A_104 step %scan3A_105  : i32 {
          %mul3A_386 = arith.constant 16 : i32
          %mul3A_387 = arith.muli %scan3A_385, %mul3A_386 : i32
          %add3A_388 = vector.broadcast %mul3A_387 : i32 to vector<16xi32>
          %add3A_389 = arith.addi %iota3A, %add3A_388 : vector<16xi32>
          %get3A_390 = arith.constant 0 : i32
          %get3A_391 = arith.constant 0 : i32
          %get3A_392 = arith.index_cast %get3A_390 : i32 to index
          %get3A_393 = arith.index_cast %get3A_391 : i32 to index
          %get3A_394 = arith.index_cast %mul3A_387 : i32 to index
          %get3A_395 = tpu.vector_load %arg4[%get3A_392, %get3A_393, %get3A_394] {strides = array<i32>} : memref<2x16x1000xf32, #tpu.memory_space<vmem>>, vector<16xf32>,
          %broadcast_in_dim3A_396 = arith.constant 0 : i32
          %broadcast_in_dim3A_397 = vector.broadcast %broadcast_in_dim3A_396 : i32 to vector<16xi32>
          %scatter3A_398 = arith.constant 0 : i32
          %scatter3A_399 = arith.constant 0 : i32
          %scatter3A_400 = arith.constant 0 : i32
          %scatter3A_401 = tpu.memref_slice %arg5[%scatter3A_398, %scatter3A_399, %scatter3A_400] : memref<2x1000x16xf32, #tpu.memory_space<vmem>> -> memref<1x1000x16xf32, #tpu.memory_space<vmem>>
          %scatter3A_402 = tpu.memref_squeeze %scatter3A_401 : memref<1x1000x16xf32, #tpu.memory_space<vmem>> -> memref<1000x16xf32, #tpu.memory_space<vmem>>
          tpu.vector_store_idx %scatter3A_402[%add3A_389, %broadcast_in_dim3A_397], %get3A_395 : memref<1000x16xf32, #tpu.memory_space<vmem>>[vector<16xi32>, vector<16xi32>], vector<16xf32>,
          %get3A_403 = arith.constant 0 : i32
          %get3A_404 = arith.constant 1 : i32
          %get3A_405 = arith.index_cast %get3A_403 : i32 to index
          %get3A_406 = arith.index_cast %get3A_404 : i32 to index
          %get3A_407 = arith.index_cast %mul3A_387 : i32 to index
          %get3A_408 = tpu.vector_load %arg4[%get3A_405, %get3A_406, %get3A_407] {strides = array<i32>} : memref<2x16x1000xf32, #tpu.memory_space<vmem>>, vector<16xf32>,
          %broadcast_in_dim3A_409 = arith.constant 1 : i32
          %broadcast_in_dim3A_410 = vector.broadcast %broadcast_in_dim3A_409 : i32 to vector<16xi32>
          %scatter3A_411 = arith.constant 0 : i32
          %scatter3A_412 = arith.constant 0 : i32
          %scatter3A_413 = arith.constant 0 : i32
          %scatter3A_414 = tpu.memref_slice %arg5[%scatter3A_411, %scatter3A_412, %scatter3A_413] : memref<2x1000x16xf32, #tpu.memory_space<vmem>> -> memref<1x1000x16xf32, #tpu.memory_space<vmem>>
          %scatter3A_415 = tpu.memref_squeeze %scatter3A_414 : memref<1x1000x16xf32, #tpu.memory_space<vmem>> -> memref<1000x16xf32, #tpu.memory_space<vmem>>
          tpu.vector_store_idx %scatter3A_415[%add3A_389, %broadcast_in_dim3A_410], %get3A_408 : memref<1000x16xf32, #tpu.memory_space<vmem>>[vector<16xi32>, vector<16xi32>], vector<16xf32>,
          %get3A_416 = arith.constant 0 : i32
          %get3A_417 = arith.constant 2 : i32
          %get3A_418 = arith.index_cast %get3A_416 : i32 to index
          %get3A_419 = arith.index_cast %get3A_417 : i32 to index
          %get3A_420 = arith.index_cast %mul3A_387 : i32 to index
          %get3A_421 = tpu.vector_load %arg4[%get3A_418, %get3A_419, %get3A_420] {strides = array<i32>} : memref<2x16x1000xf32, #tpu.memory_space<vmem>>, vector<16xf32>,
          %broadcast_in_dim3A_422 = arith.constant 2 : i32
          %broadcast_in_dim3A_423 = vector.broadcast %broadcast_in_dim3A_422 : i32 to vector<16xi32>
          %scatter3A_424 = arith.constant 0 : i32
          %scatter3A_425 = arith.constant 0 : i32
          %scatter3A_426 = arith.constant 0 : i32
          %scatter3A_427 = tpu.memref_slice %arg5[%scatter3A_424, %scatter3A_425, %scatter3A_426] : memref<2x1000x16xf32, #tpu.memory_space<vmem>> -> memref<1x1000x16xf32, #tpu.memory_space<vmem>>
          %scatter3A_428 = tpu.memref_squeeze %scatter3A_427 : memref<1x1000x16xf32, #tpu.memory_space<vmem>> -> memref<1000x16xf32, #tpu.memory_space<vmem>>
          tpu.vector_store_idx %scatter3A_428[%add3A_389, %broadcast_in_dim3A_423], %get3A_421 : memref<1000x16xf32, #tpu.memory_space<vmem>>[vector<16xi32>, vector<16xi32>], vector<16xf32>,
          %get3A_429 = arith.constant 0 : i32
          %get3A_430 = arith.constant 3 : i32
          %get3A_431 = arith.index_cast %get3A_429 : i32 to index
          %get3A_432 = arith.index_cast %get3A_430 : i32 to index
          %get3A_433 = arith.index_cast %mul3A_387 : i32 to index
          %get3A_434 = tpu.vector_load %arg4[%get3A_431, %get3A_432, %get3A_433] {strides = array<i32>} : memref<2x16x1000xf32, #tpu.memory_space<vmem>>, vector<16xf32>,
          %broadcast_in_dim3A_435 = arith.constant 3 : i32
          %broadcast_in_dim3A_436 = vector.broadcast %broadcast_in_dim3A_435 : i32 to vector<16xi32>
          %scatter3A_437 = arith.constant 0 : i32
          %scatter3A_438 = arith.constant 0 : i32
          %scatter3A_439 = arith.constant 0 : i32
          %scatter3A_440 = tpu.memref_slice %arg5[%scatter3A_437, %scatter3A_438, %scatter3A_439] : memref<2x1000x16xf32, #tpu.memory_space<vmem>> -> memref<1x1000x16xf32, #tpu.memory_space<vmem>>
          %scatter3A_441 = tpu.memref_squeeze %scatter3A_440 : memref<1x1000x16xf32, #tpu.memory_space<vmem>> -> memref<1000x16xf32, #tpu.memory_space<vmem>>
          tpu.vector_store_idx %scatter3A_441[%add3A_389, %broadcast_in_dim3A_436], %get3A_434 : memref<1000x16xf32, #tpu.memory_space<vmem>>[vector<16xi32>, vector<16xi32>], vector<16xf32>,
          %get3A_442 = arith.constant 0 : i32
          %get3A_443 = arith.constant 4 : i32
          %get3A_444 = arith.index_cast %get3A_442 : i32 to index
          %get3A_445 = arith.index_cast %get3A_443 : i32 to index
          %get3A_446 = arith.index_cast %mul3A_387 : i32 to index
          %get3A_447 = tpu.vector_load %arg4[%get3A_444, %get3A_445, %get3A_446] {strides = array<i32>} : memref<2x16x1000xf32, #tpu.memory_space<vmem>>, vector<16xf32>,
          %broadcast_in_dim3A_448 = arith.constant 4 : i32
          %broadcast_in_dim3A_449 = vector.broadcast %broadcast_in_dim3A_448 : i32 to vector<16xi32>
          %scatter3A_450 = arith.constant 0 : i32
          %scatter3A_451 = arith.constant 0 : i32
          %scatter3A_452 = arith.constant 0 : i32
          %scatter3A_453 = tpu.memref_slice %arg5[%scatter3A_450, %scatter3A_451, %scatter3A_452] : memref<2x1000x16xf32, #tpu.memory_space<vmem>> -> memref<1x1000x16xf32, #tpu.memory_space<vmem>>
          %scatter3A_454 = tpu.memref_squeeze %scatter3A_453 : memref<1x1000x16xf32, #tpu.memory_space<vmem>> -> memref<1000x16xf32, #tpu.memory_space<vmem>>
          tpu.vector_store_idx %scatter3A_454[%add3A_389, %broadcast_in_dim3A_449], %get3A_447 : memref<1000x16xf32, #tpu.memory_space<vmem>>[vector<16xi32>, vector<16xi32>], vector<16xf32>,
          %get3A_455 = arith.constant 0 : i32
          %get3A_456 = arith.constant 5 : i32
          %get3A_457 = arith.index_cast %get3A_455 : i32 to index
          %get3A_458 = arith.index_cast %get3A_456 : i32 to index
          %get3A_459 = arith.index_cast %mul3A_387 : i32 to index
          %get3A_460 = tpu.vector_load %arg4[%get3A_457, %get3A_458, %get3A_459] {strides = array<i32>} : memref<2x16x1000xf32, #tpu.memory_space<vmem>>, vector<16xf32>,
          %broadcast_in_dim3A_461 = arith.constant 5 : i32
          %broadcast_in_dim3A_462 = vector.broadcast %broadcast_in_dim3A_461 : i32 to vector<16xi32>
          %scatter3A_463 = arith.constant 0 : i32
          %scatter3A_464 = arith.constant 0 : i32
          %scatter3A_465 = arith.constant 0 : i32
          %scatter3A_466 = tpu.memref_slice %arg5[%scatter3A_463, %scatter3A_464, %scatter3A_465] : memref<2x1000x16xf32, #tpu.memory_space<vmem>> -> memref<1x1000x16xf32, #tpu.memory_space<vmem>>
          %scatter3A_467 = tpu.memref_squeeze %scatter3A_466 : memref<1x1000x16xf32, #tpu.memory_space<vmem>> -> memref<1000x16xf32, #tpu.memory_space<vmem>>
          tpu.vector_store_idx %scatter3A_467[%add3A_389, %broadcast_in_dim3A_462], %get3A_460 : memref<1000x16xf32, #tpu.memory_space<vmem>>[vector<16xi32>, vector<16xi32>], vector<16xf32>,
          %get3A_468 = arith.constant 0 : i32
          %get3A_469 = arith.constant 6 : i32
          %get3A_470 = arith.index_cast %get3A_468 : i32 to index
          %get3A_471 = arith.index_cast %get3A_469 : i32 to index
          %get3A_472 = arith.index_cast %mul3A_387 : i32 to index
          %get3A_473 = tpu.vector_load %arg4[%get3A_470, %get3A_471, %get3A_472] {strides = array<i32>} : memref<2x16x1000xf32, #tpu.memory_space<vmem>>, vector<16xf32>,
          %broadcast_in_dim3A_474 = arith.constant 6 : i32
          %broadcast_in_dim3A_475 = vector.broadcast %broadcast_in_dim3A_474 : i32 to vector<16xi32>
          %scatter3A_476 = arith.constant 0 : i32
          %scatter3A_477 = arith.constant 0 : i32
          %scatter3A_478 = arith.constant 0 : i32
          %scatter3A_479 = tpu.memref_slice %arg5[%scatter3A_476, %scatter3A_477, %scatter3A_478] : memref<2x1000x16xf32, #tpu.memory_space<vmem>> -> memref<1x1000x16xf32, #tpu.memory_space<vmem>>
          %scatter3A_480 = tpu.memref_squeeze %scatter3A_479 : memref<1x1000x16xf32, #tpu.memory_space<vmem>> -> memref<1000x16xf32, #tpu.memory_space<vmem>>
          tpu.vector_store_idx %scatter3A_480[%add3A_389, %broadcast_in_dim3A_475], %get3A_473 : memref<1000x16xf32, #tpu.memory_space<vmem>>[vector<16xi32>, vector<16xi32>], vector<16xf32>,
          %get3A_481 = arith.constant 0 : i32
          %get3A_482 = arith.constant 7 : i32
          %get3A_483 = arith.index_cast %get3A_481 : i32 to index
          %get3A_484 = arith.index_cast %get3A_482 : i32 to index
          %get3A_485 = arith.index_cast %mul3A_387 : i32 to index
          %get3A_486 = tpu.vector_load %arg4[%get3A_483, %get3A_484, %get3A_485] {strides = array<i32>} : memref<2x16x1000xf32, #tpu.memory_space<vmem>>, vector<16xf32>,
          %broadcast_in_dim3A_487 = arith.constant 7 : i32
          %broadcast_in_dim3A_488 = vector.broadcast %broadcast_in_dim3A_487 : i32 to vector<16xi32>
          %scatter3A_489 = arith.constant 0 : i32
          %scatter3A_490 = arith.constant 0 : i32
          %scatter3A_491 = arith.constant 0 : i32
          %scatter3A_492 = tpu.memref_slice %arg5[%scatter3A_489, %scatter3A_490, %scatter3A_491] : memref<2x1000x16xf32, #tpu.memory_space<vmem>> -> memref<1x1000x16xf32, #tpu.memory_space<vmem>>
          %scatter3A_493 = tpu.memref_squeeze %scatter3A_492 : memref<1x1000x16xf32, #tpu.memory_space<vmem>> -> memref<1000x16xf32, #tpu.memory_space<vmem>>
          tpu.vector_store_idx %scatter3A_493[%add3A_389, %broadcast_in_dim3A_488], %get3A_486 : memref<1000x16xf32, #tpu.memory_space<vmem>>[vector<16xi32>, vector<16xi32>], vector<16xf32>,
          %get3A_494 = arith.constant 0 : i32
          %get3A_495 = arith.constant 8 : i32
          %get3A_496 = arith.index_cast %get3A_494 : i32 to index
          %get3A_497 = arith.index_cast %get3A_495 : i32 to index
          %get3A_498 = arith.index_cast %mul3A_387 : i32 to index
          %get3A_499 = tpu.vector_load %arg4[%get3A_496, %get3A_497, %get3A_498] {strides = array<i32>} : memref<2x16x1000xf32, #tpu.memory_space<vmem>>, vector<16xf32>,
          %broadcast_in_dim3A_500 = arith.constant 8 : i32
          %broadcast_in_dim3A_501 = vector.broadcast %broadcast_in_dim3A_500 : i32 to vector<16xi32>
          %scatter3A_502 = arith.constant 0 : i32
          %scatter3A_503 = arith.constant 0 : i32
          %scatter3A_504 = arith.constant 0 : i32
          %scatter3A_505 = tpu.memref_slice %arg5[%scatter3A_502, %scatter3A_503, %scatter3A_504] : memref<2x1000x16xf32, #tpu.memory_space<vmem>> -> memref<1x1000x16xf32, #tpu.memory_space<vmem>>
          %scatter3A_506 = tpu.memref_squeeze %scatter3A_505 : memref<1x1000x16xf32, #tpu.memory_space<vmem>> -> memref<1000x16xf32, #tpu.memory_space<vmem>>
          tpu.vector_store_idx %scatter3A_506[%add3A_389, %broadcast_in_dim3A_501], %get3A_499 : memref<1000x16xf32, #tpu.memory_space<vmem>>[vector<16xi32>, vector<16xi32>], vector<16xf32>,
          %get3A_507 = arith.constant 0 : i32
          %get3A_508 = arith.constant 9 : i32
          %get3A_509 = arith.index_cast %get3A_507 : i32 to index
          %get3A_510 = arith.index_cast %get3A_508 : i32 to index
          %get3A_511 = arith.index_cast %mul3A_387 : i32 to index
          %get3A_512 = tpu.vector_load %arg4[%get3A_509, %get3A_510, %get3A_511] {strides = array<i32>} : memref<2x16x1000xf32, #tpu.memory_space<vmem>>, vector<16xf32>,
          %broadcast_in_dim3A_513 = arith.constant 9 : i32
          %broadcast_in_dim3A_514 = vector.broadcast %broadcast_in_dim3A_513 : i32 to vector<16xi32>
          %scatter3A_515 = arith.constant 0 : i32
          %scatter3A_516 = arith.constant 0 : i32
          %scatter3A_517 = arith.constant 0 : i32
          %scatter3A_518 = tpu.memref_slice %arg5[%scatter3A_515, %scatter3A_516, %scatter3A_517] : memref<2x1000x16xf32, #tpu.memory_space<vmem>> -> memref<1x1000x16xf32, #tpu.memory_space<vmem>>
          %scatter3A_519 = tpu.memref_squeeze %scatter3A_518 : memref<1x1000x16xf32, #tpu.memory_space<vmem>> -> memref<1000x16xf32, #tpu.memory_space<vmem>>
          tpu.vector_store_idx %scatter3A_519[%add3A_389, %broadcast_in_dim3A_514], %get3A_512 : memref<1000x16xf32, #tpu.memory_space<vmem>>[vector<16xi32>, vector<16xi32>], vector<16xf32>,
          %get3A_520 = arith.constant 0 : i32
          %get3A_521 = arith.constant 10 : i32
          %get3A_522 = arith.index_cast %get3A_520 : i32 to index
          %get3A_523 = arith.index_cast %get3A_521 : i32 to index
          %get3A_524 = arith.index_cast %mul3A_387 : i32 to index
          %get3A_525 = tpu.vector_load %arg4[%get3A_522, %get3A_523, %get3A_524] {strides = array<i32>} : memref<2x16x1000xf32, #tpu.memory_space<vmem>>, vector<16xf32>,
          %broadcast_in_dim3A_526 = arith.constant 10 : i32
          %broadcast_in_dim3A_527 = vector.broadcast %broadcast_in_dim3A_526 : i32 to vector<16xi32>
          %scatter3A_528 = arith.constant 0 : i32
          %scatter3A_529 = arith.constant 0 : i32
          %scatter3A_530 = arith.constant 0 : i32
          %scatter3A_531 = tpu.memref_slice %arg5[%scatter3A_528, %scatter3A_529, %scatter3A_530] : memref<2x1000x16xf32, #tpu.memory_space<vmem>> -> memref<1x1000x16xf32, #tpu.memory_space<vmem>>
          %scatter3A_532 = tpu.memref_squeeze %scatter3A_531 : memref<1x1000x16xf32, #tpu.memory_space<vmem>> -> memref<1000x16xf32, #tpu.memory_space<vmem>>
          tpu.vector_store_idx %scatter3A_532[%add3A_389, %broadcast_in_dim3A_527], %get3A_525 : memref<1000x16xf32, #tpu.memory_space<vmem>>[vector<16xi32>, vector<16xi32>], vector<16xf32>,
          %get3A_533 = arith.constant 0 : i32
          %get3A_534 = arith.constant 11 : i32
          %get3A_535 = arith.index_cast %get3A_533 : i32 to index
          %get3A_536 = arith.index_cast %get3A_534 : i32 to index
          %get3A_537 = arith.index_cast %mul3A_387 : i32 to index
          %get3A_538 = tpu.vector_load %arg4[%get3A_535, %get3A_536, %get3A_537] {strides = array<i32>} : memref<2x16x1000xf32, #tpu.memory_space<vmem>>, vector<16xf32>,
          %broadcast_in_dim3A_539 = arith.constant 11 : i32
          %broadcast_in_dim3A_540 = vector.broadcast %broadcast_in_dim3A_539 : i32 to vector<16xi32>
          %scatter3A_541 = arith.constant 0 : i32
          %scatter3A_542 = arith.constant 0 : i32
          %scatter3A_543 = arith.constant 0 : i32
          %scatter3A_544 = tpu.memref_slice %arg5[%scatter3A_541, %scatter3A_542, %scatter3A_543] : memref<2x1000x16xf32, #tpu.memory_space<vmem>> -> memref<1x1000x16xf32, #tpu.memory_space<vmem>>
          %scatter3A_545 = tpu.memref_squeeze %scatter3A_544 : memref<1x1000x16xf32, #tpu.memory_space<vmem>> -> memref<1000x16xf32, #tpu.memory_space<vmem>>
          tpu.vector_store_idx %scatter3A_545[%add3A_389, %broadcast_in_dim3A_540], %get3A_538 : memref<1000x16xf32, #tpu.memory_space<vmem>>[vector<16xi32>, vector<16xi32>], vector<16xf32>,
          %get3A_546 = arith.constant 0 : i32
          %get3A_547 = arith.constant 12 : i32
          %get3A_548 = arith.index_cast %get3A_546 : i32 to index
          %get3A_549 = arith.index_cast %get3A_547 : i32 to index
          %get3A_550 = arith.index_cast %mul3A_387 : i32 to index
          %get3A_551 = tpu.vector_load %arg4[%get3A_548, %get3A_549, %get3A_550] {strides = array<i32>} : memref<2x16x1000xf32, #tpu.memory_space<vmem>>, vector<16xf32>,
          %broadcast_in_dim3A_552 = arith.constant 12 : i32
          %broadcast_in_dim3A_553 = vector.broadcast %broadcast_in_dim3A_552 : i32 to vector<16xi32>
          %scatter3A_554 = arith.constant 0 : i32
          %scatter3A_555 = arith.constant 0 : i32
          %scatter3A_556 = arith.constant 0 : i32
          %scatter3A_557 = tpu.memref_slice %arg5[%scatter3A_554, %scatter3A_555, %scatter3A_556] : memref<2x1000x16xf32, #tpu.memory_space<vmem>> -> memref<1x1000x16xf32, #tpu.memory_space<vmem>>
          %scatter3A_558 = tpu.memref_squeeze %scatter3A_557 : memref<1x1000x16xf32, #tpu.memory_space<vmem>> -> memref<1000x16xf32, #tpu.memory_space<vmem>>
          tpu.vector_store_idx %scatter3A_558[%add3A_389, %broadcast_in_dim3A_553], %get3A_551 : memref<1000x16xf32, #tpu.memory_space<vmem>>[vector<16xi32>, vector<16xi32>], vector<16xf32>,
          %get3A_559 = arith.constant 0 : i32
          %get3A_560 = arith.constant 13 : i32
          %get3A_561 = arith.index_cast %get3A_559 : i32 to index
          %get3A_562 = arith.index_cast %get3A_560 : i32 to index
          %get3A_563 = arith.index_cast %mul3A_387 : i32 to index
          %get3A_564 = tpu.vector_load %arg4[%get3A_561, %get3A_562, %get3A_563] {strides = array<i32>} : memref<2x16x1000xf32, #tpu.memory_space<vmem>>, vector<16xf32>,
          %broadcast_in_dim3A_565 = arith.constant 13 : i32
          %broadcast_in_dim3A_566 = vector.broadcast %broadcast_in_dim3A_565 : i32 to vector<16xi32>
          %scatter3A_567 = arith.constant 0 : i32
          %scatter3A_568 = arith.constant 0 : i32
          %scatter3A_569 = arith.constant 0 : i32
          %scatter3A_570 = tpu.memref_slice %arg5[%scatter3A_567, %scatter3A_568, %scatter3A_569] : memref<2x1000x16xf32, #tpu.memory_space<vmem>> -> memref<1x1000x16xf32, #tpu.memory_space<vmem>>
          %scatter3A_571 = tpu.memref_squeeze %scatter3A_570 : memref<1x1000x16xf32, #tpu.memory_space<vmem>> -> memref<1000x16xf32, #tpu.memory_space<vmem>>
          tpu.vector_store_idx %scatter3A_571[%add3A_389, %broadcast_in_dim3A_566], %get3A_564 : memref<1000x16xf32, #tpu.memory_space<vmem>>[vector<16xi32>, vector<16xi32>], vector<16xf32>,
          %get3A_572 = arith.constant 0 : i32
          %get3A_573 = arith.constant 14 : i32
          %get3A_574 = arith.index_cast %get3A_572 : i32 to index
          %get3A_575 = arith.index_cast %get3A_573 : i32 to index
          %get3A_576 = arith.index_cast %mul3A_387 : i32 to index
          %get3A_577 = tpu.vector_load %arg4[%get3A_574, %get3A_575, %get3A_576] {strides = array<i32>} : memref<2x16x1000xf32, #tpu.memory_space<vmem>>, vector<16xf32>,
          %broadcast_in_dim3A_578 = arith.constant 14 : i32
          %broadcast_in_dim3A_579 = vector.broadcast %broadcast_in_dim3A_578 : i32 to vector<16xi32>
          %scatter3A_580 = arith.constant 0 : i32
          %scatter3A_581 = arith.constant 0 : i32
          %scatter3A_582 = arith.constant 0 : i32
          %scatter3A_583 = tpu.memref_slice %arg5[%scatter3A_580, %scatter3A_581, %scatter3A_582] : memref<2x1000x16xf32, #tpu.memory_space<vmem>> -> memref<1x1000x16xf32, #tpu.memory_space<vmem>>
          %scatter3A_584 = tpu.memref_squeeze %scatter3A_583 : memref<1x1000x16xf32, #tpu.memory_space<vmem>> -> memref<1000x16xf32, #tpu.memory_space<vmem>>
          tpu.vector_store_idx %scatter3A_584[%add3A_389, %broadcast_in_dim3A_579], %get3A_577 : memref<1000x16xf32, #tpu.memory_space<vmem>>[vector<16xi32>, vector<16xi32>], vector<16xf32>,
          %get3A_585 = arith.constant 0 : i32
          %get3A_586 = arith.constant 15 : i32
          %get3A_587 = arith.index_cast %get3A_585 : i32 to index
          %get3A_588 = arith.index_cast %get3A_586 : i32 to index
          %get3A_589 = arith.index_cast %mul3A_387 : i32 to index
          %get3A_590 = tpu.vector_load %arg4[%get3A_587, %get3A_588, %get3A_589] {strides = array<i32>} : memref<2x16x1000xf32, #tpu.memory_space<vmem>>, vector<16xf32>,
          %broadcast_in_dim3A_591 = arith.constant 15 : i32
          %broadcast_in_dim3A_592 = vector.broadcast %broadcast_in_dim3A_591 : i32 to vector<16xi32>
          %scatter3A_593 = arith.constant 0 : i32
          %scatter3A_594 = arith.constant 0 : i32
          %scatter3A_595 = arith.constant 0 : i32
          %scatter3A_596 = tpu.memref_slice %arg5[%scatter3A_593, %scatter3A_594, %scatter3A_595] : memref<2x1000x16xf32, #tpu.memory_space<vmem>> -> memref<1x1000x16xf32, #tpu.memory_space<vmem>>
          %scatter3A_597 = tpu.memref_squeeze %scatter3A_596 : memref<1x1000x16xf32, #tpu.memory_space<vmem>> -> memref<1000x16xf32, #tpu.memory_space<vmem>>
          tpu.vector_store_idx %scatter3A_597[%add3A_389, %broadcast_in_dim3A_592], %get3A_590 : memref<1000x16xf32, #tpu.memory_space<vmem>>[vector<16xi32>, vector<16xi32>], vector<16xf32>,
        }
        %scan3A_106 = arith.constant 62 : i32
        %add3A_107 = arith.constant 984 : i32
        %add3A_108 = vector.broadcast %add3A_107 : i32 to vector<16xi32>
        %add3A_109 = arith.addi %iota3A, %add3A_108 : vector<16xi32>
        %get3A = arith.constant 0 : i32
        %get3A_110 = arith.constant 0 : i32
        %get3A_111 = arith.index_cast %get3A : i32 to index
        %get3A_112 = arith.index_cast %get3A_110 : i32 to index
        %get3A_113 = arith.constant 984 : index
        %get3A_114 = tpu.vector_load %arg4[%get3A_111, %get3A_112, %get3A_113] {strides = array<i32>} : memref<2x16x1000xf32, #tpu.memory_space<vmem>>, vector<16xf32>,
        %broadcast_in_dim3A = arith.constant 0 : i32
        %broadcast_in_dim3A_115 = vector.broadcast %broadcast_in_dim3A : i32 to vector<16xi32>
        %scatter3A = arith.constant 0 : i32
        %scatter3A_116 = arith.constant 0 : i32
        %scatter3A_117 = arith.constant 0 : i32
        %scatter3A_118 = tpu.memref_slice %arg5[%scatter3A, %scatter3A_116, %scatter3A_117] : memref<2x1000x16xf32, #tpu.memory_space<vmem>> -> memref<1x1000x16xf32, #tpu.memory_space<vmem>>
        %scatter3A_119 = tpu.memref_squeeze %scatter3A_118 : memref<1x1000x16xf32, #tpu.memory_space<vmem>> -> memref<1000x16xf32, #tpu.memory_space<vmem>>
        tpu.vector_store_idx %scatter3A_119[%add3A_109, %broadcast_in_dim3A_115], %get3A_114 : memref<1000x16xf32, #tpu.memory_space<vmem>>[vector<16xi32>, vector<16xi32>], vector<16xf32>,
        %get3A_120 = arith.constant 0 : i32
        %get3A_121 = arith.constant 1 : i32
        %get3A_122 = arith.index_cast %get3A_120 : i32 to index
        %get3A_123 = arith.index_cast %get3A_121 : i32 to index
        %get3A_124 = arith.constant 984 : index
        %get3A_125 = tpu.vector_load %arg4[%get3A_122, %get3A_123, %get3A_124] {strides = array<i32>} : memref<2x16x1000xf32, #tpu.memory_space<vmem>>, vector<16xf32>,
        %broadcast_in_dim3A_126 = arith.constant 1 : i32
        %broadcast_in_dim3A_127 = vector.broadcast %broadcast_in_dim3A_126 : i32 to vector<16xi32>
        %scatter3A_128 = arith.constant 0 : i32
        %scatter3A_129 = arith.constant 0 : i32
        %scatter3A_130 = arith.constant 0 : i32
        %scatter3A_131 = tpu.memref_slice %arg5[%scatter3A_128, %scatter3A_129, %scatter3A_130] : memref<2x1000x16xf32, #tpu.memory_space<vmem>> -> memref<1x1000x16xf32, #tpu.memory_space<vmem>>
        %scatter3A_132 = tpu.memref_squeeze %scatter3A_131 : memref<1x1000x16xf32, #tpu.memory_space<vmem>> -> memref<1000x16xf32, #tpu.memory_space<vmem>>
        tpu.vector_store_idx %scatter3A_132[%add3A_109, %broadcast_in_dim3A_127], %get3A_125 : memref<1000x16xf32, #tpu.memory_space<vmem>>[vector<16xi32>, vector<16xi32>], vector<16xf32>,
        %get3A_133 = arith.constant 0 : i32
        %get3A_134 = arith.constant 2 : i32
        %get3A_135 = arith.index_cast %get3A_133 : i32 to index
        %get3A_136 = arith.index_cast %get3A_134 : i32 to index
        %get3A_137 = arith.constant 984 : index
        %get3A_138 = tpu.vector_load %arg4[%get3A_135, %get3A_136, %get3A_137] {strides = array<i32>} : memref<2x16x1000xf32, #tpu.memory_space<vmem>>, vector<16xf32>,
        %broadcast_in_dim3A_139 = arith.constant 2 : i32
        %broadcast_in_dim3A_140 = vector.broadcast %broadcast_in_dim3A_139 : i32 to vector<16xi32>
        %scatter3A_141 = arith.constant 0 : i32
        %scatter3A_142 = arith.constant 0 : i32
        %scatter3A_143 = arith.constant 0 : i32
        %scatter3A_144 = tpu.memref_slice %arg5[%scatter3A_141, %scatter3A_142, %scatter3A_143] : memref<2x1000x16xf32, #tpu.memory_space<vmem>> -> memref<1x1000x16xf32, #tpu.memory_space<vmem>>
        %scatter3A_145 = tpu.memref_squeeze %scatter3A_144 : memref<1x1000x16xf32, #tpu.memory_space<vmem>> -> memref<1000x16xf32, #tpu.memory_space<vmem>>
        tpu.vector_store_idx %scatter3A_145[%add3A_109, %broadcast_in_dim3A_140], %get3A_138 : memref<1000x16xf32, #tpu.memory_space<vmem>>[vector<16xi32>, vector<16xi32>], vector<16xf32>,
        %get3A_146 = arith.constant 0 : i32
        %get3A_147 = arith.constant 3 : i32
        %get3A_148 = arith.index_cast %get3A_146 : i32 to index
        %get3A_149 = arith.index_cast %get3A_147 : i32 to index
        %get3A_150 = arith.constant 984 : index
        %get3A_151 = tpu.vector_load %arg4[%get3A_148, %get3A_149, %get3A_150] {strides = array<i32>} : memref<2x16x1000xf32, #tpu.memory_space<vmem>>, vector<16xf32>,
        %broadcast_in_dim3A_152 = arith.constant 3 : i32
        %broadcast_in_dim3A_153 = vector.broadcast %broadcast_in_dim3A_152 : i32 to vector<16xi32>
        %scatter3A_154 = arith.constant 0 : i32
        %scatter3A_155 = arith.constant 0 : i32
        %scatter3A_156 = arith.constant 0 : i32
        %scatter3A_157 = tpu.memref_slice %arg5[%scatter3A_154, %scatter3A_155, %scatter3A_156] : memref<2x1000x16xf32, #tpu.memory_space<vmem>> -> memref<1x1000x16xf32, #tpu.memory_space<vmem>>
        %scatter3A_158 = tpu.memref_squeeze %scatter3A_157 : memref<1x1000x16xf32, #tpu.memory_space<vmem>> -> memref<1000x16xf32, #tpu.memory_space<vmem>>
        tpu.vector_store_idx %scatter3A_158[%add3A_109, %broadcast_in_dim3A_153], %get3A_151 : memref<1000x16xf32, #tpu.memory_space<vmem>>[vector<16xi32>, vector<16xi32>], vector<16xf32>,
        %get3A_159 = arith.constant 0 : i32
        %get3A_160 = arith.constant 4 : i32
        %get3A_161 = arith.index_cast %get3A_159 : i32 to index
        %get3A_162 = arith.index_cast %get3A_160 : i32 to index
        %get3A_163 = arith.constant 984 : index
        %get3A_164 = tpu.vector_load %arg4[%get3A_161, %get3A_162, %get3A_163] {strides = array<i32>} : memref<2x16x1000xf32, #tpu.memory_space<vmem>>, vector<16xf32>,
        %broadcast_in_dim3A_165 = arith.constant 4 : i32
        %broadcast_in_dim3A_166 = vector.broadcast %broadcast_in_dim3A_165 : i32 to vector<16xi32>
        %scatter3A_167 = arith.constant 0 : i32
        %scatter3A_168 = arith.constant 0 : i32
        %scatter3A_169 = arith.constant 0 : i32
        %scatter3A_170 = tpu.memref_slice %arg5[%scatter3A_167, %scatter3A_168, %scatter3A_169] : memref<2x1000x16xf32, #tpu.memory_space<vmem>> -> memref<1x1000x16xf32, #tpu.memory_space<vmem>>
        %scatter3A_171 = tpu.memref_squeeze %scatter3A_170 : memref<1x1000x16xf32, #tpu.memory_space<vmem>> -> memref<1000x16xf32, #tpu.memory_space<vmem>>
        tpu.vector_store_idx %scatter3A_171[%add3A_109, %broadcast_in_dim3A_166], %get3A_164 : memref<1000x16xf32, #tpu.memory_space<vmem>>[vector<16xi32>, vector<16xi32>], vector<16xf32>,
        %get3A_172 = arith.constant 0 : i32
        %get3A_173 = arith.constant 5 : i32
        %get3A_174 = arith.index_cast %get3A_172 : i32 to index
        %get3A_175 = arith.index_cast %get3A_173 : i32 to index
        %get3A_176 = arith.constant 984 : index
        %get3A_177 = tpu.vector_load %arg4[%get3A_174, %get3A_175, %get3A_176] {strides = array<i32>} : memref<2x16x1000xf32, #tpu.memory_space<vmem>>, vector<16xf32>,
        %broadcast_in_dim3A_178 = arith.constant 5 : i32
        %broadcast_in_dim3A_179 = vector.broadcast %broadcast_in_dim3A_178 : i32 to vector<16xi32>
        %scatter3A_180 = arith.constant 0 : i32
        %scatter3A_181 = arith.constant 0 : i32
        %scatter3A_182 = arith.constant 0 : i32
        %scatter3A_183 = tpu.memref_slice %arg5[%scatter3A_180, %scatter3A_181, %scatter3A_182] : memref<2x1000x16xf32, #tpu.memory_space<vmem>> -> memref<1x1000x16xf32, #tpu.memory_space<vmem>>
        %scatter3A_184 = tpu.memref_squeeze %scatter3A_183 : memref<1x1000x16xf32, #tpu.memory_space<vmem>> -> memref<1000x16xf32, #tpu.memory_space<vmem>>
        tpu.vector_store_idx %scatter3A_184[%add3A_109, %broadcast_in_dim3A_179], %get3A_177 : memref<1000x16xf32, #tpu.memory_space<vmem>>[vector<16xi32>, vector<16xi32>], vector<16xf32>,
        %get3A_185 = arith.constant 0 : i32
        %get3A_186 = arith.constant 6 : i32
        %get3A_187 = arith.index_cast %get3A_185 : i32 to index
        %get3A_188 = arith.index_cast %get3A_186 : i32 to index
        %get3A_189 = arith.constant 984 : index
        %get3A_190 = tpu.vector_load %arg4[%get3A_187, %get3A_188, %get3A_189] {strides = array<i32>} : memref<2x16x1000xf32, #tpu.memory_space<vmem>>, vector<16xf32>,
        %broadcast_in_dim3A_191 = arith.constant 6 : i32
        %broadcast_in_dim3A_192 = vector.broadcast %broadcast_in_dim3A_191 : i32 to vector<16xi32>
        %scatter3A_193 = arith.constant 0 : i32
        %scatter3A_194 = arith.constant 0 : i32
        %scatter3A_195 = arith.constant 0 : i32
        %scatter3A_196 = tpu.memref_slice %arg5[%scatter3A_193, %scatter3A_194, %scatter3A_195] : memref<2x1000x16xf32, #tpu.memory_space<vmem>> -> memref<1x1000x16xf32, #tpu.memory_space<vmem>>
        %scatter3A_197 = tpu.memref_squeeze %scatter3A_196 : memref<1x1000x16xf32, #tpu.memory_space<vmem>> -> memref<1000x16xf32, #tpu.memory_space<vmem>>
        tpu.vector_store_idx %scatter3A_197[%add3A_109, %broadcast_in_dim3A_192], %get3A_190 : memref<1000x16xf32, #tpu.memory_space<vmem>>[vector<16xi32>, vector<16xi32>], vector<16xf32>,
        %get3A_198 = arith.constant 0 : i32
        %get3A_199 = arith.constant 7 : i32
        %get3A_200 = arith.index_cast %get3A_198 : i32 to index
        %get3A_201 = arith.index_cast %get3A_199 : i32 to index
        %get3A_202 = arith.constant 984 : index
        %get3A_203 = tpu.vector_load %arg4[%get3A_200, %get3A_201, %get3A_202] {strides = array<i32>} : memref<2x16x1000xf32, #tpu.memory_space<vmem>>, vector<16xf32>,
        %broadcast_in_dim3A_204 = arith.constant 7 : i32
        %broadcast_in_dim3A_205 = vector.broadcast %broadcast_in_dim3A_204 : i32 to vector<16xi32>
        %scatter3A_206 = arith.constant 0 : i32
        %scatter3A_207 = arith.constant 0 : i32
        %scatter3A_208 = arith.constant 0 : i32
        %scatter3A_209 = tpu.memref_slice %arg5[%scatter3A_206, %scatter3A_207, %scatter3A_208] : memref<2x1000x16xf32, #tpu.memory_space<vmem>> -> memref<1x1000x16xf32, #tpu.memory_space<vmem>>
        %scatter3A_210 = tpu.memref_squeeze %scatter3A_209 : memref<1x1000x16xf32, #tpu.memory_space<vmem>> -> memref<1000x16xf32, #tpu.memory_space<vmem>>
        tpu.vector_store_idx %scatter3A_210[%add3A_109, %broadcast_in_dim3A_205], %get3A_203 : memref<1000x16xf32, #tpu.memory_space<vmem>>[vector<16xi32>, vector<16xi32>], vector<16xf32>,
        %get3A_211 = arith.constant 0 : i32
        %get3A_212 = arith.constant 8 : i32
        %get3A_213 = arith.index_cast %get3A_211 : i32 to index
        %get3A_214 = arith.index_cast %get3A_212 : i32 to index
        %get3A_215 = arith.constant 984 : index
        %get3A_216 = tpu.vector_load %arg4[%get3A_213, %get3A_214, %get3A_215] {strides = array<i32>} : memref<2x16x1000xf32, #tpu.memory_space<vmem>>, vector<16xf32>,
        %broadcast_in_dim3A_217 = arith.constant 8 : i32
        %broadcast_in_dim3A_218 = vector.broadcast %broadcast_in_dim3A_217 : i32 to vector<16xi32>
        %scatter3A_219 = arith.constant 0 : i32
        %scatter3A_220 = arith.constant 0 : i32
        %scatter3A_221 = arith.constant 0 : i32
        %scatter3A_222 = tpu.memref_slice %arg5[%scatter3A_219, %scatter3A_220, %scatter3A_221] : memref<2x1000x16xf32, #tpu.memory_space<vmem>> -> memref<1x1000x16xf32, #tpu.memory_space<vmem>>
        %scatter3A_223 = tpu.memref_squeeze %scatter3A_222 : memref<1x1000x16xf32, #tpu.memory_space<vmem>> -> memref<1000x16xf32, #tpu.memory_space<vmem>>
        tpu.vector_store_idx %scatter3A_223[%add3A_109, %broadcast_in_dim3A_218], %get3A_216 : memref<1000x16xf32, #tpu.memory_space<vmem>>[vector<16xi32>, vector<16xi32>], vector<16xf32>,
        %get3A_224 = arith.constant 0 : i32
        %get3A_225 = arith.constant 9 : i32
        %get3A_226 = arith.index_cast %get3A_224 : i32 to index
        %get3A_227 = arith.index_cast %get3A_225 : i32 to index
        %get3A_228 = arith.constant 984 : index
        %get3A_229 = tpu.vector_load %arg4[%get3A_226, %get3A_227, %get3A_228] {strides = array<i32>} : memref<2x16x1000xf32, #tpu.memory_space<vmem>>, vector<16xf32>,
        %broadcast_in_dim3A_230 = arith.constant 9 : i32
        %broadcast_in_dim3A_231 = vector.broadcast %broadcast_in_dim3A_230 : i32 to vector<16xi32>
        %scatter3A_232 = arith.constant 0 : i32
        %scatter3A_233 = arith.constant 0 : i32
        %scatter3A_234 = arith.constant 0 : i32
        %scatter3A_235 = tpu.memref_slice %arg5[%scatter3A_232, %scatter3A_233, %scatter3A_234] : memref<2x1000x16xf32, #tpu.memory_space<vmem>> -> memref<1x1000x16xf32, #tpu.memory_space<vmem>>
        %scatter3A_236 = tpu.memref_squeeze %scatter3A_235 : memref<1x1000x16xf32, #tpu.memory_space<vmem>> -> memref<1000x16xf32, #tpu.memory_space<vmem>>
        tpu.vector_store_idx %scatter3A_236[%add3A_109, %broadcast_in_dim3A_231], %get3A_229 : memref<1000x16xf32, #tpu.memory_space<vmem>>[vector<16xi32>, vector<16xi32>], vector<16xf32>,
        %get3A_237 = arith.constant 0 : i32
        %get3A_238 = arith.constant 10 : i32
        %get3A_239 = arith.index_cast %get3A_237 : i32 to index
        %get3A_240 = arith.index_cast %get3A_238 : i32 to index
        %get3A_241 = arith.constant 984 : index
        %get3A_242 = tpu.vector_load %arg4[%get3A_239, %get3A_240, %get3A_241] {strides = array<i32>} : memref<2x16x1000xf32, #tpu.memory_space<vmem>>, vector<16xf32>,
        %broadcast_in_dim3A_243 = arith.constant 10 : i32
        %broadcast_in_dim3A_244 = vector.broadcast %broadcast_in_dim3A_243 : i32 to vector<16xi32>
        %scatter3A_245 = arith.constant 0 : i32
        %scatter3A_246 = arith.constant 0 : i32
        %scatter3A_247 = arith.constant 0 : i32
        %scatter3A_248 = tpu.memref_slice %arg5[%scatter3A_245, %scatter3A_246, %scatter3A_247] : memref<2x1000x16xf32, #tpu.memory_space<vmem>> -> memref<1x1000x16xf32, #tpu.memory_space<vmem>>
        %scatter3A_249 = tpu.memref_squeeze %scatter3A_248 : memref<1x1000x16xf32, #tpu.memory_space<vmem>> -> memref<1000x16xf32, #tpu.memory_space<vmem>>
        tpu.vector_store_idx %scatter3A_249[%add3A_109, %broadcast_in_dim3A_244], %get3A_242 : memref<1000x16xf32, #tpu.memory_space<vmem>>[vector<16xi32>, vector<16xi32>], vector<16xf32>,
        %get3A_250 = arith.constant 0 : i32
        %get3A_251 = arith.constant 11 : i32
        %get3A_252 = arith.index_cast %get3A_250 : i32 to index
        %get3A_253 = arith.index_cast %get3A_251 : i32 to index
        %get3A_254 = arith.constant 984 : index
        %get3A_255 = tpu.vector_load %arg4[%get3A_252, %get3A_253, %get3A_254] {strides = array<i32>} : memref<2x16x1000xf32, #tpu.memory_space<vmem>>, vector<16xf32>,
        %broadcast_in_dim3A_256 = arith.constant 11 : i32
        %broadcast_in_dim3A_257 = vector.broadcast %broadcast_in_dim3A_256 : i32 to vector<16xi32>
        %scatter3A_258 = arith.constant 0 : i32
        %scatter3A_259 = arith.constant 0 : i32
        %scatter3A_260 = arith.constant 0 : i32
        %scatter3A_261 = tpu.memref_slice %arg5[%scatter3A_258, %scatter3A_259, %scatter3A_260] : memref<2x1000x16xf32, #tpu.memory_space<vmem>> -> memref<1x1000x16xf32, #tpu.memory_space<vmem>>
        %scatter3A_262 = tpu.memref_squeeze %scatter3A_261 : memref<1x1000x16xf32, #tpu.memory_space<vmem>> -> memref<1000x16xf32, #tpu.memory_space<vmem>>
        tpu.vector_store_idx %scatter3A_262[%add3A_109, %broadcast_in_dim3A_257], %get3A_255 : memref<1000x16xf32, #tpu.memory_space<vmem>>[vector<16xi32>, vector<16xi32>], vector<16xf32>,
        %get3A_263 = arith.constant 0 : i32
        %get3A_264 = arith.constant 12 : i32
        %get3A_265 = arith.index_cast %get3A_263 : i32 to index
        %get3A_266 = arith.index_cast %get3A_264 : i32 to index
        %get3A_267 = arith.constant 984 : index
        %get3A_268 = tpu.vector_load %arg4[%get3A_265, %get3A_266, %get3A_267] {strides = array<i32>} : memref<2x16x1000xf32, #tpu.memory_space<vmem>>, vector<16xf32>,
        %broadcast_in_dim3A_269 = arith.constant 12 : i32
        %broadcast_in_dim3A_270 = vector.broadcast %broadcast_in_dim3A_269 : i32 to vector<16xi32>
        %scatter3A_271 = arith.constant 0 : i32
        %scatter3A_272 = arith.constant 0 : i32
        %scatter3A_273 = arith.constant 0 : i32
        %scatter3A_274 = tpu.memref_slice %arg5[%scatter3A_271, %scatter3A_272, %scatter3A_273] : memref<2x1000x16xf32, #tpu.memory_space<vmem>> -> memref<1x1000x16xf32, #tpu.memory_space<vmem>>
        %scatter3A_275 = tpu.memref_squeeze %scatter3A_274 : memref<1x1000x16xf32, #tpu.memory_space<vmem>> -> memref<1000x16xf32, #tpu.memory_space<vmem>>
        tpu.vector_store_idx %scatter3A_275[%add3A_109, %broadcast_in_dim3A_270], %get3A_268 : memref<1000x16xf32, #tpu.memory_space<vmem>>[vector<16xi32>, vector<16xi32>], vector<16xf32>,
        %get3A_276 = arith.constant 0 : i32
        %get3A_277 = arith.constant 13 : i32
        %get3A_278 = arith.index_cast %get3A_276 : i32 to index
        %get3A_279 = arith.index_cast %get3A_277 : i32 to index
        %get3A_280 = arith.constant 984 : index
        %get3A_281 = tpu.vector_load %arg4[%get3A_278, %get3A_279, %get3A_280] {strides = array<i32>} : memref<2x16x1000xf32, #tpu.memory_space<vmem>>, vector<16xf32>,
        %broadcast_in_dim3A_282 = arith.constant 13 : i32
        %broadcast_in_dim3A_283 = vector.broadcast %broadcast_in_dim3A_282 : i32 to vector<16xi32>
        %scatter3A_284 = arith.constant 0 : i32
        %scatter3A_285 = arith.constant 0 : i32
        %scatter3A_286 = arith.constant 0 : i32
        %scatter3A_287 = tpu.memref_slice %arg5[%scatter3A_284, %scatter3A_285, %scatter3A_286] : memref<2x1000x16xf32, #tpu.memory_space<vmem>> -> memref<1x1000x16xf32, #tpu.memory_space<vmem>>
        %scatter3A_288 = tpu.memref_squeeze %scatter3A_287 : memref<1x1000x16xf32, #tpu.memory_space<vmem>> -> memref<1000x16xf32, #tpu.memory_space<vmem>>
        tpu.vector_store_idx %scatter3A_288[%add3A_109, %broadcast_in_dim3A_283], %get3A_281 : memref<1000x16xf32, #tpu.memory_space<vmem>>[vector<16xi32>, vector<16xi32>], vector<16xf32>,
        %get3A_289 = arith.constant 0 : i32
        %get3A_290 = arith.constant 14 : i32
        %get3A_291 = arith.index_cast %get3A_289 : i32 to index
        %get3A_292 = arith.index_cast %get3A_290 : i32 to index
        %get3A_293 = arith.constant 984 : index
        %get3A_294 = tpu.vector_load %arg4[%get3A_291, %get3A_292, %get3A_293] {strides = array<i32>} : memref<2x16x1000xf32, #tpu.memory_space<vmem>>, vector<16xf32>,
        %broadcast_in_dim3A_295 = arith.constant 14 : i32
        %broadcast_in_dim3A_296 = vector.broadcast %broadcast_in_dim3A_295 : i32 to vector<16xi32>
        %scatter3A_297 = arith.constant 0 : i32
        %scatter3A_298 = arith.constant 0 : i32
        %scatter3A_299 = arith.constant 0 : i32
        %scatter3A_300 = tpu.memref_slice %arg5[%scatter3A_297, %scatter3A_298, %scatter3A_299] : memref<2x1000x16xf32, #tpu.memory_space<vmem>> -> memref<1x1000x16xf32, #tpu.memory_space<vmem>>
        %scatter3A_301 = tpu.memref_squeeze %scatter3A_300 : memref<1x1000x16xf32, #tpu.memory_space<vmem>> -> memref<1000x16xf32, #tpu.memory_space<vmem>>
        tpu.vector_store_idx %scatter3A_301[%add3A_109, %broadcast_in_dim3A_296], %get3A_294 : memref<1000x16xf32, #tpu.memory_space<vmem>>[vector<16xi32>, vector<16xi32>], vector<16xf32>,
        %get3A_302 = arith.constant 0 : i32
        %get3A_303 = arith.constant 15 : i32
        %get3A_304 = arith.index_cast %get3A_302 : i32 to index
        %get3A_305 = arith.index_cast %get3A_303 : i32 to index
        %get3A_306 = arith.constant 984 : index
        %get3A_307 = tpu.vector_load %arg4[%get3A_304, %get3A_305, %get3A_306] {strides = array<i32>} : memref<2x16x1000xf32, #tpu.memory_space<vmem>>, vector<16xf32>,
        %broadcast_in_dim3A_308 = arith.constant 15 : i32
        %broadcast_in_dim3A_309 = vector.broadcast %broadcast_in_dim3A_308 : i32 to vector<16xi32>
        %scatter3A_310 = arith.constant 0 : i32
        %scatter3A_311 = arith.constant 0 : i32
        %scatter3A_312 = arith.constant 0 : i32
        %scatter3A_313 = tpu.memref_slice %arg5[%scatter3A_310, %scatter3A_311, %scatter3A_312] : memref<2x1000x16xf32, #tpu.memory_space<vmem>> -> memref<1x1000x16xf32, #tpu.memory_space<vmem>>
        %scatter3A_314 = tpu.memref_squeeze %scatter3A_313 : memref<1x1000x16xf32, #tpu.memory_space<vmem>> -> memref<1000x16xf32, #tpu.memory_space<vmem>>
        tpu.vector_store_idx %scatter3A_314[%add3A_109, %broadcast_in_dim3A_309], %get3A_307 : memref<1000x16xf32, #tpu.memory_space<vmem>>[vector<16xi32>, vector<16xi32>], vector<16xf32>,
        %jit3A_315 = arith.constant 26 : i32
        %div3A_316 = arith.divsi %add3A_17, %jit3A_315 : i32
        %sign3A_317 = arith.constant 0 : i32
        %sign3A_318 = arith.cmpi sgt, %add3A_17, %sign3A_317 : i32
        %sign3A_319 = arith.extui %sign3A_318 : i1 to i32
        %sign3A_320 = arith.constant 0 : i32
        %sign3A_321 = arith.cmpi slt, %add3A_17, %sign3A_320 : i32
        %sign3A_322 = arith.extui %sign3A_321 : i1 to i32
        %sign3A_323 = arith.subi %sign3A_319, %sign3A_322 : i32
        %sign3A_324 = arith.constant 0 : i32
        %sign3A_325 = arith.cmpi sgt, %jit3A_315, %sign3A_324 : i32
        %sign3A_326 = arith.extui %sign3A_325 : i1 to i32
        %sign3A_327 = arith.constant 0 : i32
        %sign3A_328 = arith.cmpi slt, %jit3A_315, %sign3A_327 : i32
        %sign3A_329 = arith.extui %sign3A_328 : i1 to i32
        %sign3A_330 = arith.subi %sign3A_326, %sign3A_329 : i32
        %ne3A_331 = arith.cmpi ne, %sign3A_323, %sign3A_330 : i32
        %rem3A_332 = arith.remsi %add3A_17, %jit3A_315 : i32
        %ne3A_333 = arith.constant 0 : i32
        %ne3A_334 = arith.cmpi ne, %rem3A_332, %ne3A_333 : i32
        %and3A_335 = arith.andi %ne3A_331, %ne3A_334 : i1
        %sub3A_336 = arith.constant 1 : i32
        %sub3A_337 = arith.subi %div3A_316, %sub3A_336 : i32
        %select_n3A_338 = arith.select %and3A_335, %sub3A_337, %div3A_316 : i32
        %jit3A_339 = arith.constant 26 : i32
        %eq3A_340 = arith.constant 0 : i32
        %eq3A_341 = arith.cmpi eq, %jit3A_339, %eq3A_340 : i32
        %jit3A_342 = arith.constant 1 : i32
        %select_n3A_343 = arith.select %eq3A_341, %jit3A_342, %jit3A_339 : i32
        %rem3A_344 = arith.remsi %add3A_17, %select_n3A_343 : i32
        %ne3A_345 = arith.constant 0 : i32
        %ne3A_346 = arith.cmpi ne, %rem3A_344, %ne3A_345 : i32
        %lt3A_347 = arith.constant 0 : i32
        %lt3A_348 = arith.cmpi slt, %rem3A_344, %lt3A_347 : i32
        %lt3A_349 = arith.constant 0 : i32
        %lt3A_350 = arith.cmpi slt, %select_n3A_343, %lt3A_349 : i32
        %ne3A_351 = arith.xori %lt3A_348, %lt3A_350 : i1
        %and3A_352 = arith.andi %ne3A_351, %ne3A_346 : i1
        %add3A_353 = arith.addi %rem3A_344, %select_n3A_343 : i32
        %select_n3A_354 = arith.select %and3A_352, %add3A_353, %rem3A_344 : i32
        %mul3A_355 = arith.constant 1000 : i32
        %mul3A_356 = arith.muli %select_n3A_354, %mul3A_355 : i32
        %mul3A_357 = arith.constant 26000 : i32
        %mul3A_358 = arith.muli %select_n3A_338, %mul3A_357 : i32
        %add3A_359 = arith.addi %mul3A_358, %mul3A_356 : i32
        %dma_start3A = arith.constant 0 : i32
        %dma_start3A_360 = arith.constant 0 : i32
        %dma_start3A_361 = arith.constant 0 : i32
        %dma_start3A_362 = tpu.memref_slice %arg5[%dma_start3A, %dma_start3A_360, %dma_start3A_361] : memref<2x1000x16xf32, #tpu.memory_space<vmem>> -> memref<1x1000x16xf32, #tpu.memory_space<vmem>>
        %dma_start3A_363 = tpu.memref_squeeze %dma_start3A_362 : memref<1x1000x16xf32, #tpu.memory_space<vmem>> -> memref<1000x16xf32, #tpu.memory_space<vmem>>
        %dma_start3A_364 = arith.constant 0 : i32
        %dma_start3A_365 = tpu.memref_slice %arg3[%add3A_359, %dma_start3A_364] : memref<676000x16xf32, #tpu.memory_space<hbm>> -> memref<1000x16xf32, #tpu.memory_space<hbm>>
        %dma_start3A_366 = arith.constant 0 : i32
        %dma_start3A_367 = tpu.memref_slice %arg3[%add3A_359, %dma_start3A_366] : memref<676000x16xf32, #tpu.memory_space<hbm>> -> memref<1000x16xf32, #tpu.memory_space<hbm>>
        %dma_start3A_368 = arith.constant 0 : i32
        %dma_start3A_369 = arith.constant 0 : i32
        %dma_start3A_370 = tpu.memref_slice %arg5[%dma_start3A, %dma_start3A_368, %dma_start3A_369] : memref<2x1000x16xf32, #tpu.memory_space<vmem>> -> memref<1x1000x16xf32, #tpu.memory_space<vmem>>
        %dma_start3A_371 = tpu.memref_squeeze %dma_start3A_370 : memref<1x1000x16xf32, #tpu.memory_space<vmem>> -> memref<1000x16xf32, #tpu.memory_space<vmem>>
        tpu.enqueue_dma source(%dma_start3A_371 : memref<1000x16xf32, #tpu.memory_space<vmem>>) target(%dma_start3A_367 : memref<1000x16xf32, #tpu.memory_space<hbm>>) target_semaphore(%arg8 : memref<!tpu.dma_semaphore, #tpu.memory_space<semaphore_mem>>)
        %dma_wait3A_372 = arith.constant 0 : i32
        %dma_wait3A_373 = arith.constant 0 : i32
        %dma_wait3A_374 = arith.constant 0 : i32
        %dma_wait3A_375 = tpu.memref_slice %arg5[%dma_wait3A_372, %dma_wait3A_373, %dma_wait3A_374] : memref<2x1000x16xf32, #tpu.memory_space<vmem>> -> memref<1x1000x16xf32, #tpu.memory_space<vmem>>
        %dma_wait3A_376 = tpu.memref_squeeze %dma_wait3A_375 : memref<1x1000x16xf32, #tpu.memory_space<vmem>> -> memref<1000x16xf32, #tpu.memory_space<vmem>>
        %dma_wait3A_377 = arith.constant 0 : i32
        %dma_wait3A_378 = tpu.memref_slice %arg3[%add3A_359, %dma_wait3A_377] : memref<676000x16xf32, #tpu.memory_space<hbm>> -> memref<1000x16xf32, #tpu.memory_space<hbm>>
        %dma_wait3A_379 = arith.constant 0 : i32
        %dma_wait3A_380 = tpu.memref_slice %arg3[%add3A_359, %dma_wait3A_379] : memref<676000x16xf32, #tpu.memory_space<hbm>> -> memref<1000x16xf32, #tpu.memory_space<hbm>>
        %dma_wait3A_381 = arith.constant 0 : i32
        %dma_wait3A_382 = arith.constant 0 : i32
        %dma_wait3A_383 = tpu.memref_slice %arg5[%dma_wait3A_372, %dma_wait3A_381, %dma_wait3A_382] : memref<2x1000x16xf32, #tpu.memory_space<vmem>> -> memref<1x1000x16xf32, #tpu.memory_space<vmem>>
        %dma_wait3A_384 = tpu.memref_squeeze %dma_wait3A_383 : memref<1x1000x16xf32, #tpu.memory_space<vmem>> -> memref<1000x16xf32, #tpu.memory_space<vmem>>
        tpu.wait_dma2 semaphore(%arg8 : memref<!tpu.dma_semaphore, #tpu.memory_space<semaphore_mem>>) src(%dma_wait3A_384 : memref<1000x16xf32, #tpu.memory_space<vmem>>) dst(%dma_wait3A_380 : memref<1000x16xf32, #tpu.memory_space<hbm>>)
      } else {
      }
      %add3A_35 = arith.constant 1 : i32
      %add3A_36 = arith.addi %scan3A_10, %add3A_35 : i32
      %mul3A_37 = arith.constant 2 : i32
      %mul3A_38 = arith.muli %add3A_36, %mul3A_37 : i32
      %add3A_39 = arith.constant 0 : i32
      %add3A_40 = arith.addi %mul3A_38, %add3A_39 : i32
      %mul3A_41 = arith.constant 32 : i32
      %mul3A_42 = arith.muli %add3A_40, %mul3A_41 : i32
      %add3A_43 = arith.addi %add3A, %mul3A_42 : i32
      %lt3A_44 = arith.constant 676 : i32
      %lt3A_45 = arith.cmpi slt, %add3A_43, %lt3A_44 : i32
      %convert_element_type3A_46 = arith.extui %lt3A_45 : i1 to i32
      %cond3A_47 = arith.constant 0 : i32
      %cond3A_48 = arith.cmpi ne, %convert_element_type3A_46, %cond3A_47 : i32
      scf.if %cond3A_48 {
        %add3A_54 = arith.constant 1 : i32
        %add3A_55 = arith.addi %scan3A_10, %add3A_54 : i32
        %mul3A_56 = arith.constant 2 : i32
        %mul3A_57 = arith.muli %add3A_55, %mul3A_56 : i32
        %add3A_58 = arith.constant 0 : i32
        %add3A_59 = arith.addi %mul3A_57, %add3A_58 : i32
        %mul3A_60 = arith.constant 32 : i32
        %mul3A_61 = arith.muli %add3A_59, %mul3A_60 : i32
        %add3A_62 = arith.addi %add3A, %mul3A_61 : i32
        %jit3A = arith.constant 26 : i32
        %div3A = arith.divsi %add3A_62, %jit3A : i32
        %sign3A = arith.constant 0 : i32
        %sign3A_63 = arith.cmpi sgt, %add3A_62, %sign3A : i32
        %sign3A_64 = arith.extui %sign3A_63 : i1 to i32
        %sign3A_65 = arith.constant 0 : i32
        %sign3A_66 = arith.cmpi slt, %add3A_62, %sign3A_65 : i32
        %sign3A_67 = arith.extui %sign3A_66 : i1 to i32
        %sign3A_68 = arith.subi %sign3A_64, %sign3A_67 : i32
        %sign3A_69 = arith.constant 0 : i32
        %sign3A_70 = arith.cmpi sgt, %jit3A, %sign3A_69 : i32
        %sign3A_71 = arith.extui %sign3A_70 : i1 to i32
        %sign3A_72 = arith.constant 0 : i32
        %sign3A_73 = arith.cmpi slt, %jit3A, %sign3A_72 : i32
        %sign3A_74 = arith.extui %sign3A_73 : i1 to i32
        %sign3A_75 = arith.subi %sign3A_71, %sign3A_74 : i32
        %ne3A = arith.cmpi ne, %sign3A_68, %sign3A_75 : i32
        %rem3A = arith.remsi %add3A_62, %jit3A : i32
        %ne3A_76 = arith.constant 0 : i32
        %ne3A_77 = arith.cmpi ne, %rem3A, %ne3A_76 : i32
        %and3A = arith.andi %ne3A, %ne3A_77 : i1
        %sub3A = arith.constant 1 : i32
        %sub3A_78 = arith.subi %div3A, %sub3A : i32
        %select_n3A = arith.select %and3A, %sub3A_78, %div3A : i32
        %jit3A_79 = arith.constant 26 : i32
        %eq3A = arith.constant 0 : i32
        %eq3A_80 = arith.cmpi eq, %jit3A_79, %eq3A : i32
        %jit3A_81 = arith.constant 1 : i32
        %select_n3A_82 = arith.select %eq3A_80, %jit3A_81, %jit3A_79 : i32
        %rem3A_83 = arith.remsi %add3A_62, %select_n3A_82 : i32
        %ne3A_84 = arith.constant 0 : i32
        %ne3A_85 = arith.cmpi ne, %rem3A_83, %ne3A_84 : i32
        %lt3A_86 = arith.constant 0 : i32
        %lt3A_87 = arith.cmpi slt, %rem3A_83, %lt3A_86 : i32
        %lt3A_88 = arith.constant 0 : i32
        %lt3A_89 = arith.cmpi slt, %select_n3A_82, %lt3A_88 : i32
        %ne3A_90 = arith.xori %lt3A_87, %lt3A_89 : i1
        %and3A_91 = arith.andi %ne3A_90, %ne3A_85 : i1
        %add3A_92 = arith.addi %rem3A_83, %select_n3A_82 : i32
        %select_n3A_93 = arith.select %and3A_91, %add3A_92, %rem3A_83 : i32
        %mul3A_94 = arith.constant 1000 : i32
        %mul3A_95 = arith.muli %select_n3A_93, %mul3A_94 : i32
        %dma_start3A = arith.constant 0 : i32
        %dma_start3A_96 = arith.constant 0 : i32
        %dma_start3A_97 = arith.constant 0 : i32
        %dma_start3A_98 = tpu.memref_slice %arg4[%dma_start3A, %dma_start3A_96, %dma_start3A_97] : memref<2x16x1000xf32, #tpu.memory_space<vmem>> -> memref<1x16x1000xf32, #tpu.memory_space<vmem>>
        %dma_start3A_99 = tpu.memref_squeeze %dma_start3A_98 : memref<1x16x1000xf32, #tpu.memory_space<vmem>> -> memref<16x1000xf32, #tpu.memory_space<vmem>>
        %dma_start3A_100 = arith.constant 0 : i32
        %dma_start3A_101 = tpu.memref_slice %arg2[%select_n3A, %dma_start3A_100, %mul3A_95] : memref<26x16x26000xf32, #tpu.memory_space<hbm>> -> memref<1x16x1000xf32, #tpu.memory_space<hbm>>
        %dma_start3A_102 = tpu.memref_squeeze %dma_start3A_101 : memref<1x16x1000xf32, #tpu.memory_space<hbm>> -> memref<16x1000xf32, #tpu.memory_space<hbm>>
        %dma_start3A_103 = arith.constant 0 : i32
        %dma_start3A_104 = arith.constant 0 : i32
        %dma_start3A_105 = tpu.memref_slice %arg4[%dma_start3A, %dma_start3A_103, %dma_start3A_104] : memref<2x16x1000xf32, #tpu.memory_space<vmem>> -> memref<1x16x1000xf32, #tpu.memory_space<vmem>>
        %dma_start3A_106 = tpu.memref_squeeze %dma_start3A_105 : memref<1x16x1000xf32, #tpu.memory_space<vmem>> -> memref<16x1000xf32, #tpu.memory_space<vmem>>
        %dma_start3A_107 = arith.constant 0 : i32
        %dma_start3A_108 = tpu.memref_slice %arg2[%select_n3A, %dma_start3A_107, %mul3A_95] : memref<26x16x26000xf32, #tpu.memory_space<hbm>> -> memref<1x16x1000xf32, #tpu.memory_space<hbm>>
        %dma_start3A_109 = tpu.memref_squeeze %dma_start3A_108 : memref<1x16x1000xf32, #tpu.memory_space<hbm>> -> memref<16x1000xf32, #tpu.memory_space<hbm>>
        tpu.enqueue_dma source(%dma_start3A_109 : memref<16x1000xf32, #tpu.memory_space<hbm>>) target(%dma_start3A_106 : memref<16x1000xf32, #tpu.memory_space<vmem>>) target_semaphore(%arg6 : memref<!tpu.dma_semaphore, #tpu.memory_space<semaphore_mem>>)
      } else {
      }
      %lt3A_49 = arith.constant 676 : i32
      %lt3A_50 = arith.cmpi slt, %add3A_24, %lt3A_49 : i32
      %convert_element_type3A_51 = arith.extui %lt3A_50 : i1 to i32
      %cond3A_52 = arith.constant 0 : i32
      %cond3A_53 = arith.cmpi ne, %convert_element_type3A_51, %cond3A_52 : i32
      scf.if %cond3A_53 {
        %jit3A = arith.constant 26 : i32
        %div3A = arith.divsi %add3A_24, %jit3A : i32
        %sign3A = arith.constant 0 : i32
        %sign3A_54 = arith.cmpi sgt, %add3A_24, %sign3A : i32
        %sign3A_55 = arith.extui %sign3A_54 : i1 to i32
        %sign3A_56 = arith.constant 0 : i32
        %sign3A_57 = arith.cmpi slt, %add3A_24, %sign3A_56 : i32
        %sign3A_58 = arith.extui %sign3A_57 : i1 to i32
        %sign3A_59 = arith.subi %sign3A_55, %sign3A_58 : i32
        %sign3A_60 = arith.constant 0 : i32
        %sign3A_61 = arith.cmpi sgt, %jit3A, %sign3A_60 : i32
        %sign3A_62 = arith.extui %sign3A_61 : i1 to i32
        %sign3A_63 = arith.constant 0 : i32
        %sign3A_64 = arith.cmpi slt, %jit3A, %sign3A_63 : i32
        %sign3A_65 = arith.extui %sign3A_64 : i1 to i32
        %sign3A_66 = arith.subi %sign3A_62, %sign3A_65 : i32
        %ne3A = arith.cmpi ne, %sign3A_59, %sign3A_66 : i32
        %rem3A = arith.remsi %add3A_24, %jit3A : i32
        %ne3A_67 = arith.constant 0 : i32
        %ne3A_68 = arith.cmpi ne, %rem3A, %ne3A_67 : i32
        %and3A = arith.andi %ne3A, %ne3A_68 : i1
        %sub3A = arith.constant 1 : i32
        %sub3A_69 = arith.subi %div3A, %sub3A : i32
        %select_n3A = arith.select %and3A, %sub3A_69, %div3A : i32
        %jit3A_70 = arith.constant 26 : i32
        %eq3A = arith.constant 0 : i32
        %eq3A_71 = arith.cmpi eq, %jit3A_70, %eq3A : i32
        %jit3A_72 = arith.constant 1 : i32
        %select_n3A_73 = arith.select %eq3A_71, %jit3A_72, %jit3A_70 : i32
        %rem3A_74 = arith.remsi %add3A_24, %select_n3A_73 : i32
        %ne3A_75 = arith.constant 0 : i32
        %ne3A_76 = arith.cmpi ne, %rem3A_74, %ne3A_75 : i32
        %lt3A_77 = arith.constant 0 : i32
        %lt3A_78 = arith.cmpi slt, %rem3A_74, %lt3A_77 : i32
        %lt3A_79 = arith.constant 0 : i32
        %lt3A_80 = arith.cmpi slt, %select_n3A_73, %lt3A_79 : i32
        %ne3A_81 = arith.xori %lt3A_78, %lt3A_80 : i1
        %and3A_82 = arith.andi %ne3A_81, %ne3A_76 : i1
        %add3A_83 = arith.addi %rem3A_74, %select_n3A_73 : i32
        %select_n3A_84 = arith.select %and3A_82, %add3A_83, %rem3A_74 : i32
        %mul3A_85 = arith.constant 1000 : i32
        %mul3A_86 = arith.muli %select_n3A_84, %mul3A_85 : i32
        %dma_wait3A = arith.constant 1 : i32
        %dma_wait3A_87 = arith.constant 0 : i32
        %dma_wait3A_88 = arith.constant 0 : i32
        %dma_wait3A_89 = tpu.memref_slice %arg4[%dma_wait3A, %dma_wait3A_87, %dma_wait3A_88] : memref<2x16x1000xf32, #tpu.memory_space<vmem>> -> memref<1x16x1000xf32, #tpu.memory_space<vmem>>
        %dma_wait3A_90 = tpu.memref_squeeze %dma_wait3A_89 : memref<1x16x1000xf32, #tpu.memory_space<vmem>> -> memref<16x1000xf32, #tpu.memory_space<vmem>>
        %dma_wait3A_91 = arith.constant 0 : i32
        %dma_wait3A_92 = tpu.memref_slice %arg2[%select_n3A, %dma_wait3A_91, %mul3A_86] : memref<26x16x26000xf32, #tpu.memory_space<hbm>> -> memref<1x16x1000xf32, #tpu.memory_space<hbm>>
        %dma_wait3A_93 = tpu.memref_squeeze %dma_wait3A_92 : memref<1x16x1000xf32, #tpu.memory_space<hbm>> -> memref<16x1000xf32, #tpu.memory_space<hbm>>
        %dma_wait3A_94 = arith.constant 0 : i32
        %dma_wait3A_95 = arith.constant 0 : i32
        %dma_wait3A_96 = tpu.memref_slice %arg4[%dma_wait3A, %dma_wait3A_94, %dma_wait3A_95] : memref<2x16x1000xf32, #tpu.memory_space<vmem>> -> memref<1x16x1000xf32, #tpu.memory_space<vmem>>
        %dma_wait3A_97 = tpu.memref_squeeze %dma_wait3A_96 : memref<1x16x1000xf32, #tpu.memory_space<vmem>> -> memref<16x1000xf32, #tpu.memory_space<vmem>>
        %dma_wait3A_98 = arith.constant 0 : i32
        %dma_wait3A_99 = tpu.memref_slice %arg2[%select_n3A, %dma_wait3A_98, %mul3A_86] : memref<26x16x26000xf32, #tpu.memory_space<hbm>> -> memref<1x16x1000xf32, #tpu.memory_space<hbm>>
        %dma_wait3A_100 = tpu.memref_squeeze %dma_wait3A_99 : memref<1x16x1000xf32, #tpu.memory_space<hbm>> -> memref<16x1000xf32, #tpu.memory_space<hbm>>
        tpu.wait_dma2 semaphore(%arg7 : memref<!tpu.dma_semaphore, #tpu.memory_space<semaphore_mem>>) src(%dma_wait3A_100 : memref<16x1000xf32, #tpu.memory_space<hbm>>) dst(%dma_wait3A_97 : memref<16x1000xf32, #tpu.memory_space<vmem>>)
        %scan3A_101 = arith.constant 0 : i32
        %scan3A_102 = arith.constant 0 : i32
        %scan3A_103 = arith.constant 62 : i32
        %scan3A_104 = arith.addi %scan3A_102, %scan3A_103 : i32
        %scan3A_105 = arith.constant 1 : i32
        scf.for %scan3A_385 = %scan3A_102 to %scan3A_104 step %scan3A_105  : i32 {
          %mul3A_386 = arith.constant 16 : i32
          %mul3A_387 = arith.muli %scan3A_385, %mul3A_386 : i32
          %add3A_388 = vector.broadcast %mul3A_387 : i32 to vector<16xi32>
          %add3A_389 = arith.addi %iota3A, %add3A_388 : vector<16xi32>
          %get3A_390 = arith.constant 1 : i32
          %get3A_391 = arith.constant 0 : i32
          %get3A_392 = arith.index_cast %get3A_390 : i32 to index
          %get3A_393 = arith.index_cast %get3A_391 : i32 to index
          %get3A_394 = arith.index_cast %mul3A_387 : i32 to index
          %get3A_395 = tpu.vector_load %arg4[%get3A_392, %get3A_393, %get3A_394] {strides = array<i32>} : memref<2x16x1000xf32, #tpu.memory_space<vmem>>, vector<16xf32>,
          %broadcast_in_dim3A_396 = arith.constant 0 : i32
          %broadcast_in_dim3A_397 = vector.broadcast %broadcast_in_dim3A_396 : i32 to vector<16xi32>
          %scatter3A_398 = arith.constant 1 : i32
          %scatter3A_399 = arith.constant 0 : i32
          %scatter3A_400 = arith.constant 0 : i32
          %scatter3A_401 = tpu.memref_slice %arg5[%scatter3A_398, %scatter3A_399, %scatter3A_400] : memref<2x1000x16xf32, #tpu.memory_space<vmem>> -> memref<1x1000x16xf32, #tpu.memory_space<vmem>>
          %scatter3A_402 = tpu.memref_squeeze %scatter3A_401 : memref<1x1000x16xf32, #tpu.memory_space<vmem>> -> memref<1000x16xf32, #tpu.memory_space<vmem>>
          tpu.vector_store_idx %scatter3A_402[%add3A_389, %broadcast_in_dim3A_397], %get3A_395 : memref<1000x16xf32, #tpu.memory_space<vmem>>[vector<16xi32>, vector<16xi32>], vector<16xf32>,
          %get3A_403 = arith.constant 1 : i32
          %get3A_404 = arith.constant 1 : i32
          %get3A_405 = arith.index_cast %get3A_403 : i32 to index
          %get3A_406 = arith.index_cast %get3A_404 : i32 to index
          %get3A_407 = arith.index_cast %mul3A_387 : i32 to index
          %get3A_408 = tpu.vector_load %arg4[%get3A_405, %get3A_406, %get3A_407] {strides = array<i32>} : memref<2x16x1000xf32, #tpu.memory_space<vmem>>, vector<16xf32>,
          %broadcast_in_dim3A_409 = arith.constant 1 : i32
          %broadcast_in_dim3A_410 = vector.broadcast %broadcast_in_dim3A_409 : i32 to vector<16xi32>
          %scatter3A_411 = arith.constant 1 : i32
          %scatter3A_412 = arith.constant 0 : i32
          %scatter3A_413 = arith.constant 0 : i32
          %scatter3A_414 = tpu.memref_slice %arg5[%scatter3A_411, %scatter3A_412, %scatter3A_413] : memref<2x1000x16xf32, #tpu.memory_space<vmem>> -> memref<1x1000x16xf32, #tpu.memory_space<vmem>>
          %scatter3A_415 = tpu.memref_squeeze %scatter3A_414 : memref<1x1000x16xf32, #tpu.memory_space<vmem>> -> memref<1000x16xf32, #tpu.memory_space<vmem>>
          tpu.vector_store_idx %scatter3A_415[%add3A_389, %broadcast_in_dim3A_410], %get3A_408 : memref<1000x16xf32, #tpu.memory_space<vmem>>[vector<16xi32>, vector<16xi32>], vector<16xf32>,
          %get3A_416 = arith.constant 1 : i32
          %get3A_417 = arith.constant 2 : i32
          %get3A_418 = arith.index_cast %get3A_416 : i32 to index
          %get3A_419 = arith.index_cast %get3A_417 : i32 to index
          %get3A_420 = arith.index_cast %mul3A_387 : i32 to index
          %get3A_421 = tpu.vector_load %arg4[%get3A_418, %get3A_419, %get3A_420] {strides = array<i32>} : memref<2x16x1000xf32, #tpu.memory_space<vmem>>, vector<16xf32>,
          %broadcast_in_dim3A_422 = arith.constant 2 : i32
          %broadcast_in_dim3A_423 = vector.broadcast %broadcast_in_dim3A_422 : i32 to vector<16xi32>
          %scatter3A_424 = arith.constant 1 : i32
          %scatter3A_425 = arith.constant 0 : i32
          %scatter3A_426 = arith.constant 0 : i32
          %scatter3A_427 = tpu.memref_slice %arg5[%scatter3A_424, %scatter3A_425, %scatter3A_426] : memref<2x1000x16xf32, #tpu.memory_space<vmem>> -> memref<1x1000x16xf32, #tpu.memory_space<vmem>>
          %scatter3A_428 = tpu.memref_squeeze %scatter3A_427 : memref<1x1000x16xf32, #tpu.memory_space<vmem>> -> memref<1000x16xf32, #tpu.memory_space<vmem>>
          tpu.vector_store_idx %scatter3A_428[%add3A_389, %broadcast_in_dim3A_423], %get3A_421 : memref<1000x16xf32, #tpu.memory_space<vmem>>[vector<16xi32>, vector<16xi32>], vector<16xf32>,
          %get3A_429 = arith.constant 1 : i32
          %get3A_430 = arith.constant 3 : i32
          %get3A_431 = arith.index_cast %get3A_429 : i32 to index
          %get3A_432 = arith.index_cast %get3A_430 : i32 to index
          %get3A_433 = arith.index_cast %mul3A_387 : i32 to index
          %get3A_434 = tpu.vector_load %arg4[%get3A_431, %get3A_432, %get3A_433] {strides = array<i32>} : memref<2x16x1000xf32, #tpu.memory_space<vmem>>, vector<16xf32>,
          %broadcast_in_dim3A_435 = arith.constant 3 : i32
          %broadcast_in_dim3A_436 = vector.broadcast %broadcast_in_dim3A_435 : i32 to vector<16xi32>
          %scatter3A_437 = arith.constant 1 : i32
          %scatter3A_438 = arith.constant 0 : i32
          %scatter3A_439 = arith.constant 0 : i32
          %scatter3A_440 = tpu.memref_slice %arg5[%scatter3A_437, %scatter3A_438, %scatter3A_439] : memref<2x1000x16xf32, #tpu.memory_space<vmem>> -> memref<1x1000x16xf32, #tpu.memory_space<vmem>>
          %scatter3A_441 = tpu.memref_squeeze %scatter3A_440 : memref<1x1000x16xf32, #tpu.memory_space<vmem>> -> memref<1000x16xf32, #tpu.memory_space<vmem>>
          tpu.vector_store_idx %scatter3A_441[%add3A_389, %broadcast_in_dim3A_436], %get3A_434 : memref<1000x16xf32, #tpu.memory_space<vmem>>[vector<16xi32>, vector<16xi32>], vector<16xf32>,
          %get3A_442 = arith.constant 1 : i32
          %get3A_443 = arith.constant 4 : i32
          %get3A_444 = arith.index_cast %get3A_442 : i32 to index
          %get3A_445 = arith.index_cast %get3A_443 : i32 to index
          %get3A_446 = arith.index_cast %mul3A_387 : i32 to index
          %get3A_447 = tpu.vector_load %arg4[%get3A_444, %get3A_445, %get3A_446] {strides = array<i32>} : memref<2x16x1000xf32, #tpu.memory_space<vmem>>, vector<16xf32>,
          %broadcast_in_dim3A_448 = arith.constant 4 : i32
          %broadcast_in_dim3A_449 = vector.broadcast %broadcast_in_dim3A_448 : i32 to vector<16xi32>
          %scatter3A_450 = arith.constant 1 : i32
          %scatter3A_451 = arith.constant 0 : i32
          %scatter3A_452 = arith.constant 0 : i32
          %scatter3A_453 = tpu.memref_slice %arg5[%scatter3A_450, %scatter3A_451, %scatter3A_452] : memref<2x1000x16xf32, #tpu.memory_space<vmem>> -> memref<1x1000x16xf32, #tpu.memory_space<vmem>>
          %scatter3A_454 = tpu.memref_squeeze %scatter3A_453 : memref<1x1000x16xf32, #tpu.memory_space<vmem>> -> memref<1000x16xf32, #tpu.memory_space<vmem>>
          tpu.vector_store_idx %scatter3A_454[%add3A_389, %broadcast_in_dim3A_449], %get3A_447 : memref<1000x16xf32, #tpu.memory_space<vmem>>[vector<16xi32>, vector<16xi32>], vector<16xf32>,
          %get3A_455 = arith.constant 1 : i32
          %get3A_456 = arith.constant 5 : i32
          %get3A_457 = arith.index_cast %get3A_455 : i32 to index
          %get3A_458 = arith.index_cast %get3A_456 : i32 to index
          %get3A_459 = arith.index_cast %mul3A_387 : i32 to index
          %get3A_460 = tpu.vector_load %arg4[%get3A_457, %get3A_458, %get3A_459] {strides = array<i32>} : memref<2x16x1000xf32, #tpu.memory_space<vmem>>, vector<16xf32>,
          %broadcast_in_dim3A_461 = arith.constant 5 : i32
          %broadcast_in_dim3A_462 = vector.broadcast %broadcast_in_dim3A_461 : i32 to vector<16xi32>
          %scatter3A_463 = arith.constant 1 : i32
          %scatter3A_464 = arith.constant 0 : i32
          %scatter3A_465 = arith.constant 0 : i32
          %scatter3A_466 = tpu.memref_slice %arg5[%scatter3A_463, %scatter3A_464, %scatter3A_465] : memref<2x1000x16xf32, #tpu.memory_space<vmem>> -> memref<1x1000x16xf32, #tpu.memory_space<vmem>>
          %scatter3A_467 = tpu.memref_squeeze %scatter3A_466 : memref<1x1000x16xf32, #tpu.memory_space<vmem>> -> memref<1000x16xf32, #tpu.memory_space<vmem>>
          tpu.vector_store_idx %scatter3A_467[%add3A_389, %broadcast_in_dim3A_462], %get3A_460 : memref<1000x16xf32, #tpu.memory_space<vmem>>[vector<16xi32>, vector<16xi32>], vector<16xf32>,
          %get3A_468 = arith.constant 1 : i32
          %get3A_469 = arith.constant 6 : i32
          %get3A_470 = arith.index_cast %get3A_468 : i32 to index
          %get3A_471 = arith.index_cast %get3A_469 : i32 to index
          %get3A_472 = arith.index_cast %mul3A_387 : i32 to index
          %get3A_473 = tpu.vector_load %arg4[%get3A_470, %get3A_471, %get3A_472] {strides = array<i32>} : memref<2x16x1000xf32, #tpu.memory_space<vmem>>, vector<16xf32>,
          %broadcast_in_dim3A_474 = arith.constant 6 : i32
          %broadcast_in_dim3A_475 = vector.broadcast %broadcast_in_dim3A_474 : i32 to vector<16xi32>
          %scatter3A_476 = arith.constant 1 : i32
          %scatter3A_477 = arith.constant 0 : i32
          %scatter3A_478 = arith.constant 0 : i32
          %scatter3A_479 = tpu.memref_slice %arg5[%scatter3A_476, %scatter3A_477, %scatter3A_478] : memref<2x1000x16xf32, #tpu.memory_space<vmem>> -> memref<1x1000x16xf32, #tpu.memory_space<vmem>>
          %scatter3A_480 = tpu.memref_squeeze %scatter3A_479 : memref<1x1000x16xf32, #tpu.memory_space<vmem>> -> memref<1000x16xf32, #tpu.memory_space<vmem>>
          tpu.vector_store_idx %scatter3A_480[%add3A_389, %broadcast_in_dim3A_475], %get3A_473 : memref<1000x16xf32, #tpu.memory_space<vmem>>[vector<16xi32>, vector<16xi32>], vector<16xf32>,
          %get3A_481 = arith.constant 1 : i32
          %get3A_482 = arith.constant 7 : i32
          %get3A_483 = arith.index_cast %get3A_481 : i32 to index
          %get3A_484 = arith.index_cast %get3A_482 : i32 to index
          %get3A_485 = arith.index_cast %mul3A_387 : i32 to index
          %get3A_486 = tpu.vector_load %arg4[%get3A_483, %get3A_484, %get3A_485] {strides = array<i32>} : memref<2x16x1000xf32, #tpu.memory_space<vmem>>, vector<16xf32>,
          %broadcast_in_dim3A_487 = arith.constant 7 : i32
          %broadcast_in_dim3A_488 = vector.broadcast %broadcast_in_dim3A_487 : i32 to vector<16xi32>
          %scatter3A_489 = arith.constant 1 : i32
          %scatter3A_490 = arith.constant 0 : i32
          %scatter3A_491 = arith.constant 0 : i32
          %scatter3A_492 = tpu.memref_slice %arg5[%scatter3A_489, %scatter3A_490, %scatter3A_491] : memref<2x1000x16xf32, #tpu.memory_space<vmem>> -> memref<1x1000x16xf32, #tpu.memory_space<vmem>>
          %scatter3A_493 = tpu.memref_squeeze %scatter3A_492 : memref<1x1000x16xf32, #tpu.memory_space<vmem>> -> memref<1000x16xf32, #tpu.memory_space<vmem>>
          tpu.vector_store_idx %scatter3A_493[%add3A_389, %broadcast_in_dim3A_488], %get3A_486 : memref<1000x16xf32, #tpu.memory_space<vmem>>[vector<16xi32>, vector<16xi32>], vector<16xf32>,
          %get3A_494 = arith.constant 1 : i32
          %get3A_495 = arith.constant 8 : i32
          %get3A_496 = arith.index_cast %get3A_494 : i32 to index
          %get3A_497 = arith.index_cast %get3A_495 : i32 to index
          %get3A_498 = arith.index_cast %mul3A_387 : i32 to index
          %get3A_499 = tpu.vector_load %arg4[%get3A_496, %get3A_497, %get3A_498] {strides = array<i32>} : memref<2x16x1000xf32, #tpu.memory_space<vmem>>, vector<16xf32>,
          %broadcast_in_dim3A_500 = arith.constant 8 : i32
          %broadcast_in_dim3A_501 = vector.broadcast %broadcast_in_dim3A_500 : i32 to vector<16xi32>
          %scatter3A_502 = arith.constant 1 : i32
          %scatter3A_503 = arith.constant 0 : i32
          %scatter3A_504 = arith.constant 0 : i32
          %scatter3A_505 = tpu.memref_slice %arg5[%scatter3A_502, %scatter3A_503, %scatter3A_504] : memref<2x1000x16xf32, #tpu.memory_space<vmem>> -> memref<1x1000x16xf32, #tpu.memory_space<vmem>>
          %scatter3A_506 = tpu.memref_squeeze %scatter3A_505 : memref<1x1000x16xf32, #tpu.memory_space<vmem>> -> memref<1000x16xf32, #tpu.memory_space<vmem>>
          tpu.vector_store_idx %scatter3A_506[%add3A_389, %broadcast_in_dim3A_501], %get3A_499 : memref<1000x16xf32, #tpu.memory_space<vmem>>[vector<16xi32>, vector<16xi32>], vector<16xf32>,
          %get3A_507 = arith.constant 1 : i32
          %get3A_508 = arith.constant 9 : i32
          %get3A_509 = arith.index_cast %get3A_507 : i32 to index
          %get3A_510 = arith.index_cast %get3A_508 : i32 to index
          %get3A_511 = arith.index_cast %mul3A_387 : i32 to index
          %get3A_512 = tpu.vector_load %arg4[%get3A_509, %get3A_510, %get3A_511] {strides = array<i32>} : memref<2x16x1000xf32, #tpu.memory_space<vmem>>, vector<16xf32>,
          %broadcast_in_dim3A_513 = arith.constant 9 : i32
          %broadcast_in_dim3A_514 = vector.broadcast %broadcast_in_dim3A_513 : i32 to vector<16xi32>
          %scatter3A_515 = arith.constant 1 : i32
          %scatter3A_516 = arith.constant 0 : i32
          %scatter3A_517 = arith.constant 0 : i32
          %scatter3A_518 = tpu.memref_slice %arg5[%scatter3A_515, %scatter3A_516, %scatter3A_517] : memref<2x1000x16xf32, #tpu.memory_space<vmem>> -> memref<1x1000x16xf32, #tpu.memory_space<vmem>>
          %scatter3A_519 = tpu.memref_squeeze %scatter3A_518 : memref<1x1000x16xf32, #tpu.memory_space<vmem>> -> memref<1000x16xf32, #tpu.memory_space<vmem>>
          tpu.vector_store_idx %scatter3A_519[%add3A_389, %broadcast_in_dim3A_514], %get3A_512 : memref<1000x16xf32, #tpu.memory_space<vmem>>[vector<16xi32>, vector<16xi32>], vector<16xf32>,
          %get3A_520 = arith.constant 1 : i32
          %get3A_521 = arith.constant 10 : i32
          %get3A_522 = arith.index_cast %get3A_520 : i32 to index
          %get3A_523 = arith.index_cast %get3A_521 : i32 to index
          %get3A_524 = arith.index_cast %mul3A_387 : i32 to index
          %get3A_525 = tpu.vector_load %arg4[%get3A_522, %get3A_523, %get3A_524] {strides = array<i32>} : memref<2x16x1000xf32, #tpu.memory_space<vmem>>, vector<16xf32>,
          %broadcast_in_dim3A_526 = arith.constant 10 : i32
          %broadcast_in_dim3A_527 = vector.broadcast %broadcast_in_dim3A_526 : i32 to vector<16xi32>
          %scatter3A_528 = arith.constant 1 : i32
          %scatter3A_529 = arith.constant 0 : i32
          %scatter3A_530 = arith.constant 0 : i32
          %scatter3A_531 = tpu.memref_slice %arg5[%scatter3A_528, %scatter3A_529, %scatter3A_530] : memref<2x1000x16xf32, #tpu.memory_space<vmem>> -> memref<1x1000x16xf32, #tpu.memory_space<vmem>>
          %scatter3A_532 = tpu.memref_squeeze %scatter3A_531 : memref<1x1000x16xf32, #tpu.memory_space<vmem>> -> memref<1000x16xf32, #tpu.memory_space<vmem>>
          tpu.vector_store_idx %scatter3A_532[%add3A_389, %broadcast_in_dim3A_527], %get3A_525 : memref<1000x16xf32, #tpu.memory_space<vmem>>[vector<16xi32>, vector<16xi32>], vector<16xf32>,
          %get3A_533 = arith.constant 1 : i32
          %get3A_534 = arith.constant 11 : i32
          %get3A_535 = arith.index_cast %get3A_533 : i32 to index
          %get3A_536 = arith.index_cast %get3A_534 : i32 to index
          %get3A_537 = arith.index_cast %mul3A_387 : i32 to index
          %get3A_538 = tpu.vector_load %arg4[%get3A_535, %get3A_536, %get3A_537] {strides = array<i32>} : memref<2x16x1000xf32, #tpu.memory_space<vmem>>, vector<16xf32>,
          %broadcast_in_dim3A_539 = arith.constant 11 : i32
          %broadcast_in_dim3A_540 = vector.broadcast %broadcast_in_dim3A_539 : i32 to vector<16xi32>
          %scatter3A_541 = arith.constant 1 : i32
          %scatter3A_542 = arith.constant 0 : i32
          %scatter3A_543 = arith.constant 0 : i32
          %scatter3A_544 = tpu.memref_slice %arg5[%scatter3A_541, %scatter3A_542, %scatter3A_543] : memref<2x1000x16xf32, #tpu.memory_space<vmem>> -> memref<1x1000x16xf32, #tpu.memory_space<vmem>>
          %scatter3A_545 = tpu.memref_squeeze %scatter3A_544 : memref<1x1000x16xf32, #tpu.memory_space<vmem>> -> memref<1000x16xf32, #tpu.memory_space<vmem>>
          tpu.vector_store_idx %scatter3A_545[%add3A_389, %broadcast_in_dim3A_540], %get3A_538 : memref<1000x16xf32, #tpu.memory_space<vmem>>[vector<16xi32>, vector<16xi32>], vector<16xf32>,
          %get3A_546 = arith.constant 1 : i32
          %get3A_547 = arith.constant 12 : i32
          %get3A_548 = arith.index_cast %get3A_546 : i32 to index
          %get3A_549 = arith.index_cast %get3A_547 : i32 to index
          %get3A_550 = arith.index_cast %mul3A_387 : i32 to index
          %get3A_551 = tpu.vector_load %arg4[%get3A_548, %get3A_549, %get3A_550] {strides = array<i32>} : memref<2x16x1000xf32, #tpu.memory_space<vmem>>, vector<16xf32>,
          %broadcast_in_dim3A_552 = arith.constant 12 : i32
          %broadcast_in_dim3A_553 = vector.broadcast %broadcast_in_dim3A_552 : i32 to vector<16xi32>
          %scatter3A_554 = arith.constant 1 : i32
          %scatter3A_555 = arith.constant 0 : i32
          %scatter3A_556 = arith.constant 0 : i32
          %scatter3A_557 = tpu.memref_slice %arg5[%scatter3A_554, %scatter3A_555, %scatter3A_556] : memref<2x1000x16xf32, #tpu.memory_space<vmem>> -> memref<1x1000x16xf32, #tpu.memory_space<vmem>>
          %scatter3A_558 = tpu.memref_squeeze %scatter3A_557 : memref<1x1000x16xf32, #tpu.memory_space<vmem>> -> memref<1000x16xf32, #tpu.memory_space<vmem>>
          tpu.vector_store_idx %scatter3A_558[%add3A_389, %broadcast_in_dim3A_553], %get3A_551 : memref<1000x16xf32, #tpu.memory_space<vmem>>[vector<16xi32>, vector<16xi32>], vector<16xf32>,
          %get3A_559 = arith.constant 1 : i32
          %get3A_560 = arith.constant 13 : i32
          %get3A_561 = arith.index_cast %get3A_559 : i32 to index
          %get3A_562 = arith.index_cast %get3A_560 : i32 to index
          %get3A_563 = arith.index_cast %mul3A_387 : i32 to index
          %get3A_564 = tpu.vector_load %arg4[%get3A_561, %get3A_562, %get3A_563] {strides = array<i32>} : memref<2x16x1000xf32, #tpu.memory_space<vmem>>, vector<16xf32>,
          %broadcast_in_dim3A_565 = arith.constant 13 : i32
          %broadcast_in_dim3A_566 = vector.broadcast %broadcast_in_dim3A_565 : i32 to vector<16xi32>
          %scatter3A_567 = arith.constant 1 : i32
          %scatter3A_568 = arith.constant 0 : i32
          %scatter3A_569 = arith.constant 0 : i32
          %scatter3A_570 = tpu.memref_slice %arg5[%scatter3A_567, %scatter3A_568, %scatter3A_569] : memref<2x1000x16xf32, #tpu.memory_space<vmem>> -> memref<1x1000x16xf32, #tpu.memory_space<vmem>>
          %scatter3A_571 = tpu.memref_squeeze %scatter3A_570 : memref<1x1000x16xf32, #tpu.memory_space<vmem>> -> memref<1000x16xf32, #tpu.memory_space<vmem>>
          tpu.vector_store_idx %scatter3A_571[%add3A_389, %broadcast_in_dim3A_566], %get3A_564 : memref<1000x16xf32, #tpu.memory_space<vmem>>[vector<16xi32>, vector<16xi32>], vector<16xf32>,
          %get3A_572 = arith.constant 1 : i32
          %get3A_573 = arith.constant 14 : i32
          %get3A_574 = arith.index_cast %get3A_572 : i32 to index
          %get3A_575 = arith.index_cast %get3A_573 : i32 to index
          %get3A_576 = arith.index_cast %mul3A_387 : i32 to index
          %get3A_577 = tpu.vector_load %arg4[%get3A_574, %get3A_575, %get3A_576] {strides = array<i32>} : memref<2x16x1000xf32, #tpu.memory_space<vmem>>, vector<16xf32>,
          %broadcast_in_dim3A_578 = arith.constant 14 : i32
          %broadcast_in_dim3A_579 = vector.broadcast %broadcast_in_dim3A_578 : i32 to vector<16xi32>
          %scatter3A_580 = arith.constant 1 : i32
          %scatter3A_581 = arith.constant 0 : i32
          %scatter3A_582 = arith.constant 0 : i32
          %scatter3A_583 = tpu.memref_slice %arg5[%scatter3A_580, %scatter3A_581, %scatter3A_582] : memref<2x1000x16xf32, #tpu.memory_space<vmem>> -> memref<1x1000x16xf32, #tpu.memory_space<vmem>>
          %scatter3A_584 = tpu.memref_squeeze %scatter3A_583 : memref<1x1000x16xf32, #tpu.memory_space<vmem>> -> memref<1000x16xf32, #tpu.memory_space<vmem>>
          tpu.vector_store_idx %scatter3A_584[%add3A_389, %broadcast_in_dim3A_579], %get3A_577 : memref<1000x16xf32, #tpu.memory_space<vmem>>[vector<16xi32>, vector<16xi32>], vector<16xf32>,
          %get3A_585 = arith.constant 1 : i32
          %get3A_586 = arith.constant 15 : i32
          %get3A_587 = arith.index_cast %get3A_585 : i32 to index
          %get3A_588 = arith.index_cast %get3A_586 : i32 to index
          %get3A_589 = arith.index_cast %mul3A_387 : i32 to index
          %get3A_590 = tpu.vector_load %arg4[%get3A_587, %get3A_588, %get3A_589] {strides = array<i32>} : memref<2x16x1000xf32, #tpu.memory_space<vmem>>, vector<16xf32>,
          %broadcast_in_dim3A_591 = arith.constant 15 : i32
          %broadcast_in_dim3A_592 = vector.broadcast %broadcast_in_dim3A_591 : i32 to vector<16xi32>
          %scatter3A_593 = arith.constant 1 : i32
          %scatter3A_594 = arith.constant 0 : i32
          %scatter3A_595 = arith.constant 0 : i32
          %scatter3A_596 = tpu.memref_slice %arg5[%scatter3A_593, %scatter3A_594, %scatter3A_595] : memref<2x1000x16xf32, #tpu.memory_space<vmem>> -> memref<1x1000x16xf32, #tpu.memory_space<vmem>>
          %scatter3A_597 = tpu.memref_squeeze %scatter3A_596 : memref<1x1000x16xf32, #tpu.memory_space<vmem>> -> memref<1000x16xf32, #tpu.memory_space<vmem>>
          tpu.vector_store_idx %scatter3A_597[%add3A_389, %broadcast_in_dim3A_592], %get3A_590 : memref<1000x16xf32, #tpu.memory_space<vmem>>[vector<16xi32>, vector<16xi32>], vector<16xf32>,
        }
        %scan3A_106 = arith.constant 62 : i32
        %add3A_107 = arith.constant 984 : i32
        %add3A_108 = vector.broadcast %add3A_107 : i32 to vector<16xi32>
        %add3A_109 = arith.addi %iota3A, %add3A_108 : vector<16xi32>
        %get3A = arith.constant 1 : i32
        %get3A_110 = arith.constant 0 : i32
        %get3A_111 = arith.index_cast %get3A : i32 to index
        %get3A_112 = arith.index_cast %get3A_110 : i32 to index
        %get3A_113 = arith.constant 984 : index
        %get3A_114 = tpu.vector_load %arg4[%get3A_111, %get3A_112, %get3A_113] {strides = array<i32>} : memref<2x16x1000xf32, #tpu.memory_space<vmem>>, vector<16xf32>,
        %broadcast_in_dim3A = arith.constant 0 : i32
        %broadcast_in_dim3A_115 = vector.broadcast %broadcast_in_dim3A : i32 to vector<16xi32>
        %scatter3A = arith.constant 1 : i32
        %scatter3A_116 = arith.constant 0 : i32
        %scatter3A_117 = arith.constant 0 : i32
        %scatter3A_118 = tpu.memref_slice %arg5[%scatter3A, %scatter3A_116, %scatter3A_117] : memref<2x1000x16xf32, #tpu.memory_space<vmem>> -> memref<1x1000x16xf32, #tpu.memory_space<vmem>>
        %scatter3A_119 = tpu.memref_squeeze %scatter3A_118 : memref<1x1000x16xf32, #tpu.memory_space<vmem>> -> memref<1000x16xf32, #tpu.memory_space<vmem>>
        tpu.vector_store_idx %scatter3A_119[%add3A_109, %broadcast_in_dim3A_115], %get3A_114 : memref<1000x16xf32, #tpu.memory_space<vmem>>[vector<16xi32>, vector<16xi32>], vector<16xf32>,
        %get3A_120 = arith.constant 1 : i32
        %get3A_121 = arith.constant 1 : i32
        %get3A_122 = arith.index_cast %get3A_120 : i32 to index
        %get3A_123 = arith.index_cast %get3A_121 : i32 to index
        %get3A_124 = arith.constant 984 : index
        %get3A_125 = tpu.vector_load %arg4[%get3A_122, %get3A_123, %get3A_124] {strides = array<i32>} : memref<2x16x1000xf32, #tpu.memory_space<vmem>>, vector<16xf32>,
        %broadcast_in_dim3A_126 = arith.constant 1 : i32
        %broadcast_in_dim3A_127 = vector.broadcast %broadcast_in_dim3A_126 : i32 to vector<16xi32>
        %scatter3A_128 = arith.constant 1 : i32
        %scatter3A_129 = arith.constant 0 : i32
        %scatter3A_130 = arith.constant 0 : i32
        %scatter3A_131 = tpu.memref_slice %arg5[%scatter3A_128, %scatter3A_129, %scatter3A_130] : memref<2x1000x16xf32, #tpu.memory_space<vmem>> -> memref<1x1000x16xf32, #tpu.memory_space<vmem>>
        %scatter3A_132 = tpu.memref_squeeze %scatter3A_131 : memref<1x1000x16xf32, #tpu.memory_space<vmem>> -> memref<1000x16xf32, #tpu.memory_space<vmem>>
        tpu.vector_store_idx %scatter3A_132[%add3A_109, %broadcast_in_dim3A_127], %get3A_125 : memref<1000x16xf32, #tpu.memory_space<vmem>>[vector<16xi32>, vector<16xi32>], vector<16xf32>,
        %get3A_133 = arith.constant 1 : i32
        %get3A_134 = arith.constant 2 : i32
        %get3A_135 = arith.index_cast %get3A_133 : i32 to index
        %get3A_136 = arith.index_cast %get3A_134 : i32 to index
        %get3A_137 = arith.constant 984 : index
        %get3A_138 = tpu.vector_load %arg4[%get3A_135, %get3A_136, %get3A_137] {strides = array<i32>} : memref<2x16x1000xf32, #tpu.memory_space<vmem>>, vector<16xf32>,
        %broadcast_in_dim3A_139 = arith.constant 2 : i32
        %broadcast_in_dim3A_140 = vector.broadcast %broadcast_in_dim3A_139 : i32 to vector<16xi32>
        %scatter3A_141 = arith.constant 1 : i32
        %scatter3A_142 = arith.constant 0 : i32
        %scatter3A_143 = arith.constant 0 : i32
        %scatter3A_144 = tpu.memref_slice %arg5[%scatter3A_141, %scatter3A_142, %scatter3A_143] : memref<2x1000x16xf32, #tpu.memory_space<vmem>> -> memref<1x1000x16xf32, #tpu.memory_space<vmem>>
        %scatter3A_145 = tpu.memref_squeeze %scatter3A_144 : memref<1x1000x16xf32, #tpu.memory_space<vmem>> -> memref<1000x16xf32, #tpu.memory_space<vmem>>
        tpu.vector_store_idx %scatter3A_145[%add3A_109, %broadcast_in_dim3A_140], %get3A_138 : memref<1000x16xf32, #tpu.memory_space<vmem>>[vector<16xi32>, vector<16xi32>], vector<16xf32>,
        %get3A_146 = arith.constant 1 : i32
        %get3A_147 = arith.constant 3 : i32
        %get3A_148 = arith.index_cast %get3A_146 : i32 to index
        %get3A_149 = arith.index_cast %get3A_147 : i32 to index
        %get3A_150 = arith.constant 984 : index
        %get3A_151 = tpu.vector_load %arg4[%get3A_148, %get3A_149, %get3A_150] {strides = array<i32>} : memref<2x16x1000xf32, #tpu.memory_space<vmem>>, vector<16xf32>,
        %broadcast_in_dim3A_152 = arith.constant 3 : i32
        %broadcast_in_dim3A_153 = vector.broadcast %broadcast_in_dim3A_152 : i32 to vector<16xi32>
        %scatter3A_154 = arith.constant 1 : i32
        %scatter3A_155 = arith.constant 0 : i32
        %scatter3A_156 = arith.constant 0 : i32
        %scatter3A_157 = tpu.memref_slice %arg5[%scatter3A_154, %scatter3A_155, %scatter3A_156] : memref<2x1000x16xf32, #tpu.memory_space<vmem>> -> memref<1x1000x16xf32, #tpu.memory_space<vmem>>
        %scatter3A_158 = tpu.memref_squeeze %scatter3A_157 : memref<1x1000x16xf32, #tpu.memory_space<vmem>> -> memref<1000x16xf32, #tpu.memory_space<vmem>>
        tpu.vector_store_idx %scatter3A_158[%add3A_109, %broadcast_in_dim3A_153], %get3A_151 : memref<1000x16xf32, #tpu.memory_space<vmem>>[vector<16xi32>, vector<16xi32>], vector<16xf32>,
        %get3A_159 = arith.constant 1 : i32
        %get3A_160 = arith.constant 4 : i32
        %get3A_161 = arith.index_cast %get3A_159 : i32 to index
        %get3A_162 = arith.index_cast %get3A_160 : i32 to index
        %get3A_163 = arith.constant 984 : index
        %get3A_164 = tpu.vector_load %arg4[%get3A_161, %get3A_162, %get3A_163] {strides = array<i32>} : memref<2x16x1000xf32, #tpu.memory_space<vmem>>, vector<16xf32>,
        %broadcast_in_dim3A_165 = arith.constant 4 : i32
        %broadcast_in_dim3A_166 = vector.broadcast %broadcast_in_dim3A_165 : i32 to vector<16xi32>
        %scatter3A_167 = arith.constant 1 : i32
        %scatter3A_168 = arith.constant 0 : i32
        %scatter3A_169 = arith.constant 0 : i32
        %scatter3A_170 = tpu.memref_slice %arg5[%scatter3A_167, %scatter3A_168, %scatter3A_169] : memref<2x1000x16xf32, #tpu.memory_space<vmem>> -> memref<1x1000x16xf32, #tpu.memory_space<vmem>>
        %scatter3A_171 = tpu.memref_squeeze %scatter3A_170 : memref<1x1000x16xf32, #tpu.memory_space<vmem>> -> memref<1000x16xf32, #tpu.memory_space<vmem>>
        tpu.vector_store_idx %scatter3A_171[%add3A_109, %broadcast_in_dim3A_166], %get3A_164 : memref<1000x16xf32, #tpu.memory_space<vmem>>[vector<16xi32>, vector<16xi32>], vector<16xf32>,
        %get3A_172 = arith.constant 1 : i32
        %get3A_173 = arith.constant 5 : i32
        %get3A_174 = arith.index_cast %get3A_172 : i32 to index
        %get3A_175 = arith.index_cast %get3A_173 : i32 to index
        %get3A_176 = arith.constant 984 : index
        %get3A_177 = tpu.vector_load %arg4[%get3A_174, %get3A_175, %get3A_176] {strides = array<i32>} : memref<2x16x1000xf32, #tpu.memory_space<vmem>>, vector<16xf32>,
        %broadcast_in_dim3A_178 = arith.constant 5 : i32
        %broadcast_in_dim3A_179 = vector.broadcast %broadcast_in_dim3A_178 : i32 to vector<16xi32>
        %scatter3A_180 = arith.constant 1 : i32
        %scatter3A_181 = arith.constant 0 : i32
        %scatter3A_182 = arith.constant 0 : i32
        %scatter3A_183 = tpu.memref_slice %arg5[%scatter3A_180, %scatter3A_181, %scatter3A_182] : memref<2x1000x16xf32, #tpu.memory_space<vmem>> -> memref<1x1000x16xf32, #tpu.memory_space<vmem>>
        %scatter3A_184 = tpu.memref_squeeze %scatter3A_183 : memref<1x1000x16xf32, #tpu.memory_space<vmem>> -> memref<1000x16xf32, #tpu.memory_space<vmem>>
        tpu.vector_store_idx %scatter3A_184[%add3A_109, %broadcast_in_dim3A_179], %get3A_177 : memref<1000x16xf32, #tpu.memory_space<vmem>>[vector<16xi32>, vector<16xi32>], vector<16xf32>,
        %get3A_185 = arith.constant 1 : i32
        %get3A_186 = arith.constant 6 : i32
        %get3A_187 = arith.index_cast %get3A_185 : i32 to index
        %get3A_188 = arith.index_cast %get3A_186 : i32 to index
        %get3A_189 = arith.constant 984 : index
        %get3A_190 = tpu.vector_load %arg4[%get3A_187, %get3A_188, %get3A_189] {strides = array<i32>} : memref<2x16x1000xf32, #tpu.memory_space<vmem>>, vector<16xf32>,
        %broadcast_in_dim3A_191 = arith.constant 6 : i32
        %broadcast_in_dim3A_192 = vector.broadcast %broadcast_in_dim3A_191 : i32 to vector<16xi32>
        %scatter3A_193 = arith.constant 1 : i32
        %scatter3A_194 = arith.constant 0 : i32
        %scatter3A_195 = arith.constant 0 : i32
        %scatter3A_196 = tpu.memref_slice %arg5[%scatter3A_193, %scatter3A_194, %scatter3A_195] : memref<2x1000x16xf32, #tpu.memory_space<vmem>> -> memref<1x1000x16xf32, #tpu.memory_space<vmem>>
        %scatter3A_197 = tpu.memref_squeeze %scatter3A_196 : memref<1x1000x16xf32, #tpu.memory_space<vmem>> -> memref<1000x16xf32, #tpu.memory_space<vmem>>
        tpu.vector_store_idx %scatter3A_197[%add3A_109, %broadcast_in_dim3A_192], %get3A_190 : memref<1000x16xf32, #tpu.memory_space<vmem>>[vector<16xi32>, vector<16xi32>], vector<16xf32>,
        %get3A_198 = arith.constant 1 : i32
        %get3A_199 = arith.constant 7 : i32
        %get3A_200 = arith.index_cast %get3A_198 : i32 to index
        %get3A_201 = arith.index_cast %get3A_199 : i32 to index
        %get3A_202 = arith.constant 984 : index
        %get3A_203 = tpu.vector_load %arg4[%get3A_200, %get3A_201, %get3A_202] {strides = array<i32>} : memref<2x16x1000xf32, #tpu.memory_space<vmem>>, vector<16xf32>,
        %broadcast_in_dim3A_204 = arith.constant 7 : i32
        %broadcast_in_dim3A_205 = vector.broadcast %broadcast_in_dim3A_204 : i32 to vector<16xi32>
        %scatter3A_206 = arith.constant 1 : i32
        %scatter3A_207 = arith.constant 0 : i32
        %scatter3A_208 = arith.constant 0 : i32
        %scatter3A_209 = tpu.memref_slice %arg5[%scatter3A_206, %scatter3A_207, %scatter3A_208] : memref<2x1000x16xf32, #tpu.memory_space<vmem>> -> memref<1x1000x16xf32, #tpu.memory_space<vmem>>
        %scatter3A_210 = tpu.memref_squeeze %scatter3A_209 : memref<1x1000x16xf32, #tpu.memory_space<vmem>> -> memref<1000x16xf32, #tpu.memory_space<vmem>>
        tpu.vector_store_idx %scatter3A_210[%add3A_109, %broadcast_in_dim3A_205], %get3A_203 : memref<1000x16xf32, #tpu.memory_space<vmem>>[vector<16xi32>, vector<16xi32>], vector<16xf32>,
        %get3A_211 = arith.constant 1 : i32
        %get3A_212 = arith.constant 8 : i32
        %get3A_213 = arith.index_cast %get3A_211 : i32 to index
        %get3A_214 = arith.index_cast %get3A_212 : i32 to index
        %get3A_215 = arith.constant 984 : index
        %get3A_216 = tpu.vector_load %arg4[%get3A_213, %get3A_214, %get3A_215] {strides = array<i32>} : memref<2x16x1000xf32, #tpu.memory_space<vmem>>, vector<16xf32>,
        %broadcast_in_dim3A_217 = arith.constant 8 : i32
        %broadcast_in_dim3A_218 = vector.broadcast %broadcast_in_dim3A_217 : i32 to vector<16xi32>
        %scatter3A_219 = arith.constant 1 : i32
        %scatter3A_220 = arith.constant 0 : i32
        %scatter3A_221 = arith.constant 0 : i32
        %scatter3A_222 = tpu.memref_slice %arg5[%scatter3A_219, %scatter3A_220, %scatter3A_221] : memref<2x1000x16xf32, #tpu.memory_space<vmem>> -> memref<1x1000x16xf32, #tpu.memory_space<vmem>>
        %scatter3A_223 = tpu.memref_squeeze %scatter3A_222 : memref<1x1000x16xf32, #tpu.memory_space<vmem>> -> memref<1000x16xf32, #tpu.memory_space<vmem>>
        tpu.vector_store_idx %scatter3A_223[%add3A_109, %broadcast_in_dim3A_218], %get3A_216 : memref<1000x16xf32, #tpu.memory_space<vmem>>[vector<16xi32>, vector<16xi32>], vector<16xf32>,
        %get3A_224 = arith.constant 1 : i32
        %get3A_225 = arith.constant 9 : i32
        %get3A_226 = arith.index_cast %get3A_224 : i32 to index
        %get3A_227 = arith.index_cast %get3A_225 : i32 to index
        %get3A_228 = arith.constant 984 : index
        %get3A_229 = tpu.vector_load %arg4[%get3A_226, %get3A_227, %get3A_228] {strides = array<i32>} : memref<2x16x1000xf32, #tpu.memory_space<vmem>>, vector<16xf32>,
        %broadcast_in_dim3A_230 = arith.constant 9 : i32
        %broadcast_in_dim3A_231 = vector.broadcast %broadcast_in_dim3A_230 : i32 to vector<16xi32>
        %scatter3A_232 = arith.constant 1 : i32
        %scatter3A_233 = arith.constant 0 : i32
        %scatter3A_234 = arith.constant 0 : i32
        %scatter3A_235 = tpu.memref_slice %arg5[%scatter3A_232, %scatter3A_233, %scatter3A_234] : memref<2x1000x16xf32, #tpu.memory_space<vmem>> -> memref<1x1000x16xf32, #tpu.memory_space<vmem>>
        %scatter3A_236 = tpu.memref_squeeze %scatter3A_235 : memref<1x1000x16xf32, #tpu.memory_space<vmem>> -> memref<1000x16xf32, #tpu.memory_space<vmem>>
        tpu.vector_store_idx %scatter3A_236[%add3A_109, %broadcast_in_dim3A_231], %get3A_229 : memref<1000x16xf32, #tpu.memory_space<vmem>>[vector<16xi32>, vector<16xi32>], vector<16xf32>,
        %get3A_237 = arith.constant 1 : i32
        %get3A_238 = arith.constant 10 : i32
        %get3A_239 = arith.index_cast %get3A_237 : i32 to index
        %get3A_240 = arith.index_cast %get3A_238 : i32 to index
        %get3A_241 = arith.constant 984 : index
        %get3A_242 = tpu.vector_load %arg4[%get3A_239, %get3A_240, %get3A_241] {strides = array<i32>} : memref<2x16x1000xf32, #tpu.memory_space<vmem>>, vector<16xf32>,
        %broadcast_in_dim3A_243 = arith.constant 10 : i32
        %broadcast_in_dim3A_244 = vector.broadcast %broadcast_in_dim3A_243 : i32 to vector<16xi32>
        %scatter3A_245 = arith.constant 1 : i32
        %scatter3A_246 = arith.constant 0 : i32
        %scatter3A_247 = arith.constant 0 : i32
        %scatter3A_248 = tpu.memref_slice %arg5[%scatter3A_245, %scatter3A_246, %scatter3A_247] : memref<2x1000x16xf32, #tpu.memory_space<vmem>> -> memref<1x1000x16xf32, #tpu.memory_space<vmem>>
        %scatter3A_249 = tpu.memref_squeeze %scatter3A_248 : memref<1x1000x16xf32, #tpu.memory_space<vmem>> -> memref<1000x16xf32, #tpu.memory_space<vmem>>
        tpu.vector_store_idx %scatter3A_249[%add3A_109, %broadcast_in_dim3A_244], %get3A_242 : memref<1000x16xf32, #tpu.memory_space<vmem>>[vector<16xi32>, vector<16xi32>], vector<16xf32>,
        %get3A_250 = arith.constant 1 : i32
        %get3A_251 = arith.constant 11 : i32
        %get3A_252 = arith.index_cast %get3A_250 : i32 to index
        %get3A_253 = arith.index_cast %get3A_251 : i32 to index
        %get3A_254 = arith.constant 984 : index
        %get3A_255 = tpu.vector_load %arg4[%get3A_252, %get3A_253, %get3A_254] {strides = array<i32>} : memref<2x16x1000xf32, #tpu.memory_space<vmem>>, vector<16xf32>,
        %broadcast_in_dim3A_256 = arith.constant 11 : i32
        %broadcast_in_dim3A_257 = vector.broadcast %broadcast_in_dim3A_256 : i32 to vector<16xi32>
        %scatter3A_258 = arith.constant 1 : i32
        %scatter3A_259 = arith.constant 0 : i32
        %scatter3A_260 = arith.constant 0 : i32
        %scatter3A_261 = tpu.memref_slice %arg5[%scatter3A_258, %scatter3A_259, %scatter3A_260] : memref<2x1000x16xf32, #tpu.memory_space<vmem>> -> memref<1x1000x16xf32, #tpu.memory_space<vmem>>
        %scatter3A_262 = tpu.memref_squeeze %scatter3A_261 : memref<1x1000x16xf32, #tpu.memory_space<vmem>> -> memref<1000x16xf32, #tpu.memory_space<vmem>>
        tpu.vector_store_idx %scatter3A_262[%add3A_109, %broadcast_in_dim3A_257], %get3A_255 : memref<1000x16xf32, #tpu.memory_space<vmem>>[vector<16xi32>, vector<16xi32>], vector<16xf32>,
        %get3A_263 = arith.constant 1 : i32
        %get3A_264 = arith.constant 12 : i32
        %get3A_265 = arith.index_cast %get3A_263 : i32 to index
        %get3A_266 = arith.index_cast %get3A_264 : i32 to index
        %get3A_267 = arith.constant 984 : index
        %get3A_268 = tpu.vector_load %arg4[%get3A_265, %get3A_266, %get3A_267] {strides = array<i32>} : memref<2x16x1000xf32, #tpu.memory_space<vmem>>, vector<16xf32>,
        %broadcast_in_dim3A_269 = arith.constant 12 : i32
        %broadcast_in_dim3A_270 = vector.broadcast %broadcast_in_dim3A_269 : i32 to vector<16xi32>
        %scatter3A_271 = arith.constant 1 : i32
        %scatter3A_272 = arith.constant 0 : i32
        %scatter3A_273 = arith.constant 0 : i32
        %scatter3A_274 = tpu.memref_slice %arg5[%scatter3A_271, %scatter3A_272, %scatter3A_273] : memref<2x1000x16xf32, #tpu.memory_space<vmem>> -> memref<1x1000x16xf32, #tpu.memory_space<vmem>>
        %scatter3A_275 = tpu.memref_squeeze %scatter3A_274 : memref<1x1000x16xf32, #tpu.memory_space<vmem>> -> memref<1000x16xf32, #tpu.memory_space<vmem>>
        tpu.vector_store_idx %scatter3A_275[%add3A_109, %broadcast_in_dim3A_270], %get3A_268 : memref<1000x16xf32, #tpu.memory_space<vmem>>[vector<16xi32>, vector<16xi32>], vector<16xf32>,
        %get3A_276 = arith.constant 1 : i32
        %get3A_277 = arith.constant 13 : i32
        %get3A_278 = arith.index_cast %get3A_276 : i32 to index
        %get3A_279 = arith.index_cast %get3A_277 : i32 to index
        %get3A_280 = arith.constant 984 : index
        %get3A_281 = tpu.vector_load %arg4[%get3A_278, %get3A_279, %get3A_280] {strides = array<i32>} : memref<2x16x1000xf32, #tpu.memory_space<vmem>>, vector<16xf32>,
        %broadcast_in_dim3A_282 = arith.constant 13 : i32
        %broadcast_in_dim3A_283 = vector.broadcast %broadcast_in_dim3A_282 : i32 to vector<16xi32>
        %scatter3A_284 = arith.constant 1 : i32
        %scatter3A_285 = arith.constant 0 : i32
        %scatter3A_286 = arith.constant 0 : i32
        %scatter3A_287 = tpu.memref_slice %arg5[%scatter3A_284, %scatter3A_285, %scatter3A_286] : memref<2x1000x16xf32, #tpu.memory_space<vmem>> -> memref<1x1000x16xf32, #tpu.memory_space<vmem>>
        %scatter3A_288 = tpu.memref_squeeze %scatter3A_287 : memref<1x1000x16xf32, #tpu.memory_space<vmem>> -> memref<1000x16xf32, #tpu.memory_space<vmem>>
        tpu.vector_store_idx %scatter3A_288[%add3A_109, %broadcast_in_dim3A_283], %get3A_281 : memref<1000x16xf32, #tpu.memory_space<vmem>>[vector<16xi32>, vector<16xi32>], vector<16xf32>,
        %get3A_289 = arith.constant 1 : i32
        %get3A_290 = arith.constant 14 : i32
        %get3A_291 = arith.index_cast %get3A_289 : i32 to index
        %get3A_292 = arith.index_cast %get3A_290 : i32 to index
        %get3A_293 = arith.constant 984 : index
        %get3A_294 = tpu.vector_load %arg4[%get3A_291, %get3A_292, %get3A_293] {strides = array<i32>} : memref<2x16x1000xf32, #tpu.memory_space<vmem>>, vector<16xf32>,
        %broadcast_in_dim3A_295 = arith.constant 14 : i32
        %broadcast_in_dim3A_296 = vector.broadcast %broadcast_in_dim3A_295 : i32 to vector<16xi32>
        %scatter3A_297 = arith.constant 1 : i32
        %scatter3A_298 = arith.constant 0 : i32
        %scatter3A_299 = arith.constant 0 : i32
        %scatter3A_300 = tpu.memref_slice %arg5[%scatter3A_297, %scatter3A_298, %scatter3A_299] : memref<2x1000x16xf32, #tpu.memory_space<vmem>> -> memref<1x1000x16xf32, #tpu.memory_space<vmem>>
        %scatter3A_301 = tpu.memref_squeeze %scatter3A_300 : memref<1x1000x16xf32, #tpu.memory_space<vmem>> -> memref<1000x16xf32, #tpu.memory_space<vmem>>
        tpu.vector_store_idx %scatter3A_301[%add3A_109, %broadcast_in_dim3A_296], %get3A_294 : memref<1000x16xf32, #tpu.memory_space<vmem>>[vector<16xi32>, vector<16xi32>], vector<16xf32>,
        %get3A_302 = arith.constant 1 : i32
        %get3A_303 = arith.constant 15 : i32
        %get3A_304 = arith.index_cast %get3A_302 : i32 to index
        %get3A_305 = arith.index_cast %get3A_303 : i32 to index
        %get3A_306 = arith.constant 984 : index
        %get3A_307 = tpu.vector_load %arg4[%get3A_304, %get3A_305, %get3A_306] {strides = array<i32>} : memref<2x16x1000xf32, #tpu.memory_space<vmem>>, vector<16xf32>,
        %broadcast_in_dim3A_308 = arith.constant 15 : i32
        %broadcast_in_dim3A_309 = vector.broadcast %broadcast_in_dim3A_308 : i32 to vector<16xi32>
        %scatter3A_310 = arith.constant 1 : i32
        %scatter3A_311 = arith.constant 0 : i32
        %scatter3A_312 = arith.constant 0 : i32
        %scatter3A_313 = tpu.memref_slice %arg5[%scatter3A_310, %scatter3A_311, %scatter3A_312] : memref<2x1000x16xf32, #tpu.memory_space<vmem>> -> memref<1x1000x16xf32, #tpu.memory_space<vmem>>
        %scatter3A_314 = tpu.memref_squeeze %scatter3A_313 : memref<1x1000x16xf32, #tpu.memory_space<vmem>> -> memref<1000x16xf32, #tpu.memory_space<vmem>>
        tpu.vector_store_idx %scatter3A_314[%add3A_109, %broadcast_in_dim3A_309], %get3A_307 : memref<1000x16xf32, #tpu.memory_space<vmem>>[vector<16xi32>, vector<16xi32>], vector<16xf32>,
        %jit3A_315 = arith.constant 26 : i32
        %div3A_316 = arith.divsi %add3A_24, %jit3A_315 : i32
        %sign3A_317 = arith.constant 0 : i32
        %sign3A_318 = arith.cmpi sgt, %add3A_24, %sign3A_317 : i32
        %sign3A_319 = arith.extui %sign3A_318 : i1 to i32
        %sign3A_320 = arith.constant 0 : i32
        %sign3A_321 = arith.cmpi slt, %add3A_24, %sign3A_320 : i32
        %sign3A_322 = arith.extui %sign3A_321 : i1 to i32
        %sign3A_323 = arith.subi %sign3A_319, %sign3A_322 : i32
        %sign3A_324 = arith.constant 0 : i32
        %sign3A_325 = arith.cmpi sgt, %jit3A_315, %sign3A_324 : i32
        %sign3A_326 = arith.extui %sign3A_325 : i1 to i32
        %sign3A_327 = arith.constant 0 : i32
        %sign3A_328 = arith.cmpi slt, %jit3A_315, %sign3A_327 : i32
        %sign3A_329 = arith.extui %sign3A_328 : i1 to i32
        %sign3A_330 = arith.subi %sign3A_326, %sign3A_329 : i32
        %ne3A_331 = arith.cmpi ne, %sign3A_323, %sign3A_330 : i32
        %rem3A_332 = arith.remsi %add3A_24, %jit3A_315 : i32
        %ne3A_333 = arith.constant 0 : i32
        %ne3A_334 = arith.cmpi ne, %rem3A_332, %ne3A_333 : i32
        %and3A_335 = arith.andi %ne3A_331, %ne3A_334 : i1
        %sub3A_336 = arith.constant 1 : i32
        %sub3A_337 = arith.subi %div3A_316, %sub3A_336 : i32
        %select_n3A_338 = arith.select %and3A_335, %sub3A_337, %div3A_316 : i32
        %jit3A_339 = arith.constant 26 : i32
        %eq3A_340 = arith.constant 0 : i32
        %eq3A_341 = arith.cmpi eq, %jit3A_339, %eq3A_340 : i32
        %jit3A_342 = arith.constant 1 : i32
        %select_n3A_343 = arith.select %eq3A_341, %jit3A_342, %jit3A_339 : i32
        %rem3A_344 = arith.remsi %add3A_24, %select_n3A_343 : i32
        %ne3A_345 = arith.constant 0 : i32
        %ne3A_346 = arith.cmpi ne, %rem3A_344, %ne3A_345 : i32
        %lt3A_347 = arith.constant 0 : i32
        %lt3A_348 = arith.cmpi slt, %rem3A_344, %lt3A_347 : i32
        %lt3A_349 = arith.constant 0 : i32
        %lt3A_350 = arith.cmpi slt, %select_n3A_343, %lt3A_349 : i32
        %ne3A_351 = arith.xori %lt3A_348, %lt3A_350 : i1
        %and3A_352 = arith.andi %ne3A_351, %ne3A_346 : i1
        %add3A_353 = arith.addi %rem3A_344, %select_n3A_343 : i32
        %select_n3A_354 = arith.select %and3A_352, %add3A_353, %rem3A_344 : i32
        %mul3A_355 = arith.constant 1000 : i32
        %mul3A_356 = arith.muli %select_n3A_354, %mul3A_355 : i32
        %mul3A_357 = arith.constant 26000 : i32
        %mul3A_358 = arith.muli %select_n3A_338, %mul3A_357 : i32
        %add3A_359 = arith.addi %mul3A_358, %mul3A_356 : i32
        %dma_start3A = arith.constant 1 : i32
        %dma_start3A_360 = arith.constant 0 : i32
        %dma_start3A_361 = arith.constant 0 : i32
        %dma_start3A_362 = tpu.memref_slice %arg5[%dma_start3A, %dma_start3A_360, %dma_start3A_361] : memref<2x1000x16xf32, #tpu.memory_space<vmem>> -> memref<1x1000x16xf32, #tpu.memory_space<vmem>>
        %dma_start3A_363 = tpu.memref_squeeze %dma_start3A_362 : memref<1x1000x16xf32, #tpu.memory_space<vmem>> -> memref<1000x16xf32, #tpu.memory_space<vmem>>
        %dma_start3A_364 = arith.constant 0 : i32
        %dma_start3A_365 = tpu.memref_slice %arg3[%add3A_359, %dma_start3A_364] : memref<676000x16xf32, #tpu.memory_space<hbm>> -> memref<1000x16xf32, #tpu.memory_space<hbm>>
        %dma_start3A_366 = arith.constant 0 : i32
        %dma_start3A_367 = tpu.memref_slice %arg3[%add3A_359, %dma_start3A_366] : memref<676000x16xf32, #tpu.memory_space<hbm>> -> memref<1000x16xf32, #tpu.memory_space<hbm>>
        %dma_start3A_368 = arith.constant 0 : i32
        %dma_start3A_369 = arith.constant 0 : i32
        %dma_start3A_370 = tpu.memref_slice %arg5[%dma_start3A, %dma_start3A_368, %dma_start3A_369] : memref<2x1000x16xf32, #tpu.memory_space<vmem>> -> memref<1x1000x16xf32, #tpu.memory_space<vmem>>
        %dma_start3A_371 = tpu.memref_squeeze %dma_start3A_370 : memref<1x1000x16xf32, #tpu.memory_space<vmem>> -> memref<1000x16xf32, #tpu.memory_space<vmem>>
        tpu.enqueue_dma source(%dma_start3A_371 : memref<1000x16xf32, #tpu.memory_space<vmem>>) target(%dma_start3A_367 : memref<1000x16xf32, #tpu.memory_space<hbm>>) target_semaphore(%arg9 : memref<!tpu.dma_semaphore, #tpu.memory_space<semaphore_mem>>)
        %dma_wait3A_372 = arith.constant 1 : i32
        %dma_wait3A_373 = arith.constant 0 : i32
        %dma_wait3A_374 = arith.constant 0 : i32
        %dma_wait3A_375 = tpu.memref_slice %arg5[%dma_wait3A_372, %dma_wait3A_373, %dma_wait3A_374] : memref<2x1000x16xf32, #tpu.memory_space<vmem>> -> memref<1x1000x16xf32, #tpu.memory_space<vmem>>
        %dma_wait3A_376 = tpu.memref_squeeze %dma_wait3A_375 : memref<1x1000x16xf32, #tpu.memory_space<vmem>> -> memref<1000x16xf32, #tpu.memory_space<vmem>>
        %dma_wait3A_377 = arith.constant 0 : i32
        %dma_wait3A_378 = tpu.memref_slice %arg3[%add3A_359, %dma_wait3A_377] : memref<676000x16xf32, #tpu.memory_space<hbm>> -> memref<1000x16xf32, #tpu.memory_space<hbm>>
        %dma_wait3A_379 = arith.constant 0 : i32
        %dma_wait3A_380 = tpu.memref_slice %arg3[%add3A_359, %dma_wait3A_379] : memref<676000x16xf32, #tpu.memory_space<hbm>> -> memref<1000x16xf32, #tpu.memory_space<hbm>>
        %dma_wait3A_381 = arith.constant 0 : i32
        %dma_wait3A_382 = arith.constant 0 : i32
        %dma_wait3A_383 = tpu.memref_slice %arg5[%dma_wait3A_372, %dma_wait3A_381, %dma_wait3A_382] : memref<2x1000x16xf32, #tpu.memory_space<vmem>> -> memref<1x1000x16xf32, #tpu.memory_space<vmem>>
        %dma_wait3A_384 = tpu.memref_squeeze %dma_wait3A_383 : memref<1x1000x16xf32, #tpu.memory_space<vmem>> -> memref<1000x16xf32, #tpu.memory_space<vmem>>
        tpu.wait_dma2 semaphore(%arg9 : memref<!tpu.dma_semaphore, #tpu.memory_space<semaphore_mem>>) src(%dma_wait3A_384 : memref<1000x16xf32, #tpu.memory_space<vmem>>) dst(%dma_wait3A_380 : memref<1000x16xf32, #tpu.memory_space<hbm>>)
      } else {
      }
    }
    %scan3A_9 = arith.constant 11 : i32
    return
  }
}

#map = affine_map<(d0, d1) -> (0)>
#map1 = affine_map<(d0, d1) -> (0, 0)>
module attributes {stable_mosaic.version = 14 : i64} {
  func.func @_ffm_sc(%arg0: i32, %arg1: i32, %arg2: memref<106496xi32, #tpu.memory_space<hbm>>, %arg3: memref<676000x16xf32, #tpu.memory_space<hbm>>, %arg4: memref<26000xf32, #tpu.memory_space<hbm>>, %arg5: memref<704xi32, #tpu.memory_space<hbm>>, %arg6: memref<704xi32, #tpu.memory_space<hbm>>, %arg7: memref<16xf32, #tpu.memory_space<hbm>>, %arg8: memref<4096xf32, #tpu.memory_space<hbm>>, %arg9: memref<3328xi32, #tpu.memory_space<vmem>>, %arg10: memref<26000xf32, #tpu.memory_space<vmem>>, %arg11: memref<704xi32, #tpu.memory_space<vmem>>, %arg12: memref<704xi32, #tpu.memory_space<vmem>>, %arg13: memref<16xf32, #tpu.memory_space<vmem>>, %arg14: memref<672xi32, #tpu.memory_space<vmem>>, %arg15: memref<672xi32, #tpu.memory_space<vmem>>, %arg16: memref<2x672x16xf32, #tpu.memory_space<vmem>>, %arg17: memref<128xf32, #tpu.memory_space<vmem>>, %arg18: memref<!tpu.dma_semaphore, #tpu.memory_space<semaphore_mem>>, %arg19: memref<!tpu.dma_semaphore, #tpu.memory_space<semaphore_mem>>) attributes {dimension_semantics = [#tpu.dimension_semantics<core_parallel>, #tpu.dimension_semantics<subcore_parallel>], iteration_bounds = array<i64: 2, 16>, scalar_prefetch = 0 : i64, scratch_operands = 11 : i64, tpu.core_type = #tpu.core_type<sc_vector_subcore>, window_params = [{transform_indices = #map}, {transform_indices = #map1}, {transform_indices = #map}, {transform_indices = #map}, {transform_indices = #map}, {transform_indices = #map}, {transform_indices = #map}]} {
    %mul3A = arith.constant 2 : i32
    %mul3A_0 = arith.muli %arg1, %mul3A : i32
    %add3A = arith.addi %mul3A_0, %arg0 : i32
    %mul3A_1 = arith.constant 128 : i32
    %mul3A_2 = arith.muli %add3A, %mul3A_1 : i32
    %mul3A_3 = arith.constant 26 : i32
    %mul3A_4 = arith.muli %mul3A_2, %mul3A_3 : i32
    "tpu.region"() ({
      %run_scoped3A = tpu.sem_alloc : memref<!tpu.dma_semaphore, #tpu.memory_space<semaphore_mem>>
      %dma_start3A_528 = tpu.memref_slice %arg2[%mul3A_4] : memref<106496xi32, #tpu.memory_space<hbm>> -> memref<3328xi32, #tpu.memory_space<hbm>>
      %dma_start3A_529 = tpu.memref_slice %arg2[%mul3A_4] : memref<106496xi32, #tpu.memory_space<hbm>> -> memref<3328xi32, #tpu.memory_space<hbm>>
      tpu.enqueue_dma source(%dma_start3A_529 : memref<3328xi32, #tpu.memory_space<hbm>>) target(%arg9 : memref<3328xi32, #tpu.memory_space<vmem>>) target_semaphore(%run_scoped3A : memref<!tpu.dma_semaphore, #tpu.memory_space<semaphore_mem>>)
      %dma_wait3A = tpu.memref_slice %arg2[%mul3A_4] : memref<106496xi32, #tpu.memory_space<hbm>> -> memref<3328xi32, #tpu.memory_space<hbm>>
      %dma_wait3A_530 = tpu.memref_slice %arg2[%mul3A_4] : memref<106496xi32, #tpu.memory_space<hbm>> -> memref<3328xi32, #tpu.memory_space<hbm>>
      tpu.wait_dma2 semaphore(%run_scoped3A : memref<!tpu.dma_semaphore, #tpu.memory_space<semaphore_mem>>) src(%dma_wait3A_530 : memref<3328xi32, #tpu.memory_space<hbm>>) dst(%arg9 : memref<3328xi32, #tpu.memory_space<vmem>>)
      tpu.yield
    }) : () -> ()
    "tpu.region"() ({
      %run_scoped3A = tpu.sem_alloc : memref<!tpu.dma_semaphore, #tpu.memory_space<semaphore_mem>>
      tpu.enqueue_dma source(%arg4 : memref<26000xf32, #tpu.memory_space<hbm>>) target(%arg10 : memref<26000xf32, #tpu.memory_space<vmem>>) target_semaphore(%run_scoped3A : memref<!tpu.dma_semaphore, #tpu.memory_space<semaphore_mem>>)
      tpu.wait_dma2 semaphore(%run_scoped3A : memref<!tpu.dma_semaphore, #tpu.memory_space<semaphore_mem>>) src(%arg4 : memref<26000xf32, #tpu.memory_space<hbm>>) dst(%arg10 : memref<26000xf32, #tpu.memory_space<vmem>>)
      tpu.yield
    }) : () -> ()
    "tpu.region"() ({
      %run_scoped3A = tpu.sem_alloc : memref<!tpu.dma_semaphore, #tpu.memory_space<semaphore_mem>>
      tpu.enqueue_dma source(%arg5 : memref<704xi32, #tpu.memory_space<hbm>>) target(%arg11 : memref<704xi32, #tpu.memory_space<vmem>>) target_semaphore(%run_scoped3A : memref<!tpu.dma_semaphore, #tpu.memory_space<semaphore_mem>>)
      tpu.wait_dma2 semaphore(%run_scoped3A : memref<!tpu.dma_semaphore, #tpu.memory_space<semaphore_mem>>) src(%arg5 : memref<704xi32, #tpu.memory_space<hbm>>) dst(%arg11 : memref<704xi32, #tpu.memory_space<vmem>>)
      tpu.yield
    }) : () -> ()
    "tpu.region"() ({
      %run_scoped3A = tpu.sem_alloc : memref<!tpu.dma_semaphore, #tpu.memory_space<semaphore_mem>>
      tpu.enqueue_dma source(%arg6 : memref<704xi32, #tpu.memory_space<hbm>>) target(%arg12 : memref<704xi32, #tpu.memory_space<vmem>>) target_semaphore(%run_scoped3A : memref<!tpu.dma_semaphore, #tpu.memory_space<semaphore_mem>>)
      tpu.wait_dma2 semaphore(%run_scoped3A : memref<!tpu.dma_semaphore, #tpu.memory_space<semaphore_mem>>) src(%arg6 : memref<704xi32, #tpu.memory_space<hbm>>) dst(%arg12 : memref<704xi32, #tpu.memory_space<vmem>>)
      tpu.yield
    }) : () -> ()
    "tpu.region"() ({
      %run_scoped3A = tpu.sem_alloc : memref<!tpu.dma_semaphore, #tpu.memory_space<semaphore_mem>>
      tpu.enqueue_dma source(%arg7 : memref<16xf32, #tpu.memory_space<hbm>>) target(%arg13 : memref<16xf32, #tpu.memory_space<vmem>>) target_semaphore(%run_scoped3A : memref<!tpu.dma_semaphore, #tpu.memory_space<semaphore_mem>>)
      tpu.wait_dma2 semaphore(%run_scoped3A : memref<!tpu.dma_semaphore, #tpu.memory_space<semaphore_mem>>) src(%arg7 : memref<16xf32, #tpu.memory_space<hbm>>) dst(%arg13 : memref<16xf32, #tpu.memory_space<vmem>>)
      tpu.yield
    }) : () -> ()
    %get3A = arith.constant 0 : index
    %get3A_5 = tpu.vector_load %arg11[%get3A] {strides = array<i32>} : memref<704xi32, #tpu.memory_space<vmem>>, vector<16xi32>,
    %get3A_6 = arith.constant 0 : index
    %get3A_7 = tpu.vector_load %arg12[%get3A_6] {strides = array<i32>} : memref<704xi32, #tpu.memory_space<vmem>>, vector<16xi32>,
    %add3A_8 = arith.constant 0 : i32
    %add3A_9 = vector.broadcast %add3A_8 : i32 to vector<16xi32>
    %add3A_10 = arith.addi %get3A_5, %add3A_9 : vector<16xi32>
    %gather3A = tpu.vector_load_idx %arg9[%add3A_10] : memref<3328xi32, #tpu.memory_space<vmem>>[vector<16xi32>], vector<16xi32>,
    %add3A_11 = arith.addi %gather3A, %get3A_7 : vector<16xi32>
    %swap3A = arith.constant 0 : index
    %swap3A_12 = tpu.vector_load %arg14[%swap3A] {strides = array<i32>} : memref<672xi32, #tpu.memory_space<vmem>>, vector<16xi32>,
    tpu.vector_store %arg14[%swap3A], %add3A_11 {strides = array<i32>} : memref<672xi32, #tpu.memory_space<vmem>>, vector<16xi32>,
    %get3A_13 = arith.constant 16 : index
    %get3A_14 = tpu.vector_load %arg11[%get3A_13] {strides = array<i32>} : memref<704xi32, #tpu.memory_space<vmem>>, vector<16xi32>,
    %get3A_15 = arith.constant 16 : index
    %get3A_16 = tpu.vector_load %arg12[%get3A_15] {strides = array<i32>} : memref<704xi32, #tpu.memory_space<vmem>>, vector<16xi32>,
    %add3A_17 = arith.constant 0 : i32
    %add3A_18 = vector.broadcast %add3A_17 : i32 to vector<16xi32>
    %add3A_19 = arith.addi %get3A_14, %add3A_18 : vector<16xi32>
    %gather3A_20 = tpu.vector_load_idx %arg9[%add3A_19] : memref<3328xi32, #tpu.memory_space<vmem>>[vector<16xi32>], vector<16xi32>,
    %add3A_21 = arith.addi %gather3A_20, %get3A_16 : vector<16xi32>
    %swap3A_22 = arith.constant 16 : index
    %swap3A_23 = tpu.vector_load %arg14[%swap3A_22] {strides = array<i32>} : memref<672xi32, #tpu.memory_space<vmem>>, vector<16xi32>,
    tpu.vector_store %arg14[%swap3A_22], %add3A_21 {strides = array<i32>} : memref<672xi32, #tpu.memory_space<vmem>>, vector<16xi32>,
    %get3A_24 = arith.constant 32 : index
    %get3A_25 = tpu.vector_load %arg11[%get3A_24] {strides = array<i32>} : memref<704xi32, #tpu.memory_space<vmem>>, vector<16xi32>,
    %get3A_26 = arith.constant 32 : index
    %get3A_27 = tpu.vector_load %arg12[%get3A_26] {strides = array<i32>} : memref<704xi32, #tpu.memory_space<vmem>>, vector<16xi32>,
    %add3A_28 = arith.constant 0 : i32
    %add3A_29 = vector.broadcast %add3A_28 : i32 to vector<16xi32>
    %add3A_30 = arith.addi %get3A_25, %add3A_29 : vector<16xi32>
    %gather3A_31 = tpu.vector_load_idx %arg9[%add3A_30] : memref<3328xi32, #tpu.memory_space<vmem>>[vector<16xi32>], vector<16xi32>,
    %add3A_32 = arith.addi %gather3A_31, %get3A_27 : vector<16xi32>
    %swap3A_33 = arith.constant 32 : index
    %swap3A_34 = tpu.vector_load %arg14[%swap3A_33] {strides = array<i32>} : memref<672xi32, #tpu.memory_space<vmem>>, vector<16xi32>,
    tpu.vector_store %arg14[%swap3A_33], %add3A_32 {strides = array<i32>} : memref<672xi32, #tpu.memory_space<vmem>>, vector<16xi32>,
    %get3A_35 = arith.constant 48 : index
    %get3A_36 = tpu.vector_load %arg11[%get3A_35] {strides = array<i32>} : memref<704xi32, #tpu.memory_space<vmem>>, vector<16xi32>,
    %get3A_37 = arith.constant 48 : index
    %get3A_38 = tpu.vector_load %arg12[%get3A_37] {strides = array<i32>} : memref<704xi32, #tpu.memory_space<vmem>>, vector<16xi32>,
    %add3A_39 = arith.constant 0 : i32
    %add3A_40 = vector.broadcast %add3A_39 : i32 to vector<16xi32>
    %add3A_41 = arith.addi %get3A_36, %add3A_40 : vector<16xi32>
    %gather3A_42 = tpu.vector_load_idx %arg9[%add3A_41] : memref<3328xi32, #tpu.memory_space<vmem>>[vector<16xi32>], vector<16xi32>,
    %add3A_43 = arith.addi %gather3A_42, %get3A_38 : vector<16xi32>
    %swap3A_44 = arith.constant 48 : index
    %swap3A_45 = tpu.vector_load %arg14[%swap3A_44] {strides = array<i32>} : memref<672xi32, #tpu.memory_space<vmem>>, vector<16xi32>,
    tpu.vector_store %arg14[%swap3A_44], %add3A_43 {strides = array<i32>} : memref<672xi32, #tpu.memory_space<vmem>>, vector<16xi32>,
    %get3A_46 = arith.constant 64 : index
    %get3A_47 = tpu.vector_load %arg11[%get3A_46] {strides = array<i32>} : memref<704xi32, #tpu.memory_space<vmem>>, vector<16xi32>,
    %get3A_48 = arith.constant 64 : index
    %get3A_49 = tpu.vector_load %arg12[%get3A_48] {strides = array<i32>} : memref<704xi32, #tpu.memory_space<vmem>>, vector<16xi32>,
    %add3A_50 = arith.constant 0 : i32
    %add3A_51 = vector.broadcast %add3A_50 : i32 to vector<16xi32>
    %add3A_52 = arith.addi %get3A_47, %add3A_51 : vector<16xi32>
    %gather3A_53 = tpu.vector_load_idx %arg9[%add3A_52] : memref<3328xi32, #tpu.memory_space<vmem>>[vector<16xi32>], vector<16xi32>,
    %add3A_54 = arith.addi %gather3A_53, %get3A_49 : vector<16xi32>
    %swap3A_55 = arith.constant 64 : index
    %swap3A_56 = tpu.vector_load %arg14[%swap3A_55] {strides = array<i32>} : memref<672xi32, #tpu.memory_space<vmem>>, vector<16xi32>,
    tpu.vector_store %arg14[%swap3A_55], %add3A_54 {strides = array<i32>} : memref<672xi32, #tpu.memory_space<vmem>>, vector<16xi32>,
    %get3A_57 = arith.constant 80 : index
    %get3A_58 = tpu.vector_load %arg11[%get3A_57] {strides = array<i32>} : memref<704xi32, #tpu.memory_space<vmem>>, vector<16xi32>,
    %get3A_59 = arith.constant 80 : index
    %get3A_60 = tpu.vector_load %arg12[%get3A_59] {strides = array<i32>} : memref<704xi32, #tpu.memory_space<vmem>>, vector<16xi32>,
    %add3A_61 = arith.constant 0 : i32
    %add3A_62 = vector.broadcast %add3A_61 : i32 to vector<16xi32>
    %add3A_63 = arith.addi %get3A_58, %add3A_62 : vector<16xi32>
    %gather3A_64 = tpu.vector_load_idx %arg9[%add3A_63] : memref<3328xi32, #tpu.memory_space<vmem>>[vector<16xi32>], vector<16xi32>,
    %add3A_65 = arith.addi %gather3A_64, %get3A_60 : vector<16xi32>
    %swap3A_66 = arith.constant 80 : index
    %swap3A_67 = tpu.vector_load %arg14[%swap3A_66] {strides = array<i32>} : memref<672xi32, #tpu.memory_space<vmem>>, vector<16xi32>,
    tpu.vector_store %arg14[%swap3A_66], %add3A_65 {strides = array<i32>} : memref<672xi32, #tpu.memory_space<vmem>>, vector<16xi32>,
    %get3A_68 = arith.constant 96 : index
    %get3A_69 = tpu.vector_load %arg11[%get3A_68] {strides = array<i32>} : memref<704xi32, #tpu.memory_space<vmem>>, vector<16xi32>,
    %get3A_70 = arith.constant 96 : index
    %get3A_71 = tpu.vector_load %arg12[%get3A_70] {strides = array<i32>} : memref<704xi32, #tpu.memory_space<vmem>>, vector<16xi32>,
    %add3A_72 = arith.constant 0 : i32
    %add3A_73 = vector.broadcast %add3A_72 : i32 to vector<16xi32>
    %add3A_74 = arith.addi %get3A_69, %add3A_73 : vector<16xi32>
    %gather3A_75 = tpu.vector_load_idx %arg9[%add3A_74] : memref<3328xi32, #tpu.memory_space<vmem>>[vector<16xi32>], vector<16xi32>,
    %add3A_76 = arith.addi %gather3A_75, %get3A_71 : vector<16xi32>
    %swap3A_77 = arith.constant 96 : index
    %swap3A_78 = tpu.vector_load %arg14[%swap3A_77] {strides = array<i32>} : memref<672xi32, #tpu.memory_space<vmem>>, vector<16xi32>,
    tpu.vector_store %arg14[%swap3A_77], %add3A_76 {strides = array<i32>} : memref<672xi32, #tpu.memory_space<vmem>>, vector<16xi32>,
    %get3A_79 = arith.constant 112 : index
    %get3A_80 = tpu.vector_load %arg11[%get3A_79] {strides = array<i32>} : memref<704xi32, #tpu.memory_space<vmem>>, vector<16xi32>,
    %get3A_81 = arith.constant 112 : index
    %get3A_82 = tpu.vector_load %arg12[%get3A_81] {strides = array<i32>} : memref<704xi32, #tpu.memory_space<vmem>>, vector<16xi32>,
    %add3A_83 = arith.constant 0 : i32
    %add3A_84 = vector.broadcast %add3A_83 : i32 to vector<16xi32>
    %add3A_85 = arith.addi %get3A_80, %add3A_84 : vector<16xi32>
    %gather3A_86 = tpu.vector_load_idx %arg9[%add3A_85] : memref<3328xi32, #tpu.memory_space<vmem>>[vector<16xi32>], vector<16xi32>,
    %add3A_87 = arith.addi %gather3A_86, %get3A_82 : vector<16xi32>
    %swap3A_88 = arith.constant 112 : index
    %swap3A_89 = tpu.vector_load %arg14[%swap3A_88] {strides = array<i32>} : memref<672xi32, #tpu.memory_space<vmem>>, vector<16xi32>,
    tpu.vector_store %arg14[%swap3A_88], %add3A_87 {strides = array<i32>} : memref<672xi32, #tpu.memory_space<vmem>>, vector<16xi32>,
    %get3A_90 = arith.constant 128 : index
    %get3A_91 = tpu.vector_load %arg11[%get3A_90] {strides = array<i32>} : memref<704xi32, #tpu.memory_space<vmem>>, vector<16xi32>,
    %get3A_92 = arith.constant 128 : index
    %get3A_93 = tpu.vector_load %arg12[%get3A_92] {strides = array<i32>} : memref<704xi32, #tpu.memory_space<vmem>>, vector<16xi32>,
    %add3A_94 = arith.constant 0 : i32
    %add3A_95 = vector.broadcast %add3A_94 : i32 to vector<16xi32>
    %add3A_96 = arith.addi %get3A_91, %add3A_95 : vector<16xi32>
    %gather3A_97 = tpu.vector_load_idx %arg9[%add3A_96] : memref<3328xi32, #tpu.memory_space<vmem>>[vector<16xi32>], vector<16xi32>,
    %add3A_98 = arith.addi %gather3A_97, %get3A_93 : vector<16xi32>
    %swap3A_99 = arith.constant 128 : index
    %swap3A_100 = tpu.vector_load %arg14[%swap3A_99] {strides = array<i32>} : memref<672xi32, #tpu.memory_space<vmem>>, vector<16xi32>,
    tpu.vector_store %arg14[%swap3A_99], %add3A_98 {strides = array<i32>} : memref<672xi32, #tpu.memory_space<vmem>>, vector<16xi32>,
    %get3A_101 = arith.constant 144 : index
    %get3A_102 = tpu.vector_load %arg11[%get3A_101] {strides = array<i32>} : memref<704xi32, #tpu.memory_space<vmem>>, vector<16xi32>,
    %get3A_103 = arith.constant 144 : index
    %get3A_104 = tpu.vector_load %arg12[%get3A_103] {strides = array<i32>} : memref<704xi32, #tpu.memory_space<vmem>>, vector<16xi32>,
    %add3A_105 = arith.constant 0 : i32
    %add3A_106 = vector.broadcast %add3A_105 : i32 to vector<16xi32>
    %add3A_107 = arith.addi %get3A_102, %add3A_106 : vector<16xi32>
    %gather3A_108 = tpu.vector_load_idx %arg9[%add3A_107] : memref<3328xi32, #tpu.memory_space<vmem>>[vector<16xi32>], vector<16xi32>,
    %add3A_109 = arith.addi %gather3A_108, %get3A_104 : vector<16xi32>
    %swap3A_110 = arith.constant 144 : index
    %swap3A_111 = tpu.vector_load %arg14[%swap3A_110] {strides = array<i32>} : memref<672xi32, #tpu.memory_space<vmem>>, vector<16xi32>,
    tpu.vector_store %arg14[%swap3A_110], %add3A_109 {strides = array<i32>} : memref<672xi32, #tpu.memory_space<vmem>>, vector<16xi32>,
    %get3A_112 = arith.constant 160 : index
    %get3A_113 = tpu.vector_load %arg11[%get3A_112] {strides = array<i32>} : memref<704xi32, #tpu.memory_space<vmem>>, vector<16xi32>,
    %get3A_114 = arith.constant 160 : index
    %get3A_115 = tpu.vector_load %arg12[%get3A_114] {strides = array<i32>} : memref<704xi32, #tpu.memory_space<vmem>>, vector<16xi32>,
    %add3A_116 = arith.constant 0 : i32
    %add3A_117 = vector.broadcast %add3A_116 : i32 to vector<16xi32>
    %add3A_118 = arith.addi %get3A_113, %add3A_117 : vector<16xi32>
    %gather3A_119 = tpu.vector_load_idx %arg9[%add3A_118] : memref<3328xi32, #tpu.memory_space<vmem>>[vector<16xi32>], vector<16xi32>,
    %add3A_120 = arith.addi %gather3A_119, %get3A_115 : vector<16xi32>
    %swap3A_121 = arith.constant 160 : index
    %swap3A_122 = tpu.vector_load %arg14[%swap3A_121] {strides = array<i32>} : memref<672xi32, #tpu.memory_space<vmem>>, vector<16xi32>,
    tpu.vector_store %arg14[%swap3A_121], %add3A_120 {strides = array<i32>} : memref<672xi32, #tpu.memory_space<vmem>>, vector<16xi32>,
    %get3A_123 = arith.constant 176 : index
    %get3A_124 = tpu.vector_load %arg11[%get3A_123] {strides = array<i32>} : memref<704xi32, #tpu.memory_space<vmem>>, vector<16xi32>,
    %get3A_125 = arith.constant 176 : index
    %get3A_126 = tpu.vector_load %arg12[%get3A_125] {strides = array<i32>} : memref<704xi32, #tpu.memory_space<vmem>>, vector<16xi32>,
    %add3A_127 = arith.constant 0 : i32
    %add3A_128 = vector.broadcast %add3A_127 : i32 to vector<16xi32>
    %add3A_129 = arith.addi %get3A_124, %add3A_128 : vector<16xi32>
    %gather3A_130 = tpu.vector_load_idx %arg9[%add3A_129] : memref<3328xi32, #tpu.memory_space<vmem>>[vector<16xi32>], vector<16xi32>,
    %add3A_131 = arith.addi %gather3A_130, %get3A_126 : vector<16xi32>
    %swap3A_132 = arith.constant 176 : index
    %swap3A_133 = tpu.vector_load %arg14[%swap3A_132] {strides = array<i32>} : memref<672xi32, #tpu.memory_space<vmem>>, vector<16xi32>,
    tpu.vector_store %arg14[%swap3A_132], %add3A_131 {strides = array<i32>} : memref<672xi32, #tpu.memory_space<vmem>>, vector<16xi32>,
    %get3A_134 = arith.constant 192 : index
    %get3A_135 = tpu.vector_load %arg11[%get3A_134] {strides = array<i32>} : memref<704xi32, #tpu.memory_space<vmem>>, vector<16xi32>,
    %get3A_136 = arith.constant 192 : index
    %get3A_137 = tpu.vector_load %arg12[%get3A_136] {strides = array<i32>} : memref<704xi32, #tpu.memory_space<vmem>>, vector<16xi32>,
    %add3A_138 = arith.constant 0 : i32
    %add3A_139 = vector.broadcast %add3A_138 : i32 to vector<16xi32>
    %add3A_140 = arith.addi %get3A_135, %add3A_139 : vector<16xi32>
    %gather3A_141 = tpu.vector_load_idx %arg9[%add3A_140] : memref<3328xi32, #tpu.memory_space<vmem>>[vector<16xi32>], vector<16xi32>,
    %add3A_142 = arith.addi %gather3A_141, %get3A_137 : vector<16xi32>
    %swap3A_143 = arith.constant 192 : index
    %swap3A_144 = tpu.vector_load %arg14[%swap3A_143] {strides = array<i32>} : memref<672xi32, #tpu.memory_space<vmem>>, vector<16xi32>,
    tpu.vector_store %arg14[%swap3A_143], %add3A_142 {strides = array<i32>} : memref<672xi32, #tpu.memory_space<vmem>>, vector<16xi32>,
    %get3A_145 = arith.constant 208 : index
    %get3A_146 = tpu.vector_load %arg11[%get3A_145] {strides = array<i32>} : memref<704xi32, #tpu.memory_space<vmem>>, vector<16xi32>,
    %get3A_147 = arith.constant 208 : index
    %get3A_148 = tpu.vector_load %arg12[%get3A_147] {strides = array<i32>} : memref<704xi32, #tpu.memory_space<vmem>>, vector<16xi32>,
    %add3A_149 = arith.constant 0 : i32
    %add3A_150 = vector.broadcast %add3A_149 : i32 to vector<16xi32>
    %add3A_151 = arith.addi %get3A_146, %add3A_150 : vector<16xi32>
    %gather3A_152 = tpu.vector_load_idx %arg9[%add3A_151] : memref<3328xi32, #tpu.memory_space<vmem>>[vector<16xi32>], vector<16xi32>,
    %add3A_153 = arith.addi %gather3A_152, %get3A_148 : vector<16xi32>
    %swap3A_154 = arith.constant 208 : index
    %swap3A_155 = tpu.vector_load %arg14[%swap3A_154] {strides = array<i32>} : memref<672xi32, #tpu.memory_space<vmem>>, vector<16xi32>,
    tpu.vector_store %arg14[%swap3A_154], %add3A_153 {strides = array<i32>} : memref<672xi32, #tpu.memory_space<vmem>>, vector<16xi32>,
    %get3A_156 = arith.constant 224 : index
    %get3A_157 = tpu.vector_load %arg11[%get3A_156] {strides = array<i32>} : memref<704xi32, #tpu.memory_space<vmem>>, vector<16xi32>,
    %get3A_158 = arith.constant 224 : index
    %get3A_159 = tpu.vector_load %arg12[%get3A_158] {strides = array<i32>} : memref<704xi32, #tpu.memory_space<vmem>>, vector<16xi32>,
    %add3A_160 = arith.constant 0 : i32
    %add3A_161 = vector.broadcast %add3A_160 : i32 to vector<16xi32>
    %add3A_162 = arith.addi %get3A_157, %add3A_161 : vector<16xi32>
    %gather3A_163 = tpu.vector_load_idx %arg9[%add3A_162] : memref<3328xi32, #tpu.memory_space<vmem>>[vector<16xi32>], vector<16xi32>,
    %add3A_164 = arith.addi %gather3A_163, %get3A_159 : vector<16xi32>
    %swap3A_165 = arith.constant 224 : index
    %swap3A_166 = tpu.vector_load %arg14[%swap3A_165] {strides = array<i32>} : memref<672xi32, #tpu.memory_space<vmem>>, vector<16xi32>,
    tpu.vector_store %arg14[%swap3A_165], %add3A_164 {strides = array<i32>} : memref<672xi32, #tpu.memory_space<vmem>>, vector<16xi32>,
    %get3A_167 = arith.constant 240 : index
    %get3A_168 = tpu.vector_load %arg11[%get3A_167] {strides = array<i32>} : memref<704xi32, #tpu.memory_space<vmem>>, vector<16xi32>,
    %get3A_169 = arith.constant 240 : index
    %get3A_170 = tpu.vector_load %arg12[%get3A_169] {strides = array<i32>} : memref<704xi32, #tpu.memory_space<vmem>>, vector<16xi32>,
    %add3A_171 = arith.constant 0 : i32
    %add3A_172 = vector.broadcast %add3A_171 : i32 to vector<16xi32>
    %add3A_173 = arith.addi %get3A_168, %add3A_172 : vector<16xi32>
    %gather3A_174 = tpu.vector_load_idx %arg9[%add3A_173] : memref<3328xi32, #tpu.memory_space<vmem>>[vector<16xi32>], vector<16xi32>,
    %add3A_175 = arith.addi %gather3A_174, %get3A_170 : vector<16xi32>
    %swap3A_176 = arith.constant 240 : index
    %swap3A_177 = tpu.vector_load %arg14[%swap3A_176] {strides = array<i32>} : memref<672xi32, #tpu.memory_space<vmem>>, vector<16xi32>,
    tpu.vector_store %arg14[%swap3A_176], %add3A_175 {strides = array<i32>} : memref<672xi32, #tpu.memory_space<vmem>>, vector<16xi32>,
    %get3A_178 = arith.constant 256 : index
    %get3A_179 = tpu.vector_load %arg11[%get3A_178] {strides = array<i32>} : memref<704xi32, #tpu.memory_space<vmem>>, vector<16xi32>,
    %get3A_180 = arith.constant 256 : index
    %get3A_181 = tpu.vector_load %arg12[%get3A_180] {strides = array<i32>} : memref<704xi32, #tpu.memory_space<vmem>>, vector<16xi32>,
    %add3A_182 = arith.constant 0 : i32
    %add3A_183 = vector.broadcast %add3A_182 : i32 to vector<16xi32>
    %add3A_184 = arith.addi %get3A_179, %add3A_183 : vector<16xi32>
    %gather3A_185 = tpu.vector_load_idx %arg9[%add3A_184] : memref<3328xi32, #tpu.memory_space<vmem>>[vector<16xi32>], vector<16xi32>,
    %add3A_186 = arith.addi %gather3A_185, %get3A_181 : vector<16xi32>
    %swap3A_187 = arith.constant 256 : index
    %swap3A_188 = tpu.vector_load %arg14[%swap3A_187] {strides = array<i32>} : memref<672xi32, #tpu.memory_space<vmem>>, vector<16xi32>,
    tpu.vector_store %arg14[%swap3A_187], %add3A_186 {strides = array<i32>} : memref<672xi32, #tpu.memory_space<vmem>>, vector<16xi32>,
    %get3A_189 = arith.constant 272 : index
    %get3A_190 = tpu.vector_load %arg11[%get3A_189] {strides = array<i32>} : memref<704xi32, #tpu.memory_space<vmem>>, vector<16xi32>,
    %get3A_191 = arith.constant 272 : index
    %get3A_192 = tpu.vector_load %arg12[%get3A_191] {strides = array<i32>} : memref<704xi32, #tpu.memory_space<vmem>>, vector<16xi32>,
    %add3A_193 = arith.constant 0 : i32
    %add3A_194 = vector.broadcast %add3A_193 : i32 to vector<16xi32>
    %add3A_195 = arith.addi %get3A_190, %add3A_194 : vector<16xi32>
    %gather3A_196 = tpu.vector_load_idx %arg9[%add3A_195] : memref<3328xi32, #tpu.memory_space<vmem>>[vector<16xi32>], vector<16xi32>,
    %add3A_197 = arith.addi %gather3A_196, %get3A_192 : vector<16xi32>
    %swap3A_198 = arith.constant 272 : index
    %swap3A_199 = tpu.vector_load %arg14[%swap3A_198] {strides = array<i32>} : memref<672xi32, #tpu.memory_space<vmem>>, vector<16xi32>,
    tpu.vector_store %arg14[%swap3A_198], %add3A_197 {strides = array<i32>} : memref<672xi32, #tpu.memory_space<vmem>>, vector<16xi32>,
    %get3A_200 = arith.constant 288 : index
    %get3A_201 = tpu.vector_load %arg11[%get3A_200] {strides = array<i32>} : memref<704xi32, #tpu.memory_space<vmem>>, vector<16xi32>,
    %get3A_202 = arith.constant 288 : index
    %get3A_203 = tpu.vector_load %arg12[%get3A_202] {strides = array<i32>} : memref<704xi32, #tpu.memory_space<vmem>>, vector<16xi32>,
    %add3A_204 = arith.constant 0 : i32
    %add3A_205 = vector.broadcast %add3A_204 : i32 to vector<16xi32>
    %add3A_206 = arith.addi %get3A_201, %add3A_205 : vector<16xi32>
    %gather3A_207 = tpu.vector_load_idx %arg9[%add3A_206] : memref<3328xi32, #tpu.memory_space<vmem>>[vector<16xi32>], vector<16xi32>,
    %add3A_208 = arith.addi %gather3A_207, %get3A_203 : vector<16xi32>
    %swap3A_209 = arith.constant 288 : index
    %swap3A_210 = tpu.vector_load %arg14[%swap3A_209] {strides = array<i32>} : memref<672xi32, #tpu.memory_space<vmem>>, vector<16xi32>,
    tpu.vector_store %arg14[%swap3A_209], %add3A_208 {strides = array<i32>} : memref<672xi32, #tpu.memory_space<vmem>>, vector<16xi32>,
    %get3A_211 = arith.constant 304 : index
    %get3A_212 = tpu.vector_load %arg11[%get3A_211] {strides = array<i32>} : memref<704xi32, #tpu.memory_space<vmem>>, vector<16xi32>,
    %get3A_213 = arith.constant 304 : index
    %get3A_214 = tpu.vector_load %arg12[%get3A_213] {strides = array<i32>} : memref<704xi32, #tpu.memory_space<vmem>>, vector<16xi32>,
    %add3A_215 = arith.constant 0 : i32
    %add3A_216 = vector.broadcast %add3A_215 : i32 to vector<16xi32>
    %add3A_217 = arith.addi %get3A_212, %add3A_216 : vector<16xi32>
    %gather3A_218 = tpu.vector_load_idx %arg9[%add3A_217] : memref<3328xi32, #tpu.memory_space<vmem>>[vector<16xi32>], vector<16xi32>,
    %add3A_219 = arith.addi %gather3A_218, %get3A_214 : vector<16xi32>
    %swap3A_220 = arith.constant 304 : index
    %swap3A_221 = tpu.vector_load %arg14[%swap3A_220] {strides = array<i32>} : memref<672xi32, #tpu.memory_space<vmem>>, vector<16xi32>,
    tpu.vector_store %arg14[%swap3A_220], %add3A_219 {strides = array<i32>} : memref<672xi32, #tpu.memory_space<vmem>>, vector<16xi32>,
    %get3A_222 = arith.constant 320 : index
    %get3A_223 = tpu.vector_load %arg11[%get3A_222] {strides = array<i32>} : memref<704xi32, #tpu.memory_space<vmem>>, vector<16xi32>,
    %get3A_224 = arith.constant 320 : index
    %get3A_225 = tpu.vector_load %arg12[%get3A_224] {strides = array<i32>} : memref<704xi32, #tpu.memory_space<vmem>>, vector<16xi32>,
    %add3A_226 = arith.constant 0 : i32
    %add3A_227 = vector.broadcast %add3A_226 : i32 to vector<16xi32>
    %add3A_228 = arith.addi %get3A_223, %add3A_227 : vector<16xi32>
    %gather3A_229 = tpu.vector_load_idx %arg9[%add3A_228] : memref<3328xi32, #tpu.memory_space<vmem>>[vector<16xi32>], vector<16xi32>,
    %add3A_230 = arith.addi %gather3A_229, %get3A_225 : vector<16xi32>
    %swap3A_231 = arith.constant 320 : index
    %swap3A_232 = tpu.vector_load %arg14[%swap3A_231] {strides = array<i32>} : memref<672xi32, #tpu.memory_space<vmem>>, vector<16xi32>,
    tpu.vector_store %arg14[%swap3A_231], %add3A_230 {strides = array<i32>} : memref<672xi32, #tpu.memory_space<vmem>>, vector<16xi32>,
    %get3A_233 = arith.constant 336 : index
    %get3A_234 = tpu.vector_load %arg11[%get3A_233] {strides = array<i32>} : memref<704xi32, #tpu.memory_space<vmem>>, vector<16xi32>,
    %get3A_235 = arith.constant 336 : index
    %get3A_236 = tpu.vector_load %arg12[%get3A_235] {strides = array<i32>} : memref<704xi32, #tpu.memory_space<vmem>>, vector<16xi32>,
    %add3A_237 = arith.constant 0 : i32
    %add3A_238 = vector.broadcast %add3A_237 : i32 to vector<16xi32>
    %add3A_239 = arith.addi %get3A_234, %add3A_238 : vector<16xi32>
    %gather3A_240 = tpu.vector_load_idx %arg9[%add3A_239] : memref<3328xi32, #tpu.memory_space<vmem>>[vector<16xi32>], vector<16xi32>,
    %add3A_241 = arith.addi %gather3A_240, %get3A_236 : vector<16xi32>
    %swap3A_242 = arith.constant 336 : index
    %swap3A_243 = tpu.vector_load %arg14[%swap3A_242] {strides = array<i32>} : memref<672xi32, #tpu.memory_space<vmem>>, vector<16xi32>,
    tpu.vector_store %arg14[%swap3A_242], %add3A_241 {strides = array<i32>} : memref<672xi32, #tpu.memory_space<vmem>>, vector<16xi32>,
    %get3A_244 = arith.constant 352 : index
    %get3A_245 = tpu.vector_load %arg11[%get3A_244] {strides = array<i32>} : memref<704xi32, #tpu.memory_space<vmem>>, vector<16xi32>,
    %get3A_246 = arith.constant 352 : index
    %get3A_247 = tpu.vector_load %arg12[%get3A_246] {strides = array<i32>} : memref<704xi32, #tpu.memory_space<vmem>>, vector<16xi32>,
    %add3A_248 = arith.constant 0 : i32
    %add3A_249 = vector.broadcast %add3A_248 : i32 to vector<16xi32>
    %add3A_250 = arith.addi %get3A_245, %add3A_249 : vector<16xi32>
    %gather3A_251 = tpu.vector_load_idx %arg9[%add3A_250] : memref<3328xi32, #tpu.memory_space<vmem>>[vector<16xi32>], vector<16xi32>,
    %add3A_252 = arith.addi %gather3A_251, %get3A_247 : vector<16xi32>
    %swap3A_253 = arith.constant 352 : index
    %swap3A_254 = tpu.vector_load %arg14[%swap3A_253] {strides = array<i32>} : memref<672xi32, #tpu.memory_space<vmem>>, vector<16xi32>,
    tpu.vector_store %arg14[%swap3A_253], %add3A_252 {strides = array<i32>} : memref<672xi32, #tpu.memory_space<vmem>>, vector<16xi32>,
    %get3A_255 = arith.constant 368 : index
    %get3A_256 = tpu.vector_load %arg11[%get3A_255] {strides = array<i32>} : memref<704xi32, #tpu.memory_space<vmem>>, vector<16xi32>,
    %get3A_257 = arith.constant 368 : index
    %get3A_258 = tpu.vector_load %arg12[%get3A_257] {strides = array<i32>} : memref<704xi32, #tpu.memory_space<vmem>>, vector<16xi32>,
    %add3A_259 = arith.constant 0 : i32
    %add3A_260 = vector.broadcast %add3A_259 : i32 to vector<16xi32>
    %add3A_261 = arith.addi %get3A_256, %add3A_260 : vector<16xi32>
    %gather3A_262 = tpu.vector_load_idx %arg9[%add3A_261] : memref<3328xi32, #tpu.memory_space<vmem>>[vector<16xi32>], vector<16xi32>,
    %add3A_263 = arith.addi %gather3A_262, %get3A_258 : vector<16xi32>
    %swap3A_264 = arith.constant 368 : index
    %swap3A_265 = tpu.vector_load %arg14[%swap3A_264] {strides = array<i32>} : memref<672xi32, #tpu.memory_space<vmem>>, vector<16xi32>,
    tpu.vector_store %arg14[%swap3A_264], %add3A_263 {strides = array<i32>} : memref<672xi32, #tpu.memory_space<vmem>>, vector<16xi32>,
    %get3A_266 = arith.constant 384 : index
    %get3A_267 = tpu.vector_load %arg11[%get3A_266] {strides = array<i32>} : memref<704xi32, #tpu.memory_space<vmem>>, vector<16xi32>,
    %get3A_268 = arith.constant 384 : index
    %get3A_269 = tpu.vector_load %arg12[%get3A_268] {strides = array<i32>} : memref<704xi32, #tpu.memory_space<vmem>>, vector<16xi32>,
    %add3A_270 = arith.constant 0 : i32
    %add3A_271 = vector.broadcast %add3A_270 : i32 to vector<16xi32>
    %add3A_272 = arith.addi %get3A_267, %add3A_271 : vector<16xi32>
    %gather3A_273 = tpu.vector_load_idx %arg9[%add3A_272] : memref<3328xi32, #tpu.memory_space<vmem>>[vector<16xi32>], vector<16xi32>,
    %add3A_274 = arith.addi %gather3A_273, %get3A_269 : vector<16xi32>
    %swap3A_275 = arith.constant 384 : index
    %swap3A_276 = tpu.vector_load %arg14[%swap3A_275] {strides = array<i32>} : memref<672xi32, #tpu.memory_space<vmem>>, vector<16xi32>,
    tpu.vector_store %arg14[%swap3A_275], %add3A_274 {strides = array<i32>} : memref<672xi32, #tpu.memory_space<vmem>>, vector<16xi32>,
    %get3A_277 = arith.constant 400 : index
    %get3A_278 = tpu.vector_load %arg11[%get3A_277] {strides = array<i32>} : memref<704xi32, #tpu.memory_space<vmem>>, vector<16xi32>,
    %get3A_279 = arith.constant 400 : index
    %get3A_280 = tpu.vector_load %arg12[%get3A_279] {strides = array<i32>} : memref<704xi32, #tpu.memory_space<vmem>>, vector<16xi32>,
    %add3A_281 = arith.constant 0 : i32
    %add3A_282 = vector.broadcast %add3A_281 : i32 to vector<16xi32>
    %add3A_283 = arith.addi %get3A_278, %add3A_282 : vector<16xi32>
    %gather3A_284 = tpu.vector_load_idx %arg9[%add3A_283] : memref<3328xi32, #tpu.memory_space<vmem>>[vector<16xi32>], vector<16xi32>,
    %add3A_285 = arith.addi %gather3A_284, %get3A_280 : vector<16xi32>
    %swap3A_286 = arith.constant 400 : index
    %swap3A_287 = tpu.vector_load %arg14[%swap3A_286] {strides = array<i32>} : memref<672xi32, #tpu.memory_space<vmem>>, vector<16xi32>,
    tpu.vector_store %arg14[%swap3A_286], %add3A_285 {strides = array<i32>} : memref<672xi32, #tpu.memory_space<vmem>>, vector<16xi32>,
    %get3A_288 = arith.constant 416 : index
    %get3A_289 = tpu.vector_load %arg11[%get3A_288] {strides = array<i32>} : memref<704xi32, #tpu.memory_space<vmem>>, vector<16xi32>,
    %get3A_290 = arith.constant 416 : index
    %get3A_291 = tpu.vector_load %arg12[%get3A_290] {strides = array<i32>} : memref<704xi32, #tpu.memory_space<vmem>>, vector<16xi32>,
    %add3A_292 = arith.constant 0 : i32
    %add3A_293 = vector.broadcast %add3A_292 : i32 to vector<16xi32>
    %add3A_294 = arith.addi %get3A_289, %add3A_293 : vector<16xi32>
    %gather3A_295 = tpu.vector_load_idx %arg9[%add3A_294] : memref<3328xi32, #tpu.memory_space<vmem>>[vector<16xi32>], vector<16xi32>,
    %add3A_296 = arith.addi %gather3A_295, %get3A_291 : vector<16xi32>
    %swap3A_297 = arith.constant 416 : index
    %swap3A_298 = tpu.vector_load %arg14[%swap3A_297] {strides = array<i32>} : memref<672xi32, #tpu.memory_space<vmem>>, vector<16xi32>,
    tpu.vector_store %arg14[%swap3A_297], %add3A_296 {strides = array<i32>} : memref<672xi32, #tpu.memory_space<vmem>>, vector<16xi32>,
    %get3A_299 = arith.constant 432 : index
    %get3A_300 = tpu.vector_load %arg11[%get3A_299] {strides = array<i32>} : memref<704xi32, #tpu.memory_space<vmem>>, vector<16xi32>,
    %get3A_301 = arith.constant 432 : index
    %get3A_302 = tpu.vector_load %arg12[%get3A_301] {strides = array<i32>} : memref<704xi32, #tpu.memory_space<vmem>>, vector<16xi32>,
    %add3A_303 = arith.constant 0 : i32
    %add3A_304 = vector.broadcast %add3A_303 : i32 to vector<16xi32>
    %add3A_305 = arith.addi %get3A_300, %add3A_304 : vector<16xi32>
    %gather3A_306 = tpu.vector_load_idx %arg9[%add3A_305] : memref<3328xi32, #tpu.memory_space<vmem>>[vector<16xi32>], vector<16xi32>,
    %add3A_307 = arith.addi %gather3A_306, %get3A_302 : vector<16xi32>
    %swap3A_308 = arith.constant 432 : index
    %swap3A_309 = tpu.vector_load %arg14[%swap3A_308] {strides = array<i32>} : memref<672xi32, #tpu.memory_space<vmem>>, vector<16xi32>,
    tpu.vector_store %arg14[%swap3A_308], %add3A_307 {strides = array<i32>} : memref<672xi32, #tpu.memory_space<vmem>>, vector<16xi32>,
    %get3A_310 = arith.constant 448 : index
    %get3A_311 = tpu.vector_load %arg11[%get3A_310] {strides = array<i32>} : memref<704xi32, #tpu.memory_space<vmem>>, vector<16xi32>,
    %get3A_312 = arith.constant 448 : index
    %get3A_313 = tpu.vector_load %arg12[%get3A_312] {strides = array<i32>} : memref<704xi32, #tpu.memory_space<vmem>>, vector<16xi32>,
    %add3A_314 = arith.constant 0 : i32
    %add3A_315 = vector.broadcast %add3A_314 : i32 to vector<16xi32>
    %add3A_316 = arith.addi %get3A_311, %add3A_315 : vector<16xi32>
    %gather3A_317 = tpu.vector_load_idx %arg9[%add3A_316] : memref<3328xi32, #tpu.memory_space<vmem>>[vector<16xi32>], vector<16xi32>,
    %add3A_318 = arith.addi %gather3A_317, %get3A_313 : vector<16xi32>
    %swap3A_319 = arith.constant 448 : index
    %swap3A_320 = tpu.vector_load %arg14[%swap3A_319] {strides = array<i32>} : memref<672xi32, #tpu.memory_space<vmem>>, vector<16xi32>,
    tpu.vector_store %arg14[%swap3A_319], %add3A_318 {strides = array<i32>} : memref<672xi32, #tpu.memory_space<vmem>>, vector<16xi32>,
    %get3A_321 = arith.constant 464 : index
    %get3A_322 = tpu.vector_load %arg11[%get3A_321] {strides = array<i32>} : memref<704xi32, #tpu.memory_space<vmem>>, vector<16xi32>,
    %get3A_323 = arith.constant 464 : index
    %get3A_324 = tpu.vector_load %arg12[%get3A_323] {strides = array<i32>} : memref<704xi32, #tpu.memory_space<vmem>>, vector<16xi32>,
    %add3A_325 = arith.constant 0 : i32
    %add3A_326 = vector.broadcast %add3A_325 : i32 to vector<16xi32>
    %add3A_327 = arith.addi %get3A_322, %add3A_326 : vector<16xi32>
    %gather3A_328 = tpu.vector_load_idx %arg9[%add3A_327] : memref<3328xi32, #tpu.memory_space<vmem>>[vector<16xi32>], vector<16xi32>,
    %add3A_329 = arith.addi %gather3A_328, %get3A_324 : vector<16xi32>
    %swap3A_330 = arith.constant 464 : index
    %swap3A_331 = tpu.vector_load %arg14[%swap3A_330] {strides = array<i32>} : memref<672xi32, #tpu.memory_space<vmem>>, vector<16xi32>,
    tpu.vector_store %arg14[%swap3A_330], %add3A_329 {strides = array<i32>} : memref<672xi32, #tpu.memory_space<vmem>>, vector<16xi32>,
    %get3A_332 = arith.constant 480 : index
    %get3A_333 = tpu.vector_load %arg11[%get3A_332] {strides = array<i32>} : memref<704xi32, #tpu.memory_space<vmem>>, vector<16xi32>,
    %get3A_334 = arith.constant 480 : index
    %get3A_335 = tpu.vector_load %arg12[%get3A_334] {strides = array<i32>} : memref<704xi32, #tpu.memory_space<vmem>>, vector<16xi32>,
    %add3A_336 = arith.constant 0 : i32
    %add3A_337 = vector.broadcast %add3A_336 : i32 to vector<16xi32>
    %add3A_338 = arith.addi %get3A_333, %add3A_337 : vector<16xi32>
    %gather3A_339 = tpu.vector_load_idx %arg9[%add3A_338] : memref<3328xi32, #tpu.memory_space<vmem>>[vector<16xi32>], vector<16xi32>,
    %add3A_340 = arith.addi %gather3A_339, %get3A_335 : vector<16xi32>
    %swap3A_341 = arith.constant 480 : index
    %swap3A_342 = tpu.vector_load %arg14[%swap3A_341] {strides = array<i32>} : memref<672xi32, #tpu.memory_space<vmem>>, vector<16xi32>,
    tpu.vector_store %arg14[%swap3A_341], %add3A_340 {strides = array<i32>} : memref<672xi32, #tpu.memory_space<vmem>>, vector<16xi32>,
    %get3A_343 = arith.constant 496 : index
    %get3A_344 = tpu.vector_load %arg11[%get3A_343] {strides = array<i32>} : memref<704xi32, #tpu.memory_space<vmem>>, vector<16xi32>,
    %get3A_345 = arith.constant 496 : index
    %get3A_346 = tpu.vector_load %arg12[%get3A_345] {strides = array<i32>} : memref<704xi32, #tpu.memory_space<vmem>>, vector<16xi32>,
    %add3A_347 = arith.constant 0 : i32
    %add3A_348 = vector.broadcast %add3A_347 : i32 to vector<16xi32>
    %add3A_349 = arith.addi %get3A_344, %add3A_348 : vector<16xi32>
    %gather3A_350 = tpu.vector_load_idx %arg9[%add3A_349] : memref<3328xi32, #tpu.memory_space<vmem>>[vector<16xi32>], vector<16xi32>,
    %add3A_351 = arith.addi %gather3A_350, %get3A_346 : vector<16xi32>
    %swap3A_352 = arith.constant 496 : index
    %swap3A_353 = tpu.vector_load %arg14[%swap3A_352] {strides = array<i32>} : memref<672xi32, #tpu.memory_space<vmem>>, vector<16xi32>,
    tpu.vector_store %arg14[%swap3A_352], %add3A_351 {strides = array<i32>} : memref<672xi32, #tpu.memory_space<vmem>>, vector<16xi32>,
    %get3A_354 = arith.constant 512 : index
    %get3A_355 = tpu.vector_load %arg11[%get3A_354] {strides = array<i32>} : memref<704xi32, #tpu.memory_space<vmem>>, vector<16xi32>,
    %get3A_356 = arith.constant 512 : index
    %get3A_357 = tpu.vector_load %arg12[%get3A_356] {strides = array<i32>} : memref<704xi32, #tpu.memory_space<vmem>>, vector<16xi32>,
    %add3A_358 = arith.constant 0 : i32
    %add3A_359 = vector.broadcast %add3A_358 : i32 to vector<16xi32>
    %add3A_360 = arith.addi %get3A_355, %add3A_359 : vector<16xi32>
    %gather3A_361 = tpu.vector_load_idx %arg9[%add3A_360] : memref<3328xi32, #tpu.memory_space<vmem>>[vector<16xi32>], vector<16xi32>,
    %add3A_362 = arith.addi %gather3A_361, %get3A_357 : vector<16xi32>
    %swap3A_363 = arith.constant 512 : index
    %swap3A_364 = tpu.vector_load %arg14[%swap3A_363] {strides = array<i32>} : memref<672xi32, #tpu.memory_space<vmem>>, vector<16xi32>,
    tpu.vector_store %arg14[%swap3A_363], %add3A_362 {strides = array<i32>} : memref<672xi32, #tpu.memory_space<vmem>>, vector<16xi32>,
    %get3A_365 = arith.constant 528 : index
    %get3A_366 = tpu.vector_load %arg11[%get3A_365] {strides = array<i32>} : memref<704xi32, #tpu.memory_space<vmem>>, vector<16xi32>,
    %get3A_367 = arith.constant 528 : index
    %get3A_368 = tpu.vector_load %arg12[%get3A_367] {strides = array<i32>} : memref<704xi32, #tpu.memory_space<vmem>>, vector<16xi32>,
    %add3A_369 = arith.constant 0 : i32
    %add3A_370 = vector.broadcast %add3A_369 : i32 to vector<16xi32>
    %add3A_371 = arith.addi %get3A_366, %add3A_370 : vector<16xi32>
    %gather3A_372 = tpu.vector_load_idx %arg9[%add3A_371] : memref<3328xi32, #tpu.memory_space<vmem>>[vector<16xi32>], vector<16xi32>,
    %add3A_373 = arith.addi %gather3A_372, %get3A_368 : vector<16xi32>
    %swap3A_374 = arith.constant 528 : index
    %swap3A_375 = tpu.vector_load %arg14[%swap3A_374] {strides = array<i32>} : memref<672xi32, #tpu.memory_space<vmem>>, vector<16xi32>,
    tpu.vector_store %arg14[%swap3A_374], %add3A_373 {strides = array<i32>} : memref<672xi32, #tpu.memory_space<vmem>>, vector<16xi32>,
    %get3A_376 = arith.constant 544 : index
    %get3A_377 = tpu.vector_load %arg11[%get3A_376] {strides = array<i32>} : memref<704xi32, #tpu.memory_space<vmem>>, vector<16xi32>,
    %get3A_378 = arith.constant 544 : index
    %get3A_379 = tpu.vector_load %arg12[%get3A_378] {strides = array<i32>} : memref<704xi32, #tpu.memory_space<vmem>>, vector<16xi32>,
    %add3A_380 = arith.constant 0 : i32
    %add3A_381 = vector.broadcast %add3A_380 : i32 to vector<16xi32>
    %add3A_382 = arith.addi %get3A_377, %add3A_381 : vector<16xi32>
    %gather3A_383 = tpu.vector_load_idx %arg9[%add3A_382] : memref<3328xi32, #tpu.memory_space<vmem>>[vector<16xi32>], vector<16xi32>,
    %add3A_384 = arith.addi %gather3A_383, %get3A_379 : vector<16xi32>
    %swap3A_385 = arith.constant 544 : index
    %swap3A_386 = tpu.vector_load %arg14[%swap3A_385] {strides = array<i32>} : memref<672xi32, #tpu.memory_space<vmem>>, vector<16xi32>,
    tpu.vector_store %arg14[%swap3A_385], %add3A_384 {strides = array<i32>} : memref<672xi32, #tpu.memory_space<vmem>>, vector<16xi32>,
    %get3A_387 = arith.constant 560 : index
    %get3A_388 = tpu.vector_load %arg11[%get3A_387] {strides = array<i32>} : memref<704xi32, #tpu.memory_space<vmem>>, vector<16xi32>,
    %get3A_389 = arith.constant 560 : index
    %get3A_390 = tpu.vector_load %arg12[%get3A_389] {strides = array<i32>} : memref<704xi32, #tpu.memory_space<vmem>>, vector<16xi32>,
    %add3A_391 = arith.constant 0 : i32
    %add3A_392 = vector.broadcast %add3A_391 : i32 to vector<16xi32>
    %add3A_393 = arith.addi %get3A_388, %add3A_392 : vector<16xi32>
    %gather3A_394 = tpu.vector_load_idx %arg9[%add3A_393] : memref<3328xi32, #tpu.memory_space<vmem>>[vector<16xi32>], vector<16xi32>,
    %add3A_395 = arith.addi %gather3A_394, %get3A_390 : vector<16xi32>
    %swap3A_396 = arith.constant 560 : index
    %swap3A_397 = tpu.vector_load %arg14[%swap3A_396] {strides = array<i32>} : memref<672xi32, #tpu.memory_space<vmem>>, vector<16xi32>,
    tpu.vector_store %arg14[%swap3A_396], %add3A_395 {strides = array<i32>} : memref<672xi32, #tpu.memory_space<vmem>>, vector<16xi32>,
    %get3A_398 = arith.constant 576 : index
    %get3A_399 = tpu.vector_load %arg11[%get3A_398] {strides = array<i32>} : memref<704xi32, #tpu.memory_space<vmem>>, vector<16xi32>,
    %get3A_400 = arith.constant 576 : index
    %get3A_401 = tpu.vector_load %arg12[%get3A_400] {strides = array<i32>} : memref<704xi32, #tpu.memory_space<vmem>>, vector<16xi32>,
    %add3A_402 = arith.constant 0 : i32
    %add3A_403 = vector.broadcast %add3A_402 : i32 to vector<16xi32>
    %add3A_404 = arith.addi %get3A_399, %add3A_403 : vector<16xi32>
    %gather3A_405 = tpu.vector_load_idx %arg9[%add3A_404] : memref<3328xi32, #tpu.memory_space<vmem>>[vector<16xi32>], vector<16xi32>,
    %add3A_406 = arith.addi %gather3A_405, %get3A_401 : vector<16xi32>
    %swap3A_407 = arith.constant 576 : index
    %swap3A_408 = tpu.vector_load %arg14[%swap3A_407] {strides = array<i32>} : memref<672xi32, #tpu.memory_space<vmem>>, vector<16xi32>,
    tpu.vector_store %arg14[%swap3A_407], %add3A_406 {strides = array<i32>} : memref<672xi32, #tpu.memory_space<vmem>>, vector<16xi32>,
    %get3A_409 = arith.constant 592 : index
    %get3A_410 = tpu.vector_load %arg11[%get3A_409] {strides = array<i32>} : memref<704xi32, #tpu.memory_space<vmem>>, vector<16xi32>,
    %get3A_411 = arith.constant 592 : index
    %get3A_412 = tpu.vector_load %arg12[%get3A_411] {strides = array<i32>} : memref<704xi32, #tpu.memory_space<vmem>>, vector<16xi32>,
    %add3A_413 = arith.constant 0 : i32
    %add3A_414 = vector.broadcast %add3A_413 : i32 to vector<16xi32>
    %add3A_415 = arith.addi %get3A_410, %add3A_414 : vector<16xi32>
    %gather3A_416 = tpu.vector_load_idx %arg9[%add3A_415] : memref<3328xi32, #tpu.memory_space<vmem>>[vector<16xi32>], vector<16xi32>,
    %add3A_417 = arith.addi %gather3A_416, %get3A_412 : vector<16xi32>
    %swap3A_418 = arith.constant 592 : index
    %swap3A_419 = tpu.vector_load %arg14[%swap3A_418] {strides = array<i32>} : memref<672xi32, #tpu.memory_space<vmem>>, vector<16xi32>,
    tpu.vector_store %arg14[%swap3A_418], %add3A_417 {strides = array<i32>} : memref<672xi32, #tpu.memory_space<vmem>>, vector<16xi32>,
    %get3A_420 = arith.constant 608 : index
    %get3A_421 = tpu.vector_load %arg11[%get3A_420] {strides = array<i32>} : memref<704xi32, #tpu.memory_space<vmem>>, vector<16xi32>,
    %get3A_422 = arith.constant 608 : index
    %get3A_423 = tpu.vector_load %arg12[%get3A_422] {strides = array<i32>} : memref<704xi32, #tpu.memory_space<vmem>>, vector<16xi32>,
    %add3A_424 = arith.constant 0 : i32
    %add3A_425 = vector.broadcast %add3A_424 : i32 to vector<16xi32>
    %add3A_426 = arith.addi %get3A_421, %add3A_425 : vector<16xi32>
    %gather3A_427 = tpu.vector_load_idx %arg9[%add3A_426] : memref<3328xi32, #tpu.memory_space<vmem>>[vector<16xi32>], vector<16xi32>,
    %add3A_428 = arith.addi %gather3A_427, %get3A_423 : vector<16xi32>
    %swap3A_429 = arith.constant 608 : index
    %swap3A_430 = tpu.vector_load %arg14[%swap3A_429] {strides = array<i32>} : memref<672xi32, #tpu.memory_space<vmem>>, vector<16xi32>,
    tpu.vector_store %arg14[%swap3A_429], %add3A_428 {strides = array<i32>} : memref<672xi32, #tpu.memory_space<vmem>>, vector<16xi32>,
    %get3A_431 = arith.constant 624 : index
    %get3A_432 = tpu.vector_load %arg11[%get3A_431] {strides = array<i32>} : memref<704xi32, #tpu.memory_space<vmem>>, vector<16xi32>,
    %get3A_433 = arith.constant 624 : index
    %get3A_434 = tpu.vector_load %arg12[%get3A_433] {strides = array<i32>} : memref<704xi32, #tpu.memory_space<vmem>>, vector<16xi32>,
    %add3A_435 = arith.constant 0 : i32
    %add3A_436 = vector.broadcast %add3A_435 : i32 to vector<16xi32>
    %add3A_437 = arith.addi %get3A_432, %add3A_436 : vector<16xi32>
    %gather3A_438 = tpu.vector_load_idx %arg9[%add3A_437] : memref<3328xi32, #tpu.memory_space<vmem>>[vector<16xi32>], vector<16xi32>,
    %add3A_439 = arith.addi %gather3A_438, %get3A_434 : vector<16xi32>
    %swap3A_440 = arith.constant 624 : index
    %swap3A_441 = tpu.vector_load %arg14[%swap3A_440] {strides = array<i32>} : memref<672xi32, #tpu.memory_space<vmem>>, vector<16xi32>,
    tpu.vector_store %arg14[%swap3A_440], %add3A_439 {strides = array<i32>} : memref<672xi32, #tpu.memory_space<vmem>>, vector<16xi32>,
    %get3A_442 = arith.constant 640 : index
    %get3A_443 = tpu.vector_load %arg11[%get3A_442] {strides = array<i32>} : memref<704xi32, #tpu.memory_space<vmem>>, vector<16xi32>,
    %get3A_444 = arith.constant 640 : index
    %get3A_445 = tpu.vector_load %arg12[%get3A_444] {strides = array<i32>} : memref<704xi32, #tpu.memory_space<vmem>>, vector<16xi32>,
    %add3A_446 = arith.constant 0 : i32
    %add3A_447 = vector.broadcast %add3A_446 : i32 to vector<16xi32>
    %add3A_448 = arith.addi %get3A_443, %add3A_447 : vector<16xi32>
    %gather3A_449 = tpu.vector_load_idx %arg9[%add3A_448] : memref<3328xi32, #tpu.memory_space<vmem>>[vector<16xi32>], vector<16xi32>,
    %add3A_450 = arith.addi %gather3A_449, %get3A_445 : vector<16xi32>
    %swap3A_451 = arith.constant 640 : index
    %swap3A_452 = tpu.vector_load %arg14[%swap3A_451] {strides = array<i32>} : memref<672xi32, #tpu.memory_space<vmem>>, vector<16xi32>,
    tpu.vector_store %arg14[%swap3A_451], %add3A_450 {strides = array<i32>} : memref<672xi32, #tpu.memory_space<vmem>>, vector<16xi32>,
    %get3A_453 = arith.constant 656 : index
    %get3A_454 = tpu.vector_load %arg11[%get3A_453] {strides = array<i32>} : memref<704xi32, #tpu.memory_space<vmem>>, vector<16xi32>,
    %get3A_455 = arith.constant 656 : index
    %get3A_456 = tpu.vector_load %arg12[%get3A_455] {strides = array<i32>} : memref<704xi32, #tpu.memory_space<vmem>>, vector<16xi32>,
    %add3A_457 = arith.constant 0 : i32
    %add3A_458 = vector.broadcast %add3A_457 : i32 to vector<16xi32>
    %add3A_459 = arith.addi %get3A_454, %add3A_458 : vector<16xi32>
    %gather3A_460 = tpu.vector_load_idx %arg9[%add3A_459] : memref<3328xi32, #tpu.memory_space<vmem>>[vector<16xi32>], vector<16xi32>,
    %add3A_461 = arith.addi %gather3A_460, %get3A_456 : vector<16xi32>
    %swap3A_462 = arith.constant 656 : index
    %swap3A_463 = tpu.vector_load %arg14[%swap3A_462] {strides = array<i32>} : memref<672xi32, #tpu.memory_space<vmem>>, vector<16xi32>,
    tpu.vector_store %arg14[%swap3A_462], %add3A_461 {strides = array<i32>} : memref<672xi32, #tpu.memory_space<vmem>>, vector<16xi32>,
    %dma_start3A = arith.constant 0 : i32
    %dma_start3A_464 = arith.constant 0 : i32
    %dma_start3A_465 = arith.constant 0 : i32
    %dma_start3A_466 = tpu.memref_slice %arg16[%dma_start3A, %dma_start3A_464, %dma_start3A_465] : memref<2x672x16xf32, #tpu.memory_space<vmem>> -> memref<1x112x16xf32, #tpu.memory_space<vmem>>
    %dma_start3A_467 = tpu.memref_squeeze %dma_start3A_466 : memref<1x112x16xf32, #tpu.memory_space<vmem>> -> memref<112x16xf32, #tpu.memory_space<vmem>>
    %dma_start3A_468 = arith.constant 0 : i32
    %dma_start3A_469 = tpu.memref_slice %arg14[%dma_start3A_468] : memref<672xi32, #tpu.memory_space<vmem>> -> memref<112xi32, #tpu.memory_space<vmem>>
    %dma_start3A_470 = arith.constant 0 : i32
    %dma_start3A_471 = arith.constant 0 : i32
    %dma_start3A_472 = tpu.memref_slice %arg3[%dma_start3A_470, %dma_start3A_471] : memref<676000x16xf32, #tpu.memory_space<hbm>> -> memref<676000x16xf32, #tpu.memory_space<hbm>>
    tpu.enqueue_indirect_dma source(%dma_start3A_472 : memref<676000x16xf32, #tpu.memory_space<hbm>>) target(%dma_start3A_467 : memref<112x16xf32, #tpu.memory_space<vmem>>) offsets(%dma_start3A_469 : memref<112xi32, #tpu.memory_space<vmem>>) semaphore(%arg18 : memref<!tpu.dma_semaphore, #tpu.memory_space<semaphore_mem>>)
    %dma_start3A_473 = arith.constant 0 : i32
    %dma_start3A_474 = arith.constant 112 : i32
    %dma_start3A_475 = arith.constant 0 : i32
    %dma_start3A_476 = tpu.memref_slice %arg16[%dma_start3A_473, %dma_start3A_474, %dma_start3A_475] : memref<2x672x16xf32, #tpu.memory_space<vmem>> -> memref<1x112x16xf32, #tpu.memory_space<vmem>>
    %dma_start3A_477 = tpu.memref_squeeze %dma_start3A_476 : memref<1x112x16xf32, #tpu.memory_space<vmem>> -> memref<112x16xf32, #tpu.memory_space<vmem>>
    %dma_start3A_478 = arith.constant 112 : i32
    %dma_start3A_479 = tpu.memref_slice %arg14[%dma_start3A_478] : memref<672xi32, #tpu.memory_space<vmem>> -> memref<112xi32, #tpu.memory_space<vmem>>
    %dma_start3A_480 = arith.constant 0 : i32
    %dma_start3A_481 = arith.constant 0 : i32
    %dma_start3A_482 = tpu.memref_slice %arg3[%dma_start3A_480, %dma_start3A_481] : memref<676000x16xf32, #tpu.memory_space<hbm>> -> memref<676000x16xf32, #tpu.memory_space<hbm>>
    tpu.enqueue_indirect_dma source(%dma_start3A_482 : memref<676000x16xf32, #tpu.memory_space<hbm>>) target(%dma_start3A_477 : memref<112x16xf32, #tpu.memory_space<vmem>>) offsets(%dma_start3A_479 : memref<112xi32, #tpu.memory_space<vmem>>) semaphore(%arg18 : memref<!tpu.dma_semaphore, #tpu.memory_space<semaphore_mem>>)
    %dma_start3A_483 = arith.constant 0 : i32
    %dma_start3A_484 = arith.constant 224 : i32
    %dma_start3A_485 = arith.constant 0 : i32
    %dma_start3A_486 = tpu.memref_slice %arg16[%dma_start3A_483, %dma_start3A_484, %dma_start3A_485] : memref<2x672x16xf32, #tpu.memory_space<vmem>> -> memref<1x112x16xf32, #tpu.memory_space<vmem>>
    %dma_start3A_487 = tpu.memref_squeeze %dma_start3A_486 : memref<1x112x16xf32, #tpu.memory_space<vmem>> -> memref<112x16xf32, #tpu.memory_space<vmem>>
    %dma_start3A_488 = arith.constant 224 : i32
    %dma_start3A_489 = tpu.memref_slice %arg14[%dma_start3A_488] : memref<672xi32, #tpu.memory_space<vmem>> -> memref<112xi32, #tpu.memory_space<vmem>>
    %dma_start3A_490 = arith.constant 0 : i32
    %dma_start3A_491 = arith.constant 0 : i32
    %dma_start3A_492 = tpu.memref_slice %arg3[%dma_start3A_490, %dma_start3A_491] : memref<676000x16xf32, #tpu.memory_space<hbm>> -> memref<676000x16xf32, #tpu.memory_space<hbm>>
    tpu.enqueue_indirect_dma source(%dma_start3A_492 : memref<676000x16xf32, #tpu.memory_space<hbm>>) target(%dma_start3A_487 : memref<112x16xf32, #tpu.memory_space<vmem>>) offsets(%dma_start3A_489 : memref<112xi32, #tpu.memory_space<vmem>>) semaphore(%arg18 : memref<!tpu.dma_semaphore, #tpu.memory_space<semaphore_mem>>)
    %dma_start3A_493 = arith.constant 0 : i32
    %dma_start3A_494 = arith.constant 336 : i32
    %dma_start3A_495 = arith.constant 0 : i32
    %dma_start3A_496 = tpu.memref_slice %arg16[%dma_start3A_493, %dma_start3A_494, %dma_start3A_495] : memref<2x672x16xf32, #tpu.memory_space<vmem>> -> memref<1x112x16xf32, #tpu.memory_space<vmem>>
    %dma_start3A_497 = tpu.memref_squeeze %dma_start3A_496 : memref<1x112x16xf32, #tpu.memory_space<vmem>> -> memref<112x16xf32, #tpu.memory_space<vmem>>
    %dma_start3A_498 = arith.constant 336 : i32
    %dma_start3A_499 = tpu.memref_slice %arg14[%dma_start3A_498] : memref<672xi32, #tpu.memory_space<vmem>> -> memref<112xi32, #tpu.memory_space<vmem>>
    %dma_start3A_500 = arith.constant 0 : i32
    %dma_start3A_501 = arith.constant 0 : i32
    %dma_start3A_502 = tpu.memref_slice %arg3[%dma_start3A_500, %dma_start3A_501] : memref<676000x16xf32, #tpu.memory_space<hbm>> -> memref<676000x16xf32, #tpu.memory_space<hbm>>
    tpu.enqueue_indirect_dma source(%dma_start3A_502 : memref<676000x16xf32, #tpu.memory_space<hbm>>) target(%dma_start3A_497 : memref<112x16xf32, #tpu.memory_space<vmem>>) offsets(%dma_start3A_499 : memref<112xi32, #tpu.memory_space<vmem>>) semaphore(%arg18 : memref<!tpu.dma_semaphore, #tpu.memory_space<semaphore_mem>>)
    %dma_start3A_503 = arith.constant 0 : i32
    %dma_start3A_504 = arith.constant 448 : i32
    %dma_start3A_505 = arith.constant 0 : i32
    %dma_start3A_506 = tpu.memref_slice %arg16[%dma_start3A_503, %dma_start3A_504, %dma_start3A_505] : memref<2x672x16xf32, #tpu.memory_space<vmem>> -> memref<1x112x16xf32, #tpu.memory_space<vmem>>
    %dma_start3A_507 = tpu.memref_squeeze %dma_start3A_506 : memref<1x112x16xf32, #tpu.memory_space<vmem>> -> memref<112x16xf32, #tpu.memory_space<vmem>>
    %dma_start3A_508 = arith.constant 448 : i32
    %dma_start3A_509 = tpu.memref_slice %arg14[%dma_start3A_508] : memref<672xi32, #tpu.memory_space<vmem>> -> memref<112xi32, #tpu.memory_space<vmem>>
    %dma_start3A_510 = arith.constant 0 : i32
    %dma_start3A_511 = arith.constant 0 : i32
    %dma_start3A_512 = tpu.memref_slice %arg3[%dma_start3A_510, %dma_start3A_511] : memref<676000x16xf32, #tpu.memory_space<hbm>> -> memref<676000x16xf32, #tpu.memory_space<hbm>>
    tpu.enqueue_indirect_dma source(%dma_start3A_512 : memref<676000x16xf32, #tpu.memory_space<hbm>>) target(%dma_start3A_507 : memref<112x16xf32, #tpu.memory_space<vmem>>) offsets(%dma_start3A_509 : memref<112xi32, #tpu.memory_space<vmem>>) semaphore(%arg18 : memref<!tpu.dma_semaphore, #tpu.memory_space<semaphore_mem>>)
    %dma_start3A_513 = arith.constant 0 : i32
    %dma_start3A_514 = arith.constant 560 : i32
    %dma_start3A_515 = arith.constant 0 : i32
    %dma_start3A_516 = tpu.memref_slice %arg16[%dma_start3A_513, %dma_start3A_514, %dma_start3A_515] : memref<2x672x16xf32, #tpu.memory_space<vmem>> -> memref<1x112x16xf32, #tpu.memory_space<vmem>>
    %dma_start3A_517 = tpu.memref_squeeze %dma_start3A_516 : memref<1x112x16xf32, #tpu.memory_space<vmem>> -> memref<112x16xf32, #tpu.memory_space<vmem>>
    %dma_start3A_518 = arith.constant 560 : i32
    %dma_start3A_519 = tpu.memref_slice %arg14[%dma_start3A_518] : memref<672xi32, #tpu.memory_space<vmem>> -> memref<112xi32, #tpu.memory_space<vmem>>
    %dma_start3A_520 = arith.constant 0 : i32
    %dma_start3A_521 = arith.constant 0 : i32
    %dma_start3A_522 = tpu.memref_slice %arg3[%dma_start3A_520, %dma_start3A_521] : memref<676000x16xf32, #tpu.memory_space<hbm>> -> memref<676000x16xf32, #tpu.memory_space<hbm>>
    tpu.enqueue_indirect_dma source(%dma_start3A_522 : memref<676000x16xf32, #tpu.memory_space<hbm>>) target(%dma_start3A_517 : memref<112x16xf32, #tpu.memory_space<vmem>>) offsets(%dma_start3A_519 : memref<112xi32, #tpu.memory_space<vmem>>) semaphore(%arg18 : memref<!tpu.dma_semaphore, #tpu.memory_space<semaphore_mem>>)
    %scan3A = arith.constant 0 : i32
    %scan3A_523 = arith.constant 0 : i32
    %scan3A_524 = arith.constant 64 : i32
    %scan3A_525 = arith.addi %scan3A_523, %scan3A_524 : i32
    %scan3A_526 = arith.constant 1 : i32
    scf.for %scan3A_528 = %scan3A_523 to %scan3A_525 step %scan3A_526  : i32 {
      %mul3A_529 = arith.constant 2 : i32
      %mul3A_530 = arith.muli %scan3A_528, %mul3A_529 : i32
      %add3A_531 = arith.constant 1 : i32
      %add3A_532 = arith.addi %mul3A_530, %add3A_531 : i32
      %mul3A_533 = arith.constant 26 : i32
      %mul3A_534 = arith.muli %add3A_532, %mul3A_533 : i32
      %get3A_535 = arith.constant 0 : index
      %get3A_536 = tpu.vector_load %arg11[%get3A_535] {strides = array<i32>} : memref<704xi32, #tpu.memory_space<vmem>>, vector<16xi32>,
      %get3A_537 = arith.constant 0 : index
      %get3A_538 = tpu.vector_load %arg12[%get3A_537] {strides = array<i32>} : memref<704xi32, #tpu.memory_space<vmem>>, vector<16xi32>,
      %add3A_539 = vector.broadcast %mul3A_534 : i32 to vector<16xi32>
      %add3A_540 = arith.addi %get3A_536, %add3A_539 : vector<16xi32>
      %gather3A_541 = tpu.vector_load_idx %arg9[%add3A_540] : memref<3328xi32, #tpu.memory_space<vmem>>[vector<16xi32>], vector<16xi32>,
      %add3A_542 = arith.addi %gather3A_541, %get3A_538 : vector<16xi32>
      %swap3A_543 = arith.constant 0 : index
      %swap3A_544 = tpu.vector_load %arg15[%swap3A_543] {strides = array<i32>} : memref<672xi32, #tpu.memory_space<vmem>>, vector<16xi32>,
      tpu.vector_store %arg15[%swap3A_543], %add3A_542 {strides = array<i32>} : memref<672xi32, #tpu.memory_space<vmem>>, vector<16xi32>,
      %get3A_545 = arith.constant 16 : index
      %get3A_546 = tpu.vector_load %arg11[%get3A_545] {strides = array<i32>} : memref<704xi32, #tpu.memory_space<vmem>>, vector<16xi32>,
      %get3A_547 = arith.constant 16 : index
      %get3A_548 = tpu.vector_load %arg12[%get3A_547] {strides = array<i32>} : memref<704xi32, #tpu.memory_space<vmem>>, vector<16xi32>,
      %add3A_549 = vector.broadcast %mul3A_534 : i32 to vector<16xi32>
      %add3A_550 = arith.addi %get3A_546, %add3A_549 : vector<16xi32>
      %gather3A_551 = tpu.vector_load_idx %arg9[%add3A_550] : memref<3328xi32, #tpu.memory_space<vmem>>[vector<16xi32>], vector<16xi32>,
      %add3A_552 = arith.addi %gather3A_551, %get3A_548 : vector<16xi32>
      %swap3A_553 = arith.constant 16 : index
      %swap3A_554 = tpu.vector_load %arg15[%swap3A_553] {strides = array<i32>} : memref<672xi32, #tpu.memory_space<vmem>>, vector<16xi32>,
      tpu.vector_store %arg15[%swap3A_553], %add3A_552 {strides = array<i32>} : memref<672xi32, #tpu.memory_space<vmem>>, vector<16xi32>,
      %get3A_555 = arith.constant 32 : index
      %get3A_556 = tpu.vector_load %arg11[%get3A_555] {strides = array<i32>} : memref<704xi32, #tpu.memory_space<vmem>>, vector<16xi32>,
      %get3A_557 = arith.constant 32 : index
      %get3A_558 = tpu.vector_load %arg12[%get3A_557] {strides = array<i32>} : memref<704xi32, #tpu.memory_space<vmem>>, vector<16xi32>,
      %add3A_559 = vector.broadcast %mul3A_534 : i32 to vector<16xi32>
      %add3A_560 = arith.addi %get3A_556, %add3A_559 : vector<16xi32>
      %gather3A_561 = tpu.vector_load_idx %arg9[%add3A_560] : memref<3328xi32, #tpu.memory_space<vmem>>[vector<16xi32>], vector<16xi32>,
      %add3A_562 = arith.addi %gather3A_561, %get3A_558 : vector<16xi32>
      %swap3A_563 = arith.constant 32 : index
      %swap3A_564 = tpu.vector_load %arg15[%swap3A_563] {strides = array<i32>} : memref<672xi32, #tpu.memory_space<vmem>>, vector<16xi32>,
      tpu.vector_store %arg15[%swap3A_563], %add3A_562 {strides = array<i32>} : memref<672xi32, #tpu.memory_space<vmem>>, vector<16xi32>,
      %get3A_565 = arith.constant 48 : index
      %get3A_566 = tpu.vector_load %arg11[%get3A_565] {strides = array<i32>} : memref<704xi32, #tpu.memory_space<vmem>>, vector<16xi32>,
      %get3A_567 = arith.constant 48 : index
      %get3A_568 = tpu.vector_load %arg12[%get3A_567] {strides = array<i32>} : memref<704xi32, #tpu.memory_space<vmem>>, vector<16xi32>,
      %add3A_569 = vector.broadcast %mul3A_534 : i32 to vector<16xi32>
      %add3A_570 = arith.addi %get3A_566, %add3A_569 : vector<16xi32>
      %gather3A_571 = tpu.vector_load_idx %arg9[%add3A_570] : memref<3328xi32, #tpu.memory_space<vmem>>[vector<16xi32>], vector<16xi32>,
      %add3A_572 = arith.addi %gather3A_571, %get3A_568 : vector<16xi32>
      %swap3A_573 = arith.constant 48 : index
      %swap3A_574 = tpu.vector_load %arg15[%swap3A_573] {strides = array<i32>} : memref<672xi32, #tpu.memory_space<vmem>>, vector<16xi32>,
      tpu.vector_store %arg15[%swap3A_573], %add3A_572 {strides = array<i32>} : memref<672xi32, #tpu.memory_space<vmem>>, vector<16xi32>,
      %get3A_575 = arith.constant 64 : index
      %get3A_576 = tpu.vector_load %arg11[%get3A_575] {strides = array<i32>} : memref<704xi32, #tpu.memory_space<vmem>>, vector<16xi32>,
      %get3A_577 = arith.constant 64 : index
      %get3A_578 = tpu.vector_load %arg12[%get3A_577] {strides = array<i32>} : memref<704xi32, #tpu.memory_space<vmem>>, vector<16xi32>,
      %add3A_579 = vector.broadcast %mul3A_534 : i32 to vector<16xi32>
      %add3A_580 = arith.addi %get3A_576, %add3A_579 : vector<16xi32>
      %gather3A_581 = tpu.vector_load_idx %arg9[%add3A_580] : memref<3328xi32, #tpu.memory_space<vmem>>[vector<16xi32>], vector<16xi32>,
      %add3A_582 = arith.addi %gather3A_581, %get3A_578 : vector<16xi32>
      %swap3A_583 = arith.constant 64 : index
      %swap3A_584 = tpu.vector_load %arg15[%swap3A_583] {strides = array<i32>} : memref<672xi32, #tpu.memory_space<vmem>>, vector<16xi32>,
      tpu.vector_store %arg15[%swap3A_583], %add3A_582 {strides = array<i32>} : memref<672xi32, #tpu.memory_space<vmem>>, vector<16xi32>,
      %get3A_585 = arith.constant 80 : index
      %get3A_586 = tpu.vector_load %arg11[%get3A_585] {strides = array<i32>} : memref<704xi32, #tpu.memory_space<vmem>>, vector<16xi32>,
      %get3A_587 = arith.constant 80 : index
      %get3A_588 = tpu.vector_load %arg12[%get3A_587] {strides = array<i32>} : memref<704xi32, #tpu.memory_space<vmem>>, vector<16xi32>,
      %add3A_589 = vector.broadcast %mul3A_534 : i32 to vector<16xi32>
      %add3A_590 = arith.addi %get3A_586, %add3A_589 : vector<16xi32>
      %gather3A_591 = tpu.vector_load_idx %arg9[%add3A_590] : memref<3328xi32, #tpu.memory_space<vmem>>[vector<16xi32>], vector<16xi32>,
      %add3A_592 = arith.addi %gather3A_591, %get3A_588 : vector<16xi32>
      %swap3A_593 = arith.constant 80 : index
      %swap3A_594 = tpu.vector_load %arg15[%swap3A_593] {strides = array<i32>} : memref<672xi32, #tpu.memory_space<vmem>>, vector<16xi32>,
      tpu.vector_store %arg15[%swap3A_593], %add3A_592 {strides = array<i32>} : memref<672xi32, #tpu.memory_space<vmem>>, vector<16xi32>,
      %get3A_595 = arith.constant 96 : index
      %get3A_596 = tpu.vector_load %arg11[%get3A_595] {strides = array<i32>} : memref<704xi32, #tpu.memory_space<vmem>>, vector<16xi32>,
      %get3A_597 = arith.constant 96 : index
      %get3A_598 = tpu.vector_load %arg12[%get3A_597] {strides = array<i32>} : memref<704xi32, #tpu.memory_space<vmem>>, vector<16xi32>,
      %add3A_599 = vector.broadcast %mul3A_534 : i32 to vector<16xi32>
      %add3A_600 = arith.addi %get3A_596, %add3A_599 : vector<16xi32>
      %gather3A_601 = tpu.vector_load_idx %arg9[%add3A_600] : memref<3328xi32, #tpu.memory_space<vmem>>[vector<16xi32>], vector<16xi32>,
      %add3A_602 = arith.addi %gather3A_601, %get3A_598 : vector<16xi32>
      %swap3A_603 = arith.constant 96 : index
      %swap3A_604 = tpu.vector_load %arg15[%swap3A_603] {strides = array<i32>} : memref<672xi32, #tpu.memory_space<vmem>>, vector<16xi32>,
      tpu.vector_store %arg15[%swap3A_603], %add3A_602 {strides = array<i32>} : memref<672xi32, #tpu.memory_space<vmem>>, vector<16xi32>,
      %get3A_605 = arith.constant 112 : index
      %get3A_606 = tpu.vector_load %arg11[%get3A_605] {strides = array<i32>} : memref<704xi32, #tpu.memory_space<vmem>>, vector<16xi32>,
      %get3A_607 = arith.constant 112 : index
      %get3A_608 = tpu.vector_load %arg12[%get3A_607] {strides = array<i32>} : memref<704xi32, #tpu.memory_space<vmem>>, vector<16xi32>,
      %add3A_609 = vector.broadcast %mul3A_534 : i32 to vector<16xi32>
      %add3A_610 = arith.addi %get3A_606, %add3A_609 : vector<16xi32>
      %gather3A_611 = tpu.vector_load_idx %arg9[%add3A_610] : memref<3328xi32, #tpu.memory_space<vmem>>[vector<16xi32>], vector<16xi32>,
      %add3A_612 = arith.addi %gather3A_611, %get3A_608 : vector<16xi32>
      %swap3A_613 = arith.constant 112 : index
      %swap3A_614 = tpu.vector_load %arg15[%swap3A_613] {strides = array<i32>} : memref<672xi32, #tpu.memory_space<vmem>>, vector<16xi32>,
      tpu.vector_store %arg15[%swap3A_613], %add3A_612 {strides = array<i32>} : memref<672xi32, #tpu.memory_space<vmem>>, vector<16xi32>,
      %get3A_615 = arith.constant 128 : index
      %get3A_616 = tpu.vector_load %arg11[%get3A_615] {strides = array<i32>} : memref<704xi32, #tpu.memory_space<vmem>>, vector<16xi32>,
      %get3A_617 = arith.constant 128 : index
      %get3A_618 = tpu.vector_load %arg12[%get3A_617] {strides = array<i32>} : memref<704xi32, #tpu.memory_space<vmem>>, vector<16xi32>,
      %add3A_619 = vector.broadcast %mul3A_534 : i32 to vector<16xi32>
      %add3A_620 = arith.addi %get3A_616, %add3A_619 : vector<16xi32>
      %gather3A_621 = tpu.vector_load_idx %arg9[%add3A_620] : memref<3328xi32, #tpu.memory_space<vmem>>[vector<16xi32>], vector<16xi32>,
      %add3A_622 = arith.addi %gather3A_621, %get3A_618 : vector<16xi32>
      %swap3A_623 = arith.constant 128 : index
      %swap3A_624 = tpu.vector_load %arg15[%swap3A_623] {strides = array<i32>} : memref<672xi32, #tpu.memory_space<vmem>>, vector<16xi32>,
      tpu.vector_store %arg15[%swap3A_623], %add3A_622 {strides = array<i32>} : memref<672xi32, #tpu.memory_space<vmem>>, vector<16xi32>,
      %get3A_625 = arith.constant 144 : index
      %get3A_626 = tpu.vector_load %arg11[%get3A_625] {strides = array<i32>} : memref<704xi32, #tpu.memory_space<vmem>>, vector<16xi32>,
      %get3A_627 = arith.constant 144 : index
      %get3A_628 = tpu.vector_load %arg12[%get3A_627] {strides = array<i32>} : memref<704xi32, #tpu.memory_space<vmem>>, vector<16xi32>,
      %add3A_629 = vector.broadcast %mul3A_534 : i32 to vector<16xi32>
      %add3A_630 = arith.addi %get3A_626, %add3A_629 : vector<16xi32>
      %gather3A_631 = tpu.vector_load_idx %arg9[%add3A_630] : memref<3328xi32, #tpu.memory_space<vmem>>[vector<16xi32>], vector<16xi32>,
      %add3A_632 = arith.addi %gather3A_631, %get3A_628 : vector<16xi32>
      %swap3A_633 = arith.constant 144 : index
      %swap3A_634 = tpu.vector_load %arg15[%swap3A_633] {strides = array<i32>} : memref<672xi32, #tpu.memory_space<vmem>>, vector<16xi32>,
      tpu.vector_store %arg15[%swap3A_633], %add3A_632 {strides = array<i32>} : memref<672xi32, #tpu.memory_space<vmem>>, vector<16xi32>,
      %get3A_635 = arith.constant 160 : index
      %get3A_636 = tpu.vector_load %arg11[%get3A_635] {strides = array<i32>} : memref<704xi32, #tpu.memory_space<vmem>>, vector<16xi32>,
      %get3A_637 = arith.constant 160 : index
      %get3A_638 = tpu.vector_load %arg12[%get3A_637] {strides = array<i32>} : memref<704xi32, #tpu.memory_space<vmem>>, vector<16xi32>,
      %add3A_639 = vector.broadcast %mul3A_534 : i32 to vector<16xi32>
      %add3A_640 = arith.addi %get3A_636, %add3A_639 : vector<16xi32>
      %gather3A_641 = tpu.vector_load_idx %arg9[%add3A_640] : memref<3328xi32, #tpu.memory_space<vmem>>[vector<16xi32>], vector<16xi32>,
      %add3A_642 = arith.addi %gather3A_641, %get3A_638 : vector<16xi32>
      %swap3A_643 = arith.constant 160 : index
      %swap3A_644 = tpu.vector_load %arg15[%swap3A_643] {strides = array<i32>} : memref<672xi32, #tpu.memory_space<vmem>>, vector<16xi32>,
      tpu.vector_store %arg15[%swap3A_643], %add3A_642 {strides = array<i32>} : memref<672xi32, #tpu.memory_space<vmem>>, vector<16xi32>,
      %get3A_645 = arith.constant 176 : index
      %get3A_646 = tpu.vector_load %arg11[%get3A_645] {strides = array<i32>} : memref<704xi32, #tpu.memory_space<vmem>>, vector<16xi32>,
      %get3A_647 = arith.constant 176 : index
      %get3A_648 = tpu.vector_load %arg12[%get3A_647] {strides = array<i32>} : memref<704xi32, #tpu.memory_space<vmem>>, vector<16xi32>,
      %add3A_649 = vector.broadcast %mul3A_534 : i32 to vector<16xi32>
      %add3A_650 = arith.addi %get3A_646, %add3A_649 : vector<16xi32>
      %gather3A_651 = tpu.vector_load_idx %arg9[%add3A_650] : memref<3328xi32, #tpu.memory_space<vmem>>[vector<16xi32>], vector<16xi32>,
      %add3A_652 = arith.addi %gather3A_651, %get3A_648 : vector<16xi32>
      %swap3A_653 = arith.constant 176 : index
      %swap3A_654 = tpu.vector_load %arg15[%swap3A_653] {strides = array<i32>} : memref<672xi32, #tpu.memory_space<vmem>>, vector<16xi32>,
      tpu.vector_store %arg15[%swap3A_653], %add3A_652 {strides = array<i32>} : memref<672xi32, #tpu.memory_space<vmem>>, vector<16xi32>,
      %get3A_655 = arith.constant 192 : index
      %get3A_656 = tpu.vector_load %arg11[%get3A_655] {strides = array<i32>} : memref<704xi32, #tpu.memory_space<vmem>>, vector<16xi32>,
      %get3A_657 = arith.constant 192 : index
      %get3A_658 = tpu.vector_load %arg12[%get3A_657] {strides = array<i32>} : memref<704xi32, #tpu.memory_space<vmem>>, vector<16xi32>,
      %add3A_659 = vector.broadcast %mul3A_534 : i32 to vector<16xi32>
      %add3A_660 = arith.addi %get3A_656, %add3A_659 : vector<16xi32>
      %gather3A_661 = tpu.vector_load_idx %arg9[%add3A_660] : memref<3328xi32, #tpu.memory_space<vmem>>[vector<16xi32>], vector<16xi32>,
      %add3A_662 = arith.addi %gather3A_661, %get3A_658 : vector<16xi32>
      %swap3A_663 = arith.constant 192 : index
      %swap3A_664 = tpu.vector_load %arg15[%swap3A_663] {strides = array<i32>} : memref<672xi32, #tpu.memory_space<vmem>>, vector<16xi32>,
      tpu.vector_store %arg15[%swap3A_663], %add3A_662 {strides = array<i32>} : memref<672xi32, #tpu.memory_space<vmem>>, vector<16xi32>,
      %get3A_665 = arith.constant 208 : index
      %get3A_666 = tpu.vector_load %arg11[%get3A_665] {strides = array<i32>} : memref<704xi32, #tpu.memory_space<vmem>>, vector<16xi32>,
      %get3A_667 = arith.constant 208 : index
      %get3A_668 = tpu.vector_load %arg12[%get3A_667] {strides = array<i32>} : memref<704xi32, #tpu.memory_space<vmem>>, vector<16xi32>,
      %add3A_669 = vector.broadcast %mul3A_534 : i32 to vector<16xi32>
      %add3A_670 = arith.addi %get3A_666, %add3A_669 : vector<16xi32>
      %gather3A_671 = tpu.vector_load_idx %arg9[%add3A_670] : memref<3328xi32, #tpu.memory_space<vmem>>[vector<16xi32>], vector<16xi32>,
      %add3A_672 = arith.addi %gather3A_671, %get3A_668 : vector<16xi32>
      %swap3A_673 = arith.constant 208 : index
      %swap3A_674 = tpu.vector_load %arg15[%swap3A_673] {strides = array<i32>} : memref<672xi32, #tpu.memory_space<vmem>>, vector<16xi32>,
      tpu.vector_store %arg15[%swap3A_673], %add3A_672 {strides = array<i32>} : memref<672xi32, #tpu.memory_space<vmem>>, vector<16xi32>,
      %get3A_675 = arith.constant 224 : index
      %get3A_676 = tpu.vector_load %arg11[%get3A_675] {strides = array<i32>} : memref<704xi32, #tpu.memory_space<vmem>>, vector<16xi32>,
      %get3A_677 = arith.constant 224 : index
      %get3A_678 = tpu.vector_load %arg12[%get3A_677] {strides = array<i32>} : memref<704xi32, #tpu.memory_space<vmem>>, vector<16xi32>,
      %add3A_679 = vector.broadcast %mul3A_534 : i32 to vector<16xi32>
      %add3A_680 = arith.addi %get3A_676, %add3A_679 : vector<16xi32>
      %gather3A_681 = tpu.vector_load_idx %arg9[%add3A_680] : memref<3328xi32, #tpu.memory_space<vmem>>[vector<16xi32>], vector<16xi32>,
      %add3A_682 = arith.addi %gather3A_681, %get3A_678 : vector<16xi32>
      %swap3A_683 = arith.constant 224 : index
      %swap3A_684 = tpu.vector_load %arg15[%swap3A_683] {strides = array<i32>} : memref<672xi32, #tpu.memory_space<vmem>>, vector<16xi32>,
      tpu.vector_store %arg15[%swap3A_683], %add3A_682 {strides = array<i32>} : memref<672xi32, #tpu.memory_space<vmem>>, vector<16xi32>,
      %get3A_685 = arith.constant 240 : index
      %get3A_686 = tpu.vector_load %arg11[%get3A_685] {strides = array<i32>} : memref<704xi32, #tpu.memory_space<vmem>>, vector<16xi32>,
      %get3A_687 = arith.constant 240 : index
      %get3A_688 = tpu.vector_load %arg12[%get3A_687] {strides = array<i32>} : memref<704xi32, #tpu.memory_space<vmem>>, vector<16xi32>,
      %add3A_689 = vector.broadcast %mul3A_534 : i32 to vector<16xi32>
      %add3A_690 = arith.addi %get3A_686, %add3A_689 : vector<16xi32>
      %gather3A_691 = tpu.vector_load_idx %arg9[%add3A_690] : memref<3328xi32, #tpu.memory_space<vmem>>[vector<16xi32>], vector<16xi32>,
      %add3A_692 = arith.addi %gather3A_691, %get3A_688 : vector<16xi32>
      %swap3A_693 = arith.constant 240 : index
      %swap3A_694 = tpu.vector_load %arg15[%swap3A_693] {strides = array<i32>} : memref<672xi32, #tpu.memory_space<vmem>>, vector<16xi32>,
      tpu.vector_store %arg15[%swap3A_693], %add3A_692 {strides = array<i32>} : memref<672xi32, #tpu.memory_space<vmem>>, vector<16xi32>,
      %get3A_695 = arith.constant 256 : index
      %get3A_696 = tpu.vector_load %arg11[%get3A_695] {strides = array<i32>} : memref<704xi32, #tpu.memory_space<vmem>>, vector<16xi32>,
      %get3A_697 = arith.constant 256 : index
      %get3A_698 = tpu.vector_load %arg12[%get3A_697] {strides = array<i32>} : memref<704xi32, #tpu.memory_space<vmem>>, vector<16xi32>,
      %add3A_699 = vector.broadcast %mul3A_534 : i32 to vector<16xi32>
      %add3A_700 = arith.addi %get3A_696, %add3A_699 : vector<16xi32>
      %gather3A_701 = tpu.vector_load_idx %arg9[%add3A_700] : memref<3328xi32, #tpu.memory_space<vmem>>[vector<16xi32>], vector<16xi32>,
      %add3A_702 = arith.addi %gather3A_701, %get3A_698 : vector<16xi32>
      %swap3A_703 = arith.constant 256 : index
      %swap3A_704 = tpu.vector_load %arg15[%swap3A_703] {strides = array<i32>} : memref<672xi32, #tpu.memory_space<vmem>>, vector<16xi32>,
      tpu.vector_store %arg15[%swap3A_703], %add3A_702 {strides = array<i32>} : memref<672xi32, #tpu.memory_space<vmem>>, vector<16xi32>,
      %get3A_705 = arith.constant 272 : index
      %get3A_706 = tpu.vector_load %arg11[%get3A_705] {strides = array<i32>} : memref<704xi32, #tpu.memory_space<vmem>>, vector<16xi32>,
      %get3A_707 = arith.constant 272 : index
      %get3A_708 = tpu.vector_load %arg12[%get3A_707] {strides = array<i32>} : memref<704xi32, #tpu.memory_space<vmem>>, vector<16xi32>,
      %add3A_709 = vector.broadcast %mul3A_534 : i32 to vector<16xi32>
      %add3A_710 = arith.addi %get3A_706, %add3A_709 : vector<16xi32>
      %gather3A_711 = tpu.vector_load_idx %arg9[%add3A_710] : memref<3328xi32, #tpu.memory_space<vmem>>[vector<16xi32>], vector<16xi32>,
      %add3A_712 = arith.addi %gather3A_711, %get3A_708 : vector<16xi32>
      %swap3A_713 = arith.constant 272 : index
      %swap3A_714 = tpu.vector_load %arg15[%swap3A_713] {strides = array<i32>} : memref<672xi32, #tpu.memory_space<vmem>>, vector<16xi32>,
      tpu.vector_store %arg15[%swap3A_713], %add3A_712 {strides = array<i32>} : memref<672xi32, #tpu.memory_space<vmem>>, vector<16xi32>,
      %get3A_715 = arith.constant 288 : index
      %get3A_716 = tpu.vector_load %arg11[%get3A_715] {strides = array<i32>} : memref<704xi32, #tpu.memory_space<vmem>>, vector<16xi32>,
      %get3A_717 = arith.constant 288 : index
      %get3A_718 = tpu.vector_load %arg12[%get3A_717] {strides = array<i32>} : memref<704xi32, #tpu.memory_space<vmem>>, vector<16xi32>,
      %add3A_719 = vector.broadcast %mul3A_534 : i32 to vector<16xi32>
      %add3A_720 = arith.addi %get3A_716, %add3A_719 : vector<16xi32>
      %gather3A_721 = tpu.vector_load_idx %arg9[%add3A_720] : memref<3328xi32, #tpu.memory_space<vmem>>[vector<16xi32>], vector<16xi32>,
      %add3A_722 = arith.addi %gather3A_721, %get3A_718 : vector<16xi32>
      %swap3A_723 = arith.constant 288 : index
      %swap3A_724 = tpu.vector_load %arg15[%swap3A_723] {strides = array<i32>} : memref<672xi32, #tpu.memory_space<vmem>>, vector<16xi32>,
      tpu.vector_store %arg15[%swap3A_723], %add3A_722 {strides = array<i32>} : memref<672xi32, #tpu.memory_space<vmem>>, vector<16xi32>,
      %get3A_725 = arith.constant 304 : index
      %get3A_726 = tpu.vector_load %arg11[%get3A_725] {strides = array<i32>} : memref<704xi32, #tpu.memory_space<vmem>>, vector<16xi32>,
      %get3A_727 = arith.constant 304 : index
      %get3A_728 = tpu.vector_load %arg12[%get3A_727] {strides = array<i32>} : memref<704xi32, #tpu.memory_space<vmem>>, vector<16xi32>,
      %add3A_729 = vector.broadcast %mul3A_534 : i32 to vector<16xi32>
      %add3A_730 = arith.addi %get3A_726, %add3A_729 : vector<16xi32>
      %gather3A_731 = tpu.vector_load_idx %arg9[%add3A_730] : memref<3328xi32, #tpu.memory_space<vmem>>[vector<16xi32>], vector<16xi32>,
      %add3A_732 = arith.addi %gather3A_731, %get3A_728 : vector<16xi32>
      %swap3A_733 = arith.constant 304 : index
      %swap3A_734 = tpu.vector_load %arg15[%swap3A_733] {strides = array<i32>} : memref<672xi32, #tpu.memory_space<vmem>>, vector<16xi32>,
      tpu.vector_store %arg15[%swap3A_733], %add3A_732 {strides = array<i32>} : memref<672xi32, #tpu.memory_space<vmem>>, vector<16xi32>,
      %get3A_735 = arith.constant 320 : index
      %get3A_736 = tpu.vector_load %arg11[%get3A_735] {strides = array<i32>} : memref<704xi32, #tpu.memory_space<vmem>>, vector<16xi32>,
      %get3A_737 = arith.constant 320 : index
      %get3A_738 = tpu.vector_load %arg12[%get3A_737] {strides = array<i32>} : memref<704xi32, #tpu.memory_space<vmem>>, vector<16xi32>,
      %add3A_739 = vector.broadcast %mul3A_534 : i32 to vector<16xi32>
      %add3A_740 = arith.addi %get3A_736, %add3A_739 : vector<16xi32>
      %gather3A_741 = tpu.vector_load_idx %arg9[%add3A_740] : memref<3328xi32, #tpu.memory_space<vmem>>[vector<16xi32>], vector<16xi32>,
      %add3A_742 = arith.addi %gather3A_741, %get3A_738 : vector<16xi32>
      %swap3A_743 = arith.constant 320 : index
      %swap3A_744 = tpu.vector_load %arg15[%swap3A_743] {strides = array<i32>} : memref<672xi32, #tpu.memory_space<vmem>>, vector<16xi32>,
      tpu.vector_store %arg15[%swap3A_743], %add3A_742 {strides = array<i32>} : memref<672xi32, #tpu.memory_space<vmem>>, vector<16xi32>,
      %get3A_745 = arith.constant 336 : index
      %get3A_746 = tpu.vector_load %arg11[%get3A_745] {strides = array<i32>} : memref<704xi32, #tpu.memory_space<vmem>>, vector<16xi32>,
      %get3A_747 = arith.constant 336 : index
      %get3A_748 = tpu.vector_load %arg12[%get3A_747] {strides = array<i32>} : memref<704xi32, #tpu.memory_space<vmem>>, vector<16xi32>,
      %add3A_749 = vector.broadcast %mul3A_534 : i32 to vector<16xi32>
      %add3A_750 = arith.addi %get3A_746, %add3A_749 : vector<16xi32>
      %gather3A_751 = tpu.vector_load_idx %arg9[%add3A_750] : memref<3328xi32, #tpu.memory_space<vmem>>[vector<16xi32>], vector<16xi32>,
      %add3A_752 = arith.addi %gather3A_751, %get3A_748 : vector<16xi32>
      %swap3A_753 = arith.constant 336 : index
      %swap3A_754 = tpu.vector_load %arg15[%swap3A_753] {strides = array<i32>} : memref<672xi32, #tpu.memory_space<vmem>>, vector<16xi32>,
      tpu.vector_store %arg15[%swap3A_753], %add3A_752 {strides = array<i32>} : memref<672xi32, #tpu.memory_space<vmem>>, vector<16xi32>,
      %get3A_755 = arith.constant 352 : index
      %get3A_756 = tpu.vector_load %arg11[%get3A_755] {strides = array<i32>} : memref<704xi32, #tpu.memory_space<vmem>>, vector<16xi32>,
      %get3A_757 = arith.constant 352 : index
      %get3A_758 = tpu.vector_load %arg12[%get3A_757] {strides = array<i32>} : memref<704xi32, #tpu.memory_space<vmem>>, vector<16xi32>,
      %add3A_759 = vector.broadcast %mul3A_534 : i32 to vector<16xi32>
      %add3A_760 = arith.addi %get3A_756, %add3A_759 : vector<16xi32>
      %gather3A_761 = tpu.vector_load_idx %arg9[%add3A_760] : memref<3328xi32, #tpu.memory_space<vmem>>[vector<16xi32>], vector<16xi32>,
      %add3A_762 = arith.addi %gather3A_761, %get3A_758 : vector<16xi32>
      %swap3A_763 = arith.constant 352 : index
      %swap3A_764 = tpu.vector_load %arg15[%swap3A_763] {strides = array<i32>} : memref<672xi32, #tpu.memory_space<vmem>>, vector<16xi32>,
      tpu.vector_store %arg15[%swap3A_763], %add3A_762 {strides = array<i32>} : memref<672xi32, #tpu.memory_space<vmem>>, vector<16xi32>,
      %get3A_765 = arith.constant 368 : index
      %get3A_766 = tpu.vector_load %arg11[%get3A_765] {strides = array<i32>} : memref<704xi32, #tpu.memory_space<vmem>>, vector<16xi32>,
      %get3A_767 = arith.constant 368 : index
      %get3A_768 = tpu.vector_load %arg12[%get3A_767] {strides = array<i32>} : memref<704xi32, #tpu.memory_space<vmem>>, vector<16xi32>,
      %add3A_769 = vector.broadcast %mul3A_534 : i32 to vector<16xi32>
      %add3A_770 = arith.addi %get3A_766, %add3A_769 : vector<16xi32>
      %gather3A_771 = tpu.vector_load_idx %arg9[%add3A_770] : memref<3328xi32, #tpu.memory_space<vmem>>[vector<16xi32>], vector<16xi32>,
      %add3A_772 = arith.addi %gather3A_771, %get3A_768 : vector<16xi32>
      %swap3A_773 = arith.constant 368 : index
      %swap3A_774 = tpu.vector_load %arg15[%swap3A_773] {strides = array<i32>} : memref<672xi32, #tpu.memory_space<vmem>>, vector<16xi32>,
      tpu.vector_store %arg15[%swap3A_773], %add3A_772 {strides = array<i32>} : memref<672xi32, #tpu.memory_space<vmem>>, vector<16xi32>,
      %get3A_775 = arith.constant 384 : index
      %get3A_776 = tpu.vector_load %arg11[%get3A_775] {strides = array<i32>} : memref<704xi32, #tpu.memory_space<vmem>>, vector<16xi32>,
      %get3A_777 = arith.constant 384 : index
      %get3A_778 = tpu.vector_load %arg12[%get3A_777] {strides = array<i32>} : memref<704xi32, #tpu.memory_space<vmem>>, vector<16xi32>,
      %add3A_779 = vector.broadcast %mul3A_534 : i32 to vector<16xi32>
      %add3A_780 = arith.addi %get3A_776, %add3A_779 : vector<16xi32>
      %gather3A_781 = tpu.vector_load_idx %arg9[%add3A_780] : memref<3328xi32, #tpu.memory_space<vmem>>[vector<16xi32>], vector<16xi32>,
      %add3A_782 = arith.addi %gather3A_781, %get3A_778 : vector<16xi32>
      %swap3A_783 = arith.constant 384 : index
      %swap3A_784 = tpu.vector_load %arg15[%swap3A_783] {strides = array<i32>} : memref<672xi32, #tpu.memory_space<vmem>>, vector<16xi32>,
      tpu.vector_store %arg15[%swap3A_783], %add3A_782 {strides = array<i32>} : memref<672xi32, #tpu.memory_space<vmem>>, vector<16xi32>,
      %get3A_785 = arith.constant 400 : index
      %get3A_786 = tpu.vector_load %arg11[%get3A_785] {strides = array<i32>} : memref<704xi32, #tpu.memory_space<vmem>>, vector<16xi32>,
      %get3A_787 = arith.constant 400 : index
      %get3A_788 = tpu.vector_load %arg12[%get3A_787] {strides = array<i32>} : memref<704xi32, #tpu.memory_space<vmem>>, vector<16xi32>,
      %add3A_789 = vector.broadcast %mul3A_534 : i32 to vector<16xi32>
      %add3A_790 = arith.addi %get3A_786, %add3A_789 : vector<16xi32>
      %gather3A_791 = tpu.vector_load_idx %arg9[%add3A_790] : memref<3328xi32, #tpu.memory_space<vmem>>[vector<16xi32>], vector<16xi32>,
      %add3A_792 = arith.addi %gather3A_791, %get3A_788 : vector<16xi32>
      %swap3A_793 = arith.constant 400 : index
      %swap3A_794 = tpu.vector_load %arg15[%swap3A_793] {strides = array<i32>} : memref<672xi32, #tpu.memory_space<vmem>>, vector<16xi32>,
      tpu.vector_store %arg15[%swap3A_793], %add3A_792 {strides = array<i32>} : memref<672xi32, #tpu.memory_space<vmem>>, vector<16xi32>,
      %get3A_795 = arith.constant 416 : index
      %get3A_796 = tpu.vector_load %arg11[%get3A_795] {strides = array<i32>} : memref<704xi32, #tpu.memory_space<vmem>>, vector<16xi32>,
      %get3A_797 = arith.constant 416 : index
      %get3A_798 = tpu.vector_load %arg12[%get3A_797] {strides = array<i32>} : memref<704xi32, #tpu.memory_space<vmem>>, vector<16xi32>,
      %add3A_799 = vector.broadcast %mul3A_534 : i32 to vector<16xi32>
      %add3A_800 = arith.addi %get3A_796, %add3A_799 : vector<16xi32>
      %gather3A_801 = tpu.vector_load_idx %arg9[%add3A_800] : memref<3328xi32, #tpu.memory_space<vmem>>[vector<16xi32>], vector<16xi32>,
      %add3A_802 = arith.addi %gather3A_801, %get3A_798 : vector<16xi32>
      %swap3A_803 = arith.constant 416 : index
      %swap3A_804 = tpu.vector_load %arg15[%swap3A_803] {strides = array<i32>} : memref<672xi32, #tpu.memory_space<vmem>>, vector<16xi32>,
      tpu.vector_store %arg15[%swap3A_803], %add3A_802 {strides = array<i32>} : memref<672xi32, #tpu.memory_space<vmem>>, vector<16xi32>,
      %get3A_805 = arith.constant 432 : index
      %get3A_806 = tpu.vector_load %arg11[%get3A_805] {strides = array<i32>} : memref<704xi32, #tpu.memory_space<vmem>>, vector<16xi32>,
      %get3A_807 = arith.constant 432 : index
      %get3A_808 = tpu.vector_load %arg12[%get3A_807] {strides = array<i32>} : memref<704xi32, #tpu.memory_space<vmem>>, vector<16xi32>,
      %add3A_809 = vector.broadcast %mul3A_534 : i32 to vector<16xi32>
      %add3A_810 = arith.addi %get3A_806, %add3A_809 : vector<16xi32>
      %gather3A_811 = tpu.vector_load_idx %arg9[%add3A_810] : memref<3328xi32, #tpu.memory_space<vmem>>[vector<16xi32>], vector<16xi32>,
      %add3A_812 = arith.addi %gather3A_811, %get3A_808 : vector<16xi32>
      %swap3A_813 = arith.constant 432 : index
      %swap3A_814 = tpu.vector_load %arg15[%swap3A_813] {strides = array<i32>} : memref<672xi32, #tpu.memory_space<vmem>>, vector<16xi32>,
      tpu.vector_store %arg15[%swap3A_813], %add3A_812 {strides = array<i32>} : memref<672xi32, #tpu.memory_space<vmem>>, vector<16xi32>,
      %get3A_815 = arith.constant 448 : index
      %get3A_816 = tpu.vector_load %arg11[%get3A_815] {strides = array<i32>} : memref<704xi32, #tpu.memory_space<vmem>>, vector<16xi32>,
      %get3A_817 = arith.constant 448 : index
      %get3A_818 = tpu.vector_load %arg12[%get3A_817] {strides = array<i32>} : memref<704xi32, #tpu.memory_space<vmem>>, vector<16xi32>,
      %add3A_819 = vector.broadcast %mul3A_534 : i32 to vector<16xi32>
      %add3A_820 = arith.addi %get3A_816, %add3A_819 : vector<16xi32>
      %gather3A_821 = tpu.vector_load_idx %arg9[%add3A_820] : memref<3328xi32, #tpu.memory_space<vmem>>[vector<16xi32>], vector<16xi32>,
      %add3A_822 = arith.addi %gather3A_821, %get3A_818 : vector<16xi32>
      %swap3A_823 = arith.constant 448 : index
      %swap3A_824 = tpu.vector_load %arg15[%swap3A_823] {strides = array<i32>} : memref<672xi32, #tpu.memory_space<vmem>>, vector<16xi32>,
      tpu.vector_store %arg15[%swap3A_823], %add3A_822 {strides = array<i32>} : memref<672xi32, #tpu.memory_space<vmem>>, vector<16xi32>,
      %get3A_825 = arith.constant 464 : index
      %get3A_826 = tpu.vector_load %arg11[%get3A_825] {strides = array<i32>} : memref<704xi32, #tpu.memory_space<vmem>>, vector<16xi32>,
      %get3A_827 = arith.constant 464 : index
      %get3A_828 = tpu.vector_load %arg12[%get3A_827] {strides = array<i32>} : memref<704xi32, #tpu.memory_space<vmem>>, vector<16xi32>,
      %add3A_829 = vector.broadcast %mul3A_534 : i32 to vector<16xi32>
      %add3A_830 = arith.addi %get3A_826, %add3A_829 : vector<16xi32>
      %gather3A_831 = tpu.vector_load_idx %arg9[%add3A_830] : memref<3328xi32, #tpu.memory_space<vmem>>[vector<16xi32>], vector<16xi32>,
      %add3A_832 = arith.addi %gather3A_831, %get3A_828 : vector<16xi32>
      %swap3A_833 = arith.constant 464 : index
      %swap3A_834 = tpu.vector_load %arg15[%swap3A_833] {strides = array<i32>} : memref<672xi32, #tpu.memory_space<vmem>>, vector<16xi32>,
      tpu.vector_store %arg15[%swap3A_833], %add3A_832 {strides = array<i32>} : memref<672xi32, #tpu.memory_space<vmem>>, vector<16xi32>,
      %get3A_835 = arith.constant 480 : index
      %get3A_836 = tpu.vector_load %arg11[%get3A_835] {strides = array<i32>} : memref<704xi32, #tpu.memory_space<vmem>>, vector<16xi32>,
      %get3A_837 = arith.constant 480 : index
      %get3A_838 = tpu.vector_load %arg12[%get3A_837] {strides = array<i32>} : memref<704xi32, #tpu.memory_space<vmem>>, vector<16xi32>,
      %add3A_839 = vector.broadcast %mul3A_534 : i32 to vector<16xi32>
      %add3A_840 = arith.addi %get3A_836, %add3A_839 : vector<16xi32>
      %gather3A_841 = tpu.vector_load_idx %arg9[%add3A_840] : memref<3328xi32, #tpu.memory_space<vmem>>[vector<16xi32>], vector<16xi32>,
      %add3A_842 = arith.addi %gather3A_841, %get3A_838 : vector<16xi32>
      %swap3A_843 = arith.constant 480 : index
      %swap3A_844 = tpu.vector_load %arg15[%swap3A_843] {strides = array<i32>} : memref<672xi32, #tpu.memory_space<vmem>>, vector<16xi32>,
      tpu.vector_store %arg15[%swap3A_843], %add3A_842 {strides = array<i32>} : memref<672xi32, #tpu.memory_space<vmem>>, vector<16xi32>,
      %get3A_845 = arith.constant 496 : index
      %get3A_846 = tpu.vector_load %arg11[%get3A_845] {strides = array<i32>} : memref<704xi32, #tpu.memory_space<vmem>>, vector<16xi32>,
      %get3A_847 = arith.constant 496 : index
      %get3A_848 = tpu.vector_load %arg12[%get3A_847] {strides = array<i32>} : memref<704xi32, #tpu.memory_space<vmem>>, vector<16xi32>,
      %add3A_849 = vector.broadcast %mul3A_534 : i32 to vector<16xi32>
      %add3A_850 = arith.addi %get3A_846, %add3A_849 : vector<16xi32>
      %gather3A_851 = tpu.vector_load_idx %arg9[%add3A_850] : memref<3328xi32, #tpu.memory_space<vmem>>[vector<16xi32>], vector<16xi32>,
      %add3A_852 = arith.addi %gather3A_851, %get3A_848 : vector<16xi32>
      %swap3A_853 = arith.constant 496 : index
      %swap3A_854 = tpu.vector_load %arg15[%swap3A_853] {strides = array<i32>} : memref<672xi32, #tpu.memory_space<vmem>>, vector<16xi32>,
      tpu.vector_store %arg15[%swap3A_853], %add3A_852 {strides = array<i32>} : memref<672xi32, #tpu.memory_space<vmem>>, vector<16xi32>,
      %get3A_855 = arith.constant 512 : index
      %get3A_856 = tpu.vector_load %arg11[%get3A_855] {strides = array<i32>} : memref<704xi32, #tpu.memory_space<vmem>>, vector<16xi32>,
      %get3A_857 = arith.constant 512 : index
      %get3A_858 = tpu.vector_load %arg12[%get3A_857] {strides = array<i32>} : memref<704xi32, #tpu.memory_space<vmem>>, vector<16xi32>,
      %add3A_859 = vector.broadcast %mul3A_534 : i32 to vector<16xi32>
      %add3A_860 = arith.addi %get3A_856, %add3A_859 : vector<16xi32>
      %gather3A_861 = tpu.vector_load_idx %arg9[%add3A_860] : memref<3328xi32, #tpu.memory_space<vmem>>[vector<16xi32>], vector<16xi32>,
      %add3A_862 = arith.addi %gather3A_861, %get3A_858 : vector<16xi32>
      %swap3A_863 = arith.constant 512 : index
      %swap3A_864 = tpu.vector_load %arg15[%swap3A_863] {strides = array<i32>} : memref<672xi32, #tpu.memory_space<vmem>>, vector<16xi32>,
      tpu.vector_store %arg15[%swap3A_863], %add3A_862 {strides = array<i32>} : memref<672xi32, #tpu.memory_space<vmem>>, vector<16xi32>,
      %get3A_865 = arith.constant 528 : index
      %get3A_866 = tpu.vector_load %arg11[%get3A_865] {strides = array<i32>} : memref<704xi32, #tpu.memory_space<vmem>>, vector<16xi32>,
      %get3A_867 = arith.constant 528 : index
      %get3A_868 = tpu.vector_load %arg12[%get3A_867] {strides = array<i32>} : memref<704xi32, #tpu.memory_space<vmem>>, vector<16xi32>,
      %add3A_869 = vector.broadcast %mul3A_534 : i32 to vector<16xi32>
      %add3A_870 = arith.addi %get3A_866, %add3A_869 : vector<16xi32>
      %gather3A_871 = tpu.vector_load_idx %arg9[%add3A_870] : memref<3328xi32, #tpu.memory_space<vmem>>[vector<16xi32>], vector<16xi32>,
      %add3A_872 = arith.addi %gather3A_871, %get3A_868 : vector<16xi32>
      %swap3A_873 = arith.constant 528 : index
      %swap3A_874 = tpu.vector_load %arg15[%swap3A_873] {strides = array<i32>} : memref<672xi32, #tpu.memory_space<vmem>>, vector<16xi32>,
      tpu.vector_store %arg15[%swap3A_873], %add3A_872 {strides = array<i32>} : memref<672xi32, #tpu.memory_space<vmem>>, vector<16xi32>,
      %get3A_875 = arith.constant 544 : index
      %get3A_876 = tpu.vector_load %arg11[%get3A_875] {strides = array<i32>} : memref<704xi32, #tpu.memory_space<vmem>>, vector<16xi32>,
      %get3A_877 = arith.constant 544 : index
      %get3A_878 = tpu.vector_load %arg12[%get3A_877] {strides = array<i32>} : memref<704xi32, #tpu.memory_space<vmem>>, vector<16xi32>,
      %add3A_879 = vector.broadcast %mul3A_534 : i32 to vector<16xi32>
      %add3A_880 = arith.addi %get3A_876, %add3A_879 : vector<16xi32>
      %gather3A_881 = tpu.vector_load_idx %arg9[%add3A_880] : memref<3328xi32, #tpu.memory_space<vmem>>[vector<16xi32>], vector<16xi32>,
      %add3A_882 = arith.addi %gather3A_881, %get3A_878 : vector<16xi32>
      %swap3A_883 = arith.constant 544 : index
      %swap3A_884 = tpu.vector_load %arg15[%swap3A_883] {strides = array<i32>} : memref<672xi32, #tpu.memory_space<vmem>>, vector<16xi32>,
      tpu.vector_store %arg15[%swap3A_883], %add3A_882 {strides = array<i32>} : memref<672xi32, #tpu.memory_space<vmem>>, vector<16xi32>,
      %get3A_885 = arith.constant 560 : index
      %get3A_886 = tpu.vector_load %arg11[%get3A_885] {strides = array<i32>} : memref<704xi32, #tpu.memory_space<vmem>>, vector<16xi32>,
      %get3A_887 = arith.constant 560 : index
      %get3A_888 = tpu.vector_load %arg12[%get3A_887] {strides = array<i32>} : memref<704xi32, #tpu.memory_space<vmem>>, vector<16xi32>,
      %add3A_889 = vector.broadcast %mul3A_534 : i32 to vector<16xi32>
      %add3A_890 = arith.addi %get3A_886, %add3A_889 : vector<16xi32>
      %gather3A_891 = tpu.vector_load_idx %arg9[%add3A_890] : memref<3328xi32, #tpu.memory_space<vmem>>[vector<16xi32>], vector<16xi32>,
      %add3A_892 = arith.addi %gather3A_891, %get3A_888 : vector<16xi32>
      %swap3A_893 = arith.constant 560 : index
      %swap3A_894 = tpu.vector_load %arg15[%swap3A_893] {strides = array<i32>} : memref<672xi32, #tpu.memory_space<vmem>>, vector<16xi32>,
      tpu.vector_store %arg15[%swap3A_893], %add3A_892 {strides = array<i32>} : memref<672xi32, #tpu.memory_space<vmem>>, vector<16xi32>,
      %get3A_895 = arith.constant 576 : index
      %get3A_896 = tpu.vector_load %arg11[%get3A_895] {strides = array<i32>} : memref<704xi32, #tpu.memory_space<vmem>>, vector<16xi32>,
      %get3A_897 = arith.constant 576 : index
      %get3A_898 = tpu.vector_load %arg12[%get3A_897] {strides = array<i32>} : memref<704xi32, #tpu.memory_space<vmem>>, vector<16xi32>,
      %add3A_899 = vector.broadcast %mul3A_534 : i32 to vector<16xi32>
      %add3A_900 = arith.addi %get3A_896, %add3A_899 : vector<16xi32>
      %gather3A_901 = tpu.vector_load_idx %arg9[%add3A_900] : memref<3328xi32, #tpu.memory_space<vmem>>[vector<16xi32>], vector<16xi32>,
      %add3A_902 = arith.addi %gather3A_901, %get3A_898 : vector<16xi32>
      %swap3A_903 = arith.constant 576 : index
      %swap3A_904 = tpu.vector_load %arg15[%swap3A_903] {strides = array<i32>} : memref<672xi32, #tpu.memory_space<vmem>>, vector<16xi32>,
      tpu.vector_store %arg15[%swap3A_903], %add3A_902 {strides = array<i32>} : memref<672xi32, #tpu.memory_space<vmem>>, vector<16xi32>,
      %get3A_905 = arith.constant 592 : index
      %get3A_906 = tpu.vector_load %arg11[%get3A_905] {strides = array<i32>} : memref<704xi32, #tpu.memory_space<vmem>>, vector<16xi32>,
      %get3A_907 = arith.constant 592 : index
      %get3A_908 = tpu.vector_load %arg12[%get3A_907] {strides = array<i32>} : memref<704xi32, #tpu.memory_space<vmem>>, vector<16xi32>,
      %add3A_909 = vector.broadcast %mul3A_534 : i32 to vector<16xi32>
      %add3A_910 = arith.addi %get3A_906, %add3A_909 : vector<16xi32>
      %gather3A_911 = tpu.vector_load_idx %arg9[%add3A_910] : memref<3328xi32, #tpu.memory_space<vmem>>[vector<16xi32>], vector<16xi32>,
      %add3A_912 = arith.addi %gather3A_911, %get3A_908 : vector<16xi32>
      %swap3A_913 = arith.constant 592 : index
      %swap3A_914 = tpu.vector_load %arg15[%swap3A_913] {strides = array<i32>} : memref<672xi32, #tpu.memory_space<vmem>>, vector<16xi32>,
      tpu.vector_store %arg15[%swap3A_913], %add3A_912 {strides = array<i32>} : memref<672xi32, #tpu.memory_space<vmem>>, vector<16xi32>,
      %get3A_915 = arith.constant 608 : index
      %get3A_916 = tpu.vector_load %arg11[%get3A_915] {strides = array<i32>} : memref<704xi32, #tpu.memory_space<vmem>>, vector<16xi32>,
      %get3A_917 = arith.constant 608 : index
      %get3A_918 = tpu.vector_load %arg12[%get3A_917] {strides = array<i32>} : memref<704xi32, #tpu.memory_space<vmem>>, vector<16xi32>,
      %add3A_919 = vector.broadcast %mul3A_534 : i32 to vector<16xi32>
      %add3A_920 = arith.addi %get3A_916, %add3A_919 : vector<16xi32>
      %gather3A_921 = tpu.vector_load_idx %arg9[%add3A_920] : memref<3328xi32, #tpu.memory_space<vmem>>[vector<16xi32>], vector<16xi32>,
      %add3A_922 = arith.addi %gather3A_921, %get3A_918 : vector<16xi32>
      %swap3A_923 = arith.constant 608 : index
      %swap3A_924 = tpu.vector_load %arg15[%swap3A_923] {strides = array<i32>} : memref<672xi32, #tpu.memory_space<vmem>>, vector<16xi32>,
      tpu.vector_store %arg15[%swap3A_923], %add3A_922 {strides = array<i32>} : memref<672xi32, #tpu.memory_space<vmem>>, vector<16xi32>,
      %get3A_925 = arith.constant 624 : index
      %get3A_926 = tpu.vector_load %arg11[%get3A_925] {strides = array<i32>} : memref<704xi32, #tpu.memory_space<vmem>>, vector<16xi32>,
      %get3A_927 = arith.constant 624 : index
      %get3A_928 = tpu.vector_load %arg12[%get3A_927] {strides = array<i32>} : memref<704xi32, #tpu.memory_space<vmem>>, vector<16xi32>,
      %add3A_929 = vector.broadcast %mul3A_534 : i32 to vector<16xi32>
      %add3A_930 = arith.addi %get3A_926, %add3A_929 : vector<16xi32>
      %gather3A_931 = tpu.vector_load_idx %arg9[%add3A_930] : memref<3328xi32, #tpu.memory_space<vmem>>[vector<16xi32>], vector<16xi32>,
      %add3A_932 = arith.addi %gather3A_931, %get3A_928 : vector<16xi32>
      %swap3A_933 = arith.constant 624 : index
      %swap3A_934 = tpu.vector_load %arg15[%swap3A_933] {strides = array<i32>} : memref<672xi32, #tpu.memory_space<vmem>>, vector<16xi32>,
      tpu.vector_store %arg15[%swap3A_933], %add3A_932 {strides = array<i32>} : memref<672xi32, #tpu.memory_space<vmem>>, vector<16xi32>,
      %get3A_935 = arith.constant 640 : index
      %get3A_936 = tpu.vector_load %arg11[%get3A_935] {strides = array<i32>} : memref<704xi32, #tpu.memory_space<vmem>>, vector<16xi32>,
      %get3A_937 = arith.constant 640 : index
      %get3A_938 = tpu.vector_load %arg12[%get3A_937] {strides = array<i32>} : memref<704xi32, #tpu.memory_space<vmem>>, vector<16xi32>,
      %add3A_939 = vector.broadcast %mul3A_534 : i32 to vector<16xi32>
      %add3A_940 = arith.addi %get3A_936, %add3A_939 : vector<16xi32>
      %gather3A_941 = tpu.vector_load_idx %arg9[%add3A_940] : memref<3328xi32, #tpu.memory_space<vmem>>[vector<16xi32>], vector<16xi32>,
      %add3A_942 = arith.addi %gather3A_941, %get3A_938 : vector<16xi32>
      %swap3A_943 = arith.constant 640 : index
      %swap3A_944 = tpu.vector_load %arg15[%swap3A_943] {strides = array<i32>} : memref<672xi32, #tpu.memory_space<vmem>>, vector<16xi32>,
      tpu.vector_store %arg15[%swap3A_943], %add3A_942 {strides = array<i32>} : memref<672xi32, #tpu.memory_space<vmem>>, vector<16xi32>,
      %get3A_945 = arith.constant 656 : index
      %get3A_946 = tpu.vector_load %arg11[%get3A_945] {strides = array<i32>} : memref<704xi32, #tpu.memory_space<vmem>>, vector<16xi32>,
      %get3A_947 = arith.constant 656 : index
      %get3A_948 = tpu.vector_load %arg12[%get3A_947] {strides = array<i32>} : memref<704xi32, #tpu.memory_space<vmem>>, vector<16xi32>,
      %add3A_949 = vector.broadcast %mul3A_534 : i32 to vector<16xi32>
      %add3A_950 = arith.addi %get3A_946, %add3A_949 : vector<16xi32>
      %gather3A_951 = tpu.vector_load_idx %arg9[%add3A_950] : memref<3328xi32, #tpu.memory_space<vmem>>[vector<16xi32>], vector<16xi32>,
      %add3A_952 = arith.addi %gather3A_951, %get3A_948 : vector<16xi32>
      %swap3A_953 = arith.constant 656 : index
      %swap3A_954 = tpu.vector_load %arg15[%swap3A_953] {strides = array<i32>} : memref<672xi32, #tpu.memory_space<vmem>>, vector<16xi32>,
      tpu.vector_store %arg15[%swap3A_953], %add3A_952 {strides = array<i32>} : memref<672xi32, #tpu.memory_space<vmem>>, vector<16xi32>,
      %dma_start3A_955 = arith.constant 1 : i32
      %dma_start3A_956 = arith.constant 0 : i32
      %dma_start3A_957 = arith.constant 0 : i32
      %dma_start3A_958 = tpu.memref_slice %arg16[%dma_start3A_955, %dma_start3A_956, %dma_start3A_957] : memref<2x672x16xf32, #tpu.memory_space<vmem>> -> memref<1x112x16xf32, #tpu.memory_space<vmem>>
      %dma_start3A_959 = tpu.memref_squeeze %dma_start3A_958 : memref<1x112x16xf32, #tpu.memory_space<vmem>> -> memref<112x16xf32, #tpu.memory_space<vmem>>
      %dma_start3A_960 = arith.constant 0 : i32
      %dma_start3A_961 = tpu.memref_slice %arg15[%dma_start3A_960] : memref<672xi32, #tpu.memory_space<vmem>> -> memref<112xi32, #tpu.memory_space<vmem>>
      %dma_start3A_962 = arith.constant 0 : i32
      %dma_start3A_963 = arith.constant 0 : i32
      %dma_start3A_964 = tpu.memref_slice %arg3[%dma_start3A_962, %dma_start3A_963] : memref<676000x16xf32, #tpu.memory_space<hbm>> -> memref<676000x16xf32, #tpu.memory_space<hbm>>
      tpu.enqueue_indirect_dma source(%dma_start3A_964 : memref<676000x16xf32, #tpu.memory_space<hbm>>) target(%dma_start3A_959 : memref<112x16xf32, #tpu.memory_space<vmem>>) offsets(%dma_start3A_961 : memref<112xi32, #tpu.memory_space<vmem>>) semaphore(%arg19 : memref<!tpu.dma_semaphore, #tpu.memory_space<semaphore_mem>>)
      %dma_start3A_965 = arith.constant 1 : i32
      %dma_start3A_966 = arith.constant 112 : i32
      %dma_start3A_967 = arith.constant 0 : i32
      %dma_start3A_968 = tpu.memref_slice %arg16[%dma_start3A_965, %dma_start3A_966, %dma_start3A_967] : memref<2x672x16xf32, #tpu.memory_space<vmem>> -> memref<1x112x16xf32, #tpu.memory_space<vmem>>
      %dma_start3A_969 = tpu.memref_squeeze %dma_start3A_968 : memref<1x112x16xf32, #tpu.memory_space<vmem>> -> memref<112x16xf32, #tpu.memory_space<vmem>>
      %dma_start3A_970 = arith.constant 112 : i32
      %dma_start3A_971 = tpu.memref_slice %arg15[%dma_start3A_970] : memref<672xi32, #tpu.memory_space<vmem>> -> memref<112xi32, #tpu.memory_space<vmem>>
      %dma_start3A_972 = arith.constant 0 : i32
      %dma_start3A_973 = arith.constant 0 : i32
      %dma_start3A_974 = tpu.memref_slice %arg3[%dma_start3A_972, %dma_start3A_973] : memref<676000x16xf32, #tpu.memory_space<hbm>> -> memref<676000x16xf32, #tpu.memory_space<hbm>>
      tpu.enqueue_indirect_dma source(%dma_start3A_974 : memref<676000x16xf32, #tpu.memory_space<hbm>>) target(%dma_start3A_969 : memref<112x16xf32, #tpu.memory_space<vmem>>) offsets(%dma_start3A_971 : memref<112xi32, #tpu.memory_space<vmem>>) semaphore(%arg19 : memref<!tpu.dma_semaphore, #tpu.memory_space<semaphore_mem>>)
      %dma_start3A_975 = arith.constant 1 : i32
      %dma_start3A_976 = arith.constant 224 : i32
      %dma_start3A_977 = arith.constant 0 : i32
      %dma_start3A_978 = tpu.memref_slice %arg16[%dma_start3A_975, %dma_start3A_976, %dma_start3A_977] : memref<2x672x16xf32, #tpu.memory_space<vmem>> -> memref<1x112x16xf32, #tpu.memory_space<vmem>>
      %dma_start3A_979 = tpu.memref_squeeze %dma_start3A_978 : memref<1x112x16xf32, #tpu.memory_space<vmem>> -> memref<112x16xf32, #tpu.memory_space<vmem>>
      %dma_start3A_980 = arith.constant 224 : i32
      %dma_start3A_981 = tpu.memref_slice %arg15[%dma_start3A_980] : memref<672xi32, #tpu.memory_space<vmem>> -> memref<112xi32, #tpu.memory_space<vmem>>
      %dma_start3A_982 = arith.constant 0 : i32
      %dma_start3A_983 = arith.constant 0 : i32
      %dma_start3A_984 = tpu.memref_slice %arg3[%dma_start3A_982, %dma_start3A_983] : memref<676000x16xf32, #tpu.memory_space<hbm>> -> memref<676000x16xf32, #tpu.memory_space<hbm>>
      tpu.enqueue_indirect_dma source(%dma_start3A_984 : memref<676000x16xf32, #tpu.memory_space<hbm>>) target(%dma_start3A_979 : memref<112x16xf32, #tpu.memory_space<vmem>>) offsets(%dma_start3A_981 : memref<112xi32, #tpu.memory_space<vmem>>) semaphore(%arg19 : memref<!tpu.dma_semaphore, #tpu.memory_space<semaphore_mem>>)
      %dma_start3A_985 = arith.constant 1 : i32
      %dma_start3A_986 = arith.constant 336 : i32
      %dma_start3A_987 = arith.constant 0 : i32
      %dma_start3A_988 = tpu.memref_slice %arg16[%dma_start3A_985, %dma_start3A_986, %dma_start3A_987] : memref<2x672x16xf32, #tpu.memory_space<vmem>> -> memref<1x112x16xf32, #tpu.memory_space<vmem>>
      %dma_start3A_989 = tpu.memref_squeeze %dma_start3A_988 : memref<1x112x16xf32, #tpu.memory_space<vmem>> -> memref<112x16xf32, #tpu.memory_space<vmem>>
      %dma_start3A_990 = arith.constant 336 : i32
      %dma_start3A_991 = tpu.memref_slice %arg15[%dma_start3A_990] : memref<672xi32, #tpu.memory_space<vmem>> -> memref<112xi32, #tpu.memory_space<vmem>>
      %dma_start3A_992 = arith.constant 0 : i32
      %dma_start3A_993 = arith.constant 0 : i32
      %dma_start3A_994 = tpu.memref_slice %arg3[%dma_start3A_992, %dma_start3A_993] : memref<676000x16xf32, #tpu.memory_space<hbm>> -> memref<676000x16xf32, #tpu.memory_space<hbm>>
      tpu.enqueue_indirect_dma source(%dma_start3A_994 : memref<676000x16xf32, #tpu.memory_space<hbm>>) target(%dma_start3A_989 : memref<112x16xf32, #tpu.memory_space<vmem>>) offsets(%dma_start3A_991 : memref<112xi32, #tpu.memory_space<vmem>>) semaphore(%arg19 : memref<!tpu.dma_semaphore, #tpu.memory_space<semaphore_mem>>)
      %dma_start3A_995 = arith.constant 1 : i32
      %dma_start3A_996 = arith.constant 448 : i32
      %dma_start3A_997 = arith.constant 0 : i32
      %dma_start3A_998 = tpu.memref_slice %arg16[%dma_start3A_995, %dma_start3A_996, %dma_start3A_997] : memref<2x672x16xf32, #tpu.memory_space<vmem>> -> memref<1x112x16xf32, #tpu.memory_space<vmem>>
      %dma_start3A_999 = tpu.memref_squeeze %dma_start3A_998 : memref<1x112x16xf32, #tpu.memory_space<vmem>> -> memref<112x16xf32, #tpu.memory_space<vmem>>
      %dma_start3A_1000 = arith.constant 448 : i32
      %dma_start3A_1001 = tpu.memref_slice %arg15[%dma_start3A_1000] : memref<672xi32, #tpu.memory_space<vmem>> -> memref<112xi32, #tpu.memory_space<vmem>>
      %dma_start3A_1002 = arith.constant 0 : i32
      %dma_start3A_1003 = arith.constant 0 : i32
      %dma_start3A_1004 = tpu.memref_slice %arg3[%dma_start3A_1002, %dma_start3A_1003] : memref<676000x16xf32, #tpu.memory_space<hbm>> -> memref<676000x16xf32, #tpu.memory_space<hbm>>
      tpu.enqueue_indirect_dma source(%dma_start3A_1004 : memref<676000x16xf32, #tpu.memory_space<hbm>>) target(%dma_start3A_999 : memref<112x16xf32, #tpu.memory_space<vmem>>) offsets(%dma_start3A_1001 : memref<112xi32, #tpu.memory_space<vmem>>) semaphore(%arg19 : memref<!tpu.dma_semaphore, #tpu.memory_space<semaphore_mem>>)
      %dma_start3A_1005 = arith.constant 1 : i32
      %dma_start3A_1006 = arith.constant 560 : i32
      %dma_start3A_1007 = arith.constant 0 : i32
      %dma_start3A_1008 = tpu.memref_slice %arg16[%dma_start3A_1005, %dma_start3A_1006, %dma_start3A_1007] : memref<2x672x16xf32, #tpu.memory_space<vmem>> -> memref<1x112x16xf32, #tpu.memory_space<vmem>>
      %dma_start3A_1009 = tpu.memref_squeeze %dma_start3A_1008 : memref<1x112x16xf32, #tpu.memory_space<vmem>> -> memref<112x16xf32, #tpu.memory_space<vmem>>
      %dma_start3A_1010 = arith.constant 560 : i32
      %dma_start3A_1011 = tpu.memref_slice %arg15[%dma_start3A_1010] : memref<672xi32, #tpu.memory_space<vmem>> -> memref<112xi32, #tpu.memory_space<vmem>>
      %dma_start3A_1012 = arith.constant 0 : i32
      %dma_start3A_1013 = arith.constant 0 : i32
      %dma_start3A_1014 = tpu.memref_slice %arg3[%dma_start3A_1012, %dma_start3A_1013] : memref<676000x16xf32, #tpu.memory_space<hbm>> -> memref<676000x16xf32, #tpu.memory_space<hbm>>
      tpu.enqueue_indirect_dma source(%dma_start3A_1014 : memref<676000x16xf32, #tpu.memory_space<hbm>>) target(%dma_start3A_1009 : memref<112x16xf32, #tpu.memory_space<vmem>>) offsets(%dma_start3A_1011 : memref<112xi32, #tpu.memory_space<vmem>>) semaphore(%arg19 : memref<!tpu.dma_semaphore, #tpu.memory_space<semaphore_mem>>)
      %dma_wait3A = arith.constant 0 : i32
      %dma_wait3A_1015 = arith.constant 0 : i32
      %dma_wait3A_1016 = arith.constant 0 : i32
      %dma_wait3A_1017 = tpu.memref_slice %arg16[%dma_wait3A, %dma_wait3A_1015, %dma_wait3A_1016] : memref<2x672x16xf32, #tpu.memory_space<vmem>> -> memref<1x112x16xf32, #tpu.memory_space<vmem>>
      %dma_wait3A_1018 = tpu.memref_squeeze %dma_wait3A_1017 : memref<1x112x16xf32, #tpu.memory_space<vmem>> -> memref<112x16xf32, #tpu.memory_space<vmem>>
      %dma_wait3A_1019 = arith.constant 0 : i32
      %dma_wait3A_1020 = tpu.memref_slice %arg14[%dma_wait3A_1019] : memref<672xi32, #tpu.memory_space<vmem>> -> memref<112xi32, #tpu.memory_space<vmem>>
      %dma_wait3A_1021 = arith.constant 0 : i32
      %dma_wait3A_1022 = arith.constant 0 : i32
      %dma_wait3A_1023 = tpu.memref_slice %arg3[%dma_wait3A_1021, %dma_wait3A_1022] : memref<676000x16xf32, #tpu.memory_space<hbm>> -> memref<676000x16xf32, #tpu.memory_space<hbm>>
      tpu.wait_indirect_dma semaphore(%arg18 : memref<!tpu.dma_semaphore, #tpu.memory_space<semaphore_mem>>) src(%dma_wait3A_1023 : memref<676000x16xf32, #tpu.memory_space<hbm>>) dst(%dma_wait3A_1018 : memref<112x16xf32, #tpu.memory_space<vmem>>)
      %dma_wait3A_1024 = arith.constant 0 : i32
      %dma_wait3A_1025 = arith.constant 112 : i32
      %dma_wait3A_1026 = arith.constant 0 : i32
      %dma_wait3A_1027 = tpu.memref_slice %arg16[%dma_wait3A_1024, %dma_wait3A_1025, %dma_wait3A_1026] : memref<2x672x16xf32, #tpu.memory_space<vmem>> -> memref<1x112x16xf32, #tpu.memory_space<vmem>>
      %dma_wait3A_1028 = tpu.memref_squeeze %dma_wait3A_1027 : memref<1x112x16xf32, #tpu.memory_space<vmem>> -> memref<112x16xf32, #tpu.memory_space<vmem>>
      %dma_wait3A_1029 = arith.constant 112 : i32
      %dma_wait3A_1030 = tpu.memref_slice %arg14[%dma_wait3A_1029] : memref<672xi32, #tpu.memory_space<vmem>> -> memref<112xi32, #tpu.memory_space<vmem>>
      %dma_wait3A_1031 = arith.constant 0 : i32
      %dma_wait3A_1032 = arith.constant 0 : i32
      %dma_wait3A_1033 = tpu.memref_slice %arg3[%dma_wait3A_1031, %dma_wait3A_1032] : memref<676000x16xf32, #tpu.memory_space<hbm>> -> memref<676000x16xf32, #tpu.memory_space<hbm>>
      tpu.wait_indirect_dma semaphore(%arg18 : memref<!tpu.dma_semaphore, #tpu.memory_space<semaphore_mem>>) src(%dma_wait3A_1033 : memref<676000x16xf32, #tpu.memory_space<hbm>>) dst(%dma_wait3A_1028 : memref<112x16xf32, #tpu.memory_space<vmem>>)
      %dma_wait3A_1034 = arith.constant 0 : i32
      %dma_wait3A_1035 = arith.constant 224 : i32
      %dma_wait3A_1036 = arith.constant 0 : i32
      %dma_wait3A_1037 = tpu.memref_slice %arg16[%dma_wait3A_1034, %dma_wait3A_1035, %dma_wait3A_1036] : memref<2x672x16xf32, #tpu.memory_space<vmem>> -> memref<1x112x16xf32, #tpu.memory_space<vmem>>
      %dma_wait3A_1038 = tpu.memref_squeeze %dma_wait3A_1037 : memref<1x112x16xf32, #tpu.memory_space<vmem>> -> memref<112x16xf32, #tpu.memory_space<vmem>>
      %dma_wait3A_1039 = arith.constant 224 : i32
      %dma_wait3A_1040 = tpu.memref_slice %arg14[%dma_wait3A_1039] : memref<672xi32, #tpu.memory_space<vmem>> -> memref<112xi32, #tpu.memory_space<vmem>>
      %dma_wait3A_1041 = arith.constant 0 : i32
      %dma_wait3A_1042 = arith.constant 0 : i32
      %dma_wait3A_1043 = tpu.memref_slice %arg3[%dma_wait3A_1041, %dma_wait3A_1042] : memref<676000x16xf32, #tpu.memory_space<hbm>> -> memref<676000x16xf32, #tpu.memory_space<hbm>>
      tpu.wait_indirect_dma semaphore(%arg18 : memref<!tpu.dma_semaphore, #tpu.memory_space<semaphore_mem>>) src(%dma_wait3A_1043 : memref<676000x16xf32, #tpu.memory_space<hbm>>) dst(%dma_wait3A_1038 : memref<112x16xf32, #tpu.memory_space<vmem>>)
      %dma_wait3A_1044 = arith.constant 0 : i32
      %dma_wait3A_1045 = arith.constant 336 : i32
      %dma_wait3A_1046 = arith.constant 0 : i32
      %dma_wait3A_1047 = tpu.memref_slice %arg16[%dma_wait3A_1044, %dma_wait3A_1045, %dma_wait3A_1046] : memref<2x672x16xf32, #tpu.memory_space<vmem>> -> memref<1x112x16xf32, #tpu.memory_space<vmem>>
      %dma_wait3A_1048 = tpu.memref_squeeze %dma_wait3A_1047 : memref<1x112x16xf32, #tpu.memory_space<vmem>> -> memref<112x16xf32, #tpu.memory_space<vmem>>
      %dma_wait3A_1049 = arith.constant 336 : i32
      %dma_wait3A_1050 = tpu.memref_slice %arg14[%dma_wait3A_1049] : memref<672xi32, #tpu.memory_space<vmem>> -> memref<112xi32, #tpu.memory_space<vmem>>
      %dma_wait3A_1051 = arith.constant 0 : i32
      %dma_wait3A_1052 = arith.constant 0 : i32
      %dma_wait3A_1053 = tpu.memref_slice %arg3[%dma_wait3A_1051, %dma_wait3A_1052] : memref<676000x16xf32, #tpu.memory_space<hbm>> -> memref<676000x16xf32, #tpu.memory_space<hbm>>
      tpu.wait_indirect_dma semaphore(%arg18 : memref<!tpu.dma_semaphore, #tpu.memory_space<semaphore_mem>>) src(%dma_wait3A_1053 : memref<676000x16xf32, #tpu.memory_space<hbm>>) dst(%dma_wait3A_1048 : memref<112x16xf32, #tpu.memory_space<vmem>>)
      %dma_wait3A_1054 = arith.constant 0 : i32
      %dma_wait3A_1055 = arith.constant 448 : i32
      %dma_wait3A_1056 = arith.constant 0 : i32
      %dma_wait3A_1057 = tpu.memref_slice %arg16[%dma_wait3A_1054, %dma_wait3A_1055, %dma_wait3A_1056] : memref<2x672x16xf32, #tpu.memory_space<vmem>> -> memref<1x112x16xf32, #tpu.memory_space<vmem>>
      %dma_wait3A_1058 = tpu.memref_squeeze %dma_wait3A_1057 : memref<1x112x16xf32, #tpu.memory_space<vmem>> -> memref<112x16xf32, #tpu.memory_space<vmem>>
      %dma_wait3A_1059 = arith.constant 448 : i32
      %dma_wait3A_1060 = tpu.memref_slice %arg14[%dma_wait3A_1059] : memref<672xi32, #tpu.memory_space<vmem>> -> memref<112xi32, #tpu.memory_space<vmem>>
      %dma_wait3A_1061 = arith.constant 0 : i32
      %dma_wait3A_1062 = arith.constant 0 : i32
      %dma_wait3A_1063 = tpu.memref_slice %arg3[%dma_wait3A_1061, %dma_wait3A_1062] : memref<676000x16xf32, #tpu.memory_space<hbm>> -> memref<676000x16xf32, #tpu.memory_space<hbm>>
      tpu.wait_indirect_dma semaphore(%arg18 : memref<!tpu.dma_semaphore, #tpu.memory_space<semaphore_mem>>) src(%dma_wait3A_1063 : memref<676000x16xf32, #tpu.memory_space<hbm>>) dst(%dma_wait3A_1058 : memref<112x16xf32, #tpu.memory_space<vmem>>)
      %dma_wait3A_1064 = arith.constant 0 : i32
      %dma_wait3A_1065 = arith.constant 560 : i32
      %dma_wait3A_1066 = arith.constant 0 : i32
      %dma_wait3A_1067 = tpu.memref_slice %arg16[%dma_wait3A_1064, %dma_wait3A_1065, %dma_wait3A_1066] : memref<2x672x16xf32, #tpu.memory_space<vmem>> -> memref<1x112x16xf32, #tpu.memory_space<vmem>>
      %dma_wait3A_1068 = tpu.memref_squeeze %dma_wait3A_1067 : memref<1x112x16xf32, #tpu.memory_space<vmem>> -> memref<112x16xf32, #tpu.memory_space<vmem>>
      %dma_wait3A_1069 = arith.constant 560 : i32
      %dma_wait3A_1070 = tpu.memref_slice %arg14[%dma_wait3A_1069] : memref<672xi32, #tpu.memory_space<vmem>> -> memref<112xi32, #tpu.memory_space<vmem>>
      %dma_wait3A_1071 = arith.constant 0 : i32
      %dma_wait3A_1072 = arith.constant 0 : i32
      %dma_wait3A_1073 = tpu.memref_slice %arg3[%dma_wait3A_1071, %dma_wait3A_1072] : memref<676000x16xf32, #tpu.memory_space<hbm>> -> memref<676000x16xf32, #tpu.memory_space<hbm>>
      tpu.wait_indirect_dma semaphore(%arg18 : memref<!tpu.dma_semaphore, #tpu.memory_space<semaphore_mem>>) src(%dma_wait3A_1073 : memref<676000x16xf32, #tpu.memory_space<hbm>>) dst(%dma_wait3A_1068 : memref<112x16xf32, #tpu.memory_space<vmem>>)
      %broadcast_in_dim3A = arith.constant 0.000000e+00 : f32
      %broadcast_in_dim3A_1074 = vector.broadcast %broadcast_in_dim3A : f32 to vector<16xf32>
      %scan3A_1075 = arith.constant 0 : i32
      %scan3A_1076 = arith.constant 65 : i32
      %scan3A_1077 = arith.addi %scan3A_1075, %scan3A_1076 : i32
      %scan3A_1078 = arith.constant 1 : i32
      %scan3A_1079 = scf.for %scan3A_1222 = %scan3A_1075 to %scan3A_1077 step %scan3A_1078 iter_args(%scan3A_1223 = %broadcast_in_dim3A_1074) -> (vector<16xf32>)  : i32 {
        %mul3A_1224 = arith.constant 5 : i32
        %mul3A_1225 = arith.muli %scan3A_1222, %mul3A_1224 : i32
        %add3A_1226 = arith.constant 0 : i32
        %add3A_1227 = arith.addi %mul3A_1225, %add3A_1226 : i32
        %get3A_1228 = arith.constant 0 : i32
        %get3A_1229 = arith.index_cast %get3A_1228 : i32 to index
        %get3A_1230 = arith.index_cast %add3A_1227 : i32 to index
        %get3A_1231 = arith.constant 0 : index
        %get3A_1232 = tpu.vector_load %arg16[%get3A_1229, %get3A_1230, %get3A_1231] {strides = array<i32>} : memref<2x672x16xf32, #tpu.memory_space<vmem>>, vector<16xf32>,
        %add3A_1233 = arith.constant 336 : i32
        %add3A_1234 = arith.addi %add3A_1233, %mul3A_1225 : i32
        %add3A_1235 = arith.constant 0 : i32
        %add3A_1236 = arith.addi %add3A_1234, %add3A_1235 : i32
        %get3A_1237 = arith.constant 0 : i32
        %get3A_1238 = arith.index_cast %get3A_1237 : i32 to index
        %get3A_1239 = arith.index_cast %add3A_1236 : i32 to index
        %get3A_1240 = arith.constant 0 : index
        %get3A_1241 = tpu.vector_load %arg16[%get3A_1238, %get3A_1239, %get3A_1240] {strides = array<i32>} : memref<2x672x16xf32, #tpu.memory_space<vmem>>, vector<16xf32>,
        %mul3A_1242 = arith.mulf %get3A_1232, %get3A_1241 : vector<16xf32>
        %add3A_1243 = arith.addf %scan3A_1223, %mul3A_1242 : vector<16xf32>
        %add3A_1244 = arith.constant 1 : i32
        %add3A_1245 = arith.addi %mul3A_1225, %add3A_1244 : i32
        %get3A_1246 = arith.constant 0 : i32
        %get3A_1247 = arith.index_cast %get3A_1246 : i32 to index
        %get3A_1248 = arith.index_cast %add3A_1245 : i32 to index
        %get3A_1249 = arith.constant 0 : index
        %get3A_1250 = tpu.vector_load %arg16[%get3A_1247, %get3A_1248, %get3A_1249] {strides = array<i32>} : memref<2x672x16xf32, #tpu.memory_space<vmem>>, vector<16xf32>,
        %add3A_1251 = arith.constant 336 : i32
        %add3A_1252 = arith.addi %add3A_1251, %mul3A_1225 : i32
        %add3A_1253 = arith.constant 1 : i32
        %add3A_1254 = arith.addi %add3A_1252, %add3A_1253 : i32
        %get3A_1255 = arith.constant 0 : i32
        %get3A_1256 = arith.index_cast %get3A_1255 : i32 to index
        %get3A_1257 = arith.index_cast %add3A_1254 : i32 to index
        %get3A_1258 = arith.constant 0 : index
        %get3A_1259 = tpu.vector_load %arg16[%get3A_1256, %get3A_1257, %get3A_1258] {strides = array<i32>} : memref<2x672x16xf32, #tpu.memory_space<vmem>>, vector<16xf32>,
        %mul3A_1260 = arith.mulf %get3A_1250, %get3A_1259 : vector<16xf32>
        %add3A_1261 = arith.addf %add3A_1243, %mul3A_1260 : vector<16xf32>
        %add3A_1262 = arith.constant 2 : i32
        %add3A_1263 = arith.addi %mul3A_1225, %add3A_1262 : i32
        %get3A_1264 = arith.constant 0 : i32
        %get3A_1265 = arith.index_cast %get3A_1264 : i32 to index
        %get3A_1266 = arith.index_cast %add3A_1263 : i32 to index
        %get3A_1267 = arith.constant 0 : index
        %get3A_1268 = tpu.vector_load %arg16[%get3A_1265, %get3A_1266, %get3A_1267] {strides = array<i32>} : memref<2x672x16xf32, #tpu.memory_space<vmem>>, vector<16xf32>,
        %add3A_1269 = arith.constant 336 : i32
        %add3A_1270 = arith.addi %add3A_1269, %mul3A_1225 : i32
        %add3A_1271 = arith.constant 2 : i32
        %add3A_1272 = arith.addi %add3A_1270, %add3A_1271 : i32
        %get3A_1273 = arith.constant 0 : i32
        %get3A_1274 = arith.index_cast %get3A_1273 : i32 to index
        %get3A_1275 = arith.index_cast %add3A_1272 : i32 to index
        %get3A_1276 = arith.constant 0 : index
        %get3A_1277 = tpu.vector_load %arg16[%get3A_1274, %get3A_1275, %get3A_1276] {strides = array<i32>} : memref<2x672x16xf32, #tpu.memory_space<vmem>>, vector<16xf32>,
        %mul3A_1278 = arith.mulf %get3A_1268, %get3A_1277 : vector<16xf32>
        %add3A_1279 = arith.addf %add3A_1261, %mul3A_1278 : vector<16xf32>
        %add3A_1280 = arith.constant 3 : i32
        %add3A_1281 = arith.addi %mul3A_1225, %add3A_1280 : i32
        %get3A_1282 = arith.constant 0 : i32
        %get3A_1283 = arith.index_cast %get3A_1282 : i32 to index
        %get3A_1284 = arith.index_cast %add3A_1281 : i32 to index
        %get3A_1285 = arith.constant 0 : index
        %get3A_1286 = tpu.vector_load %arg16[%get3A_1283, %get3A_1284, %get3A_1285] {strides = array<i32>} : memref<2x672x16xf32, #tpu.memory_space<vmem>>, vector<16xf32>,
        %add3A_1287 = arith.constant 336 : i32
        %add3A_1288 = arith.addi %add3A_1287, %mul3A_1225 : i32
        %add3A_1289 = arith.constant 3 : i32
        %add3A_1290 = arith.addi %add3A_1288, %add3A_1289 : i32
        %get3A_1291 = arith.constant 0 : i32
        %get3A_1292 = arith.index_cast %get3A_1291 : i32 to index
        %get3A_1293 = arith.index_cast %add3A_1290 : i32 to index
        %get3A_1294 = arith.constant 0 : index
        %get3A_1295 = tpu.vector_load %arg16[%get3A_1292, %get3A_1293, %get3A_1294] {strides = array<i32>} : memref<2x672x16xf32, #tpu.memory_space<vmem>>, vector<16xf32>,
        %mul3A_1296 = arith.mulf %get3A_1286, %get3A_1295 : vector<16xf32>
        %add3A_1297 = arith.addf %add3A_1279, %mul3A_1296 : vector<16xf32>
        %add3A_1298 = arith.constant 4 : i32
        %add3A_1299 = arith.addi %mul3A_1225, %add3A_1298 : i32
        %get3A_1300 = arith.constant 0 : i32
        %get3A_1301 = arith.index_cast %get3A_1300 : i32 to index
        %get3A_1302 = arith.index_cast %add3A_1299 : i32 to index
        %get3A_1303 = arith.constant 0 : index
        %get3A_1304 = tpu.vector_load %arg16[%get3A_1301, %get3A_1302, %get3A_1303] {strides = array<i32>} : memref<2x672x16xf32, #tpu.memory_space<vmem>>, vector<16xf32>,
        %add3A_1305 = arith.constant 336 : i32
        %add3A_1306 = arith.addi %add3A_1305, %mul3A_1225 : i32
        %add3A_1307 = arith.constant 4 : i32
        %add3A_1308 = arith.addi %add3A_1306, %add3A_1307 : i32
        %get3A_1309 = arith.constant 0 : i32
        %get3A_1310 = arith.index_cast %get3A_1309 : i32 to index
        %get3A_1311 = arith.index_cast %add3A_1308 : i32 to index
        %get3A_1312 = arith.constant 0 : index
        %get3A_1313 = tpu.vector_load %arg16[%get3A_1310, %get3A_1311, %get3A_1312] {strides = array<i32>} : memref<2x672x16xf32, #tpu.memory_space<vmem>>, vector<16xf32>,
        %mul3A_1314 = arith.mulf %get3A_1304, %get3A_1313 : vector<16xf32>
        %add3A_1315 = arith.addf %add3A_1297, %mul3A_1314 : vector<16xf32>
        scf.yield %add3A_1315 : vector<16xf32>
      }
      %scan3A_1080 = arith.constant 65 : i32
      %mul3A_1081 = arith.constant 26 : i32
      %mul3A_1082 = arith.muli %mul3A_530, %mul3A_1081 : i32
      %get3A_1083 = arith.constant 672 : index
      %get3A_1084 = tpu.vector_load %arg11[%get3A_1083] {strides = array<i32>} : memref<704xi32, #tpu.memory_space<vmem>>, vector<16xi32>,
      %get3A_1085 = arith.constant 672 : index
      %get3A_1086 = tpu.vector_load %arg12[%get3A_1085] {strides = array<i32>} : memref<704xi32, #tpu.memory_space<vmem>>, vector<16xi32>,
      %add3A_1087 = vector.broadcast %mul3A_1082 : i32 to vector<16xi32>
      %add3A_1088 = arith.addi %get3A_1084, %add3A_1087 : vector<16xi32>
      %gather3A_1089 = tpu.vector_load_idx %arg9[%add3A_1088] : memref<3328xi32, #tpu.memory_space<vmem>>[vector<16xi32>], vector<16xi32>,
      %add3A_1090 = arith.addi %gather3A_1089, %get3A_1086 : vector<16xi32>
      %gather3A_1091 = tpu.vector_load_idx %arg10[%add3A_1090] : memref<26000xf32, #tpu.memory_space<vmem>>[vector<16xi32>], vector<16xf32>,
      %get3A_1092 = arith.constant 688 : index
      %get3A_1093 = tpu.vector_load %arg11[%get3A_1092] {strides = array<i32>} : memref<704xi32, #tpu.memory_space<vmem>>, vector<16xi32>,
      %get3A_1094 = arith.constant 688 : index
      %get3A_1095 = tpu.vector_load %arg12[%get3A_1094] {strides = array<i32>} : memref<704xi32, #tpu.memory_space<vmem>>, vector<16xi32>,
      %add3A_1096 = vector.broadcast %mul3A_1082 : i32 to vector<16xi32>
      %add3A_1097 = arith.addi %get3A_1093, %add3A_1096 : vector<16xi32>
      %gather3A_1098 = tpu.vector_load_idx %arg9[%add3A_1097] : memref<3328xi32, #tpu.memory_space<vmem>>[vector<16xi32>], vector<16xi32>,
      %add3A_1099 = arith.addi %gather3A_1098, %get3A_1095 : vector<16xi32>
      %gather3A_1100 = tpu.vector_load_idx %arg10[%add3A_1099] : memref<26000xf32, #tpu.memory_space<vmem>>[vector<16xi32>], vector<16xf32>,
      %get3A_1101 = arith.constant 0 : index
      %get3A_1102 = tpu.vector_load %arg13[%get3A_1101] {strides = array<i32>} : memref<16xf32, #tpu.memory_space<vmem>>, vector<16xf32>,
      %mul3A_1103 = arith.mulf %gather3A_1100, %get3A_1102 : vector<16xf32>
      %add3A_1104 = arith.addf %scan3A_1079, %gather3A_1091 : vector<16xf32>
      %add3A_1105 = arith.addf %add3A_1104, %mul3A_1103 : vector<16xf32>
      %reduce_sum3A = arith.constant true
      %reduce_sum3A_1106 = vector.broadcast %reduce_sum3A : i1 to vector<16xi1>
      %reduce_sum3A_1107 = tpu.scan <sum>, %add3A_1105 masked %reduce_sum3A_1106 : vector<16xf32>, vector<16xi1> -> vector<16xf32>
      %reduce_sum3A_1108 = vector.extract %reduce_sum3A_1107[15] : f32 from vector<16xf32>
      %iota3A = tpu.iota {dimensions = array<i32: 0>} : vector<16xi32>
      %broadcast_in_dim3A_1109 = vector.broadcast %mul3A_530 : i32 to vector<16xi32>
      %broadcast_in_dim3A_1110 = vector.broadcast %reduce_sum3A_1108 : f32 to vector<16xf32>
      %eq3A = arith.constant 0 : i32
      %eq3A_1111 = vector.broadcast %eq3A : i32 to vector<16xi32>
      %eq3A_1112 = arith.cmpi eq, %iota3A, %eq3A_1111 : vector<16xi32>
      tpu.vector_store_idx %arg17[%broadcast_in_dim3A_1109], %broadcast_in_dim3A_1110 masked %eq3A_1112 : memref<128xf32, #tpu.memory_space<vmem>>[vector<16xi32>], vector<16xf32>, vector<16xi1>
      %add3A_1113 = arith.constant 2 : i32
      %add3A_1114 = arith.addi %mul3A_530, %add3A_1113 : i32
      %lt3A = arith.constant 128 : i32
      %lt3A_1115 = arith.cmpi slt, %add3A_1114, %lt3A : i32
      %convert_element_type3A = arith.extui %lt3A_1115 : i1 to i32
      %cond3A = arith.constant 0 : i32
      %cond3A_1116 = arith.cmpi ne, %convert_element_type3A, %cond3A : i32
      scf.if %cond3A_1116 {
        %add3A_1222 = arith.constant 2 : i32
        %add3A_1223 = arith.addi %mul3A_530, %add3A_1222 : i32
        %mul3A_1224 = arith.constant 26 : i32
        %mul3A_1225 = arith.muli %add3A_1223, %mul3A_1224 : i32
        %get3A_1226 = arith.constant 0 : index
        %get3A_1227 = tpu.vector_load %arg11[%get3A_1226] {strides = array<i32>} : memref<704xi32, #tpu.memory_space<vmem>>, vector<16xi32>,
        %get3A_1228 = arith.constant 0 : index
        %get3A_1229 = tpu.vector_load %arg12[%get3A_1228] {strides = array<i32>} : memref<704xi32, #tpu.memory_space<vmem>>, vector<16xi32>,
        %add3A_1230 = vector.broadcast %mul3A_1225 : i32 to vector<16xi32>
        %add3A_1231 = arith.addi %get3A_1227, %add3A_1230 : vector<16xi32>
        %gather3A_1232 = tpu.vector_load_idx %arg9[%add3A_1231] : memref<3328xi32, #tpu.memory_space<vmem>>[vector<16xi32>], vector<16xi32>,
        %add3A_1233 = arith.addi %gather3A_1232, %get3A_1229 : vector<16xi32>
        %swap3A_1234 = arith.constant 0 : index
        %swap3A_1235 = tpu.vector_load %arg14[%swap3A_1234] {strides = array<i32>} : memref<672xi32, #tpu.memory_space<vmem>>, vector<16xi32>,
        tpu.vector_store %arg14[%swap3A_1234], %add3A_1233 {strides = array<i32>} : memref<672xi32, #tpu.memory_space<vmem>>, vector<16xi32>,
        %get3A_1236 = arith.constant 16 : index
        %get3A_1237 = tpu.vector_load %arg11[%get3A_1236] {strides = array<i32>} : memref<704xi32, #tpu.memory_space<vmem>>, vector<16xi32>,
        %get3A_1238 = arith.constant 16 : index
        %get3A_1239 = tpu.vector_load %arg12[%get3A_1238] {strides = array<i32>} : memref<704xi32, #tpu.memory_space<vmem>>, vector<16xi32>,
        %add3A_1240 = vector.broadcast %mul3A_1225 : i32 to vector<16xi32>
        %add3A_1241 = arith.addi %get3A_1237, %add3A_1240 : vector<16xi32>
        %gather3A_1242 = tpu.vector_load_idx %arg9[%add3A_1241] : memref<3328xi32, #tpu.memory_space<vmem>>[vector<16xi32>], vector<16xi32>,
        %add3A_1243 = arith.addi %gather3A_1242, %get3A_1239 : vector<16xi32>
        %swap3A_1244 = arith.constant 16 : index
        %swap3A_1245 = tpu.vector_load %arg14[%swap3A_1244] {strides = array<i32>} : memref<672xi32, #tpu.memory_space<vmem>>, vector<16xi32>,
        tpu.vector_store %arg14[%swap3A_1244], %add3A_1243 {strides = array<i32>} : memref<672xi32, #tpu.memory_space<vmem>>, vector<16xi32>,
        %get3A_1246 = arith.constant 32 : index
        %get3A_1247 = tpu.vector_load %arg11[%get3A_1246] {strides = array<i32>} : memref<704xi32, #tpu.memory_space<vmem>>, vector<16xi32>,
        %get3A_1248 = arith.constant 32 : index
        %get3A_1249 = tpu.vector_load %arg12[%get3A_1248] {strides = array<i32>} : memref<704xi32, #tpu.memory_space<vmem>>, vector<16xi32>,
        %add3A_1250 = vector.broadcast %mul3A_1225 : i32 to vector<16xi32>
        %add3A_1251 = arith.addi %get3A_1247, %add3A_1250 : vector<16xi32>
        %gather3A_1252 = tpu.vector_load_idx %arg9[%add3A_1251] : memref<3328xi32, #tpu.memory_space<vmem>>[vector<16xi32>], vector<16xi32>,
        %add3A_1253 = arith.addi %gather3A_1252, %get3A_1249 : vector<16xi32>
        %swap3A_1254 = arith.constant 32 : index
        %swap3A_1255 = tpu.vector_load %arg14[%swap3A_1254] {strides = array<i32>} : memref<672xi32, #tpu.memory_space<vmem>>, vector<16xi32>,
        tpu.vector_store %arg14[%swap3A_1254], %add3A_1253 {strides = array<i32>} : memref<672xi32, #tpu.memory_space<vmem>>, vector<16xi32>,
        %get3A_1256 = arith.constant 48 : index
        %get3A_1257 = tpu.vector_load %arg11[%get3A_1256] {strides = array<i32>} : memref<704xi32, #tpu.memory_space<vmem>>, vector<16xi32>,
        %get3A_1258 = arith.constant 48 : index
        %get3A_1259 = tpu.vector_load %arg12[%get3A_1258] {strides = array<i32>} : memref<704xi32, #tpu.memory_space<vmem>>, vector<16xi32>,
        %add3A_1260 = vector.broadcast %mul3A_1225 : i32 to vector<16xi32>
        %add3A_1261 = arith.addi %get3A_1257, %add3A_1260 : vector<16xi32>
        %gather3A_1262 = tpu.vector_load_idx %arg9[%add3A_1261] : memref<3328xi32, #tpu.memory_space<vmem>>[vector<16xi32>], vector<16xi32>,
        %add3A_1263 = arith.addi %gather3A_1262, %get3A_1259 : vector<16xi32>
        %swap3A_1264 = arith.constant 48 : index
        %swap3A_1265 = tpu.vector_load %arg14[%swap3A_1264] {strides = array<i32>} : memref<672xi32, #tpu.memory_space<vmem>>, vector<16xi32>,
        tpu.vector_store %arg14[%swap3A_1264], %add3A_1263 {strides = array<i32>} : memref<672xi32, #tpu.memory_space<vmem>>, vector<16xi32>,
        %get3A_1266 = arith.constant 64 : index
        %get3A_1267 = tpu.vector_load %arg11[%get3A_1266] {strides = array<i32>} : memref<704xi32, #tpu.memory_space<vmem>>, vector<16xi32>,
        %get3A_1268 = arith.constant 64 : index
        %get3A_1269 = tpu.vector_load %arg12[%get3A_1268] {strides = array<i32>} : memref<704xi32, #tpu.memory_space<vmem>>, vector<16xi32>,
        %add3A_1270 = vector.broadcast %mul3A_1225 : i32 to vector<16xi32>
        %add3A_1271 = arith.addi %get3A_1267, %add3A_1270 : vector<16xi32>
        %gather3A_1272 = tpu.vector_load_idx %arg9[%add3A_1271] : memref<3328xi32, #tpu.memory_space<vmem>>[vector<16xi32>], vector<16xi32>,
        %add3A_1273 = arith.addi %gather3A_1272, %get3A_1269 : vector<16xi32>
        %swap3A_1274 = arith.constant 64 : index
        %swap3A_1275 = tpu.vector_load %arg14[%swap3A_1274] {strides = array<i32>} : memref<672xi32, #tpu.memory_space<vmem>>, vector<16xi32>,
        tpu.vector_store %arg14[%swap3A_1274], %add3A_1273 {strides = array<i32>} : memref<672xi32, #tpu.memory_space<vmem>>, vector<16xi32>,
        %get3A_1276 = arith.constant 80 : index
        %get3A_1277 = tpu.vector_load %arg11[%get3A_1276] {strides = array<i32>} : memref<704xi32, #tpu.memory_space<vmem>>, vector<16xi32>,
        %get3A_1278 = arith.constant 80 : index
        %get3A_1279 = tpu.vector_load %arg12[%get3A_1278] {strides = array<i32>} : memref<704xi32, #tpu.memory_space<vmem>>, vector<16xi32>,
        %add3A_1280 = vector.broadcast %mul3A_1225 : i32 to vector<16xi32>
        %add3A_1281 = arith.addi %get3A_1277, %add3A_1280 : vector<16xi32>
        %gather3A_1282 = tpu.vector_load_idx %arg9[%add3A_1281] : memref<3328xi32, #tpu.memory_space<vmem>>[vector<16xi32>], vector<16xi32>,
        %add3A_1283 = arith.addi %gather3A_1282, %get3A_1279 : vector<16xi32>
        %swap3A_1284 = arith.constant 80 : index
        %swap3A_1285 = tpu.vector_load %arg14[%swap3A_1284] {strides = array<i32>} : memref<672xi32, #tpu.memory_space<vmem>>, vector<16xi32>,
        tpu.vector_store %arg14[%swap3A_1284], %add3A_1283 {strides = array<i32>} : memref<672xi32, #tpu.memory_space<vmem>>, vector<16xi32>,
        %get3A_1286 = arith.constant 96 : index
        %get3A_1287 = tpu.vector_load %arg11[%get3A_1286] {strides = array<i32>} : memref<704xi32, #tpu.memory_space<vmem>>, vector<16xi32>,
        %get3A_1288 = arith.constant 96 : index
        %get3A_1289 = tpu.vector_load %arg12[%get3A_1288] {strides = array<i32>} : memref<704xi32, #tpu.memory_space<vmem>>, vector<16xi32>,
        %add3A_1290 = vector.broadcast %mul3A_1225 : i32 to vector<16xi32>
        %add3A_1291 = arith.addi %get3A_1287, %add3A_1290 : vector<16xi32>
        %gather3A_1292 = tpu.vector_load_idx %arg9[%add3A_1291] : memref<3328xi32, #tpu.memory_space<vmem>>[vector<16xi32>], vector<16xi32>,
        %add3A_1293 = arith.addi %gather3A_1292, %get3A_1289 : vector<16xi32>
        %swap3A_1294 = arith.constant 96 : index
        %swap3A_1295 = tpu.vector_load %arg14[%swap3A_1294] {strides = array<i32>} : memref<672xi32, #tpu.memory_space<vmem>>, vector<16xi32>,
        tpu.vector_store %arg14[%swap3A_1294], %add3A_1293 {strides = array<i32>} : memref<672xi32, #tpu.memory_space<vmem>>, vector<16xi32>,
        %get3A_1296 = arith.constant 112 : index
        %get3A_1297 = tpu.vector_load %arg11[%get3A_1296] {strides = array<i32>} : memref<704xi32, #tpu.memory_space<vmem>>, vector<16xi32>,
        %get3A_1298 = arith.constant 112 : index
        %get3A_1299 = tpu.vector_load %arg12[%get3A_1298] {strides = array<i32>} : memref<704xi32, #tpu.memory_space<vmem>>, vector<16xi32>,
        %add3A_1300 = vector.broadcast %mul3A_1225 : i32 to vector<16xi32>
        %add3A_1301 = arith.addi %get3A_1297, %add3A_1300 : vector<16xi32>
        %gather3A_1302 = tpu.vector_load_idx %arg9[%add3A_1301] : memref<3328xi32, #tpu.memory_space<vmem>>[vector<16xi32>], vector<16xi32>,
        %add3A_1303 = arith.addi %gather3A_1302, %get3A_1299 : vector<16xi32>
        %swap3A_1304 = arith.constant 112 : index
        %swap3A_1305 = tpu.vector_load %arg14[%swap3A_1304] {strides = array<i32>} : memref<672xi32, #tpu.memory_space<vmem>>, vector<16xi32>,
        tpu.vector_store %arg14[%swap3A_1304], %add3A_1303 {strides = array<i32>} : memref<672xi32, #tpu.memory_space<vmem>>, vector<16xi32>,
        %get3A_1306 = arith.constant 128 : index
        %get3A_1307 = tpu.vector_load %arg11[%get3A_1306] {strides = array<i32>} : memref<704xi32, #tpu.memory_space<vmem>>, vector<16xi32>,
        %get3A_1308 = arith.constant 128 : index
        %get3A_1309 = tpu.vector_load %arg12[%get3A_1308] {strides = array<i32>} : memref<704xi32, #tpu.memory_space<vmem>>, vector<16xi32>,
        %add3A_1310 = vector.broadcast %mul3A_1225 : i32 to vector<16xi32>
        %add3A_1311 = arith.addi %get3A_1307, %add3A_1310 : vector<16xi32>
        %gather3A_1312 = tpu.vector_load_idx %arg9[%add3A_1311] : memref<3328xi32, #tpu.memory_space<vmem>>[vector<16xi32>], vector<16xi32>,
        %add3A_1313 = arith.addi %gather3A_1312, %get3A_1309 : vector<16xi32>
        %swap3A_1314 = arith.constant 128 : index
        %swap3A_1315 = tpu.vector_load %arg14[%swap3A_1314] {strides = array<i32>} : memref<672xi32, #tpu.memory_space<vmem>>, vector<16xi32>,
        tpu.vector_store %arg14[%swap3A_1314], %add3A_1313 {strides = array<i32>} : memref<672xi32, #tpu.memory_space<vmem>>, vector<16xi32>,
        %get3A_1316 = arith.constant 144 : index
        %get3A_1317 = tpu.vector_load %arg11[%get3A_1316] {strides = array<i32>} : memref<704xi32, #tpu.memory_space<vmem>>, vector<16xi32>,
        %get3A_1318 = arith.constant 144 : index
        %get3A_1319 = tpu.vector_load %arg12[%get3A_1318] {strides = array<i32>} : memref<704xi32, #tpu.memory_space<vmem>>, vector<16xi32>,
        %add3A_1320 = vector.broadcast %mul3A_1225 : i32 to vector<16xi32>
        %add3A_1321 = arith.addi %get3A_1317, %add3A_1320 : vector<16xi32>
        %gather3A_1322 = tpu.vector_load_idx %arg9[%add3A_1321] : memref<3328xi32, #tpu.memory_space<vmem>>[vector<16xi32>], vector<16xi32>,
        %add3A_1323 = arith.addi %gather3A_1322, %get3A_1319 : vector<16xi32>
        %swap3A_1324 = arith.constant 144 : index
        %swap3A_1325 = tpu.vector_load %arg14[%swap3A_1324] {strides = array<i32>} : memref<672xi32, #tpu.memory_space<vmem>>, vector<16xi32>,
        tpu.vector_store %arg14[%swap3A_1324], %add3A_1323 {strides = array<i32>} : memref<672xi32, #tpu.memory_space<vmem>>, vector<16xi32>,
        %get3A_1326 = arith.constant 160 : index
        %get3A_1327 = tpu.vector_load %arg11[%get3A_1326] {strides = array<i32>} : memref<704xi32, #tpu.memory_space<vmem>>, vector<16xi32>,
        %get3A_1328 = arith.constant 160 : index
        %get3A_1329 = tpu.vector_load %arg12[%get3A_1328] {strides = array<i32>} : memref<704xi32, #tpu.memory_space<vmem>>, vector<16xi32>,
        %add3A_1330 = vector.broadcast %mul3A_1225 : i32 to vector<16xi32>
        %add3A_1331 = arith.addi %get3A_1327, %add3A_1330 : vector<16xi32>
        %gather3A_1332 = tpu.vector_load_idx %arg9[%add3A_1331] : memref<3328xi32, #tpu.memory_space<vmem>>[vector<16xi32>], vector<16xi32>,
        %add3A_1333 = arith.addi %gather3A_1332, %get3A_1329 : vector<16xi32>
        %swap3A_1334 = arith.constant 160 : index
        %swap3A_1335 = tpu.vector_load %arg14[%swap3A_1334] {strides = array<i32>} : memref<672xi32, #tpu.memory_space<vmem>>, vector<16xi32>,
        tpu.vector_store %arg14[%swap3A_1334], %add3A_1333 {strides = array<i32>} : memref<672xi32, #tpu.memory_space<vmem>>, vector<16xi32>,
        %get3A_1336 = arith.constant 176 : index
        %get3A_1337 = tpu.vector_load %arg11[%get3A_1336] {strides = array<i32>} : memref<704xi32, #tpu.memory_space<vmem>>, vector<16xi32>,
        %get3A_1338 = arith.constant 176 : index
        %get3A_1339 = tpu.vector_load %arg12[%get3A_1338] {strides = array<i32>} : memref<704xi32, #tpu.memory_space<vmem>>, vector<16xi32>,
        %add3A_1340 = vector.broadcast %mul3A_1225 : i32 to vector<16xi32>
        %add3A_1341 = arith.addi %get3A_1337, %add3A_1340 : vector<16xi32>
        %gather3A_1342 = tpu.vector_load_idx %arg9[%add3A_1341] : memref<3328xi32, #tpu.memory_space<vmem>>[vector<16xi32>], vector<16xi32>,
        %add3A_1343 = arith.addi %gather3A_1342, %get3A_1339 : vector<16xi32>
        %swap3A_1344 = arith.constant 176 : index
        %swap3A_1345 = tpu.vector_load %arg14[%swap3A_1344] {strides = array<i32>} : memref<672xi32, #tpu.memory_space<vmem>>, vector<16xi32>,
        tpu.vector_store %arg14[%swap3A_1344], %add3A_1343 {strides = array<i32>} : memref<672xi32, #tpu.memory_space<vmem>>, vector<16xi32>,
        %get3A_1346 = arith.constant 192 : index
        %get3A_1347 = tpu.vector_load %arg11[%get3A_1346] {strides = array<i32>} : memref<704xi32, #tpu.memory_space<vmem>>, vector<16xi32>,
        %get3A_1348 = arith.constant 192 : index
        %get3A_1349 = tpu.vector_load %arg12[%get3A_1348] {strides = array<i32>} : memref<704xi32, #tpu.memory_space<vmem>>, vector<16xi32>,
        %add3A_1350 = vector.broadcast %mul3A_1225 : i32 to vector<16xi32>
        %add3A_1351 = arith.addi %get3A_1347, %add3A_1350 : vector<16xi32>
        %gather3A_1352 = tpu.vector_load_idx %arg9[%add3A_1351] : memref<3328xi32, #tpu.memory_space<vmem>>[vector<16xi32>], vector<16xi32>,
        %add3A_1353 = arith.addi %gather3A_1352, %get3A_1349 : vector<16xi32>
        %swap3A_1354 = arith.constant 192 : index
        %swap3A_1355 = tpu.vector_load %arg14[%swap3A_1354] {strides = array<i32>} : memref<672xi32, #tpu.memory_space<vmem>>, vector<16xi32>,
        tpu.vector_store %arg14[%swap3A_1354], %add3A_1353 {strides = array<i32>} : memref<672xi32, #tpu.memory_space<vmem>>, vector<16xi32>,
        %get3A_1356 = arith.constant 208 : index
        %get3A_1357 = tpu.vector_load %arg11[%get3A_1356] {strides = array<i32>} : memref<704xi32, #tpu.memory_space<vmem>>, vector<16xi32>,
        %get3A_1358 = arith.constant 208 : index
        %get3A_1359 = tpu.vector_load %arg12[%get3A_1358] {strides = array<i32>} : memref<704xi32, #tpu.memory_space<vmem>>, vector<16xi32>,
        %add3A_1360 = vector.broadcast %mul3A_1225 : i32 to vector<16xi32>
        %add3A_1361 = arith.addi %get3A_1357, %add3A_1360 : vector<16xi32>
        %gather3A_1362 = tpu.vector_load_idx %arg9[%add3A_1361] : memref<3328xi32, #tpu.memory_space<vmem>>[vector<16xi32>], vector<16xi32>,
        %add3A_1363 = arith.addi %gather3A_1362, %get3A_1359 : vector<16xi32>
        %swap3A_1364 = arith.constant 208 : index
        %swap3A_1365 = tpu.vector_load %arg14[%swap3A_1364] {strides = array<i32>} : memref<672xi32, #tpu.memory_space<vmem>>, vector<16xi32>,
        tpu.vector_store %arg14[%swap3A_1364], %add3A_1363 {strides = array<i32>} : memref<672xi32, #tpu.memory_space<vmem>>, vector<16xi32>,
        %get3A_1366 = arith.constant 224 : index
        %get3A_1367 = tpu.vector_load %arg11[%get3A_1366] {strides = array<i32>} : memref<704xi32, #tpu.memory_space<vmem>>, vector<16xi32>,
        %get3A_1368 = arith.constant 224 : index
        %get3A_1369 = tpu.vector_load %arg12[%get3A_1368] {strides = array<i32>} : memref<704xi32, #tpu.memory_space<vmem>>, vector<16xi32>,
        %add3A_1370 = vector.broadcast %mul3A_1225 : i32 to vector<16xi32>
        %add3A_1371 = arith.addi %get3A_1367, %add3A_1370 : vector<16xi32>
        %gather3A_1372 = tpu.vector_load_idx %arg9[%add3A_1371] : memref<3328xi32, #tpu.memory_space<vmem>>[vector<16xi32>], vector<16xi32>,
        %add3A_1373 = arith.addi %gather3A_1372, %get3A_1369 : vector<16xi32>
        %swap3A_1374 = arith.constant 224 : index
        %swap3A_1375 = tpu.vector_load %arg14[%swap3A_1374] {strides = array<i32>} : memref<672xi32, #tpu.memory_space<vmem>>, vector<16xi32>,
        tpu.vector_store %arg14[%swap3A_1374], %add3A_1373 {strides = array<i32>} : memref<672xi32, #tpu.memory_space<vmem>>, vector<16xi32>,
        %get3A_1376 = arith.constant 240 : index
        %get3A_1377 = tpu.vector_load %arg11[%get3A_1376] {strides = array<i32>} : memref<704xi32, #tpu.memory_space<vmem>>, vector<16xi32>,
        %get3A_1378 = arith.constant 240 : index
        %get3A_1379 = tpu.vector_load %arg12[%get3A_1378] {strides = array<i32>} : memref<704xi32, #tpu.memory_space<vmem>>, vector<16xi32>,
        %add3A_1380 = vector.broadcast %mul3A_1225 : i32 to vector<16xi32>
        %add3A_1381 = arith.addi %get3A_1377, %add3A_1380 : vector<16xi32>
        %gather3A_1382 = tpu.vector_load_idx %arg9[%add3A_1381] : memref<3328xi32, #tpu.memory_space<vmem>>[vector<16xi32>], vector<16xi32>,
        %add3A_1383 = arith.addi %gather3A_1382, %get3A_1379 : vector<16xi32>
        %swap3A_1384 = arith.constant 240 : index
        %swap3A_1385 = tpu.vector_load %arg14[%swap3A_1384] {strides = array<i32>} : memref<672xi32, #tpu.memory_space<vmem>>, vector<16xi32>,
        tpu.vector_store %arg14[%swap3A_1384], %add3A_1383 {strides = array<i32>} : memref<672xi32, #tpu.memory_space<vmem>>, vector<16xi32>,
        %get3A_1386 = arith.constant 256 : index
        %get3A_1387 = tpu.vector_load %arg11[%get3A_1386] {strides = array<i32>} : memref<704xi32, #tpu.memory_space<vmem>>, vector<16xi32>,
        %get3A_1388 = arith.constant 256 : index
        %get3A_1389 = tpu.vector_load %arg12[%get3A_1388] {strides = array<i32>} : memref<704xi32, #tpu.memory_space<vmem>>, vector<16xi32>,
        %add3A_1390 = vector.broadcast %mul3A_1225 : i32 to vector<16xi32>
        %add3A_1391 = arith.addi %get3A_1387, %add3A_1390 : vector<16xi32>
        %gather3A_1392 = tpu.vector_load_idx %arg9[%add3A_1391] : memref<3328xi32, #tpu.memory_space<vmem>>[vector<16xi32>], vector<16xi32>,
        %add3A_1393 = arith.addi %gather3A_1392, %get3A_1389 : vector<16xi32>
        %swap3A_1394 = arith.constant 256 : index
        %swap3A_1395 = tpu.vector_load %arg14[%swap3A_1394] {strides = array<i32>} : memref<672xi32, #tpu.memory_space<vmem>>, vector<16xi32>,
        tpu.vector_store %arg14[%swap3A_1394], %add3A_1393 {strides = array<i32>} : memref<672xi32, #tpu.memory_space<vmem>>, vector<16xi32>,
        %get3A_1396 = arith.constant 272 : index
        %get3A_1397 = tpu.vector_load %arg11[%get3A_1396] {strides = array<i32>} : memref<704xi32, #tpu.memory_space<vmem>>, vector<16xi32>,
        %get3A_1398 = arith.constant 272 : index
        %get3A_1399 = tpu.vector_load %arg12[%get3A_1398] {strides = array<i32>} : memref<704xi32, #tpu.memory_space<vmem>>, vector<16xi32>,
        %add3A_1400 = vector.broadcast %mul3A_1225 : i32 to vector<16xi32>
        %add3A_1401 = arith.addi %get3A_1397, %add3A_1400 : vector<16xi32>
        %gather3A_1402 = tpu.vector_load_idx %arg9[%add3A_1401] : memref<3328xi32, #tpu.memory_space<vmem>>[vector<16xi32>], vector<16xi32>,
        %add3A_1403 = arith.addi %gather3A_1402, %get3A_1399 : vector<16xi32>
        %swap3A_1404 = arith.constant 272 : index
        %swap3A_1405 = tpu.vector_load %arg14[%swap3A_1404] {strides = array<i32>} : memref<672xi32, #tpu.memory_space<vmem>>, vector<16xi32>,
        tpu.vector_store %arg14[%swap3A_1404], %add3A_1403 {strides = array<i32>} : memref<672xi32, #tpu.memory_space<vmem>>, vector<16xi32>,
        %get3A_1406 = arith.constant 288 : index
        %get3A_1407 = tpu.vector_load %arg11[%get3A_1406] {strides = array<i32>} : memref<704xi32, #tpu.memory_space<vmem>>, vector<16xi32>,
        %get3A_1408 = arith.constant 288 : index
        %get3A_1409 = tpu.vector_load %arg12[%get3A_1408] {strides = array<i32>} : memref<704xi32, #tpu.memory_space<vmem>>, vector<16xi32>,
        %add3A_1410 = vector.broadcast %mul3A_1225 : i32 to vector<16xi32>
        %add3A_1411 = arith.addi %get3A_1407, %add3A_1410 : vector<16xi32>
        %gather3A_1412 = tpu.vector_load_idx %arg9[%add3A_1411] : memref<3328xi32, #tpu.memory_space<vmem>>[vector<16xi32>], vector<16xi32>,
        %add3A_1413 = arith.addi %gather3A_1412, %get3A_1409 : vector<16xi32>
        %swap3A_1414 = arith.constant 288 : index
        %swap3A_1415 = tpu.vector_load %arg14[%swap3A_1414] {strides = array<i32>} : memref<672xi32, #tpu.memory_space<vmem>>, vector<16xi32>,
        tpu.vector_store %arg14[%swap3A_1414], %add3A_1413 {strides = array<i32>} : memref<672xi32, #tpu.memory_space<vmem>>, vector<16xi32>,
        %get3A_1416 = arith.constant 304 : index
        %get3A_1417 = tpu.vector_load %arg11[%get3A_1416] {strides = array<i32>} : memref<704xi32, #tpu.memory_space<vmem>>, vector<16xi32>,
        %get3A_1418 = arith.constant 304 : index
        %get3A_1419 = tpu.vector_load %arg12[%get3A_1418] {strides = array<i32>} : memref<704xi32, #tpu.memory_space<vmem>>, vector<16xi32>,
        %add3A_1420 = vector.broadcast %mul3A_1225 : i32 to vector<16xi32>
        %add3A_1421 = arith.addi %get3A_1417, %add3A_1420 : vector<16xi32>
        %gather3A_1422 = tpu.vector_load_idx %arg9[%add3A_1421] : memref<3328xi32, #tpu.memory_space<vmem>>[vector<16xi32>], vector<16xi32>,
        %add3A_1423 = arith.addi %gather3A_1422, %get3A_1419 : vector<16xi32>
        %swap3A_1424 = arith.constant 304 : index
        %swap3A_1425 = tpu.vector_load %arg14[%swap3A_1424] {strides = array<i32>} : memref<672xi32, #tpu.memory_space<vmem>>, vector<16xi32>,
        tpu.vector_store %arg14[%swap3A_1424], %add3A_1423 {strides = array<i32>} : memref<672xi32, #tpu.memory_space<vmem>>, vector<16xi32>,
        %get3A_1426 = arith.constant 320 : index
        %get3A_1427 = tpu.vector_load %arg11[%get3A_1426] {strides = array<i32>} : memref<704xi32, #tpu.memory_space<vmem>>, vector<16xi32>,
        %get3A_1428 = arith.constant 320 : index
        %get3A_1429 = tpu.vector_load %arg12[%get3A_1428] {strides = array<i32>} : memref<704xi32, #tpu.memory_space<vmem>>, vector<16xi32>,
        %add3A_1430 = vector.broadcast %mul3A_1225 : i32 to vector<16xi32>
        %add3A_1431 = arith.addi %get3A_1427, %add3A_1430 : vector<16xi32>
        %gather3A_1432 = tpu.vector_load_idx %arg9[%add3A_1431] : memref<3328xi32, #tpu.memory_space<vmem>>[vector<16xi32>], vector<16xi32>,
        %add3A_1433 = arith.addi %gather3A_1432, %get3A_1429 : vector<16xi32>
        %swap3A_1434 = arith.constant 320 : index
        %swap3A_1435 = tpu.vector_load %arg14[%swap3A_1434] {strides = array<i32>} : memref<672xi32, #tpu.memory_space<vmem>>, vector<16xi32>,
        tpu.vector_store %arg14[%swap3A_1434], %add3A_1433 {strides = array<i32>} : memref<672xi32, #tpu.memory_space<vmem>>, vector<16xi32>,
        %get3A_1436 = arith.constant 336 : index
        %get3A_1437 = tpu.vector_load %arg11[%get3A_1436] {strides = array<i32>} : memref<704xi32, #tpu.memory_space<vmem>>, vector<16xi32>,
        %get3A_1438 = arith.constant 336 : index
        %get3A_1439 = tpu.vector_load %arg12[%get3A_1438] {strides = array<i32>} : memref<704xi32, #tpu.memory_space<vmem>>, vector<16xi32>,
        %add3A_1440 = vector.broadcast %mul3A_1225 : i32 to vector<16xi32>
        %add3A_1441 = arith.addi %get3A_1437, %add3A_1440 : vector<16xi32>
        %gather3A_1442 = tpu.vector_load_idx %arg9[%add3A_1441] : memref<3328xi32, #tpu.memory_space<vmem>>[vector<16xi32>], vector<16xi32>,
        %add3A_1443 = arith.addi %gather3A_1442, %get3A_1439 : vector<16xi32>
        %swap3A_1444 = arith.constant 336 : index
        %swap3A_1445 = tpu.vector_load %arg14[%swap3A_1444] {strides = array<i32>} : memref<672xi32, #tpu.memory_space<vmem>>, vector<16xi32>,
        tpu.vector_store %arg14[%swap3A_1444], %add3A_1443 {strides = array<i32>} : memref<672xi32, #tpu.memory_space<vmem>>, vector<16xi32>,
        %get3A_1446 = arith.constant 352 : index
        %get3A_1447 = tpu.vector_load %arg11[%get3A_1446] {strides = array<i32>} : memref<704xi32, #tpu.memory_space<vmem>>, vector<16xi32>,
        %get3A_1448 = arith.constant 352 : index
        %get3A_1449 = tpu.vector_load %arg12[%get3A_1448] {strides = array<i32>} : memref<704xi32, #tpu.memory_space<vmem>>, vector<16xi32>,
        %add3A_1450 = vector.broadcast %mul3A_1225 : i32 to vector<16xi32>
        %add3A_1451 = arith.addi %get3A_1447, %add3A_1450 : vector<16xi32>
        %gather3A_1452 = tpu.vector_load_idx %arg9[%add3A_1451] : memref<3328xi32, #tpu.memory_space<vmem>>[vector<16xi32>], vector<16xi32>,
        %add3A_1453 = arith.addi %gather3A_1452, %get3A_1449 : vector<16xi32>
        %swap3A_1454 = arith.constant 352 : index
        %swap3A_1455 = tpu.vector_load %arg14[%swap3A_1454] {strides = array<i32>} : memref<672xi32, #tpu.memory_space<vmem>>, vector<16xi32>,
        tpu.vector_store %arg14[%swap3A_1454], %add3A_1453 {strides = array<i32>} : memref<672xi32, #tpu.memory_space<vmem>>, vector<16xi32>,
        %get3A_1456 = arith.constant 368 : index
        %get3A_1457 = tpu.vector_load %arg11[%get3A_1456] {strides = array<i32>} : memref<704xi32, #tpu.memory_space<vmem>>, vector<16xi32>,
        %get3A_1458 = arith.constant 368 : index
        %get3A_1459 = tpu.vector_load %arg12[%get3A_1458] {strides = array<i32>} : memref<704xi32, #tpu.memory_space<vmem>>, vector<16xi32>,
        %add3A_1460 = vector.broadcast %mul3A_1225 : i32 to vector<16xi32>
        %add3A_1461 = arith.addi %get3A_1457, %add3A_1460 : vector<16xi32>
        %gather3A_1462 = tpu.vector_load_idx %arg9[%add3A_1461] : memref<3328xi32, #tpu.memory_space<vmem>>[vector<16xi32>], vector<16xi32>,
        %add3A_1463 = arith.addi %gather3A_1462, %get3A_1459 : vector<16xi32>
        %swap3A_1464 = arith.constant 368 : index
        %swap3A_1465 = tpu.vector_load %arg14[%swap3A_1464] {strides = array<i32>} : memref<672xi32, #tpu.memory_space<vmem>>, vector<16xi32>,
        tpu.vector_store %arg14[%swap3A_1464], %add3A_1463 {strides = array<i32>} : memref<672xi32, #tpu.memory_space<vmem>>, vector<16xi32>,
        %get3A_1466 = arith.constant 384 : index
        %get3A_1467 = tpu.vector_load %arg11[%get3A_1466] {strides = array<i32>} : memref<704xi32, #tpu.memory_space<vmem>>, vector<16xi32>,
        %get3A_1468 = arith.constant 384 : index
        %get3A_1469 = tpu.vector_load %arg12[%get3A_1468] {strides = array<i32>} : memref<704xi32, #tpu.memory_space<vmem>>, vector<16xi32>,
        %add3A_1470 = vector.broadcast %mul3A_1225 : i32 to vector<16xi32>
        %add3A_1471 = arith.addi %get3A_1467, %add3A_1470 : vector<16xi32>
        %gather3A_1472 = tpu.vector_load_idx %arg9[%add3A_1471] : memref<3328xi32, #tpu.memory_space<vmem>>[vector<16xi32>], vector<16xi32>,
        %add3A_1473 = arith.addi %gather3A_1472, %get3A_1469 : vector<16xi32>
        %swap3A_1474 = arith.constant 384 : index
        %swap3A_1475 = tpu.vector_load %arg14[%swap3A_1474] {strides = array<i32>} : memref<672xi32, #tpu.memory_space<vmem>>, vector<16xi32>,
        tpu.vector_store %arg14[%swap3A_1474], %add3A_1473 {strides = array<i32>} : memref<672xi32, #tpu.memory_space<vmem>>, vector<16xi32>,
        %get3A_1476 = arith.constant 400 : index
        %get3A_1477 = tpu.vector_load %arg11[%get3A_1476] {strides = array<i32>} : memref<704xi32, #tpu.memory_space<vmem>>, vector<16xi32>,
        %get3A_1478 = arith.constant 400 : index
        %get3A_1479 = tpu.vector_load %arg12[%get3A_1478] {strides = array<i32>} : memref<704xi32, #tpu.memory_space<vmem>>, vector<16xi32>,
        %add3A_1480 = vector.broadcast %mul3A_1225 : i32 to vector<16xi32>
        %add3A_1481 = arith.addi %get3A_1477, %add3A_1480 : vector<16xi32>
        %gather3A_1482 = tpu.vector_load_idx %arg9[%add3A_1481] : memref<3328xi32, #tpu.memory_space<vmem>>[vector<16xi32>], vector<16xi32>,
        %add3A_1483 = arith.addi %gather3A_1482, %get3A_1479 : vector<16xi32>
        %swap3A_1484 = arith.constant 400 : index
        %swap3A_1485 = tpu.vector_load %arg14[%swap3A_1484] {strides = array<i32>} : memref<672xi32, #tpu.memory_space<vmem>>, vector<16xi32>,
        tpu.vector_store %arg14[%swap3A_1484], %add3A_1483 {strides = array<i32>} : memref<672xi32, #tpu.memory_space<vmem>>, vector<16xi32>,
        %get3A_1486 = arith.constant 416 : index
        %get3A_1487 = tpu.vector_load %arg11[%get3A_1486] {strides = array<i32>} : memref<704xi32, #tpu.memory_space<vmem>>, vector<16xi32>,
        %get3A_1488 = arith.constant 416 : index
        %get3A_1489 = tpu.vector_load %arg12[%get3A_1488] {strides = array<i32>} : memref<704xi32, #tpu.memory_space<vmem>>, vector<16xi32>,
        %add3A_1490 = vector.broadcast %mul3A_1225 : i32 to vector<16xi32>
        %add3A_1491 = arith.addi %get3A_1487, %add3A_1490 : vector<16xi32>
        %gather3A_1492 = tpu.vector_load_idx %arg9[%add3A_1491] : memref<3328xi32, #tpu.memory_space<vmem>>[vector<16xi32>], vector<16xi32>,
        %add3A_1493 = arith.addi %gather3A_1492, %get3A_1489 : vector<16xi32>
        %swap3A_1494 = arith.constant 416 : index
        %swap3A_1495 = tpu.vector_load %arg14[%swap3A_1494] {strides = array<i32>} : memref<672xi32, #tpu.memory_space<vmem>>, vector<16xi32>,
        tpu.vector_store %arg14[%swap3A_1494], %add3A_1493 {strides = array<i32>} : memref<672xi32, #tpu.memory_space<vmem>>, vector<16xi32>,
        %get3A_1496 = arith.constant 432 : index
        %get3A_1497 = tpu.vector_load %arg11[%get3A_1496] {strides = array<i32>} : memref<704xi32, #tpu.memory_space<vmem>>, vector<16xi32>,
        %get3A_1498 = arith.constant 432 : index
        %get3A_1499 = tpu.vector_load %arg12[%get3A_1498] {strides = array<i32>} : memref<704xi32, #tpu.memory_space<vmem>>, vector<16xi32>,
        %add3A_1500 = vector.broadcast %mul3A_1225 : i32 to vector<16xi32>
        %add3A_1501 = arith.addi %get3A_1497, %add3A_1500 : vector<16xi32>
        %gather3A_1502 = tpu.vector_load_idx %arg9[%add3A_1501] : memref<3328xi32, #tpu.memory_space<vmem>>[vector<16xi32>], vector<16xi32>,
        %add3A_1503 = arith.addi %gather3A_1502, %get3A_1499 : vector<16xi32>
        %swap3A_1504 = arith.constant 432 : index
        %swap3A_1505 = tpu.vector_load %arg14[%swap3A_1504] {strides = array<i32>} : memref<672xi32, #tpu.memory_space<vmem>>, vector<16xi32>,
        tpu.vector_store %arg14[%swap3A_1504], %add3A_1503 {strides = array<i32>} : memref<672xi32, #tpu.memory_space<vmem>>, vector<16xi32>,
        %get3A_1506 = arith.constant 448 : index
        %get3A_1507 = tpu.vector_load %arg11[%get3A_1506] {strides = array<i32>} : memref<704xi32, #tpu.memory_space<vmem>>, vector<16xi32>,
        %get3A_1508 = arith.constant 448 : index
        %get3A_1509 = tpu.vector_load %arg12[%get3A_1508] {strides = array<i32>} : memref<704xi32, #tpu.memory_space<vmem>>, vector<16xi32>,
        %add3A_1510 = vector.broadcast %mul3A_1225 : i32 to vector<16xi32>
        %add3A_1511 = arith.addi %get3A_1507, %add3A_1510 : vector<16xi32>
        %gather3A_1512 = tpu.vector_load_idx %arg9[%add3A_1511] : memref<3328xi32, #tpu.memory_space<vmem>>[vector<16xi32>], vector<16xi32>,
        %add3A_1513 = arith.addi %gather3A_1512, %get3A_1509 : vector<16xi32>
        %swap3A_1514 = arith.constant 448 : index
        %swap3A_1515 = tpu.vector_load %arg14[%swap3A_1514] {strides = array<i32>} : memref<672xi32, #tpu.memory_space<vmem>>, vector<16xi32>,
        tpu.vector_store %arg14[%swap3A_1514], %add3A_1513 {strides = array<i32>} : memref<672xi32, #tpu.memory_space<vmem>>, vector<16xi32>,
        %get3A_1516 = arith.constant 464 : index
        %get3A_1517 = tpu.vector_load %arg11[%get3A_1516] {strides = array<i32>} : memref<704xi32, #tpu.memory_space<vmem>>, vector<16xi32>,
        %get3A_1518 = arith.constant 464 : index
        %get3A_1519 = tpu.vector_load %arg12[%get3A_1518] {strides = array<i32>} : memref<704xi32, #tpu.memory_space<vmem>>, vector<16xi32>,
        %add3A_1520 = vector.broadcast %mul3A_1225 : i32 to vector<16xi32>
        %add3A_1521 = arith.addi %get3A_1517, %add3A_1520 : vector<16xi32>
        %gather3A_1522 = tpu.vector_load_idx %arg9[%add3A_1521] : memref<3328xi32, #tpu.memory_space<vmem>>[vector<16xi32>], vector<16xi32>,
        %add3A_1523 = arith.addi %gather3A_1522, %get3A_1519 : vector<16xi32>
        %swap3A_1524 = arith.constant 464 : index
        %swap3A_1525 = tpu.vector_load %arg14[%swap3A_1524] {strides = array<i32>} : memref<672xi32, #tpu.memory_space<vmem>>, vector<16xi32>,
        tpu.vector_store %arg14[%swap3A_1524], %add3A_1523 {strides = array<i32>} : memref<672xi32, #tpu.memory_space<vmem>>, vector<16xi32>,
        %get3A_1526 = arith.constant 480 : index
        %get3A_1527 = tpu.vector_load %arg11[%get3A_1526] {strides = array<i32>} : memref<704xi32, #tpu.memory_space<vmem>>, vector<16xi32>,
        %get3A_1528 = arith.constant 480 : index
        %get3A_1529 = tpu.vector_load %arg12[%get3A_1528] {strides = array<i32>} : memref<704xi32, #tpu.memory_space<vmem>>, vector<16xi32>,
        %add3A_1530 = vector.broadcast %mul3A_1225 : i32 to vector<16xi32>
        %add3A_1531 = arith.addi %get3A_1527, %add3A_1530 : vector<16xi32>
        %gather3A_1532 = tpu.vector_load_idx %arg9[%add3A_1531] : memref<3328xi32, #tpu.memory_space<vmem>>[vector<16xi32>], vector<16xi32>,
        %add3A_1533 = arith.addi %gather3A_1532, %get3A_1529 : vector<16xi32>
        %swap3A_1534 = arith.constant 480 : index
        %swap3A_1535 = tpu.vector_load %arg14[%swap3A_1534] {strides = array<i32>} : memref<672xi32, #tpu.memory_space<vmem>>, vector<16xi32>,
        tpu.vector_store %arg14[%swap3A_1534], %add3A_1533 {strides = array<i32>} : memref<672xi32, #tpu.memory_space<vmem>>, vector<16xi32>,
        %get3A_1536 = arith.constant 496 : index
        %get3A_1537 = tpu.vector_load %arg11[%get3A_1536] {strides = array<i32>} : memref<704xi32, #tpu.memory_space<vmem>>, vector<16xi32>,
        %get3A_1538 = arith.constant 496 : index
        %get3A_1539 = tpu.vector_load %arg12[%get3A_1538] {strides = array<i32>} : memref<704xi32, #tpu.memory_space<vmem>>, vector<16xi32>,
        %add3A_1540 = vector.broadcast %mul3A_1225 : i32 to vector<16xi32>
        %add3A_1541 = arith.addi %get3A_1537, %add3A_1540 : vector<16xi32>
        %gather3A_1542 = tpu.vector_load_idx %arg9[%add3A_1541] : memref<3328xi32, #tpu.memory_space<vmem>>[vector<16xi32>], vector<16xi32>,
        %add3A_1543 = arith.addi %gather3A_1542, %get3A_1539 : vector<16xi32>
        %swap3A_1544 = arith.constant 496 : index
        %swap3A_1545 = tpu.vector_load %arg14[%swap3A_1544] {strides = array<i32>} : memref<672xi32, #tpu.memory_space<vmem>>, vector<16xi32>,
        tpu.vector_store %arg14[%swap3A_1544], %add3A_1543 {strides = array<i32>} : memref<672xi32, #tpu.memory_space<vmem>>, vector<16xi32>,
        %get3A_1546 = arith.constant 512 : index
        %get3A_1547 = tpu.vector_load %arg11[%get3A_1546] {strides = array<i32>} : memref<704xi32, #tpu.memory_space<vmem>>, vector<16xi32>,
        %get3A_1548 = arith.constant 512 : index
        %get3A_1549 = tpu.vector_load %arg12[%get3A_1548] {strides = array<i32>} : memref<704xi32, #tpu.memory_space<vmem>>, vector<16xi32>,
        %add3A_1550 = vector.broadcast %mul3A_1225 : i32 to vector<16xi32>
        %add3A_1551 = arith.addi %get3A_1547, %add3A_1550 : vector<16xi32>
        %gather3A_1552 = tpu.vector_load_idx %arg9[%add3A_1551] : memref<3328xi32, #tpu.memory_space<vmem>>[vector<16xi32>], vector<16xi32>,
        %add3A_1553 = arith.addi %gather3A_1552, %get3A_1549 : vector<16xi32>
        %swap3A_1554 = arith.constant 512 : index
        %swap3A_1555 = tpu.vector_load %arg14[%swap3A_1554] {strides = array<i32>} : memref<672xi32, #tpu.memory_space<vmem>>, vector<16xi32>,
        tpu.vector_store %arg14[%swap3A_1554], %add3A_1553 {strides = array<i32>} : memref<672xi32, #tpu.memory_space<vmem>>, vector<16xi32>,
        %get3A_1556 = arith.constant 528 : index
        %get3A_1557 = tpu.vector_load %arg11[%get3A_1556] {strides = array<i32>} : memref<704xi32, #tpu.memory_space<vmem>>, vector<16xi32>,
        %get3A_1558 = arith.constant 528 : index
        %get3A_1559 = tpu.vector_load %arg12[%get3A_1558] {strides = array<i32>} : memref<704xi32, #tpu.memory_space<vmem>>, vector<16xi32>,
        %add3A_1560 = vector.broadcast %mul3A_1225 : i32 to vector<16xi32>
        %add3A_1561 = arith.addi %get3A_1557, %add3A_1560 : vector<16xi32>
        %gather3A_1562 = tpu.vector_load_idx %arg9[%add3A_1561] : memref<3328xi32, #tpu.memory_space<vmem>>[vector<16xi32>], vector<16xi32>,
        %add3A_1563 = arith.addi %gather3A_1562, %get3A_1559 : vector<16xi32>
        %swap3A_1564 = arith.constant 528 : index
        %swap3A_1565 = tpu.vector_load %arg14[%swap3A_1564] {strides = array<i32>} : memref<672xi32, #tpu.memory_space<vmem>>, vector<16xi32>,
        tpu.vector_store %arg14[%swap3A_1564], %add3A_1563 {strides = array<i32>} : memref<672xi32, #tpu.memory_space<vmem>>, vector<16xi32>,
        %get3A_1566 = arith.constant 544 : index
        %get3A_1567 = tpu.vector_load %arg11[%get3A_1566] {strides = array<i32>} : memref<704xi32, #tpu.memory_space<vmem>>, vector<16xi32>,
        %get3A_1568 = arith.constant 544 : index
        %get3A_1569 = tpu.vector_load %arg12[%get3A_1568] {strides = array<i32>} : memref<704xi32, #tpu.memory_space<vmem>>, vector<16xi32>,
        %add3A_1570 = vector.broadcast %mul3A_1225 : i32 to vector<16xi32>
        %add3A_1571 = arith.addi %get3A_1567, %add3A_1570 : vector<16xi32>
        %gather3A_1572 = tpu.vector_load_idx %arg9[%add3A_1571] : memref<3328xi32, #tpu.memory_space<vmem>>[vector<16xi32>], vector<16xi32>,
        %add3A_1573 = arith.addi %gather3A_1572, %get3A_1569 : vector<16xi32>
        %swap3A_1574 = arith.constant 544 : index
        %swap3A_1575 = tpu.vector_load %arg14[%swap3A_1574] {strides = array<i32>} : memref<672xi32, #tpu.memory_space<vmem>>, vector<16xi32>,
        tpu.vector_store %arg14[%swap3A_1574], %add3A_1573 {strides = array<i32>} : memref<672xi32, #tpu.memory_space<vmem>>, vector<16xi32>,
        %get3A_1576 = arith.constant 560 : index
        %get3A_1577 = tpu.vector_load %arg11[%get3A_1576] {strides = array<i32>} : memref<704xi32, #tpu.memory_space<vmem>>, vector<16xi32>,
        %get3A_1578 = arith.constant 560 : index
        %get3A_1579 = tpu.vector_load %arg12[%get3A_1578] {strides = array<i32>} : memref<704xi32, #tpu.memory_space<vmem>>, vector<16xi32>,
        %add3A_1580 = vector.broadcast %mul3A_1225 : i32 to vector<16xi32>
        %add3A_1581 = arith.addi %get3A_1577, %add3A_1580 : vector<16xi32>
        %gather3A_1582 = tpu.vector_load_idx %arg9[%add3A_1581] : memref<3328xi32, #tpu.memory_space<vmem>>[vector<16xi32>], vector<16xi32>,
        %add3A_1583 = arith.addi %gather3A_1582, %get3A_1579 : vector<16xi32>
        %swap3A_1584 = arith.constant 560 : index
        %swap3A_1585 = tpu.vector_load %arg14[%swap3A_1584] {strides = array<i32>} : memref<672xi32, #tpu.memory_space<vmem>>, vector<16xi32>,
        tpu.vector_store %arg14[%swap3A_1584], %add3A_1583 {strides = array<i32>} : memref<672xi32, #tpu.memory_space<vmem>>, vector<16xi32>,
        %get3A_1586 = arith.constant 576 : index
        %get3A_1587 = tpu.vector_load %arg11[%get3A_1586] {strides = array<i32>} : memref<704xi32, #tpu.memory_space<vmem>>, vector<16xi32>,
        %get3A_1588 = arith.constant 576 : index
        %get3A_1589 = tpu.vector_load %arg12[%get3A_1588] {strides = array<i32>} : memref<704xi32, #tpu.memory_space<vmem>>, vector<16xi32>,
        %add3A_1590 = vector.broadcast %mul3A_1225 : i32 to vector<16xi32>
        %add3A_1591 = arith.addi %get3A_1587, %add3A_1590 : vector<16xi32>
        %gather3A_1592 = tpu.vector_load_idx %arg9[%add3A_1591] : memref<3328xi32, #tpu.memory_space<vmem>>[vector<16xi32>], vector<16xi32>,
        %add3A_1593 = arith.addi %gather3A_1592, %get3A_1589 : vector<16xi32>
        %swap3A_1594 = arith.constant 576 : index
        %swap3A_1595 = tpu.vector_load %arg14[%swap3A_1594] {strides = array<i32>} : memref<672xi32, #tpu.memory_space<vmem>>, vector<16xi32>,
        tpu.vector_store %arg14[%swap3A_1594], %add3A_1593 {strides = array<i32>} : memref<672xi32, #tpu.memory_space<vmem>>, vector<16xi32>,
        %get3A_1596 = arith.constant 592 : index
        %get3A_1597 = tpu.vector_load %arg11[%get3A_1596] {strides = array<i32>} : memref<704xi32, #tpu.memory_space<vmem>>, vector<16xi32>,
        %get3A_1598 = arith.constant 592 : index
        %get3A_1599 = tpu.vector_load %arg12[%get3A_1598] {strides = array<i32>} : memref<704xi32, #tpu.memory_space<vmem>>, vector<16xi32>,
        %add3A_1600 = vector.broadcast %mul3A_1225 : i32 to vector<16xi32>
        %add3A_1601 = arith.addi %get3A_1597, %add3A_1600 : vector<16xi32>
        %gather3A_1602 = tpu.vector_load_idx %arg9[%add3A_1601] : memref<3328xi32, #tpu.memory_space<vmem>>[vector<16xi32>], vector<16xi32>,
        %add3A_1603 = arith.addi %gather3A_1602, %get3A_1599 : vector<16xi32>
        %swap3A_1604 = arith.constant 592 : index
        %swap3A_1605 = tpu.vector_load %arg14[%swap3A_1604] {strides = array<i32>} : memref<672xi32, #tpu.memory_space<vmem>>, vector<16xi32>,
        tpu.vector_store %arg14[%swap3A_1604], %add3A_1603 {strides = array<i32>} : memref<672xi32, #tpu.memory_space<vmem>>, vector<16xi32>,
        %get3A_1606 = arith.constant 608 : index
        %get3A_1607 = tpu.vector_load %arg11[%get3A_1606] {strides = array<i32>} : memref<704xi32, #tpu.memory_space<vmem>>, vector<16xi32>,
        %get3A_1608 = arith.constant 608 : index
        %get3A_1609 = tpu.vector_load %arg12[%get3A_1608] {strides = array<i32>} : memref<704xi32, #tpu.memory_space<vmem>>, vector<16xi32>,
        %add3A_1610 = vector.broadcast %mul3A_1225 : i32 to vector<16xi32>
        %add3A_1611 = arith.addi %get3A_1607, %add3A_1610 : vector<16xi32>
        %gather3A_1612 = tpu.vector_load_idx %arg9[%add3A_1611] : memref<3328xi32, #tpu.memory_space<vmem>>[vector<16xi32>], vector<16xi32>,
        %add3A_1613 = arith.addi %gather3A_1612, %get3A_1609 : vector<16xi32>
        %swap3A_1614 = arith.constant 608 : index
        %swap3A_1615 = tpu.vector_load %arg14[%swap3A_1614] {strides = array<i32>} : memref<672xi32, #tpu.memory_space<vmem>>, vector<16xi32>,
        tpu.vector_store %arg14[%swap3A_1614], %add3A_1613 {strides = array<i32>} : memref<672xi32, #tpu.memory_space<vmem>>, vector<16xi32>,
        %get3A_1616 = arith.constant 624 : index
        %get3A_1617 = tpu.vector_load %arg11[%get3A_1616] {strides = array<i32>} : memref<704xi32, #tpu.memory_space<vmem>>, vector<16xi32>,
        %get3A_1618 = arith.constant 624 : index
        %get3A_1619 = tpu.vector_load %arg12[%get3A_1618] {strides = array<i32>} : memref<704xi32, #tpu.memory_space<vmem>>, vector<16xi32>,
        %add3A_1620 = vector.broadcast %mul3A_1225 : i32 to vector<16xi32>
        %add3A_1621 = arith.addi %get3A_1617, %add3A_1620 : vector<16xi32>
        %gather3A_1622 = tpu.vector_load_idx %arg9[%add3A_1621] : memref<3328xi32, #tpu.memory_space<vmem>>[vector<16xi32>], vector<16xi32>,
        %add3A_1623 = arith.addi %gather3A_1622, %get3A_1619 : vector<16xi32>
        %swap3A_1624 = arith.constant 624 : index
        %swap3A_1625 = tpu.vector_load %arg14[%swap3A_1624] {strides = array<i32>} : memref<672xi32, #tpu.memory_space<vmem>>, vector<16xi32>,
        tpu.vector_store %arg14[%swap3A_1624], %add3A_1623 {strides = array<i32>} : memref<672xi32, #tpu.memory_space<vmem>>, vector<16xi32>,
        %get3A_1626 = arith.constant 640 : index
        %get3A_1627 = tpu.vector_load %arg11[%get3A_1626] {strides = array<i32>} : memref<704xi32, #tpu.memory_space<vmem>>, vector<16xi32>,
        %get3A_1628 = arith.constant 640 : index
        %get3A_1629 = tpu.vector_load %arg12[%get3A_1628] {strides = array<i32>} : memref<704xi32, #tpu.memory_space<vmem>>, vector<16xi32>,
        %add3A_1630 = vector.broadcast %mul3A_1225 : i32 to vector<16xi32>
        %add3A_1631 = arith.addi %get3A_1627, %add3A_1630 : vector<16xi32>
        %gather3A_1632 = tpu.vector_load_idx %arg9[%add3A_1631] : memref<3328xi32, #tpu.memory_space<vmem>>[vector<16xi32>], vector<16xi32>,
        %add3A_1633 = arith.addi %gather3A_1632, %get3A_1629 : vector<16xi32>
        %swap3A_1634 = arith.constant 640 : index
        %swap3A_1635 = tpu.vector_load %arg14[%swap3A_1634] {strides = array<i32>} : memref<672xi32, #tpu.memory_space<vmem>>, vector<16xi32>,
        tpu.vector_store %arg14[%swap3A_1634], %add3A_1633 {strides = array<i32>} : memref<672xi32, #tpu.memory_space<vmem>>, vector<16xi32>,
        %get3A_1636 = arith.constant 656 : index
        %get3A_1637 = tpu.vector_load %arg11[%get3A_1636] {strides = array<i32>} : memref<704xi32, #tpu.memory_space<vmem>>, vector<16xi32>,
        %get3A_1638 = arith.constant 656 : index
        %get3A_1639 = tpu.vector_load %arg12[%get3A_1638] {strides = array<i32>} : memref<704xi32, #tpu.memory_space<vmem>>, vector<16xi32>,
        %add3A_1640 = vector.broadcast %mul3A_1225 : i32 to vector<16xi32>
        %add3A_1641 = arith.addi %get3A_1637, %add3A_1640 : vector<16xi32>
        %gather3A_1642 = tpu.vector_load_idx %arg9[%add3A_1641] : memref<3328xi32, #tpu.memory_space<vmem>>[vector<16xi32>], vector<16xi32>,
        %add3A_1643 = arith.addi %gather3A_1642, %get3A_1639 : vector<16xi32>
        %swap3A_1644 = arith.constant 656 : index
        %swap3A_1645 = tpu.vector_load %arg14[%swap3A_1644] {strides = array<i32>} : memref<672xi32, #tpu.memory_space<vmem>>, vector<16xi32>,
        tpu.vector_store %arg14[%swap3A_1644], %add3A_1643 {strides = array<i32>} : memref<672xi32, #tpu.memory_space<vmem>>, vector<16xi32>,
        %dma_start3A_1646 = arith.constant 0 : i32
        %dma_start3A_1647 = arith.constant 0 : i32
        %dma_start3A_1648 = arith.constant 0 : i32
        %dma_start3A_1649 = tpu.memref_slice %arg16[%dma_start3A_1646, %dma_start3A_1647, %dma_start3A_1648] : memref<2x672x16xf32, #tpu.memory_space<vmem>> -> memref<1x112x16xf32, #tpu.memory_space<vmem>>
        %dma_start3A_1650 = tpu.memref_squeeze %dma_start3A_1649 : memref<1x112x16xf32, #tpu.memory_space<vmem>> -> memref<112x16xf32, #tpu.memory_space<vmem>>
        %dma_start3A_1651 = arith.constant 0 : i32
        %dma_start3A_1652 = tpu.memref_slice %arg14[%dma_start3A_1651] : memref<672xi32, #tpu.memory_space<vmem>> -> memref<112xi32, #tpu.memory_space<vmem>>
        %dma_start3A_1653 = arith.constant 0 : i32
        %dma_start3A_1654 = arith.constant 0 : i32
        %dma_start3A_1655 = tpu.memref_slice %arg3[%dma_start3A_1653, %dma_start3A_1654] : memref<676000x16xf32, #tpu.memory_space<hbm>> -> memref<676000x16xf32, #tpu.memory_space<hbm>>
        tpu.enqueue_indirect_dma source(%dma_start3A_1655 : memref<676000x16xf32, #tpu.memory_space<hbm>>) target(%dma_start3A_1650 : memref<112x16xf32, #tpu.memory_space<vmem>>) offsets(%dma_start3A_1652 : memref<112xi32, #tpu.memory_space<vmem>>) semaphore(%arg18 : memref<!tpu.dma_semaphore, #tpu.memory_space<semaphore_mem>>)
        %dma_start3A_1656 = arith.constant 0 : i32
        %dma_start3A_1657 = arith.constant 112 : i32
        %dma_start3A_1658 = arith.constant 0 : i32
        %dma_start3A_1659 = tpu.memref_slice %arg16[%dma_start3A_1656, %dma_start3A_1657, %dma_start3A_1658] : memref<2x672x16xf32, #tpu.memory_space<vmem>> -> memref<1x112x16xf32, #tpu.memory_space<vmem>>
        %dma_start3A_1660 = tpu.memref_squeeze %dma_start3A_1659 : memref<1x112x16xf32, #tpu.memory_space<vmem>> -> memref<112x16xf32, #tpu.memory_space<vmem>>
        %dma_start3A_1661 = arith.constant 112 : i32
        %dma_start3A_1662 = tpu.memref_slice %arg14[%dma_start3A_1661] : memref<672xi32, #tpu.memory_space<vmem>> -> memref<112xi32, #tpu.memory_space<vmem>>
        %dma_start3A_1663 = arith.constant 0 : i32
        %dma_start3A_1664 = arith.constant 0 : i32
        %dma_start3A_1665 = tpu.memref_slice %arg3[%dma_start3A_1663, %dma_start3A_1664] : memref<676000x16xf32, #tpu.memory_space<hbm>> -> memref<676000x16xf32, #tpu.memory_space<hbm>>
        tpu.enqueue_indirect_dma source(%dma_start3A_1665 : memref<676000x16xf32, #tpu.memory_space<hbm>>) target(%dma_start3A_1660 : memref<112x16xf32, #tpu.memory_space<vmem>>) offsets(%dma_start3A_1662 : memref<112xi32, #tpu.memory_space<vmem>>) semaphore(%arg18 : memref<!tpu.dma_semaphore, #tpu.memory_space<semaphore_mem>>)
        %dma_start3A_1666 = arith.constant 0 : i32
        %dma_start3A_1667 = arith.constant 224 : i32
        %dma_start3A_1668 = arith.constant 0 : i32
        %dma_start3A_1669 = tpu.memref_slice %arg16[%dma_start3A_1666, %dma_start3A_1667, %dma_start3A_1668] : memref<2x672x16xf32, #tpu.memory_space<vmem>> -> memref<1x112x16xf32, #tpu.memory_space<vmem>>
        %dma_start3A_1670 = tpu.memref_squeeze %dma_start3A_1669 : memref<1x112x16xf32, #tpu.memory_space<vmem>> -> memref<112x16xf32, #tpu.memory_space<vmem>>
        %dma_start3A_1671 = arith.constant 224 : i32
        %dma_start3A_1672 = tpu.memref_slice %arg14[%dma_start3A_1671] : memref<672xi32, #tpu.memory_space<vmem>> -> memref<112xi32, #tpu.memory_space<vmem>>
        %dma_start3A_1673 = arith.constant 0 : i32
        %dma_start3A_1674 = arith.constant 0 : i32
        %dma_start3A_1675 = tpu.memref_slice %arg3[%dma_start3A_1673, %dma_start3A_1674] : memref<676000x16xf32, #tpu.memory_space<hbm>> -> memref<676000x16xf32, #tpu.memory_space<hbm>>
        tpu.enqueue_indirect_dma source(%dma_start3A_1675 : memref<676000x16xf32, #tpu.memory_space<hbm>>) target(%dma_start3A_1670 : memref<112x16xf32, #tpu.memory_space<vmem>>) offsets(%dma_start3A_1672 : memref<112xi32, #tpu.memory_space<vmem>>) semaphore(%arg18 : memref<!tpu.dma_semaphore, #tpu.memory_space<semaphore_mem>>)
        %dma_start3A_1676 = arith.constant 0 : i32
        %dma_start3A_1677 = arith.constant 336 : i32
        %dma_start3A_1678 = arith.constant 0 : i32
        %dma_start3A_1679 = tpu.memref_slice %arg16[%dma_start3A_1676, %dma_start3A_1677, %dma_start3A_1678] : memref<2x672x16xf32, #tpu.memory_space<vmem>> -> memref<1x112x16xf32, #tpu.memory_space<vmem>>
        %dma_start3A_1680 = tpu.memref_squeeze %dma_start3A_1679 : memref<1x112x16xf32, #tpu.memory_space<vmem>> -> memref<112x16xf32, #tpu.memory_space<vmem>>
        %dma_start3A_1681 = arith.constant 336 : i32
        %dma_start3A_1682 = tpu.memref_slice %arg14[%dma_start3A_1681] : memref<672xi32, #tpu.memory_space<vmem>> -> memref<112xi32, #tpu.memory_space<vmem>>
        %dma_start3A_1683 = arith.constant 0 : i32
        %dma_start3A_1684 = arith.constant 0 : i32
        %dma_start3A_1685 = tpu.memref_slice %arg3[%dma_start3A_1683, %dma_start3A_1684] : memref<676000x16xf32, #tpu.memory_space<hbm>> -> memref<676000x16xf32, #tpu.memory_space<hbm>>
        tpu.enqueue_indirect_dma source(%dma_start3A_1685 : memref<676000x16xf32, #tpu.memory_space<hbm>>) target(%dma_start3A_1680 : memref<112x16xf32, #tpu.memory_space<vmem>>) offsets(%dma_start3A_1682 : memref<112xi32, #tpu.memory_space<vmem>>) semaphore(%arg18 : memref<!tpu.dma_semaphore, #tpu.memory_space<semaphore_mem>>)
        %dma_start3A_1686 = arith.constant 0 : i32
        %dma_start3A_1687 = arith.constant 448 : i32
        %dma_start3A_1688 = arith.constant 0 : i32
        %dma_start3A_1689 = tpu.memref_slice %arg16[%dma_start3A_1686, %dma_start3A_1687, %dma_start3A_1688] : memref<2x672x16xf32, #tpu.memory_space<vmem>> -> memref<1x112x16xf32, #tpu.memory_space<vmem>>
        %dma_start3A_1690 = tpu.memref_squeeze %dma_start3A_1689 : memref<1x112x16xf32, #tpu.memory_space<vmem>> -> memref<112x16xf32, #tpu.memory_space<vmem>>
        %dma_start3A_1691 = arith.constant 448 : i32
        %dma_start3A_1692 = tpu.memref_slice %arg14[%dma_start3A_1691] : memref<672xi32, #tpu.memory_space<vmem>> -> memref<112xi32, #tpu.memory_space<vmem>>
        %dma_start3A_1693 = arith.constant 0 : i32
        %dma_start3A_1694 = arith.constant 0 : i32
        %dma_start3A_1695 = tpu.memref_slice %arg3[%dma_start3A_1693, %dma_start3A_1694] : memref<676000x16xf32, #tpu.memory_space<hbm>> -> memref<676000x16xf32, #tpu.memory_space<hbm>>
        tpu.enqueue_indirect_dma source(%dma_start3A_1695 : memref<676000x16xf32, #tpu.memory_space<hbm>>) target(%dma_start3A_1690 : memref<112x16xf32, #tpu.memory_space<vmem>>) offsets(%dma_start3A_1692 : memref<112xi32, #tpu.memory_space<vmem>>) semaphore(%arg18 : memref<!tpu.dma_semaphore, #tpu.memory_space<semaphore_mem>>)
        %dma_start3A_1696 = arith.constant 0 : i32
        %dma_start3A_1697 = arith.constant 560 : i32
        %dma_start3A_1698 = arith.constant 0 : i32
        %dma_start3A_1699 = tpu.memref_slice %arg16[%dma_start3A_1696, %dma_start3A_1697, %dma_start3A_1698] : memref<2x672x16xf32, #tpu.memory_space<vmem>> -> memref<1x112x16xf32, #tpu.memory_space<vmem>>
        %dma_start3A_1700 = tpu.memref_squeeze %dma_start3A_1699 : memref<1x112x16xf32, #tpu.memory_space<vmem>> -> memref<112x16xf32, #tpu.memory_space<vmem>>
        %dma_start3A_1701 = arith.constant 560 : i32
        %dma_start3A_1702 = tpu.memref_slice %arg14[%dma_start3A_1701] : memref<672xi32, #tpu.memory_space<vmem>> -> memref<112xi32, #tpu.memory_space<vmem>>
        %dma_start3A_1703 = arith.constant 0 : i32
        %dma_start3A_1704 = arith.constant 0 : i32
        %dma_start3A_1705 = tpu.memref_slice %arg3[%dma_start3A_1703, %dma_start3A_1704] : memref<676000x16xf32, #tpu.memory_space<hbm>> -> memref<676000x16xf32, #tpu.memory_space<hbm>>
        tpu.enqueue_indirect_dma source(%dma_start3A_1705 : memref<676000x16xf32, #tpu.memory_space<hbm>>) target(%dma_start3A_1700 : memref<112x16xf32, #tpu.memory_space<vmem>>) offsets(%dma_start3A_1702 : memref<112xi32, #tpu.memory_space<vmem>>) semaphore(%arg18 : memref<!tpu.dma_semaphore, #tpu.memory_space<semaphore_mem>>)
      } else {
      }
      %dma_wait3A_1117 = arith.constant 1 : i32
      %dma_wait3A_1118 = arith.constant 0 : i32
      %dma_wait3A_1119 = arith.constant 0 : i32
      %dma_wait3A_1120 = tpu.memref_slice %arg16[%dma_wait3A_1117, %dma_wait3A_1118, %dma_wait3A_1119] : memref<2x672x16xf32, #tpu.memory_space<vmem>> -> memref<1x112x16xf32, #tpu.memory_space<vmem>>
      %dma_wait3A_1121 = tpu.memref_squeeze %dma_wait3A_1120 : memref<1x112x16xf32, #tpu.memory_space<vmem>> -> memref<112x16xf32, #tpu.memory_space<vmem>>
      %dma_wait3A_1122 = arith.constant 0 : i32
      %dma_wait3A_1123 = tpu.memref_slice %arg15[%dma_wait3A_1122] : memref<672xi32, #tpu.memory_space<vmem>> -> memref<112xi32, #tpu.memory_space<vmem>>
      %dma_wait3A_1124 = arith.constant 0 : i32
      %dma_wait3A_1125 = arith.constant 0 : i32
      %dma_wait3A_1126 = tpu.memref_slice %arg3[%dma_wait3A_1124, %dma_wait3A_1125] : memref<676000x16xf32, #tpu.memory_space<hbm>> -> memref<676000x16xf32, #tpu.memory_space<hbm>>
      tpu.wait_indirect_dma semaphore(%arg19 : memref<!tpu.dma_semaphore, #tpu.memory_space<semaphore_mem>>) src(%dma_wait3A_1126 : memref<676000x16xf32, #tpu.memory_space<hbm>>) dst(%dma_wait3A_1121 : memref<112x16xf32, #tpu.memory_space<vmem>>)
      %dma_wait3A_1127 = arith.constant 1 : i32
      %dma_wait3A_1128 = arith.constant 112 : i32
      %dma_wait3A_1129 = arith.constant 0 : i32
      %dma_wait3A_1130 = tpu.memref_slice %arg16[%dma_wait3A_1127, %dma_wait3A_1128, %dma_wait3A_1129] : memref<2x672x16xf32, #tpu.memory_space<vmem>> -> memref<1x112x16xf32, #tpu.memory_space<vmem>>
      %dma_wait3A_1131 = tpu.memref_squeeze %dma_wait3A_1130 : memref<1x112x16xf32, #tpu.memory_space<vmem>> -> memref<112x16xf32, #tpu.memory_space<vmem>>
      %dma_wait3A_1132 = arith.constant 112 : i32
      %dma_wait3A_1133 = tpu.memref_slice %arg15[%dma_wait3A_1132] : memref<672xi32, #tpu.memory_space<vmem>> -> memref<112xi32, #tpu.memory_space<vmem>>
      %dma_wait3A_1134 = arith.constant 0 : i32
      %dma_wait3A_1135 = arith.constant 0 : i32
      %dma_wait3A_1136 = tpu.memref_slice %arg3[%dma_wait3A_1134, %dma_wait3A_1135] : memref<676000x16xf32, #tpu.memory_space<hbm>> -> memref<676000x16xf32, #tpu.memory_space<hbm>>
      tpu.wait_indirect_dma semaphore(%arg19 : memref<!tpu.dma_semaphore, #tpu.memory_space<semaphore_mem>>) src(%dma_wait3A_1136 : memref<676000x16xf32, #tpu.memory_space<hbm>>) dst(%dma_wait3A_1131 : memref<112x16xf32, #tpu.memory_space<vmem>>)
      %dma_wait3A_1137 = arith.constant 1 : i32
      %dma_wait3A_1138 = arith.constant 224 : i32
      %dma_wait3A_1139 = arith.constant 0 : i32
      %dma_wait3A_1140 = tpu.memref_slice %arg16[%dma_wait3A_1137, %dma_wait3A_1138, %dma_wait3A_1139] : memref<2x672x16xf32, #tpu.memory_space<vmem>> -> memref<1x112x16xf32, #tpu.memory_space<vmem>>
      %dma_wait3A_1141 = tpu.memref_squeeze %dma_wait3A_1140 : memref<1x112x16xf32, #tpu.memory_space<vmem>> -> memref<112x16xf32, #tpu.memory_space<vmem>>
      %dma_wait3A_1142 = arith.constant 224 : i32
      %dma_wait3A_1143 = tpu.memref_slice %arg15[%dma_wait3A_1142] : memref<672xi32, #tpu.memory_space<vmem>> -> memref<112xi32, #tpu.memory_space<vmem>>
      %dma_wait3A_1144 = arith.constant 0 : i32
      %dma_wait3A_1145 = arith.constant 0 : i32
      %dma_wait3A_1146 = tpu.memref_slice %arg3[%dma_wait3A_1144, %dma_wait3A_1145] : memref<676000x16xf32, #tpu.memory_space<hbm>> -> memref<676000x16xf32, #tpu.memory_space<hbm>>
      tpu.wait_indirect_dma semaphore(%arg19 : memref<!tpu.dma_semaphore, #tpu.memory_space<semaphore_mem>>) src(%dma_wait3A_1146 : memref<676000x16xf32, #tpu.memory_space<hbm>>) dst(%dma_wait3A_1141 : memref<112x16xf32, #tpu.memory_space<vmem>>)
      %dma_wait3A_1147 = arith.constant 1 : i32
      %dma_wait3A_1148 = arith.constant 336 : i32
      %dma_wait3A_1149 = arith.constant 0 : i32
      %dma_wait3A_1150 = tpu.memref_slice %arg16[%dma_wait3A_1147, %dma_wait3A_1148, %dma_wait3A_1149] : memref<2x672x16xf32, #tpu.memory_space<vmem>> -> memref<1x112x16xf32, #tpu.memory_space<vmem>>
      %dma_wait3A_1151 = tpu.memref_squeeze %dma_wait3A_1150 : memref<1x112x16xf32, #tpu.memory_space<vmem>> -> memref<112x16xf32, #tpu.memory_space<vmem>>
      %dma_wait3A_1152 = arith.constant 336 : i32
      %dma_wait3A_1153 = tpu.memref_slice %arg15[%dma_wait3A_1152] : memref<672xi32, #tpu.memory_space<vmem>> -> memref<112xi32, #tpu.memory_space<vmem>>
      %dma_wait3A_1154 = arith.constant 0 : i32
      %dma_wait3A_1155 = arith.constant 0 : i32
      %dma_wait3A_1156 = tpu.memref_slice %arg3[%dma_wait3A_1154, %dma_wait3A_1155] : memref<676000x16xf32, #tpu.memory_space<hbm>> -> memref<676000x16xf32, #tpu.memory_space<hbm>>
      tpu.wait_indirect_dma semaphore(%arg19 : memref<!tpu.dma_semaphore, #tpu.memory_space<semaphore_mem>>) src(%dma_wait3A_1156 : memref<676000x16xf32, #tpu.memory_space<hbm>>) dst(%dma_wait3A_1151 : memref<112x16xf32, #tpu.memory_space<vmem>>)
      %dma_wait3A_1157 = arith.constant 1 : i32
      %dma_wait3A_1158 = arith.constant 448 : i32
      %dma_wait3A_1159 = arith.constant 0 : i32
      %dma_wait3A_1160 = tpu.memref_slice %arg16[%dma_wait3A_1157, %dma_wait3A_1158, %dma_wait3A_1159] : memref<2x672x16xf32, #tpu.memory_space<vmem>> -> memref<1x112x16xf32, #tpu.memory_space<vmem>>
      %dma_wait3A_1161 = tpu.memref_squeeze %dma_wait3A_1160 : memref<1x112x16xf32, #tpu.memory_space<vmem>> -> memref<112x16xf32, #tpu.memory_space<vmem>>
      %dma_wait3A_1162 = arith.constant 448 : i32
      %dma_wait3A_1163 = tpu.memref_slice %arg15[%dma_wait3A_1162] : memref<672xi32, #tpu.memory_space<vmem>> -> memref<112xi32, #tpu.memory_space<vmem>>
      %dma_wait3A_1164 = arith.constant 0 : i32
      %dma_wait3A_1165 = arith.constant 0 : i32
      %dma_wait3A_1166 = tpu.memref_slice %arg3[%dma_wait3A_1164, %dma_wait3A_1165] : memref<676000x16xf32, #tpu.memory_space<hbm>> -> memref<676000x16xf32, #tpu.memory_space<hbm>>
      tpu.wait_indirect_dma semaphore(%arg19 : memref<!tpu.dma_semaphore, #tpu.memory_space<semaphore_mem>>) src(%dma_wait3A_1166 : memref<676000x16xf32, #tpu.memory_space<hbm>>) dst(%dma_wait3A_1161 : memref<112x16xf32, #tpu.memory_space<vmem>>)
      %dma_wait3A_1167 = arith.constant 1 : i32
      %dma_wait3A_1168 = arith.constant 560 : i32
      %dma_wait3A_1169 = arith.constant 0 : i32
      %dma_wait3A_1170 = tpu.memref_slice %arg16[%dma_wait3A_1167, %dma_wait3A_1168, %dma_wait3A_1169] : memref<2x672x16xf32, #tpu.memory_space<vmem>> -> memref<1x112x16xf32, #tpu.memory_space<vmem>>
      %dma_wait3A_1171 = tpu.memref_squeeze %dma_wait3A_1170 : memref<1x112x16xf32, #tpu.memory_space<vmem>> -> memref<112x16xf32, #tpu.memory_space<vmem>>
      %dma_wait3A_1172 = arith.constant 560 : i32
      %dma_wait3A_1173 = tpu.memref_slice %arg15[%dma_wait3A_1172] : memref<672xi32, #tpu.memory_space<vmem>> -> memref<112xi32, #tpu.memory_space<vmem>>
      %dma_wait3A_1174 = arith.constant 0 : i32
      %dma_wait3A_1175 = arith.constant 0 : i32
      %dma_wait3A_1176 = tpu.memref_slice %arg3[%dma_wait3A_1174, %dma_wait3A_1175] : memref<676000x16xf32, #tpu.memory_space<hbm>> -> memref<676000x16xf32, #tpu.memory_space<hbm>>
      tpu.wait_indirect_dma semaphore(%arg19 : memref<!tpu.dma_semaphore, #tpu.memory_space<semaphore_mem>>) src(%dma_wait3A_1176 : memref<676000x16xf32, #tpu.memory_space<hbm>>) dst(%dma_wait3A_1171 : memref<112x16xf32, #tpu.memory_space<vmem>>)
      %add3A_1177 = arith.constant 1 : i32
      %add3A_1178 = arith.addi %mul3A_530, %add3A_1177 : i32
      %broadcast_in_dim3A_1179 = arith.constant 0.000000e+00 : f32
      %broadcast_in_dim3A_1180 = vector.broadcast %broadcast_in_dim3A_1179 : f32 to vector<16xf32>
      %scan3A_1181 = arith.constant 0 : i32
      %scan3A_1182 = arith.constant 65 : i32
      %scan3A_1183 = arith.addi %scan3A_1181, %scan3A_1182 : i32
      %scan3A_1184 = arith.constant 1 : i32
      %scan3A_1185 = scf.for %scan3A_1222 = %scan3A_1181 to %scan3A_1183 step %scan3A_1184 iter_args(%scan3A_1223 = %broadcast_in_dim3A_1180) -> (vector<16xf32>)  : i32 {
        %mul3A_1224 = arith.constant 5 : i32
        %mul3A_1225 = arith.muli %scan3A_1222, %mul3A_1224 : i32
        %add3A_1226 = arith.constant 0 : i32
        %add3A_1227 = arith.addi %mul3A_1225, %add3A_1226 : i32
        %get3A_1228 = arith.constant 1 : i32
        %get3A_1229 = arith.index_cast %get3A_1228 : i32 to index
        %get3A_1230 = arith.index_cast %add3A_1227 : i32 to index
        %get3A_1231 = arith.constant 0 : index
        %get3A_1232 = tpu.vector_load %arg16[%get3A_1229, %get3A_1230, %get3A_1231] {strides = array<i32>} : memref<2x672x16xf32, #tpu.memory_space<vmem>>, vector<16xf32>,
        %add3A_1233 = arith.constant 336 : i32
        %add3A_1234 = arith.addi %add3A_1233, %mul3A_1225 : i32
        %add3A_1235 = arith.constant 0 : i32
        %add3A_1236 = arith.addi %add3A_1234, %add3A_1235 : i32
        %get3A_1237 = arith.constant 1 : i32
        %get3A_1238 = arith.index_cast %get3A_1237 : i32 to index
        %get3A_1239 = arith.index_cast %add3A_1236 : i32 to index
        %get3A_1240 = arith.constant 0 : index
        %get3A_1241 = tpu.vector_load %arg16[%get3A_1238, %get3A_1239, %get3A_1240] {strides = array<i32>} : memref<2x672x16xf32, #tpu.memory_space<vmem>>, vector<16xf32>,
        %mul3A_1242 = arith.mulf %get3A_1232, %get3A_1241 : vector<16xf32>
        %add3A_1243 = arith.addf %scan3A_1223, %mul3A_1242 : vector<16xf32>
        %add3A_1244 = arith.constant 1 : i32
        %add3A_1245 = arith.addi %mul3A_1225, %add3A_1244 : i32
        %get3A_1246 = arith.constant 1 : i32
        %get3A_1247 = arith.index_cast %get3A_1246 : i32 to index
        %get3A_1248 = arith.index_cast %add3A_1245 : i32 to index
        %get3A_1249 = arith.constant 0 : index
        %get3A_1250 = tpu.vector_load %arg16[%get3A_1247, %get3A_1248, %get3A_1249] {strides = array<i32>} : memref<2x672x16xf32, #tpu.memory_space<vmem>>, vector<16xf32>,
        %add3A_1251 = arith.constant 336 : i32
        %add3A_1252 = arith.addi %add3A_1251, %mul3A_1225 : i32
        %add3A_1253 = arith.constant 1 : i32
        %add3A_1254 = arith.addi %add3A_1252, %add3A_1253 : i32
        %get3A_1255 = arith.constant 1 : i32
        %get3A_1256 = arith.index_cast %get3A_1255 : i32 to index
        %get3A_1257 = arith.index_cast %add3A_1254 : i32 to index
        %get3A_1258 = arith.constant 0 : index
        %get3A_1259 = tpu.vector_load %arg16[%get3A_1256, %get3A_1257, %get3A_1258] {strides = array<i32>} : memref<2x672x16xf32, #tpu.memory_space<vmem>>, vector<16xf32>,
        %mul3A_1260 = arith.mulf %get3A_1250, %get3A_1259 : vector<16xf32>
        %add3A_1261 = arith.addf %add3A_1243, %mul3A_1260 : vector<16xf32>
        %add3A_1262 = arith.constant 2 : i32
        %add3A_1263 = arith.addi %mul3A_1225, %add3A_1262 : i32
        %get3A_1264 = arith.constant 1 : i32
        %get3A_1265 = arith.index_cast %get3A_1264 : i32 to index
        %get3A_1266 = arith.index_cast %add3A_1263 : i32 to index
        %get3A_1267 = arith.constant 0 : index
        %get3A_1268 = tpu.vector_load %arg16[%get3A_1265, %get3A_1266, %get3A_1267] {strides = array<i32>} : memref<2x672x16xf32, #tpu.memory_space<vmem>>, vector<16xf32>,
        %add3A_1269 = arith.constant 336 : i32
        %add3A_1270 = arith.addi %add3A_1269, %mul3A_1225 : i32
        %add3A_1271 = arith.constant 2 : i32
        %add3A_1272 = arith.addi %add3A_1270, %add3A_1271 : i32
        %get3A_1273 = arith.constant 1 : i32
        %get3A_1274 = arith.index_cast %get3A_1273 : i32 to index
        %get3A_1275 = arith.index_cast %add3A_1272 : i32 to index
        %get3A_1276 = arith.constant 0 : index
        %get3A_1277 = tpu.vector_load %arg16[%get3A_1274, %get3A_1275, %get3A_1276] {strides = array<i32>} : memref<2x672x16xf32, #tpu.memory_space<vmem>>, vector<16xf32>,
        %mul3A_1278 = arith.mulf %get3A_1268, %get3A_1277 : vector<16xf32>
        %add3A_1279 = arith.addf %add3A_1261, %mul3A_1278 : vector<16xf32>
        %add3A_1280 = arith.constant 3 : i32
        %add3A_1281 = arith.addi %mul3A_1225, %add3A_1280 : i32
        %get3A_1282 = arith.constant 1 : i32
        %get3A_1283 = arith.index_cast %get3A_1282 : i32 to index
        %get3A_1284 = arith.index_cast %add3A_1281 : i32 to index
        %get3A_1285 = arith.constant 0 : index
        %get3A_1286 = tpu.vector_load %arg16[%get3A_1283, %get3A_1284, %get3A_1285] {strides = array<i32>} : memref<2x672x16xf32, #tpu.memory_space<vmem>>, vector<16xf32>,
        %add3A_1287 = arith.constant 336 : i32
        %add3A_1288 = arith.addi %add3A_1287, %mul3A_1225 : i32
        %add3A_1289 = arith.constant 3 : i32
        %add3A_1290 = arith.addi %add3A_1288, %add3A_1289 : i32
        %get3A_1291 = arith.constant 1 : i32
        %get3A_1292 = arith.index_cast %get3A_1291 : i32 to index
        %get3A_1293 = arith.index_cast %add3A_1290 : i32 to index
        %get3A_1294 = arith.constant 0 : index
        %get3A_1295 = tpu.vector_load %arg16[%get3A_1292, %get3A_1293, %get3A_1294] {strides = array<i32>} : memref<2x672x16xf32, #tpu.memory_space<vmem>>, vector<16xf32>,
        %mul3A_1296 = arith.mulf %get3A_1286, %get3A_1295 : vector<16xf32>
        %add3A_1297 = arith.addf %add3A_1279, %mul3A_1296 : vector<16xf32>
        %add3A_1298 = arith.constant 4 : i32
        %add3A_1299 = arith.addi %mul3A_1225, %add3A_1298 : i32
        %get3A_1300 = arith.constant 1 : i32
        %get3A_1301 = arith.index_cast %get3A_1300 : i32 to index
        %get3A_1302 = arith.index_cast %add3A_1299 : i32 to index
        %get3A_1303 = arith.constant 0 : index
        %get3A_1304 = tpu.vector_load %arg16[%get3A_1301, %get3A_1302, %get3A_1303] {strides = array<i32>} : memref<2x672x16xf32, #tpu.memory_space<vmem>>, vector<16xf32>,
        %add3A_1305 = arith.constant 336 : i32
        %add3A_1306 = arith.addi %add3A_1305, %mul3A_1225 : i32
        %add3A_1307 = arith.constant 4 : i32
        %add3A_1308 = arith.addi %add3A_1306, %add3A_1307 : i32
        %get3A_1309 = arith.constant 1 : i32
        %get3A_1310 = arith.index_cast %get3A_1309 : i32 to index
        %get3A_1311 = arith.index_cast %add3A_1308 : i32 to index
        %get3A_1312 = arith.constant 0 : index
        %get3A_1313 = tpu.vector_load %arg16[%get3A_1310, %get3A_1311, %get3A_1312] {strides = array<i32>} : memref<2x672x16xf32, #tpu.memory_space<vmem>>, vector<16xf32>,
        %mul3A_1314 = arith.mulf %get3A_1304, %get3A_1313 : vector<16xf32>
        %add3A_1315 = arith.addf %add3A_1297, %mul3A_1314 : vector<16xf32>
        scf.yield %add3A_1315 : vector<16xf32>
      }
      %scan3A_1186 = arith.constant 65 : i32
      %mul3A_1187 = arith.constant 26 : i32
      %mul3A_1188 = arith.muli %add3A_1178, %mul3A_1187 : i32
      %get3A_1189 = arith.constant 672 : index
      %get3A_1190 = tpu.vector_load %arg11[%get3A_1189] {strides = array<i32>} : memref<704xi32, #tpu.memory_space<vmem>>, vector<16xi32>,
      %get3A_1191 = arith.constant 672 : index
      %get3A_1192 = tpu.vector_load %arg12[%get3A_1191] {strides = array<i32>} : memref<704xi32, #tpu.memory_space<vmem>>, vector<16xi32>,
      %add3A_1193 = vector.broadcast %mul3A_1188 : i32 to vector<16xi32>
      %add3A_1194 = arith.addi %get3A_1190, %add3A_1193 : vector<16xi32>
      %gather3A_1195 = tpu.vector_load_idx %arg9[%add3A_1194] : memref<3328xi32, #tpu.memory_space<vmem>>[vector<16xi32>], vector<16xi32>,
      %add3A_1196 = arith.addi %gather3A_1195, %get3A_1192 : vector<16xi32>
      %gather3A_1197 = tpu.vector_load_idx %arg10[%add3A_1196] : memref<26000xf32, #tpu.memory_space<vmem>>[vector<16xi32>], vector<16xf32>,
      %get3A_1198 = arith.constant 688 : index
      %get3A_1199 = tpu.vector_load %arg11[%get3A_1198] {strides = array<i32>} : memref<704xi32, #tpu.memory_space<vmem>>, vector<16xi32>,
      %get3A_1200 = arith.constant 688 : index
      %get3A_1201 = tpu.vector_load %arg12[%get3A_1200] {strides = array<i32>} : memref<704xi32, #tpu.memory_space<vmem>>, vector<16xi32>,
      %add3A_1202 = vector.broadcast %mul3A_1188 : i32 to vector<16xi32>
      %add3A_1203 = arith.addi %get3A_1199, %add3A_1202 : vector<16xi32>
      %gather3A_1204 = tpu.vector_load_idx %arg9[%add3A_1203] : memref<3328xi32, #tpu.memory_space<vmem>>[vector<16xi32>], vector<16xi32>,
      %add3A_1205 = arith.addi %gather3A_1204, %get3A_1201 : vector<16xi32>
      %gather3A_1206 = tpu.vector_load_idx %arg10[%add3A_1205] : memref<26000xf32, #tpu.memory_space<vmem>>[vector<16xi32>], vector<16xf32>,
      %get3A_1207 = arith.constant 0 : index
      %get3A_1208 = tpu.vector_load %arg13[%get3A_1207] {strides = array<i32>} : memref<16xf32, #tpu.memory_space<vmem>>, vector<16xf32>,
      %mul3A_1209 = arith.mulf %gather3A_1206, %get3A_1208 : vector<16xf32>
      %add3A_1210 = arith.addf %scan3A_1185, %gather3A_1197 : vector<16xf32>
      %add3A_1211 = arith.addf %add3A_1210, %mul3A_1209 : vector<16xf32>
      %reduce_sum3A_1212 = arith.constant true
      %reduce_sum3A_1213 = vector.broadcast %reduce_sum3A_1212 : i1 to vector<16xi1>
      %reduce_sum3A_1214 = tpu.scan <sum>, %add3A_1211 masked %reduce_sum3A_1213 : vector<16xf32>, vector<16xi1> -> vector<16xf32>
      %reduce_sum3A_1215 = vector.extract %reduce_sum3A_1214[15] : f32 from vector<16xf32>
      %iota3A_1216 = tpu.iota {dimensions = array<i32: 0>} : vector<16xi32>
      %broadcast_in_dim3A_1217 = vector.broadcast %add3A_1178 : i32 to vector<16xi32>
      %broadcast_in_dim3A_1218 = vector.broadcast %reduce_sum3A_1215 : f32 to vector<16xf32>
      %eq3A_1219 = arith.constant 0 : i32
      %eq3A_1220 = vector.broadcast %eq3A_1219 : i32 to vector<16xi32>
      %eq3A_1221 = arith.cmpi eq, %iota3A_1216, %eq3A_1220 : vector<16xi32>
      tpu.vector_store_idx %arg17[%broadcast_in_dim3A_1217], %broadcast_in_dim3A_1218 masked %eq3A_1221 : memref<128xf32, #tpu.memory_space<vmem>>[vector<16xi32>], vector<16xf32>, vector<16xi1>
    }
    %scan3A_527 = arith.constant 64 : i32
    "tpu.region"() ({
      %run_scoped3A = tpu.sem_alloc : memref<!tpu.dma_semaphore, #tpu.memory_space<semaphore_mem>>
      %dma_start3A_528 = tpu.memref_slice %arg8[%mul3A_2] : memref<4096xf32, #tpu.memory_space<hbm>> -> memref<128xf32, #tpu.memory_space<hbm>>
      %dma_start3A_529 = tpu.memref_slice %arg8[%mul3A_2] : memref<4096xf32, #tpu.memory_space<hbm>> -> memref<128xf32, #tpu.memory_space<hbm>>
      tpu.enqueue_dma source(%arg17 : memref<128xf32, #tpu.memory_space<vmem>>) target(%dma_start3A_529 : memref<128xf32, #tpu.memory_space<hbm>>) target_semaphore(%run_scoped3A : memref<!tpu.dma_semaphore, #tpu.memory_space<semaphore_mem>>)
      %dma_wait3A = tpu.memref_slice %arg8[%mul3A_2] : memref<4096xf32, #tpu.memory_space<hbm>> -> memref<128xf32, #tpu.memory_space<hbm>>
      %dma_wait3A_530 = tpu.memref_slice %arg8[%mul3A_2] : memref<4096xf32, #tpu.memory_space<hbm>> -> memref<128xf32, #tpu.memory_space<hbm>>
      tpu.wait_dma2 semaphore(%run_scoped3A : memref<!tpu.dma_semaphore, #tpu.memory_space<semaphore_mem>>) src(%arg17 : memref<128xf32, #tpu.memory_space<vmem>>) dst(%dma_wait3A_530 : memref<128xf32, #tpu.memory_space<hbm>>)
      tpu.yield
    }) : () -> ()
    return
  }
}

</mosaic_0001>

<sc_bundles>
// kernel: kernel.4.cloned.1.call-start
scs
__scs_entry_jumppad:
0x0: {  	(pc) =	sbr.rel $0x88, $3  }
0x1: {  	(tag) =	ssettag $0x0;
	lr =	simm.s32 $0x1  }
0x2: {  	[smem:$0x3F9D] =	sst lr;
	_ =	strace $0xD0000000  }
0x3: {  	_ = 	snop  }
0x4: {  	_ = 	snop  }
0x5: {  	_ = 	snop  }
0x6: {  	_ = 	snop  }
0x7: {  	_ = 	snop  }
__scs_overlays_trampoline_lowered:
0x8: {  	[smem:$0x3FAC] =	sst s0  }
0x9: {  	[smem:$0x3FAD] =	sst s1  }
0xa: {  	[smem:$0x3FAE] =	sst s2  }
0xb: {  	[smem:$0x3FAF] =	sst s3  }
0xc: {  	[smem:$0x3FB0] =	sst s4  }
0xd: {  	[smem:$0x3FB1] =	sst s5  }
0xe: {  	[smem:$0x3FB2] =	sst s6  }
0xf: {  	[smem:$0x3FB3] =	sst s7  }
0x10: {  	[smem:$0x3FB4] =	sst s8  }
0x11: {  	[smem:$0x3FB5] =	sst s9;
	s0 =	simm.s32 @!p0 $0x0  }
0x12: {  	s1 =	sld [smem:$0x3F9B];
	s0 =	simm.s32 @p0 $0x1  }
0x13: {  	[smem:$0x3FB6] =	sst s0;
	s0 =	simm.s32 @!p1 $0x0  }
0x14: {  	s2 =	sld [smem:$0x3F9A];
	s0 =	simm.s32 @p1 $0x1  }
0x15: {  	[smem:$0x3FB7] =	sst s0;
	s0 =	simm.s32 @!p2 $0x0  }
0x16: {  	s3 =	sld [smem:$0x3FDB];
	s0 =	simm.s32 @p2 $0x1  }
0x17: {  	s4 =	simm.s32 $0x1BF5;
	[smem:$0x3FB9] =	sst s0  }
0x18: {  	s0 =	sld [smem:$0x3F9C];
	_ =	swait.ge [sflag:s4], $0x0  }
0x19: {  	s7 =	sld [smem:$0x3F9D]  }
0x1a: {  	s8 =	sadd.s32 $0xFFFFE003, lr  }
0x1b: {  	s9 =	sadd.s32 $0xFFFFFEF7, lr;
	s5 =	simm.s32 $0xFFFFFFFF;
	p2 =	slt.u32 s8, $0xFFFFF086  }
0x1c: {  	p1 =	slt.u32 s9, $0xF7A;
	s5 =	simm.s32 @!p2 $0x0  }
0x1d: {  	s5 =	simm.s32 @p1 $0x1;
	p0 =	seq.s32 s7, s2  }
0x1e: {  	s7 =	smul.u32 @!p0 $0xF7A, s2;
	p2 =	seq.s32 @!p0 s5, $0x0  }
0x1f: {  	s9 =	smul.u32 $0xF7A, s1;
	s8 =	simm.s32 @!p0 $0x1BF5;
	p2 =	por !p2, p0  }
0x20: {  	[sflag:s8] =	ssyncset.s32 @!p0 $0xFFFFF086;
	s6 =	sadd.s32 @!p0 s3, s7;
	s7 =	simm.s32 @!p0 $0x108  }
0x21: {  	s3 =	sadd.s32 s3, s9;
	s6 =	sadd.s32 @!p0 $0x88, s6;
	s7 =	simm.s32 @p2 $0x1082  }
0x22: {  	[simem:s7], [sflag:s8] =	dma.local @!p0 [hbm:s6], $0xF7A  }
0x23: {  	s9 =	sor.u32 $0xD0000000, s2;
	s6 =	simm.s32 $0x108;
	_ =	swait.ge @!p0 [sflag:s8], $0x0  }
0x24: {  	s3 =	sadd.s32 $0x88, s3;
	s6 =	simm.s32 @!p1 $0x1082;
	[sflag:s4] =	ssyncset.s32 $0xFFFFF086  }
0x25: {  	[simem:s6], [sflag:s4] =	dma.local [hbm:s3], $0xF7A  }
0x26: {  	[smem:$0x3F9D] =	sst s1;
	(tag) =	ssettag s2;
	_ =	strace s9  }
0x27: {  	s1 =	sld [smem:$0x3FAD]  }
0x28: {  	s2 =	sld [smem:$0x3FAE]  }
0x29: {  	s4 =	sld [smem:$0x3FB0]  }
0x2a: {  	p0 =	seq.s32 s5, $0x0;
	s5 =	sld [smem:$0x3FB1]  }
0x2b: {  	s6 =	sld [smem:$0x3FB2]  }
0x2c: {  	s7 =	sld [smem:$0x3FB3]  }
0x2d: {  	s3 =	simm.s32 $0x108;
	s8 =	sld [smem:$0x3FB4]  }
0x2e: {  	s3 =	simm.s32 @!p0 $0x1082;
	s9 =	sld [smem:$0x3FB5]  }
0x2f: {  	lr =	sadd.s32 s0, s3;
	s0 =	sld [smem:$0x3FAC]  }
0x30: {  	s3 =	sld [smem:$0x3FAF]  }
0x31: {  	[smem:$0x3FB8] =	sst s10  }
0x32: {  	s10 =	sld [smem:$0x3FB6];
	_ =	sdelay $0x3  }
0x33: {  	p0 =	seq.s32 s10, $0x1;
	s10 =	sld [smem:$0x3FB8];
	_ =	sdelay $0x3  }
0x34: {  	[smem:$0x3FB8] =	sst s10  }
0x35: {  	s10 =	sld [smem:$0x3FB7];
	_ =	sdelay $0x3  }
0x36: {  	p1 =	seq.s32 s10, $0x1;
	s10 =	sld [smem:$0x3FB8];
	_ =	sdelay $0x3  }
0x37: {  	[smem:$0x3FB8] =	sst s10  }
0x38: {  	s10 =	sld [smem:$0x3FB9]  }
0x39: {  	_ = 	snop;
	(pc) =	sbr.ind lr, $3  }
0x3a: {  	_ = 	snop  }
0x3b: {  	_ = 	snop  }
0x3c: {  	p2 =	seq.s32 s10, $0x1;
	s10 =	sld [smem:$0x3FB8]  }
0x3d: {  	_ =	shalt  }
0x3e: {  	_ =	shalt  }
0x3f: {  	_ =	shalt  }
0x40: {  	_ =	shalt  }
0x41: {  	_ =	shalt  }
0x42: {  	_ =	shalt  }
0x43: {  	_ =	shalt  }
0x44: {  	_ =	shalt  }
0x45: {  	_ =	shalt  }
0x46: {  	_ =	shalt  }
0x47: {  	_ =	shalt  }
0x48: {  	_ =	shalt  }
0x49: {  	_ =	shalt  }
0x4a: {  	_ =	shalt  }
0x4b: {  	_ =	shalt  }
0x4c: {  	_ =	shalt  }
0x4d: {  	_ =	shalt  }
0x4e: {  	_ =	shalt  }
0x4f: {  	_ =	shalt  }
0x50: {  	_ =	shalt  }
0x51: {  	_ =	shalt  }
0x52: {  	_ =	shalt  }
0x53: {  	_ =	shalt  }
0x54: {  	_ =	shalt  }
0x55: {  	_ =	shalt  }
0x56: {  	_ =	shalt  }
0x57: {  	_ =	shalt  }
0x58: {  	_ =	shalt  }
0x59: {  	_ =	shalt  }
0x5a: {  	_ =	shalt  }
0x5b: {  	_ =	shalt  }
0x5c: {  	_ =	shalt  }
0x5d: {  	_ =	shalt  }
0x5e: {  	_ =	shalt  }
0x5f: {  	_ =	shalt  }
0x60: {  	_ =	shalt  }
0x61: {  	_ =	shalt  }
0x62: {  	_ =	shalt  }
0x63: {  	_ =	shalt  }
0x64: {  	_ =	shalt  }
0x65: {  	_ =	shalt  }
0x66: {  	_ =	shalt  }
0x67: {  	_ =	shalt  }
0x68: {  	_ =	shalt  }
0x69: {  	_ =	shalt  }
0x6a: {  	_ =	shalt  }
0x6b: {  	_ =	shalt  }
0x6c: {  	_ =	shalt  }
0x6d: {  	_ =	shalt  }
0x6e: {  	_ =	shalt  }
0x6f: {  	_ =	shalt  }
0x70: {  	_ =	shalt  }
0x71: {  	_ =	shalt  }
0x72: {  	_ =	shalt  }
0x73: {  	_ =	shalt  }
0x74: {  	_ =	shalt  }
0x75: {  	_ =	shalt  }
0x76: {  	_ =	shalt  }
0x77: {  	_ =	shalt  }
0x78: {  	_ =	shalt  }
0x79: {  	_ =	shalt  }
0x7a: {  	_ =	shalt  }
0x7b: {  	_ =	shalt  }
0x7c: {  	_ =	shalt  }
0x7d: {  	_ =	shalt  }
0x7e: {  	_ =	shalt  }
0x7f: {  	_ =	shalt  }
0x80: {  	_ =	shalt  }
0x81: {  	_ =	shalt  }
0x82: {  	_ =	shalt  }
0x83: {  	_ =	shalt  }
0x84: {  	_ =	shalt  }
0x85: {  	_ =	shalt  }
0x86: {  	_ =	shalt  }
0x87: {  	_ =	shalt  }
.Lfunc_end0:
.L_simem_size_0:
called_computation_lowered:
.L_overlay_start_0:
0x88: {  	s2 =	sld [smem:$0x3FD9]  }
0x89: {  	s3 =	sld [smem:$0x3FFE];
	_ =	sdelay $0x1  }
0x8a: {  	s1 =	srdreg.scid  }
0x8b: {  	s0 =	sand.u32 $0x1, s1  }
0x8c: {  	s16 =	sshll.u32 s0, $0xA;
	s2 =	sadd.s32 s3, s2  }
0x8d: {  	s2 =	sadd.s32 s2, s16  }
0x8e: {  	[smem:$0x3FC4] =	sst s2  }
0x8f: {  	_ = 	snop  }
0x90: {  	(tm) =	ssettm $0x1  }
0x91: {  	s17 =	sld [smem:$0x3FFB];
	_ =	sdelay $0x3  }
0x92: {  	_ =	strace s17  }
0x93: {  	s2 =	sld [smem:$0x3FFC];
	_ =	sdelay $0x3  }
0x94: {  	_ =	strace s2  }
0x95: {  	s2 =	sld [smem:$0x3FFD];
	_ =	sdelay $0x3  }
0x96: {  	_ =	strace s2  }
0x97: {  	_ =	strace $0x8FFFFFFF  }
0x98: {  	s18 =	sld [smem:$0x3FDB];
	_ =	sdelay $0x1  }
0x99: {  	s19 =	simm.s32 $_scs_section_size  }
0x9a: {  	s4 =	simm.s32 $_size__tile_overlayer_lowered;
	s5 =	simm.s32 $_tile_overlayer_lowered  }
0x9b: {  	s22 =	simm.s32 $0x1BFF;
	s21 =	sshll.u32 s5, $0x1;
	s2 =	sadd.s32 s19, s18  }
0x9c: {  	s6 =	simm.s32 $0x0;
	s20 =	sshll.u32 s4, $0x1;
	s4 =	sadd.s32 s21, s2  }
0x9d: {  	[timem:s6], [sflag:s22] =	dma.local [hbm:s4], s20  }
0x9e: {  	_ =	swait.ge [sflag:s22], s20  }
0x9f: {  	s3 =	ssub.s32 $0x0, s20;
	[sflag:s22] =	ssyncset.done $0x0  }
0xa0: {  	[sflag:s22] =	ssyncadd.s32 s3;
	_ =	sdelay $0x1  }
0xa1: {  	s23 =	simm.s32 $0x1B8B  }
0xa2: {  	_ =	swait.ge [sflag:s23], $0x1  }
0xa3: {  	[sflag:s23] =	ssyncset.done $0x0  }
0xa4: {  	s25 =	simm.s32 $0x1B8E;
	s24 =	sld [smem:$0x3FFE];
	[sflag:s23] =	ssyncadd.s32 $0xFFFFFFFF  }
0xa5: {  	s26 =	simm.s32 $execute0_lowered;
	[smem:$0x3FD2] =	sst s25  }
0xa6: {  	s4 =	sshll.u32 s26, $0x1;
	_ =	strace $0x80000046;
	[dreg:$0x1] =	wrdreg $0xFFFFFFFF  }
0xa7: {  	s28 =	simm.s32 $_size_execute0_lowered;
	s2 =	sadd.s32 s2, s4;
	[dreg:$0x0] =	wrdreg $0x0  }
0xa8: {  	s4 =	sshll.u32 s28, $0x1;
	[dreg:$0x2] =	wrdreg s2  }
0xa9: {  	[dreg:$0x3] =	wrdreg s4  }
0xaa: {  	[dreg:$0x4] =	wrdreg $0xC0  }
0xab: {  	_ =	task [dreg:s6], $0x5FFFF  }
0xac: {  	[dreg:$0x1] =	wrdreg $0xFFFFFFFF  }
0xad: {  	[dreg:$0x0] =	wrdreg $0x60  }
0xae: {  	[dreg:$0x2] =	wrdreg s24  }
0xaf: {  	[dreg:$0x3] =	wrdreg $0x9  }
0xb0: {  	_ =	task.clear_ibuf [dreg:s6], $0x4FFFF;
	_ =	strace $0x90000046  }
0xb1: {  	s29 =	simm.s32 $0x9;
	_ =	strace $0x80000048  }
0xb2: {  	_ =	swait.ge [sflag:s29], $0x1  }
0xb3: {  	[sflag:s29] =	ssyncadd.s32 $0xFFFFFFFF  }
0xb4: {  	_ =	strace $0x90000048  }
0xb5: {  	_ =	sfence  }
0xb6: {  	s30 =	sld [smem:$0x0];
	_ =	sdelay $0x2  }
0xb7: {  	s31 =	sshll.u32 s1, $0xD;
	s1 =	sshrl.u32 s1, $0x2  }
0xb8: {  	s3 =	sand.u32 $0x4000, s31;
	s1 =	sadd.s32 s1, s30  }
0xb9: {  	s0 =	sor.u32 s3, s0;
	s1 =	sshll.u32 s1, $0x11  }
0xba: {  	s0 =	sor.u32 s1, s0  }
0xbb: {  	s0 =	sadd.s32 $0x8F2B, s0  }
0xbc: {  	[sflag:s0] =	ssyncadd.remote.s32 $0x1  }
0xbd: {  	_ =	sfence.sel $0xFFFF  }
0xbe: {  	[dreg:$0x0] =	wrdreg $0xFFFFFFFF;
	(pc) =	sbr.abs _section_cstart, $3  }
0xbf: {  	[dreg:$0x1] =	wrdreg $0xFFFFFFFF  }
0xc0: {  	_ =	task.clear_ibuf [dreg:s6], $0x2FFFF;
	_ =	strace $0x9FFFFFFF  }
0xc1: {  	(tm) =	ssettm $0x7FFFFFFF  }
tec
execute0_lowered:
.L_overlay_start_1:
0x0: {  	(tag) =	ssettag $0x1  }
0x1: {  	s1 =	srdreg.scid  }
0x2: {  	s0 =	stileid.u32;
	s5 =	rddreg [dreg:$0x0]  }
0x3: {  	s3 =	simm.s32 $0x0;
	s7 =	simm.s32 $0x65900;
	s10 =	simm.s32 $0x1  }
0x4: {  	s11 =	simm.s32 $0x7D00;
	s4 =	sand.u32 $0x1, s1;
	s30 =	sshll.u32 s0, $0x1  }
0x5: {  	v0 =	vlaneseq.u32;
	s12 =	simm.s32 $0x3;
	s13 =	simm.s32 $0x2;
	s2 =	sor.u32 s4, s30  }
0x6: {  	s14 =	simm.s32 $0xBB80;
	v0 =	vmul.u32 $0x10, v0;
	p0 =	slt.u32 s30, $0x1A;
	s6 =	sadd.s32 $0xFFFFFFE6, s2  }
0x7: {  	s15 =	simm.s32 $0x4;
	s1 =	rddreg [dreg:$0x1];
	s6 =	smov.u32 @p0 s2  }
0x8: {  	s16 =	simm.s32 $0x0;
	[smem:$0x7FF] =	sst s3;
	v1 =	vadd.s32 $0x3D80, v0;
	s6 =	smul.u32 $0x3E8, s6  }
.Ltmp0:
0x9: {  	s8 =	ssub.s32 $0x2, s4;
	v2 =	vadd.s32 $0x3D81, v0;
	v3 =	vadd.s32 $0x3D82, v0;
	v4 =	vadd.s32 $0x3D83, v0;
	p0 =	sgt.u32 s0, $0xC;
	(pc) =	sbr.rel .LBB2_1-.Ltmp0, $4  }
0xa: {  	_ =	strace $0x80000047;
	s4 =	sadd.s32 $0xE00, s5;
	v5 =	vadd.s32 $0x3D84, v0;
	v6 =	vadd.s32 $0x3D85, v0;
	v7 =	vadd.s32 $0x3D86, v0;
	s7 =	simm.s32 @!p0 $0x0  }
0xb: {  	s5 =	sadd.s32 $0x14B000, s5;
	s9 =	sshrl.u32 s8, $0x1;
	v8 =	vadd.s32 $0x3D87, v0;
	v9 =	vadd.s32 $0x3D88, v0;
	v10 =	vadd.s32 $0x3D89, v0;
	s6 =	sadd.s32 s7, s6  }
0xc: {  	v11 =	vadd.s32 $0x3D8A, v0;
	v12 =	vadd.s32 $0x3D8B, v0;
	v13 =	vadd.s32 $0x3D8C, v0;
	s31 =	ssub.s32 s8, s9;
	s8 =	simm.s32 $0x3E8;
	s6 =	sshrl.u32 s6, $0x3  }
0xd: {  	v14 =	vadd.s32 $0x3D8D, v0;
	v15 =	vadd.s32 $0x3D8E, v0;
	v16 =	vadd.s32 $0x3D8F, v0;
	s9 =	simm.s32 $0x6590;
	s7 =	smax.u32 s31, $0x1;
	s6 =	sadd.s32 s4, s6  }
.LBB2_9:
0xe: {  	s16 =	sadd.s32 $0x1, s16  }
0xf: {  	p0 =	sne.s32 s16, s7  }
.Ltmp1:
0x10: {  	_ = 	snop;
	(pc) =	sbr.rel @!p0 .LBB2_10-.Ltmp1, $1  }
0x11: {  	_ =	sdelay $0x3  }
.LBB2_1:
.Ltmp2:
0x12: {  	(pc) =	sbr.rel .LBB2_2-.Ltmp2, $3  }
0x13: {  	_ =	sdelay $0x1  }
0x14: {  	[tilespmem:s3], [sflag:$0x1] =	stream.strided.gather [hbm4b:s6+s8], $0x3E80, s9, s8, $0x38;
	[tilespmem:$0xFA00] =	vst v63  }
0x15: {  	s17 =	simm.s32 $0x0  }
.LBB2_8:
0x16: {  	p0 =	sne.s32 s17, $0xB  }
.Ltmp3:
0x17: {  	_ = 	snop;
	(pc) =	sbr.rel @!p0 .LBB2_9-.Ltmp3, $1  }
0x18: {  	_ =	sdelay $0x3  }
.LBB2_2:
0x19: {  	s18 =	sshll.u32 s17, $0x6  }
0x1a: {  	s19 =	sor.u32 s2, s18  }
0x1b: {  	s18 =	sor.u32 $0x20, s19  }
0x1c: {  	p0 =	sgt.u32 s18, $0x2A3  }
0x1d: {  	s20 =	smul.u32 @!p0 $0x4EC5, s18;
	_ =	sdelay $0x1  }
0x1e: {  	s20 =	sshrl.u32 @!p0 s20, $0x13  }
0x1f: {  	s21 =	smul.u32 @!p0 $0x1A, s20;
	_ =	sdelay $0x1  }
0x20: {  	s21 =	ssub.s32 @!p0 s18, s21  }
0x21: {  	s21 =	smul.u32 @!p0 $0x3E8, s21  }
0x22: {  	s20 =	smul.u32 @!p0 $0x65900, s20  }
0x23: {  	s21 =	sand.u32 @!p0 $0xFFF8, s21  }
0x24: {  	s20 =	sadd.s32 @!p0 s21, s20  }
0x25: {  	s22 =	simm.s32 @!p0 $0x6590;
	s20 =	sshrl.u32 @!p0 s20, $0x3  }
0x26: {  	s23 =	simm.s32 @!p0 $0x3E80;
	s21 =	simm.s32 @!p0 $0x3E8;
	s20 =	sadd.s32 @!p0 s4, s20  }
0x27: {  	[tilespmem:s23], [sflag:$0x2] =	stream.strided.gather @!p0 [hbm4b:s20+s21], $0x3E80, s22, s21, $0x38;
	[tilespmem:$0xFA00] =	vst v63  }
0x28: {  	s30 =	simm.s32 $0x0;
	_ =	swait.ge [sflag:s10], $0x3E80  }
0x29: {  	v17 =	vmov s30;
	[sflag:s10] =	ssyncset.done $0x0  }
0x2a: {  	v17 =	vshll.u32 v17, $0x4;
	s20 =	simm.s32 $0x1F40;
	[sflag:s10] =	ssyncadd.s32 $0xFFFFC180  }
0x2b: {  	v17 =	vor.u32 v0, v17;
	v18 =	vld [tilespmem:s20+$0xFFFFE0C0];
	_ =	sdelay $0x4  }
0x2c: {  	[tilespmem:v17+s11+$0x0] =	vst.idx.msk $0xffff, v18  }
0x2d: {  	v19 =	vor.u32 $0x1, v17;
	v18 =	vld [tilespmem:s20+$0xFFFFE4A8];
	_ =	sdelay $0x4  }
0x2e: {  	[tilespmem:v19+s11+$0x0] =	vst.idx.msk $0xffff, v18  }
0x2f: {  	v19 =	vor.u32 $0x2, v17;
	v18 =	vld [tilespmem:s20+$0xFFFFE890];
	_ =	sdelay $0x4  }
0x30: {  	[tilespmem:v19+s11+$0x0] =	vst.idx.msk $0xffff, v18  }
0x31: {  	v19 =	vor.u32 $0x3, v17;
	v18 =	vld [tilespmem:s20+$0xFFFFEC78];
	_ =	sdelay $0x4  }
0x32: {  	[tilespmem:v19+s11+$0x0] =	vst.idx.msk $0xffff, v18  }
0x33: {  	v19 =	vor.u32 $0x4, v17;
	v18 =	vld [tilespmem:s20+$0xFFFFF060];
	_ =	sdelay $0x4  }
0x34: {  	[tilespmem:v19+s11+$0x0] =	vst.idx.msk $0xffff, v18  }
0x35: {  	v19 =	vor.u32 $0x5, v17;
	v18 =	vld [tilespmem:s20+$0xFFFFF448];
	_ =	sdelay $0x4  }
0x36: {  	[tilespmem:v19+s11+$0x0] =	vst.idx.msk $0xffff, v18  }
0x37: {  	v19 =	vor.u32 $0x6, v17;
	v18 =	vld [tilespmem:s20+$0xFFFFF830];
	_ =	sdelay $0x4  }
0x38: {  	[tilespmem:v19+s11+$0x0] =	vst.idx.msk $0xffff, v18  }
0x39: {  	v19 =	vor.u32 $0x7, v17;
	v18 =	vld [tilespmem:s20+$0xFFFFFC18];
	_ =	sdelay $0x4  }
0x3a: {  	[tilespmem:v19+s11+$0x0] =	vst.idx.msk $0xffff, v18  }
0x3b: {  	v19 =	vor.u32 $0x8, v17;
	v18 =	vld [tilespmem:s20+$0x0];
	_ =	sdelay $0x4  }
0x3c: {  	[tilespmem:v19+s11+$0x0] =	vst.idx.msk $0xffff, v18  }
0x3d: {  	v19 =	vor.u32 $0x9, v17;
	v18 =	vld [tilespmem:s20+$0x3E8];
	_ =	sdelay $0x4  }
0x3e: {  	[tilespmem:v19+s11+$0x0] =	vst.idx.msk $0xffff, v18  }
0x3f: {  	v19 =	vor.u32 $0xA, v17;
	v18 =	vld [tilespmem:s20+$0x7D0];
	_ =	sdelay $0x4  }
0x40: {  	[tilespmem:v19+s11+$0x0] =	vst.idx.msk $0xffff, v18  }
0x41: {  	v19 =	vor.u32 $0xB, v17;
	v18 =	vld [tilespmem:s20+$0xBB8];
	_ =	sdelay $0x4  }
0x42: {  	[tilespmem:v19+s11+$0x0] =	vst.idx.msk $0xffff, v18  }
0x43: {  	v19 =	vor.u32 $0xC, v17;
	v18 =	vld [tilespmem:s20+$0xFA0];
	_ =	sdelay $0x4  }
0x44: {  	[tilespmem:v19+s11+$0x0] =	vst.idx.msk $0xffff, v18  }
0x45: {  	v19 =	vor.u32 $0xD, v17;
	v18 =	vld [tilespmem:s20+$0x1388];
	_ =	sdelay $0x4  }
0x46: {  	[tilespmem:v19+s11+$0x0] =	vst.idx.msk $0xffff, v18  }
0x47: {  	v19 =	vor.u32 $0xE, v17;
	v18 =	vld [tilespmem:s20+$0x1770];
	_ =	sdelay $0x4  }
0x48: {  	[tilespmem:v19+s11+$0x0] =	vst.idx.msk $0xffff, v18  }
0x49: {  	v17 =	vor.u32 $0xF, v17;
	v18 =	vld [tilespmem:s20+$0x1B58];
	_ =	sdelay $0x2  }
0x4a: {  	s31 =	simm.s32 $0x10  }
0x4b: {  	s21 =	simm.s32 $0x20;
	v19 =	vmov s31  }
.LBB2_3:
0x4c: {  	p1 =	sne.s32 s21, $0x3D0;
	v19 =	vshll.u32 v19, $0x4;
	[tilespmem:v17+s11+$0x0] =	vst.idx.msk $0xffff, v18;
	s20 =	sadd.s32 $0x10, s20  }
0x4d: {  	v18 =	vld [tilespmem:s20+$0xFFFFE0C0];
	v17 =	vor.u32 v0, v19;
	_ =	sdelay $0x4  }
0x4e: {  	[tilespmem:v17+s11+$0x0] =	vst.idx.msk $0xffff, v18  }
0x4f: {  	v19 =	vor.u32 $0x1, v17;
	v18 =	vld [tilespmem:s20+$0xFFFFE4A8];
	_ =	sdelay $0x4  }
0x50: {  	[tilespmem:v19+s11+$0x0] =	vst.idx.msk $0xffff, v18  }
0x51: {  	v19 =	vor.u32 $0x2, v17;
	v18 =	vld [tilespmem:s20+$0xFFFFE890];
	_ =	sdelay $0x4  }
0x52: {  	[tilespmem:v19+s11+$0x0] =	vst.idx.msk $0xffff, v18  }
0x53: {  	v19 =	vor.u32 $0x3, v17;
	v18 =	vld [tilespmem:s20+$0xFFFFEC78];
	_ =	sdelay $0x4  }
0x54: {  	[tilespmem:v19+s11+$0x0] =	vst.idx.msk $0xffff, v18  }
0x55: {  	v19 =	vor.u32 $0x4, v17;
	v18 =	vld [tilespmem:s20+$0xFFFFF060];
	_ =	sdelay $0x4  }
0x56: {  	[tilespmem:v19+s11+$0x0] =	vst.idx.msk $0xffff, v18  }
0x57: {  	v19 =	vor.u32 $0x5, v17;
	v18 =	vld [tilespmem:s20+$0xFFFFF448];
	_ =	sdelay $0x4  }
0x58: {  	[tilespmem:v19+s11+$0x0] =	vst.idx.msk $0xffff, v18  }
0x59: {  	v19 =	vor.u32 $0x6, v17;
	v18 =	vld [tilespmem:s20+$0xFFFFF830];
	_ =	sdelay $0x4  }
0x5a: {  	[tilespmem:v19+s11+$0x0] =	vst.idx.msk $0xffff, v18  }
0x5b: {  	v19 =	vor.u32 $0x7, v17;
	v18 =	vld [tilespmem:s20+$0xFFFFFC18];
	_ =	sdelay $0x4  }
0x5c: {  	[tilespmem:v19+s11+$0x0] =	vst.idx.msk $0xffff, v18  }
0x5d: {  	v19 =	vor.u32 $0x8, v17;
	v18 =	vld [tilespmem:s20+$0x0];
	_ =	sdelay $0x4  }
0x5e: {  	[tilespmem:v19+s11+$0x0] =	vst.idx.msk $0xffff, v18  }
0x5f: {  	v19 =	vor.u32 $0x9, v17;
	v18 =	vld [tilespmem:s20+$0x3E8];
	_ =	sdelay $0x4  }
0x60: {  	[tilespmem:v19+s11+$0x0] =	vst.idx.msk $0xffff, v18  }
0x61: {  	v19 =	vor.u32 $0xA, v17;
	v18 =	vld [tilespmem:s20+$0x7D0];
	_ =	sdelay $0x4  }
0x62: {  	[tilespmem:v19+s11+$0x0] =	vst.idx.msk $0xffff, v18  }
0x63: {  	v19 =	vor.u32 $0xB, v17;
	v18 =	vld [tilespmem:s20+$0xBB8];
	_ =	sdelay $0x4  }
0x64: {  	[tilespmem:v19+s11+$0x0] =	vst.idx.msk $0xffff, v18  }
0x65: {  	v19 =	vor.u32 $0xC, v17;
	v18 =	vld [tilespmem:s20+$0xFA0];
	_ =	sdelay $0x4  }
0x66: {  	[tilespmem:v19+s11+$0x0] =	vst.idx.msk $0xffff, v18  }
0x67: {  	v19 =	vor.u32 $0xD, v17;
	v18 =	vld [tilespmem:s20+$0x1388];
	_ =	sdelay $0x4  }
0x68: {  	[tilespmem:v19+s11+$0x0] =	vst.idx.msk $0xffff, v18  }
0x69: {  	v19 =	vor.u32 $0xE, v17;
	v18 =	vld [tilespmem:s20+$0x1770];
	_ =	sdelay $0x4  }
0x6a: {  	[tilespmem:v19+s11+$0x0] =	vst.idx.msk $0xffff, v18  }
.Ltmp4:
0x6b: {  	v17 =	vor.u32 $0xF, v17;
	v18 =	vld [tilespmem:s20+$0x1B58];
	(pc) =	sbr.rel @p1 .LBB2_3-.Ltmp4, $2  }
0x6c: {  	_ =	sdelay $0x2  }
0x6d: {  	v19 =	vmov s21;
	s21 =	sadd.s32 $0x10, s21  }
0x6e: {  	_ =	sdelay $0x3  }
0x6f: {  	v19 =	vshll.u32 v19, $0x4;
	[tilespmem:v17+s11+$0x0] =	vst.idx.msk $0xffff, v18;
	s20 =	sadd.s32 $0x10, s20  }
0x70: {  	v17 =	vld [tilespmem:s20+$0xFFFFE0C0];
	v18 =	vor.u32 v0, v19;
	_ =	sdelay $0x4  }
0x71: {  	[tilespmem:v18+s11+$0x0] =	vst.idx.msk $0xffff, v17  }
0x72: {  	v19 =	vor.u32 $0x1, v18;
	v17 =	vld [tilespmem:s20+$0xFFFFE4A8];
	_ =	sdelay $0x4  }
0x73: {  	[tilespmem:v19+s11+$0x0] =	vst.idx.msk $0xffff, v17  }
0x74: {  	v19 =	vor.u32 $0x2, v18;
	v17 =	vld [tilespmem:s20+$0xFFFFE890];
	_ =	sdelay $0x4  }
0x75: {  	[tilespmem:v19+s11+$0x0] =	vst.idx.msk $0xffff, v17  }
0x76: {  	v19 =	vor.u32 $0x3, v18;
	v17 =	vld [tilespmem:s20+$0xFFFFEC78];
	_ =	sdelay $0x4  }
0x77: {  	[tilespmem:v19+s11+$0x0] =	vst.idx.msk $0xffff, v17  }
0x78: {  	v19 =	vor.u32 $0x4, v18;
	v17 =	vld [tilespmem:s20+$0xFFFFF060];
	_ =	sdelay $0x4  }
0x79: {  	[tilespmem:v19+s11+$0x0] =	vst.idx.msk $0xffff, v17  }
0x7a: {  	v19 =	vor.u32 $0x5, v18;
	v17 =	vld [tilespmem:s20+$0xFFFFF448];
	_ =	sdelay $0x4  }
0x7b: {  	[tilespmem:v19+s11+$0x0] =	vst.idx.msk $0xffff, v17  }
0x7c: {  	v19 =	vor.u32 $0x6, v18;
	v17 =	vld [tilespmem:s20+$0xFFFFF830];
	_ =	sdelay $0x4  }
0x7d: {  	[tilespmem:v19+s11+$0x0] =	vst.idx.msk $0xffff, v17  }
0x7e: {  	v19 =	vor.u32 $0x7, v18;
	v17 =	vld [tilespmem:s20+$0xFFFFFC18];
	_ =	sdelay $0x4  }
0x7f: {  	[tilespmem:v19+s11+$0x0] =	vst.idx.msk $0xffff, v17  }
0x80: {  	v19 =	vor.u32 $0x8, v18;
	v17 =	vld [tilespmem:s20+$0x0];
	_ =	sdelay $0x4  }
0x81: {  	[tilespmem:v19+s11+$0x0] =	vst.idx.msk $0xffff, v17  }
0x82: {  	v19 =	vor.u32 $0x9, v18;
	v17 =	vld [tilespmem:s20+$0x3E8];
	_ =	sdelay $0x4  }
0x83: {  	[tilespmem:v19+s11+$0x0] =	vst.idx.msk $0xffff, v17  }
0x84: {  	v19 =	vor.u32 $0xA, v18;
	v17 =	vld [tilespmem:s20+$0x7D0];
	_ =	sdelay $0x4  }
0x85: {  	[tilespmem:v19+s11+$0x0] =	vst.idx.msk $0xffff, v17  }
0x86: {  	v19 =	vor.u32 $0xB, v18;
	v17 =	vld [tilespmem:s20+$0xBB8];
	_ =	sdelay $0x4  }
0x87: {  	[tilespmem:v19+s11+$0x0] =	vst.idx.msk $0xffff, v17  }
0x88: {  	v19 =	vor.u32 $0xC, v18;
	v17 =	vld [tilespmem:s20+$0xFA0];
	_ =	sdelay $0x4  }
0x89: {  	[tilespmem:v19+s11+$0x0] =	vst.idx.msk $0xffff, v17  }
0x8a: {  	v19 =	vor.u32 $0xD, v18;
	v17 =	vld [tilespmem:s20+$0x1388];
	_ =	sdelay $0x4  }
0x8b: {  	[tilespmem:v19+s11+$0x0] =	vst.idx.msk $0xffff, v17  }
0x8c: {  	v19 =	vor.u32 $0xE, v18;
	v17 =	vld [tilespmem:s20+$0x1770];
	_ =	sdelay $0x4  }
0x8d: {  	[tilespmem:v19+s11+$0x0] =	vst.idx.msk $0xffff, v17  }
0x8e: {  	v18 =	vor.u32 $0xF, v18;
	v17 =	vld [tilespmem:s20+$0x1B58];
	_ =	sdelay $0x4  }
0x8f: {  	[tilespmem:v18+s11+$0x0] =	vst.idx.msk $0xffff, v17  }
0x90: {  	v17 =	vld [tilespmem:$0x3D8];
	_ =	sdelay $0x4  }
0x91: {  	[tilespmem:v1+s11+$0x0] =	vst.idx.msk $0xffff, v17  }
0x92: {  	v17 =	vld [tilespmem:$0x7C0];
	_ =	sdelay $0x4  }
0x93: {  	[tilespmem:v2+s11+$0x0] =	vst.idx.msk $0xffff, v17  }
0x94: {  	v17 =	vld [tilespmem:$0xBA8];
	_ =	sdelay $0x4  }
0x95: {  	[tilespmem:v3+s11+$0x0] =	vst.idx.msk $0xffff, v17  }
0x96: {  	v17 =	vld [tilespmem:$0xF90];
	_ =	sdelay $0x4  }
0x97: {  	[tilespmem:v4+s11+$0x0] =	vst.idx.msk $0xffff, v17  }
0x98: {  	v17 =	vld [tilespmem:$0x1378];
	_ =	sdelay $0x4  }
0x99: {  	[tilespmem:v5+s11+$0x0] =	vst.idx.msk $0xffff, v17  }
0x9a: {  	v17 =	vld [tilespmem:$0x1760];
	_ =	sdelay $0x4  }
0x9b: {  	[tilespmem:v6+s11+$0x0] =	vst.idx.msk $0xffff, v17  }
0x9c: {  	v17 =	vld [tilespmem:$0x1B48];
	_ =	sdelay $0x4  }
0x9d: {  	[tilespmem:v7+s11+$0x0] =	vst.idx.msk $0xffff, v17  }
0x9e: {  	v17 =	vld [tilespmem:$0x1F30];
	_ =	sdelay $0x4  }
0x9f: {  	[tilespmem:v8+s11+$0x0] =	vst.idx.msk $0xffff, v17  }
0xa0: {  	v17 =	vld [tilespmem:$0x2318];
	_ =	sdelay $0x4  }
0xa1: {  	[tilespmem:v9+s11+$0x0] =	vst.idx.msk $0xffff, v17  }
0xa2: {  	v17 =	vld [tilespmem:$0x2700];
	_ =	sdelay $0x4  }
0xa3: {  	[tilespmem:v10+s11+$0x0] =	vst.idx.msk $0xffff, v17  }
0xa4: {  	v17 =	vld [tilespmem:$0x2AE8];
	_ =	sdelay $0x4  }
0xa5: {  	[tilespmem:v11+s11+$0x0] =	vst.idx.msk $0xffff, v17  }
0xa6: {  	v17 =	vld [tilespmem:$0x2ED0];
	_ =	sdelay $0x4  }
0xa7: {  	[tilespmem:v12+s11+$0x0] =	vst.idx.msk $0xffff, v17  }
0xa8: {  	v17 =	vld [tilespmem:$0x32B8];
	_ =	sdelay $0x4  }
0xa9: {  	[tilespmem:v13+s11+$0x0] =	vst.idx.msk $0xffff, v17  }
0xaa: {  	v17 =	vld [tilespmem:$0x36A0];
	_ =	sdelay $0x4  }
0xab: {  	[tilespmem:v14+s11+$0x0] =	vst.idx.msk $0xffff, v17  }
0xac: {  	s29 =	smul.u32 $0x4EC5, s19;
	v17 =	vld [tilespmem:$0x3A88];
	_ =	sdelay $0x1  }
0xad: {  	s20 =	sshrl.u32 s29, $0x13  }
0xae: {  	s21 =	smul.u32 $0x1A, s20  }
0xaf: {  	s17 =	sadd.s32 $0x1, s17  }
0xb0: {  	s31 =	sshll.u32 s17, $0x6;
	s30 =	ssub.s32 s19, s21;
	[tilespmem:v15+s11+$0x0] =	vst.idx.msk $0xffff, v17  }
0xb1: {  	s21 =	sor.u32 s2, s31;
	s19 =	smul.u32 $0x3E8, s30;
	v17 =	vld [tilespmem:$0x3E70]  }
0xb2: {  	s20 =	smul.u32 $0x6590, s20;
	p1 =	sgt.u32 s21, $0x2A3  }
0xb3: {  	s22 =	smul.u32 @!p1 $0x4EC5, s21;
	s19 =	sand.u32 $0xFFF8, s19  }
0xb4: {  	s19 =	sadd.s32 s19, s20  }
0xb5: {  	s20 =	sshrl.u32 @!p1 s22, $0x13;
	s19 =	sshll.u32 s19, $0x1  }
0xb6: {  	s22 =	smul.u32 @!p1 $0x1A, s20;
	s19 =	sadd.s32 s5, s19;
	[tilespmem:v16+s11+$0x0] =	vst.idx.msk $0xffff, v17  }
0xb7: {  	[hbm4b:s19+s3] =	stream.linear.scatter [tilespmem:s11], [sflag:$0x3], $0x3E80, $0x38;
	[tilespmem:$0xFA00] =	vst v63  }
0xb8: {  	s19 =	ssub.s32 @!p1 s21, s22  }
0xb9: {  	s19 =	smul.u32 @!p1 $0x3E8, s19  }
0xba: {  	s20 =	smul.u32 @!p1 $0x65900, s20  }
.Ltmp5:
0xbb: {  	s19 =	sand.u32 @!p1 $0xFFF8, s19;
	(pc) =	sbr.rel @p0 .LBB2_8-.Ltmp5, $4  }
0xbc: {  	s21 =	simm.s32 @!p1 $0x6590;
	_ =	swait.ge [sflag:s12], $0x3E80;
	s19 =	sadd.s32 @!p1 s19, s20  }
0xbd: {  	s22 =	simm.s32 @!p1 $0x0;
	[sflag:s12] =	ssyncset.done $0x0;
	s19 =	sshrl.u32 @!p1 s19, $0x3  }
0xbe: {  	[sflag:s12] =	ssyncadd.s32 $0xFFFFC180;
	s20 =	simm.s32 @!p1 $0x3E8;
	s19 =	sadd.s32 @!p1 s4, s19  }
0xbf: {  	[tilespmem:s22], [sflag:$0x1] =	stream.strided.gather @!p1 [hbm4b:s19+s20], $0x3E80, s21, s20, $0x38;
	[tilespmem:$0xFA00] =	vst v63  }
0xc0: {  	_ =	swait.ge [sflag:s13], $0x3E80;
	s19 =	simm.s32 $0x0  }
0xc1: {  	[sflag:s13] =	ssyncset.done $0x0;
	v17 =	vmov s19  }
0xc2: {  	s21 =	simm.s32 $0x0;
	[sflag:s13] =	ssyncadd.s32 $0xFFFFC180;
	v17 =	vshll.u32 v17, $0x4  }
0xc3: {  	v18 =	vld [tilespmem:s21+$0x3E80];
	v17 =	vor.u32 v0, v17;
	_ =	sdelay $0x4  }
0xc4: {  	[tilespmem:v17+s14+$0x0] =	vst.idx.msk $0xffff, v18  }
0xc5: {  	v19 =	vor.u32 $0x1, v17;
	v18 =	vld [tilespmem:s21+$0x4268];
	_ =	sdelay $0x4  }
0xc6: {  	[tilespmem:v19+s14+$0x0] =	vst.idx.msk $0xffff, v18  }
0xc7: {  	v19 =	vor.u32 $0x2, v17;
	v18 =	vld [tilespmem:s21+$0x4650];
	_ =	sdelay $0x4  }
0xc8: {  	[tilespmem:v19+s14+$0x0] =	vst.idx.msk $0xffff, v18  }
0xc9: {  	v19 =	vor.u32 $0x3, v17;
	v18 =	vld [tilespmem:s21+$0x4A38];
	_ =	sdelay $0x4  }
0xca: {  	[tilespmem:v19+s14+$0x0] =	vst.idx.msk $0xffff, v18  }
0xcb: {  	v19 =	vor.u32 $0x4, v17;
	v18 =	vld [tilespmem:s21+$0x4E20];
	_ =	sdelay $0x4  }
0xcc: {  	[tilespmem:v19+s14+$0x0] =	vst.idx.msk $0xffff, v18  }
0xcd: {  	v19 =	vor.u32 $0x5, v17;
	v18 =	vld [tilespmem:s21+$0x5208];
	_ =	sdelay $0x4  }
0xce: {  	[tilespmem:v19+s14+$0x0] =	vst.idx.msk $0xffff, v18  }
0xcf: {  	v19 =	vor.u32 $0x6, v17;
	v18 =	vld [tilespmem:s21+$0x55F0];
	_ =	sdelay $0x4  }
0xd0: {  	[tilespmem:v19+s14+$0x0] =	vst.idx.msk $0xffff, v18  }
0xd1: {  	v19 =	vor.u32 $0x7, v17;
	v18 =	vld [tilespmem:s21+$0x59D8];
	_ =	sdelay $0x4  }
0xd2: {  	[tilespmem:v19+s14+$0x0] =	vst.idx.msk $0xffff, v18  }
0xd3: {  	v19 =	vor.u32 $0x8, v17;
	v18 =	vld [tilespmem:s21+$0x5DC0];
	_ =	sdelay $0x4  }
0xd4: {  	[tilespmem:v19+s14+$0x0] =	vst.idx.msk $0xffff, v18  }
0xd5: {  	v19 =	vor.u32 $0x9, v17;
	v18 =	vld [tilespmem:s21+$0x61A8];
	_ =	sdelay $0x4  }
0xd6: {  	[tilespmem:v19+s14+$0x0] =	vst.idx.msk $0xffff, v18  }
0xd7: {  	v19 =	vor.u32 $0xA, v17;
	v18 =	vld [tilespmem:s21+$0x6590];
	_ =	sdelay $0x4  }
0xd8: {  	[tilespmem:v19+s14+$0x0] =	vst.idx.msk $0xffff, v18  }
0xd9: {  	v19 =	vor.u32 $0xB, v17;
	v18 =	vld [tilespmem:s21+$0x6978];
	_ =	sdelay $0x4  }
0xda: {  	[tilespmem:v19+s14+$0x0] =	vst.idx.msk $0xffff, v18  }
0xdb: {  	v19 =	vor.u32 $0xC, v17;
	v18 =	vld [tilespmem:s21+$0x6D60];
	_ =	sdelay $0x4  }
0xdc: {  	[tilespmem:v19+s14+$0x0] =	vst.idx.msk $0xffff, v18  }
0xdd: {  	v19 =	vor.u32 $0xD, v17;
	v18 =	vld [tilespmem:s21+$0x7148];
	_ =	sdelay $0x4  }
0xde: {  	[tilespmem:v19+s14+$0x0] =	vst.idx.msk $0xffff, v18  }
0xdf: {  	v19 =	vor.u32 $0xE, v17;
	v18 =	vld [tilespmem:s21+$0x7530];
	_ =	sdelay $0x4  }
0xe0: {  	[tilespmem:v19+s14+$0x0] =	vst.idx.msk $0xffff, v18  }
0xe1: {  	v17 =	vor.u32 $0xF, v17;
	v18 =	vld [tilespmem:s21+$0x7918];
	_ =	sdelay $0x2  }
0xe2: {  	s19 =	simm.s32 $0x10  }
0xe3: {  	s20 =	simm.s32 $0x40;
	v19 =	vmov s19;
	s21 =	simm.s32 $0x80  }
.LBB2_6:
0xe4: {  	p0 =	sne.s32 s21, $0xF40;
	v19 =	vshll.u32 v19, $0x4;
	s22 =	sshra.s32 s20, $0x2;
	[tilespmem:v17+s14+$0x0] =	vst.idx.msk $0xffff, v18;
	s20 =	smov.u32 s21  }
0xe5: {  	v18 =	vld [tilespmem:s22+$0x3E80];
	v17 =	vor.u32 v0, v19;
	_ =	sdelay $0x4  }
0xe6: {  	[tilespmem:v17+s14+$0x0] =	vst.idx.msk $0xffff, v18  }
0xe7: {  	v19 =	vor.u32 $0x1, v17;
	v18 =	vld [tilespmem:s22+$0x4268];
	_ =	sdelay $0x4  }
0xe8: {  	[tilespmem:v19+s14+$0x0] =	vst.idx.msk $0xffff, v18  }
0xe9: {  	v19 =	vor.u32 $0x2, v17;
	v18 =	vld [tilespmem:s22+$0x4650];
	_ =	sdelay $0x4  }
0xea: {  	[tilespmem:v19+s14+$0x0] =	vst.idx.msk $0xffff, v18  }
0xeb: {  	v19 =	vor.u32 $0x3, v17;
	v18 =	vld [tilespmem:s22+$0x4A38];
	_ =	sdelay $0x4  }
0xec: {  	[tilespmem:v19+s14+$0x0] =	vst.idx.msk $0xffff, v18  }
0xed: {  	v19 =	vor.u32 $0x4, v17;
	v18 =	vld [tilespmem:s22+$0x4E20];
	_ =	sdelay $0x4  }
0xee: {  	[tilespmem:v19+s14+$0x0] =	vst.idx.msk $0xffff, v18  }
0xef: {  	v19 =	vor.u32 $0x5, v17;
	v18 =	vld [tilespmem:s22+$0x5208];
	_ =	sdelay $0x4  }
0xf0: {  	[tilespmem:v19+s14+$0x0] =	vst.idx.msk $0xffff, v18  }
0xf1: {  	v19 =	vor.u32 $0x6, v17;
	v18 =	vld [tilespmem:s22+$0x55F0];
	_ =	sdelay $0x4  }
0xf2: {  	[tilespmem:v19+s14+$0x0] =	vst.idx.msk $0xffff, v18  }
0xf3: {  	v19 =	vor.u32 $0x7, v17;
	v18 =	vld [tilespmem:s22+$0x59D8];
	_ =	sdelay $0x4  }
0xf4: {  	[tilespmem:v19+s14+$0x0] =	vst.idx.msk $0xffff, v18  }
0xf5: {  	v19 =	vor.u32 $0x8, v17;
	v18 =	vld [tilespmem:s22+$0x5DC0];
	_ =	sdelay $0x4  }
0xf6: {  	[tilespmem:v19+s14+$0x0] =	vst.idx.msk $0xffff, v18  }
0xf7: {  	v19 =	vor.u32 $0x9, v17;
	v18 =	vld [tilespmem:s22+$0x61A8];
	_ =	sdelay $0x4  }
0xf8: {  	[tilespmem:v19+s14+$0x0] =	vst.idx.msk $0xffff, v18  }
0xf9: {  	v19 =	vor.u32 $0xA, v17;
	v18 =	vld [tilespmem:s22+$0x6590];
	_ =	sdelay $0x4  }
0xfa: {  	[tilespmem:v19+s14+$0x0] =	vst.idx.msk $0xffff, v18  }
0xfb: {  	v19 =	vor.u32 $0xB, v17;
	v18 =	vld [tilespmem:s22+$0x6978];
	_ =	sdelay $0x4  }
0xfc: {  	[tilespmem:v19+s14+$0x0] =	vst.idx.msk $0xffff, v18  }
0xfd: {  	v19 =	vor.u32 $0xC, v17;
	v18 =	vld [tilespmem:s22+$0x6D60];
	_ =	sdelay $0x4  }
0xfe: {  	[tilespmem:v19+s14+$0x0] =	vst.idx.msk $0xffff, v18  }
0xff: {  	v19 =	vor.u32 $0xD, v17;
	v18 =	vld [tilespmem:s22+$0x7148];
	_ =	sdelay $0x4  }
0x100: {  	[tilespmem:v19+s14+$0x0] =	vst.idx.msk $0xffff, v18  }
0x101: {  	v19 =	vor.u32 $0xE, v17;
	v18 =	vld [tilespmem:s22+$0x7530];
	_ =	sdelay $0x4  }
0x102: {  	[tilespmem:v19+s14+$0x0] =	vst.idx.msk $0xffff, v18  }
.Ltmp6:
0x103: {  	v17 =	vor.u32 $0xF, v17;
	v18 =	vld [tilespmem:s22+$0x7918];
	(pc) =	sbr.rel @p0 .LBB2_6-.Ltmp6, $3  }
0x104: {  	_ =	sdelay $0x1  }
0x105: {  	s19 =	sadd.s32 $0x10, s19  }
0x106: {  	s21 =	sadd.s32 $0x40, s21;
	v19 =	vmov s19  }
0x107: {  	_ =	sdelay $0x3  }
0x108: {  	v19 =	vshll.u32 v19, $0x4;
	s19 =	sshra.s32 s20, $0x2;
	[tilespmem:v17+s14+$0x0] =	vst.idx.msk $0xffff, v18  }
0x109: {  	v17 =	vld [tilespmem:s19+$0x3E80];
	v18 =	vor.u32 v0, v19;
	_ =	sdelay $0x4  }
0x10a: {  	[tilespmem:v18+s14+$0x0] =	vst.idx.msk $0xffff, v17  }
0x10b: {  	v19 =	vor.u32 $0x1, v18;
	v17 =	vld [tilespmem:s19+$0x4268];
	_ =	sdelay $0x4  }
0x10c: {  	[tilespmem:v19+s14+$0x0] =	vst.idx.msk $0xffff, v17  }
0x10d: {  	v19 =	vor.u32 $0x2, v18;
	v17 =	vld [tilespmem:s19+$0x4650];
	_ =	sdelay $0x4  }
0x10e: {  	[tilespmem:v19+s14+$0x0] =	vst.idx.msk $0xffff, v17  }
0x10f: {  	v19 =	vor.u32 $0x3, v18;
	v17 =	vld [tilespmem:s19+$0x4A38];
	_ =	sdelay $0x4  }
0x110: {  	[tilespmem:v19+s14+$0x0] =	vst.idx.msk $0xffff, v17  }
0x111: {  	v19 =	vor.u32 $0x4, v18;
	v17 =	vld [tilespmem:s19+$0x4E20];
	_ =	sdelay $0x4  }
0x112: {  	[tilespmem:v19+s14+$0x0] =	vst.idx.msk $0xffff, v17  }
0x113: {  	v19 =	vor.u32 $0x5, v18;
	v17 =	vld [tilespmem:s19+$0x5208];
	_ =	sdelay $0x4  }
0x114: {  	[tilespmem:v19+s14+$0x0] =	vst.idx.msk $0xffff, v17  }
0x115: {  	v19 =	vor.u32 $0x6, v18;
	v17 =	vld [tilespmem:s19+$0x55F0];
	_ =	sdelay $0x4  }
0x116: {  	[tilespmem:v19+s14+$0x0] =	vst.idx.msk $0xffff, v17  }
0x117: {  	v19 =	vor.u32 $0x7, v18;
	v17 =	vld [tilespmem:s19+$0x59D8];
	_ =	sdelay $0x4  }
0x118: {  	[tilespmem:v19+s14+$0x0] =	vst.idx.msk $0xffff, v17  }
0x119: {  	v19 =	vor.u32 $0x8, v18;
	v17 =	vld [tilespmem:s19+$0x5DC0];
	_ =	sdelay $0x4  }
0x11a: {  	[tilespmem:v19+s14+$0x0] =	vst.idx.msk $0xffff, v17  }
0x11b: {  	v19 =	vor.u32 $0x9, v18;
	v17 =	vld [tilespmem:s19+$0x61A8];
	_ =	sdelay $0x4  }
0x11c: {  	[tilespmem:v19+s14+$0x0] =	vst.idx.msk $0xffff, v17  }
0x11d: {  	v19 =	vor.u32 $0xA, v18;
	v17 =	vld [tilespmem:s19+$0x6590];
	_ =	sdelay $0x4  }
0x11e: {  	[tilespmem:v19+s14+$0x0] =	vst.idx.msk $0xffff, v17  }
0x11f: {  	v19 =	vor.u32 $0xB, v18;
	v17 =	vld [tilespmem:s19+$0x6978];
	_ =	sdelay $0x4  }
0x120: {  	[tilespmem:v19+s14+$0x0] =	vst.idx.msk $0xffff, v17  }
0x121: {  	v19 =	vor.u32 $0xC, v18;
	v17 =	vld [tilespmem:s19+$0x6D60];
	_ =	sdelay $0x4  }
0x122: {  	[tilespmem:v19+s14+$0x0] =	vst.idx.msk $0xffff, v17  }
0x123: {  	v19 =	vor.u32 $0xD, v18;
	v17 =	vld [tilespmem:s19+$0x7148];
	_ =	sdelay $0x4  }
0x124: {  	[tilespmem:v19+s14+$0x0] =	vst.idx.msk $0xffff, v17  }
0x125: {  	v19 =	vor.u32 $0xE, v18;
	v17 =	vld [tilespmem:s19+$0x7530];
	_ =	sdelay $0x4  }
0x126: {  	[tilespmem:v19+s14+$0x0] =	vst.idx.msk $0xffff, v17  }
0x127: {  	v18 =	vor.u32 $0xF, v18;
	v17 =	vld [tilespmem:s19+$0x7918];
	_ =	sdelay $0x4  }
0x128: {  	[tilespmem:v18+s14+$0x0] =	vst.idx.msk $0xffff, v17  }
0x129: {  	v17 =	vld [tilespmem:$0x4258];
	_ =	sdelay $0x4  }
0x12a: {  	[tilespmem:v1+s14+$0x0] =	vst.idx.msk $0xffff, v17  }
0x12b: {  	v17 =	vld [tilespmem:$0x4640];
	_ =	sdelay $0x4  }
0x12c: {  	[tilespmem:v2+s14+$0x0] =	vst.idx.msk $0xffff, v17  }
0x12d: {  	v17 =	vld [tilespmem:$0x4A28];
	_ =	sdelay $0x4  }
0x12e: {  	[tilespmem:v3+s14+$0x0] =	vst.idx.msk $0xffff, v17  }
0x12f: {  	v17 =	vld [tilespmem:$0x4E10];
	_ =	sdelay $0x4  }
0x130: {  	[tilespmem:v4+s14+$0x0] =	vst.idx.msk $0xffff, v17  }
0x131: {  	v17 =	vld [tilespmem:$0x51F8];
	_ =	sdelay $0x4  }
0x132: {  	[tilespmem:v5+s14+$0x0] =	vst.idx.msk $0xffff, v17  }
0x133: {  	v17 =	vld [tilespmem:$0x55E0];
	_ =	sdelay $0x4  }
0x134: {  	[tilespmem:v6+s14+$0x0] =	vst.idx.msk $0xffff, v17  }
0x135: {  	v17 =	vld [tilespmem:$0x59C8];
	_ =	sdelay $0x4  }
0x136: {  	[tilespmem:v7+s14+$0x0] =	vst.idx.msk $0xffff, v17  }
0x137: {  	v17 =	vld [tilespmem:$0x5DB0];
	_ =	sdelay $0x4  }
0x138: {  	[tilespmem:v8+s14+$0x0] =	vst.idx.msk $0xffff, v17  }
0x139: {  	v17 =	vld [tilespmem:$0x6198];
	_ =	sdelay $0x4  }
0x13a: {  	[tilespmem:v9+s14+$0x0] =	vst.idx.msk $0xffff, v17  }
0x13b: {  	v17 =	vld [tilespmem:$0x6580];
	_ =	sdelay $0x4  }
0x13c: {  	[tilespmem:v10+s14+$0x0] =	vst.idx.msk $0xffff, v17  }
0x13d: {  	v17 =	vld [tilespmem:$0x6968];
	_ =	sdelay $0x4  }
0x13e: {  	[tilespmem:v11+s14+$0x0] =	vst.idx.msk $0xffff, v17  }
0x13f: {  	v17 =	vld [tilespmem:$0x6D50];
	_ =	sdelay $0x4  }
0x140: {  	[tilespmem:v12+s14+$0x0] =	vst.idx.msk $0xffff, v17  }
0x141: {  	v17 =	vld [tilespmem:$0x7138];
	_ =	sdelay $0x4  }
0x142: {  	[tilespmem:v13+s14+$0x0] =	vst.idx.msk $0xffff, v17  }
0x143: {  	v17 =	vld [tilespmem:$0x7520];
	_ =	sdelay $0x4  }
0x144: {  	[tilespmem:v14+s14+$0x0] =	vst.idx.msk $0xffff, v17  }
0x145: {  	s29 =	smul.u32 $0x4EC5, s18;
	v17 =	vld [tilespmem:$0x7908];
	_ =	sdelay $0x1  }
0x146: {  	s19 =	sshrl.u32 s29, $0x13  }
0x147: {  	s30 =	smul.u32 $0x1A, s19;
	_ =	sdelay $0x1  }
0x148: {  	s31 =	ssub.s32 s18, s30;
	[tilespmem:v15+s14+$0x0] =	vst.idx.msk $0xffff, v17  }
0x149: {  	s18 =	smul.u32 $0x3E8, s31;
	v17 =	vld [tilespmem:$0x7CF0]  }
0x14a: {  	s19 =	smul.u32 $0x6590, s19  }
0x14b: {  	s18 =	sand.u32 $0xFFF8, s18  }
0x14c: {  	s18 =	sadd.s32 s18, s19  }
0x14d: {  	s18 =	sshll.u32 s18, $0x1  }
.Ltmp7:
0x14e: {  	s18 =	sadd.s32 s5, s18;
	[tilespmem:v16+s14+$0x0] =	vst.idx.msk $0xffff, v17;
	(pc) =	sbr.rel .LBB2_8-.Ltmp7, $4  }
0x14f: {  	[hbm4b:s18+s3] =	stream.linear.scatter [tilespmem:s14], [sflag:$0x4], $0x3E80, $0x38;
	[tilespmem:$0xFA00] =	vst v63  }
0x150: {  	_ =	swait.ge [sflag:s15], $0x3E80  }
0x151: {  	[sflag:s15] =	ssyncset.done $0x0  }
0x152: {  	[sflag:s15] =	ssyncadd.s32 $0xFFFFC180  }
.LBB2_10:
0x153: {  	_ =	sfence.sel $0x180000  }
0x154: {  	[bflag:$0x0] =	sbarrier.arrive $0xFFFF  }
0x155: {  	p0 =	sne.s32 s0, $0x0;
	_ =	strace $0x90000047  }
0x156: {  	s0 =	sadd.s32 @!p0 $0x100000, s1;
	[bflag:$0x2] =	sbarrier.arrive $0xFFFF  }
0x157: {  	[sflag:s0] =	ssyncadd.tile.s32 @!p0 $0x1;
	_ =	shalt  }
.Lfunc_end2:
_tile_overlayer_lowered:
.L_overlay_start_2:
0x158: {  	(tag) =	ssettag $0x2  }
0x159: {  	s0 =	rddreg [dreg:$0x0];
	s2 =	stileid.u32  }
0x15a: {  	s1 =	rddreg [dreg:$0x1];
	p0 =	sne.s32 s2, $0x0  }
0x15b: {  	s3 =	rddreg [dreg:$0x2];
	[bflag:$0x3] =	sbarrier.arrive $0xFFFF;
	s2 =	simm.s32 @!p0 $0x1C05  }
0x15c: {  	[timem:s3], [sflag:s2] =	dma.local @!p0 [hbm:s0], s1  }
0x15d: {  	s0 =	simm.s32 @!p0 $0x5  }
0x15e: {  	_ =	swait.ge @!p0 [sflag:s0], s1  }
0x15f: {  	s1 =	ssub.s32 @!p0 $0x0, s1;
	[sflag:s0] =	ssyncset.done @!p0 $0x0  }
0x160: {  	[sflag:s0] =	ssyncadd.s32 @!p0 s1  }
0x161: {  	[bflag:$0x3] =	sbarrier.arrive $0xFFFF  }
0x162: {  	_ =	shalt  }

// kernel: kernel.7.cloned.1.call-start
scs
__scs_entry_jumppad:
0x0: {  	(pc) =	sbr.rel $0x88, $3  }
0x1: {  	(tag) =	ssettag $0x0;
	lr =	simm.s32 $0x1  }
0x2: {  	[smem:$0x3F9D] =	sst lr;
	_ =	strace $0xD0000000  }
0x3: {  	_ = 	snop  }
0x4: {  	_ = 	snop  }
0x5: {  	_ = 	snop  }
0x6: {  	_ = 	snop  }
0x7: {  	_ = 	snop  }
__scs_overlays_trampoline_lowered:
0x8: {  	[smem:$0x3FAC] =	sst s0  }
0x9: {  	[smem:$0x3FAD] =	sst s1  }
0xa: {  	[smem:$0x3FAE] =	sst s2  }
0xb: {  	[smem:$0x3FAF] =	sst s3  }
0xc: {  	[smem:$0x3FB0] =	sst s4  }
0xd: {  	[smem:$0x3FB1] =	sst s5  }
0xe: {  	[smem:$0x3FB2] =	sst s6  }
0xf: {  	[smem:$0x3FB3] =	sst s7  }
0x10: {  	[smem:$0x3FB4] =	sst s8  }
0x11: {  	[smem:$0x3FB5] =	sst s9;
	s0 =	simm.s32 @!p0 $0x0  }
0x12: {  	s1 =	sld [smem:$0x3F9B];
	s0 =	simm.s32 @p0 $0x1  }
0x13: {  	[smem:$0x3FB6] =	sst s0;
	s0 =	simm.s32 @!p1 $0x0  }
0x14: {  	s2 =	sld [smem:$0x3F9A];
	s0 =	simm.s32 @p1 $0x1  }
0x15: {  	[smem:$0x3FB7] =	sst s0;
	s0 =	simm.s32 @!p2 $0x0  }
0x16: {  	s3 =	sld [smem:$0x3FDB];
	s0 =	simm.s32 @p2 $0x1  }
0x17: {  	s4 =	simm.s32 $0x1BF5;
	[smem:$0x3FB9] =	sst s0  }
0x18: {  	s0 =	sld [smem:$0x3F9C];
	_ =	swait.ge [sflag:s4], $0x0  }
0x19: {  	s7 =	sld [smem:$0x3F9D]  }
0x1a: {  	s8 =	sadd.s32 $0xFFFFE003, lr  }
0x1b: {  	s9 =	sadd.s32 $0xFFFFFEF7, lr;
	s5 =	simm.s32 $0xFFFFFFFF;
	p2 =	slt.u32 s8, $0xFFFFF086  }
0x1c: {  	p1 =	slt.u32 s9, $0xF7A;
	s5 =	simm.s32 @!p2 $0x0  }
0x1d: {  	s5 =	simm.s32 @p1 $0x1;
	p0 =	seq.s32 s7, s2  }
0x1e: {  	s7 =	smul.u32 @!p0 $0xF7A, s2;
	p2 =	seq.s32 @!p0 s5, $0x0  }
0x1f: {  	s9 =	smul.u32 $0xF7A, s1;
	s8 =	simm.s32 @!p0 $0x1BF5;
	p2 =	por !p2, p0  }
0x20: {  	[sflag:s8] =	ssyncset.s32 @!p0 $0xFFFFF086;
	s6 =	sadd.s32 @!p0 s3, s7;
	s7 =	simm.s32 @!p0 $0x108  }
0x21: {  	s3 =	sadd.s32 s3, s9;
	s6 =	sadd.s32 @!p0 $0x88, s6;
	s7 =	simm.s32 @p2 $0x1082  }
0x22: {  	[simem:s7], [sflag:s8] =	dma.local @!p0 [hbm:s6], $0xF7A  }
0x23: {  	s9 =	sor.u32 $0xD0000000, s2;
	s6 =	simm.s32 $0x108;
	_ =	swait.ge @!p0 [sflag:s8], $0x0  }
0x24: {  	s3 =	sadd.s32 $0x88, s3;
	s6 =	simm.s32 @!p1 $0x1082;
	[sflag:s4] =	ssyncset.s32 $0xFFFFF086  }
0x25: {  	[simem:s6], [sflag:s4] =	dma.local [hbm:s3], $0xF7A  }
0x26: {  	[smem:$0x3F9D] =	sst s1;
	(tag) =	ssettag s2;
	_ =	strace s9  }
0x27: {  	s1 =	sld [smem:$0x3FAD]  }
0x28: {  	s2 =	sld [smem:$0x3FAE]  }
0x29: {  	s4 =	sld [smem:$0x3FB0]  }
0x2a: {  	p0 =	seq.s32 s5, $0x0;
	s5 =	sld [smem:$0x3FB1]  }
0x2b: {  	s6 =	sld [smem:$0x3FB2]  }
0x2c: {  	s7 =	sld [smem:$0x3FB3]  }
0x2d: {  	s3 =	simm.s32 $0x108;
	s8 =	sld [smem:$0x3FB4]  }
0x2e: {  	s3 =	simm.s32 @!p0 $0x1082;
	s9 =	sld [smem:$0x3FB5]  }
0x2f: {  	lr =	sadd.s32 s0, s3;
	s0 =	sld [smem:$0x3FAC]  }
0x30: {  	s3 =	sld [smem:$0x3FAF]  }
0x31: {  	[smem:$0x3FB8] =	sst s10  }
0x32: {  	s10 =	sld [smem:$0x3FB6];
	_ =	sdelay $0x3  }
0x33: {  	p0 =	seq.s32 s10, $0x1;
	s10 =	sld [smem:$0x3FB8];
	_ =	sdelay $0x3  }
0x34: {  	[smem:$0x3FB8] =	sst s10  }
0x35: {  	s10 =	sld [smem:$0x3FB7];
	_ =	sdelay $0x3  }
0x36: {  	p1 =	seq.s32 s10, $0x1;
	s10 =	sld [smem:$0x3FB8];
	_ =	sdelay $0x3  }
0x37: {  	[smem:$0x3FB8] =	sst s10  }
0x38: {  	s10 =	sld [smem:$0x3FB9]  }
0x39: {  	_ = 	snop;
	(pc) =	sbr.ind lr, $3  }
0x3a: {  	_ = 	snop  }
0x3b: {  	_ = 	snop  }
0x3c: {  	p2 =	seq.s32 s10, $0x1;
	s10 =	sld [smem:$0x3FB8]  }
0x3d: {  	_ =	shalt  }
0x3e: {  	_ =	shalt  }
0x3f: {  	_ =	shalt  }
0x40: {  	_ =	shalt  }
0x41: {  	_ =	shalt  }
0x42: {  	_ =	shalt  }
0x43: {  	_ =	shalt  }
0x44: {  	_ =	shalt  }
0x45: {  	_ =	shalt  }
0x46: {  	_ =	shalt  }
0x47: {  	_ =	shalt  }
0x48: {  	_ =	shalt  }
0x49: {  	_ =	shalt  }
0x4a: {  	_ =	shalt  }
0x4b: {  	_ =	shalt  }
0x4c: {  	_ =	shalt  }
0x4d: {  	_ =	shalt  }
0x4e: {  	_ =	shalt  }
0x4f: {  	_ =	shalt  }
0x50: {  	_ =	shalt  }
0x51: {  	_ =	shalt  }
0x52: {  	_ =	shalt  }
0x53: {  	_ =	shalt  }
0x54: {  	_ =	shalt  }
0x55: {  	_ =	shalt  }
0x56: {  	_ =	shalt  }
0x57: {  	_ =	shalt  }
0x58: {  	_ =	shalt  }
0x59: {  	_ =	shalt  }
0x5a: {  	_ =	shalt  }
0x5b: {  	_ =	shalt  }
0x5c: {  	_ =	shalt  }
0x5d: {  	_ =	shalt  }
0x5e: {  	_ =	shalt  }
0x5f: {  	_ =	shalt  }
0x60: {  	_ =	shalt  }
0x61: {  	_ =	shalt  }
0x62: {  	_ =	shalt  }
0x63: {  	_ =	shalt  }
0x64: {  	_ =	shalt  }
0x65: {  	_ =	shalt  }
0x66: {  	_ =	shalt  }
0x67: {  	_ =	shalt  }
0x68: {  	_ =	shalt  }
0x69: {  	_ =	shalt  }
0x6a: {  	_ =	shalt  }
0x6b: {  	_ =	shalt  }
0x6c: {  	_ =	shalt  }
0x6d: {  	_ =	shalt  }
0x6e: {  	_ =	shalt  }
0x6f: {  	_ =	shalt  }
0x70: {  	_ =	shalt  }
0x71: {  	_ =	shalt  }
0x72: {  	_ =	shalt  }
0x73: {  	_ =	shalt  }
0x74: {  	_ =	shalt  }
0x75: {  	_ =	shalt  }
0x76: {  	_ =	shalt  }
0x77: {  	_ =	shalt  }
0x78: {  	_ =	shalt  }
0x79: {  	_ =	shalt  }
0x7a: {  	_ =	shalt  }
0x7b: {  	_ =	shalt  }
0x7c: {  	_ =	shalt  }
0x7d: {  	_ =	shalt  }
0x7e: {  	_ =	shalt  }
0x7f: {  	_ =	shalt  }
0x80: {  	_ =	shalt  }
0x81: {  	_ =	shalt  }
0x82: {  	_ =	shalt  }
0x83: {  	_ =	shalt  }
0x84: {  	_ =	shalt  }
0x85: {  	_ =	shalt  }
0x86: {  	_ =	shalt  }
0x87: {  	_ =	shalt  }
.Lfunc_end0:
.L_simem_size_0:
called_computation.1_lowered:
.L_overlay_start_0:
0x88: {  	s2 =	sld [smem:$0x3FD9]  }
0x89: {  	s3 =	sld [smem:$0x3FFE];
	_ =	sdelay $0x1  }
0x8a: {  	s1 =	srdreg.scid  }
0x8b: {  	s0 =	sand.u32 $0x1, s1  }
0x8c: {  	s17 =	sshll.u32 s0, $0xA;
	s2 =	sadd.s32 s3, s2  }
0x8d: {  	s2 =	sadd.s32 s2, s17  }
0x8e: {  	[smem:$0x3FC4] =	sst s2  }
0x8f: {  	_ = 	snop  }
0x90: {  	s2 =	sld [smem:$0x3FD0];
	(tm) =	ssettm $0x1  }
0x91: {  	s18 =	sld [smem:$0x3FFB];
	_ =	sdelay $0x3  }
0x92: {  	_ =	strace s18  }
0x93: {  	s3 =	sld [smem:$0x3FFC];
	_ =	sdelay $0x3  }
0x94: {  	_ =	strace s3  }
0x95: {  	s3 =	sld [smem:$0x3FFD];
	_ =	sdelay $0x3  }
0x96: {  	_ =	strace s3  }
0x97: {  	_ =	strace $0x8FFFFFFF  }
0x98: {  	s19 =	sld [smem:$0x3FDB];
	_ =	sdelay $0x1  }
0x99: {  	s4 =	simm.s32 $_scs_section_size  }
0x9a: {  	s5 =	simm.s32 $_size__tile_overlayer_lowered;
	s6 =	simm.s32 $_tile_overlayer_lowered  }
0x9b: {  	s22 =	simm.s32 $0x1BFF;
	s21 =	sshll.u32 s6, $0x1;
	s3 =	sadd.s32 s4, s19  }
0x9c: {  	s7 =	simm.s32 $0x0;
	s20 =	sshll.u32 s5, $0x1;
	s5 =	sadd.s32 s21, s3  }
0x9d: {  	[timem:s7], [sflag:s22] =	dma.local [hbm:s5], s20  }
0x9e: {  	_ =	swait.ge [sflag:s22], s20  }
0x9f: {  	s4 =	ssub.s32 $0x0, s20;
	[sflag:s22] =	ssyncset.done $0x0  }
0xa0: {  	[sflag:s22] =	ssyncadd.s32 s4;
	_ =	sdelay $0x1  }
0xa1: {  	s23 =	simm.s32 $0x1B8B  }
0xa2: {  	_ =	swait.ge [sflag:s23], $0x1  }
0xa3: {  	[sflag:s23] =	ssyncset.done $0x0  }
0xa4: {  	s25 =	simm.s32 $0x1B8E;
	s24 =	sld [smem:$0x3FFE];
	[sflag:s23] =	ssyncadd.s32 $0xFFFFFFFF  }
0xa5: {  	s26 =	simm.s32 $execute0_lowered;
	[smem:$0x3FD2] =	sst s25  }
0xa6: {  	s5 =	sshll.u32 s26, $0x1;
	_ =	strace $0x80000049;
	[dreg:$0x1] =	wrdreg $0xFFFFFFFF  }
0xa7: {  	s28 =	simm.s32 $_size_execute0_lowered;
	s3 =	sadd.s32 s3, s5;
	[dreg:$0x0] =	wrdreg $0x0  }
0xa8: {  	s5 =	sshll.u32 s28, $0x1;
	[dreg:$0x2] =	wrdreg s3  }
0xa9: {  	[dreg:$0x3] =	wrdreg s5  }
0xaa: {  	[dreg:$0x4] =	wrdreg $0xC0  }
0xab: {  	_ =	task [dreg:s7], $0x5FFFF  }
0xac: {  	[dreg:$0x1] =	wrdreg $0xFFFFFFFF  }
0xad: {  	[dreg:$0x0] =	wrdreg $0x60  }
0xae: {  	[dreg:$0x2] =	wrdreg s24  }
0xaf: {  	[dreg:$0x3] =	wrdreg s2  }
0xb0: {  	[dreg:$0x4] =	wrdreg $0x9  }
0xb1: {  	_ =	task.clear_ibuf [dreg:s7], $0x5FFFF;
	_ =	strace $0x90000049  }
0xb2: {  	s29 =	simm.s32 $0x9;
	_ =	strace $0x8000004B  }
0xb3: {  	_ =	swait.ge [sflag:s29], $0x1  }
0xb4: {  	[sflag:s29] =	ssyncadd.s32 $0xFFFFFFFF  }
0xb5: {  	_ =	strace $0x9000004B  }
0xb6: {  	_ =	sfence  }
0xb7: {  	s30 =	sld [smem:$0x0];
	_ =	sdelay $0x2  }
0xb8: {  	s31 =	sshll.u32 s1, $0xD;
	s1 =	sshrl.u32 s1, $0x2  }
0xb9: {  	s3 =	sand.u32 $0x4000, s31;
	s1 =	sadd.s32 s1, s30  }
0xba: {  	s0 =	sor.u32 s3, s0;
	s1 =	sshll.u32 s1, $0x11  }
0xbb: {  	s0 =	sor.u32 s1, s0  }
0xbc: {  	s0 =	sadd.s32 $0x8F2B, s0  }
0xbd: {  	[sflag:s0] =	ssyncadd.remote.s32 $0x1  }
0xbe: {  	_ =	sfence.sel $0xFFFF  }
0xbf: {  	[dreg:$0x0] =	wrdreg $0xFFFFFFFF;
	(pc) =	sbr.abs _section_cstart, $3  }
0xc0: {  	[dreg:$0x1] =	wrdreg $0xFFFFFFFF  }
0xc1: {  	_ =	task.clear_ibuf [dreg:s7], $0x2FFFF;
	_ =	strace $0x9FFFFFFF  }
0xc2: {  	(tm) =	ssettm $0x7FFFFFFF  }
0xc3: {  	_ =	shalt  }
tec
execute0_lowered:
.L_overlay_start_1:
0x0: {  	(tag) =	ssettag $0x1  }
0x1: {  	s0 =	srdreg.scid;
	s1 =	rddreg [dreg:$0x0]  }
0x2: {  	s2 =	stileid.u32;
	s4 =	rddreg [dreg:$0x1];
	s11 =	simm.s32 $0x3  }
0x3: {  	s12 =	simm.s32 $0xD00;
	s16 =	simm.s32 $0x70;
	s28 =	simm.s32 $0x7A50  }
0x4: {  	s29 =	simm.s32 $0xA060;
	s30 =	simm.s32 $0x7AC0;
	s31 =	simm.s32 $0xA760  }
0x5: {  	s13 =	simm.s32 $0x7BA0;
	s14 =	simm.s32 $0xB560;
	s15 =	simm.s32 $0x7C10  }
0x6: {  	s8 =	simm.s32 $0xCA60;
	s9 =	simm.s32 $0x1;
	s10 =	simm.s32 $0xD160  }
0x7: {  	s17 =	simm.s32 $0x2;
	s19 =	simm.s32 $0x0;
	s0 =	sand.u32 $0x1, s0  }
0x8: {  	s2 =	sshll.u32 s2, $0x1;
	s7 =	sadd.s32 $0x298600, s1;
	s22 =	sadd.s32 $0x1200, s1  }
0x9: {  	s23 =	sadd.s32 $0x1000, s1;
	s5 =	sor.u32 s0, s2;
	s2 =	simm.s32 $0x0  }
0xa: {  	s0 =	ssub.s32 $0x2, s0;
	s3 =	smul.u32 $0x1A0, s5;
	[smem:$0x7FF] =	sst s2  }
0xb: {  	s24 =	sshrl.u32 s0, $0x1;
	_ =	strace $0x8000004A;
	[dreg:$0x3] =	wrdreg s7  }
0xc: {  	s26 =	sshll.u32 s5, $0x4;
	s5 =	simm.s32 $0x7C80;
	[dreg:$0x4] =	wrdreg s22  }
0xd: {  	[dreg:$0x5] =	wrdreg s23;
	s0 =	ssub.s32 s0, s24;
	s23 =	simm.s32 $0x7970  }
0xe: {  	s24 =	simm.s32 $0x9260;
	s7 =	simm.s32 $0x7CF0;
	s6 =	sadd.s32 s3, s1  }
0xf: {  	s3 =	sadd.s32 $0x14B000, s1;
	s1 =	sadd.s32 $0xE00, s1;
	s0 =	smax.u32 s0, $0x1  }
0x10: {  	[dreg:$0x6] =	wrdreg s1;
	s25 =	sadd.s32 $0x295200, s6;
	s1 =	sadd.s32 s4, s26  }
0x11: {  	[dreg:$0x9] =	wrdreg s0;
	s26 =	simm.s32 $0x9960;
	s0 =	simm.s32 $0xAE60  }
0x12: {  	s4 =	simm.s32 $0xBC60;
	s6 =	simm.s32 $0xC360;
	[dreg:$0x7] =	wrdreg s25  }
0x13: {  	[dreg:$0x8] =	wrdreg s1;
	s25 =	simm.s32 $0x79E0;
	s1 =	simm.s32 $0x7B30  }
.LBB2_1:
0x14: {  	[dreg:$0xa] =	wrdreg s19  }
0x15: {  	s18 =	rddreg [dreg:$0x7]  }
0x16: {  	[tilespmem:s2], [sflag:$0x3] =	stream.linear.gather [hbm4b:s18+s2], $0xD00, $0x38;
	[tilespmem:$0xD1E0] =	vst v63  }
0x17: {  	_ =	swait.ge [sflag:s11], $0xD00  }
0x18: {  	[sflag:s11] =	ssyncset.done $0x0  }
0x19: {  	s22 =	rddreg [dreg:$0x3];
	[sflag:s11] =	ssyncadd.s32 $0xFFFFF300  }
0x1a: {  	[tilespmem:s12], [sflag:$0x3] =	stream.linear.gather [hbm4b:s22+s2], $0x6590, $0x38;
	[tilespmem:$0xD1E0] =	vst v63  }
0x1b: {  	_ =	swait.ge [sflag:s11], $0x6590  }
0x1c: {  	[sflag:s11] =	ssyncset.done $0x0  }
0x1d: {  	s20 =	simm.s32 $0x7290;
	s19 =	rddreg [dreg:$0x4];
	[sflag:s11] =	ssyncadd.s32 $0xFFFF9A70  }
0x1e: {  	[tilespmem:s20], [sflag:$0x3] =	stream.linear.gather [hbm4b:s19+s2], $0x2C0, $0x38;
	[tilespmem:$0xD1E0] =	vst v63  }
0x1f: {  	_ =	swait.ge [sflag:s11], $0x2C0  }
0x20: {  	[sflag:s11] =	ssyncset.done $0x0  }
0x21: {  	s22 =	simm.s32 $0x7550;
	s21 =	rddreg [dreg:$0x5];
	[sflag:s11] =	ssyncadd.s32 $0xFFFFFD40  }
0x22: {  	[tilespmem:s22], [sflag:$0x3] =	stream.linear.gather [hbm4b:s21+s2], $0x2C0, $0x38;
	[tilespmem:$0xD1E0] =	vst v63  }
0x23: {  	_ =	swait.ge [sflag:s11], $0x2C0  }
0x24: {  	[sflag:s11] =	ssyncset.done $0x0  }
0x25: {  	s20 =	simm.s32 $0x7810;
	s19 =	rddreg [dreg:$0x6];
	[sflag:s11] =	ssyncadd.s32 $0xFFFFFD40  }
0x26: {  	[tilespmem:s20], [sflag:$0x3] =	stream.linear.gather [hbm4b:s19+s2], $0x10, $0x38;
	[tilespmem:$0xD1E0] =	vst v63  }
0x27: {  	_ =	swait.ge [sflag:s11], $0x10  }
0x28: {  	[sflag:s11] =	ssyncset.done $0x0  }
0x29: {  	[sflag:s11] =	ssyncadd.s32 $0xFFFFFFF0  }
0x2a: {  	v0 =	vld [tilespmem:$0x7290];
	_ =	sdelay $0x5  }
0x2b: {  	v1 =	vld [tilespmem:$0x7550]  }
0x2c: {  	v2 =	vld [tilespmem:$0x72A0]  }
0x2d: {  	v0 =	vld.idx.msk [tilespmem:v0+s2+$0x0], $0xffff;
	_ =	sdelay $0x4  }
0x2e: {  	v43 =	vld [tilespmem:$0x7560];
	v0 =	vadd.s32 v1, v0  }
0x2f: {  	v44 =	vld [tilespmem:$0x72B0];
	[tilespmem:$0x7820] =	vst v0  }
0x30: {  	v2 =	vld.idx.msk [tilespmem:v2+s2+$0x0], $0xffff;
	_ =	sdelay $0x4  }
0x31: {  	v45 =	vld [tilespmem:$0x7570];
	v1 =	vadd.s32 v43, v2  }
0x32: {  	v46 =	vld [tilespmem:$0x72C0];
	[tilespmem:$0x7830] =	vst v1  }
0x33: {  	v0 =	vld.idx.msk [tilespmem:v44+s2+$0x0], $0xffff;
	_ =	sdelay $0x4  }
0x34: {  	v47 =	vld [tilespmem:$0x7580];
	v0 =	vadd.s32 v45, v0  }
0x35: {  	v48 =	vld [tilespmem:$0x72D0];
	[tilespmem:$0x7840] =	vst v0  }
0x36: {  	v1 =	vld.idx.msk [tilespmem:v46+s2+$0x0], $0xffff;
	_ =	sdelay $0x4  }
0x37: {  	v49 =	vld [tilespmem:$0x7590];
	v1 =	vadd.s32 v47, v1  }
0x38: {  	v50 =	vld [tilespmem:$0x72E0];
	[tilespmem:$0x7850] =	vst v1  }
0x39: {  	v0 =	vld.idx.msk [tilespmem:v48+s2+$0x0], $0xffff;
	_ =	sdelay $0x4  }
0x3a: {  	v51 =	vld [tilespmem:$0x75A0];
	v0 =	vadd.s32 v49, v0  }
0x3b: {  	v52 =	vld [tilespmem:$0x72F0];
	[tilespmem:$0x7860] =	vst v0  }
0x3c: {  	v1 =	vld.idx.msk [tilespmem:v50+s2+$0x0], $0xffff;
	_ =	sdelay $0x4  }
0x3d: {  	v53 =	vld [tilespmem:$0x75B0];
	v1 =	vadd.s32 v51, v1  }
0x3e: {  	v54 =	vld [tilespmem:$0x7300];
	[tilespmem:$0x7870] =	vst v1  }
0x3f: {  	v0 =	vld.idx.msk [tilespmem:v52+s2+$0x0], $0xffff;
	_ =	sdelay $0x4  }
0x40: {  	v55 =	vld [tilespmem:$0x75C0];
	v0 =	vadd.s32 v53, v0  }
0x41: {  	v56 =	vld [tilespmem:$0x7310];
	[tilespmem:$0x7880] =	vst v0  }
0x42: {  	v1 =	vld.idx.msk [tilespmem:v54+s2+$0x0], $0xffff;
	_ =	sdelay $0x4  }
0x43: {  	v57 =	vld [tilespmem:$0x75D0];
	v1 =	vadd.s32 v55, v1  }
0x44: {  	v58 =	vld [tilespmem:$0x7320];
	[tilespmem:$0x7890] =	vst v1  }
0x45: {  	v0 =	vld.idx.msk [tilespmem:v56+s2+$0x0], $0xffff;
	_ =	sdelay $0x4  }
0x46: {  	v59 =	vld [tilespmem:$0x75E0];
	v0 =	vadd.s32 v57, v0  }
0x47: {  	v60 =	vld [tilespmem:$0x7330];
	[tilespmem:$0x78A0] =	vst v0  }
0x48: {  	v1 =	vld.idx.msk [tilespmem:v58+s2+$0x0], $0xffff;
	_ =	sdelay $0x4  }
0x49: {  	v61 =	vld [tilespmem:$0x75F0];
	v1 =	vadd.s32 v59, v1  }
0x4a: {  	v62 =	vld [tilespmem:$0x7340];
	[tilespmem:$0x78B0] =	vst v1  }
0x4b: {  	v0 =	vld.idx.msk [tilespmem:v60+s2+$0x0], $0xffff;
	_ =	sdelay $0x4  }
0x4c: {  	v63 =	vld [tilespmem:$0x7600];
	v0 =	vadd.s32 v61, v0  }
0x4d: {  	v4 =	vld [tilespmem:$0x7350];
	[tilespmem:$0x78C0] =	vst v0  }
0x4e: {  	v1 =	vld.idx.msk [tilespmem:v62+s2+$0x0], $0xffff;
	_ =	sdelay $0x4  }
0x4f: {  	v5 =	vld [tilespmem:$0x7610];
	v1 =	vadd.s32 v63, v1  }
0x50: {  	v6 =	vld [tilespmem:$0x7360];
	[tilespmem:$0x78D0] =	vst v1  }
0x51: {  	v0 =	vld.idx.msk [tilespmem:v4+s2+$0x0], $0xffff;
	_ =	sdelay $0x4  }
0x52: {  	v7 =	vld [tilespmem:$0x7620];
	v0 =	vadd.s32 v5, v0  }
0x53: {  	v8 =	vld [tilespmem:$0x7370];
	[tilespmem:$0x78E0] =	vst v0  }
0x54: {  	v1 =	vld.idx.msk [tilespmem:v6+s2+$0x0], $0xffff;
	_ =	sdelay $0x4  }
0x55: {  	v9 =	vld [tilespmem:$0x7630];
	v1 =	vadd.s32 v7, v1  }
0x56: {  	v10 =	vld [tilespmem:$0x7380];
	[tilespmem:$0x78F0] =	vst v1  }
0x57: {  	v0 =	vld.idx.msk [tilespmem:v8+s2+$0x0], $0xffff;
	_ =	sdelay $0x4  }
0x58: {  	v11 =	vld [tilespmem:$0x7640];
	v0 =	vadd.s32 v9, v0  }
0x59: {  	v12 =	vld [tilespmem:$0x7390];
	[tilespmem:$0x7900] =	vst v0  }
0x5a: {  	v1 =	vld.idx.msk [tilespmem:v10+s2+$0x0], $0xffff;
	_ =	sdelay $0x4  }
0x5b: {  	v13 =	vld [tilespmem:$0x7650];
	v1 =	vadd.s32 v11, v1  }
0x5c: {  	v14 =	vld [tilespmem:$0x73A0];
	[tilespmem:$0x7910] =	vst v1  }
0x5d: {  	v0 =	vld.idx.msk [tilespmem:v12+s2+$0x0], $0xffff;
	_ =	sdelay $0x4  }
0x5e: {  	v15 =	vld [tilespmem:$0x7660];
	v0 =	vadd.s32 v13, v0  }
0x5f: {  	v16 =	vld [tilespmem:$0x73B0];
	[tilespmem:$0x7920] =	vst v0  }
0x60: {  	v1 =	vld.idx.msk [tilespmem:v14+s2+$0x0], $0xffff;
	_ =	sdelay $0x4  }
0x61: {  	v17 =	vld [tilespmem:$0x7670];
	v1 =	vadd.s32 v15, v1  }
0x62: {  	v18 =	vld [tilespmem:$0x73C0];
	[tilespmem:$0x7930] =	vst v1  }
0x63: {  	v0 =	vld.idx.msk [tilespmem:v16+s2+$0x0], $0xffff;
	_ =	sdelay $0x4  }
0x64: {  	v19 =	vld [tilespmem:$0x7680];
	v0 =	vadd.s32 v17, v0  }
0x65: {  	v20 =	vld [tilespmem:$0x73D0];
	[tilespmem:$0x7940] =	vst v0  }
0x66: {  	v1 =	vld.idx.msk [tilespmem:v18+s2+$0x0], $0xffff;
	_ =	sdelay $0x4  }
0x67: {  	v21 =	vld [tilespmem:$0x7690];
	v1 =	vadd.s32 v19, v1  }
0x68: {  	v22 =	vld [tilespmem:$0x73E0];
	[tilespmem:$0x7950] =	vst v1  }
0x69: {  	v0 =	vld.idx.msk [tilespmem:v20+s2+$0x0], $0xffff;
	_ =	sdelay $0x4  }
0x6a: {  	v23 =	vld [tilespmem:$0x76A0];
	v0 =	vadd.s32 v21, v0  }
0x6b: {  	v24 =	vld [tilespmem:$0x73F0];
	[tilespmem:$0x7960] =	vst v0  }
0x6c: {  	v1 =	vld.idx.msk [tilespmem:v22+s2+$0x0], $0xffff;
	_ =	sdelay $0x4  }
0x6d: {  	v25 =	vld [tilespmem:$0x76B0];
	v1 =	vadd.s32 v23, v1  }
0x6e: {  	v26 =	vld [tilespmem:$0x7400];
	[tilespmem:$0x7970] =	vst v1  }
0x6f: {  	v0 =	vld.idx.msk [tilespmem:v24+s2+$0x0], $0xffff;
	_ =	sdelay $0x4  }
0x70: {  	v27 =	vld [tilespmem:$0x76C0];
	v0 =	vadd.s32 v25, v0  }
0x71: {  	v28 =	vld [tilespmem:$0x7410];
	[tilespmem:$0x7980] =	vst v0  }
0x72: {  	v1 =	vld.idx.msk [tilespmem:v26+s2+$0x0], $0xffff;
	_ =	sdelay $0x4  }
0x73: {  	v29 =	vld [tilespmem:$0x76D0];
	v1 =	vadd.s32 v27, v1  }
0x74: {  	v30 =	vld [tilespmem:$0x7420];
	[tilespmem:$0x7990] =	vst v1  }
0x75: {  	v0 =	vld.idx.msk [tilespmem:v28+s2+$0x0], $0xffff;
	_ =	sdelay $0x4  }
0x76: {  	v31 =	vld [tilespmem:$0x76E0];
	v0 =	vadd.s32 v29, v0  }
0x77: {  	v32 =	vld [tilespmem:$0x7430];
	[tilespmem:$0x79A0] =	vst v0  }
0x78: {  	v1 =	vld.idx.msk [tilespmem:v30+s2+$0x0], $0xffff;
	_ =	sdelay $0x4  }
0x79: {  	v33 =	vld [tilespmem:$0x76F0];
	v1 =	vadd.s32 v31, v1  }
0x7a: {  	v34 =	vld [tilespmem:$0x7440];
	[tilespmem:$0x79B0] =	vst v1  }
0x7b: {  	v0 =	vld.idx.msk [tilespmem:v32+s2+$0x0], $0xffff;
	_ =	sdelay $0x4  }
0x7c: {  	v35 =	vld [tilespmem:$0x7700];
	v0 =	vadd.s32 v33, v0  }
0x7d: {  	v36 =	vld [tilespmem:$0x7450];
	[tilespmem:$0x79C0] =	vst v0  }
0x7e: {  	v1 =	vld.idx.msk [tilespmem:v34+s2+$0x0], $0xffff;
	_ =	sdelay $0x4  }
0x7f: {  	v37 =	vld [tilespmem:$0x7710];
	v1 =	vadd.s32 v35, v1  }
0x80: {  	v38 =	vld [tilespmem:$0x7460];
	[tilespmem:$0x79D0] =	vst v1  }
0x81: {  	v0 =	vld.idx.msk [tilespmem:v36+s2+$0x0], $0xffff;
	_ =	sdelay $0x4  }
0x82: {  	v39 =	vld [tilespmem:$0x7720];
	v0 =	vadd.s32 v37, v0  }
0x83: {  	v40 =	vld [tilespmem:$0x7470];
	[tilespmem:$0x79E0] =	vst v0  }
0x84: {  	v1 =	vld.idx.msk [tilespmem:v38+s2+$0x0], $0xffff;
	_ =	sdelay $0x4  }
0x85: {  	v41 =	vld [tilespmem:$0x7730];
	v1 =	vadd.s32 v39, v1  }
0x86: {  	v42 =	vld [tilespmem:$0x7480];
	[tilespmem:$0x79F0] =	vst v1  }
0x87: {  	v0 =	vld.idx.msk [tilespmem:v40+s2+$0x0], $0xffff;
	_ =	sdelay $0x4  }
0x88: {  	v43 =	vld [tilespmem:$0x7740];
	v0 =	vadd.s32 v41, v0  }
0x89: {  	v44 =	vld [tilespmem:$0x7490];
	[tilespmem:$0x7A00] =	vst v0  }
0x8a: {  	v1 =	vld.idx.msk [tilespmem:v42+s2+$0x0], $0xffff;
	_ =	sdelay $0x4  }
0x8b: {  	v45 =	vld [tilespmem:$0x7750];
	v1 =	vadd.s32 v43, v1  }
0x8c: {  	v46 =	vld [tilespmem:$0x74A0];
	[tilespmem:$0x7A10] =	vst v1  }
0x8d: {  	v0 =	vld.idx.msk [tilespmem:v44+s2+$0x0], $0xffff;
	_ =	sdelay $0x4  }
0x8e: {  	v47 =	vld [tilespmem:$0x7760];
	v0 =	vadd.s32 v45, v0  }
0x8f: {  	v48 =	vld [tilespmem:$0x74B0];
	[tilespmem:$0x7A20] =	vst v0  }
0x90: {  	v1 =	vld.idx.msk [tilespmem:v46+s2+$0x0], $0xffff;
	_ =	sdelay $0x4  }
0x91: {  	v49 =	vld [tilespmem:$0x7770];
	v1 =	vadd.s32 v47, v1  }
0x92: {  	v50 =	vld [tilespmem:$0x74C0];
	[tilespmem:$0x7A30] =	vst v1  }
0x93: {  	v0 =	vld.idx.msk [tilespmem:v48+s2+$0x0], $0xffff;
	_ =	sdelay $0x4  }
0x94: {  	v51 =	vld [tilespmem:$0x7780];
	v0 =	vadd.s32 v49, v0  }
0x95: {  	v52 =	vld [tilespmem:$0x74D0];
	[tilespmem:$0x7A40] =	vst v0  }
0x96: {  	v1 =	vld.idx.msk [tilespmem:v50+s2+$0x0], $0xffff;
	_ =	sdelay $0x4  }
0x97: {  	v53 =	vld [tilespmem:$0x7790];
	v1 =	vadd.s32 v51, v1  }
0x98: {  	v54 =	vld [tilespmem:$0x74E0];
	[tilespmem:$0x7A50] =	vst v1  }
0x99: {  	v0 =	vld.idx.msk [tilespmem:v52+s2+$0x0], $0xffff;
	_ =	sdelay $0x4  }
0x9a: {  	v55 =	vld [tilespmem:$0x77A0];
	v0 =	vadd.s32 v53, v0  }
0x9b: {  	v56 =	vld [tilespmem:$0x74F0];
	[tilespmem:$0x7A60] =	vst v0  }
0x9c: {  	v1 =	vld.idx.msk [tilespmem:v54+s2+$0x0], $0xffff;
	_ =	sdelay $0x4  }
0x9d: {  	v57 =	vld [tilespmem:$0x77B0];
	v1 =	vadd.s32 v55, v1  }
0x9e: {  	v58 =	vld [tilespmem:$0x7500];
	[tilespmem:$0x7A70] =	vst v1  }
0x9f: {  	v0 =	vld.idx.msk [tilespmem:v56+s2+$0x0], $0xffff;
	_ =	sdelay $0x4  }
0xa0: {  	v59 =	vld [tilespmem:$0x77C0];
	v0 =	vadd.s32 v57, v0  }
0xa1: {  	v60 =	vld [tilespmem:$0x7510];
	[tilespmem:$0x7A80] =	vst v0  }
0xa2: {  	v1 =	vld.idx.msk [tilespmem:v58+s2+$0x0], $0xffff;
	_ =	sdelay $0x4  }
0xa3: {  	v61 =	vld [tilespmem:$0x77D0];
	v1 =	vadd.s32 v59, v1  }
0xa4: {  	v62 =	vld [tilespmem:$0x7520];
	[tilespmem:$0x7A90] =	vst v1  }
0xa5: {  	v0 =	vld.idx.msk [tilespmem:v60+s2+$0x0], $0xffff;
	_ =	sdelay $0x4  }
0xa6: {  	v0 =	vadd.s32 v61, v0  }
0xa7: {  	v63 =	vld [tilespmem:$0x77E0];
	[tilespmem:$0x7AA0] =	vst v0  }
0xa8: {  	v1 =	vld.idx.msk [tilespmem:v62+s2+$0x0], $0xffff;
	_ =	sdelay $0x4  }
0xa9: {  	v0 =	vadd.s32 v63, v1  }
0xaa: {  	s21 =	simm.s32 $0x7820;
	s22 =	simm.s32 $0x7D60;
	[tilespmem:$0x7AB0] =	vst v0  }
0xab: {  	[tilespmem:s22], [sflag:$0x1] =	stream.indirect.gather [hbm4b:s3+s16], $0x10, s21, s16, $0xb8;
	[tilespmem:$0xD1E0] =	vst v63  }
0xac: {  	s19 =	simm.s32 $0x7890;
	s20 =	simm.s32 $0x8460  }
0xad: {  	[tilespmem:s20], [sflag:$0x1] =	stream.indirect.gather [hbm4b:s3+s16], $0x10, s19, s16, $0xb8;
	[tilespmem:$0xD1E0] =	vst v63  }
0xae: {  	s21 =	simm.s32 $0x7900;
	s22 =	simm.s32 $0x8B60  }
0xaf: {  	[tilespmem:s22], [sflag:$0x1] =	stream.indirect.gather [hbm4b:s3+s16], $0x10, s21, s16, $0xb8;
	[tilespmem:$0xD1E0] =	vst v63  }
0xb0: {  	_ = 	snop  }
0xb1: {  	[tilespmem:s24], [sflag:$0x1] =	stream.indirect.gather [hbm4b:s3+s16], $0x10, s23, s16, $0xb8;
	[tilespmem:$0xD1E0] =	vst v63  }
0xb2: {  	_ = 	snop  }
0xb3: {  	[tilespmem:s26], [sflag:$0x1] =	stream.indirect.gather [hbm4b:s3+s16], $0x10, s25, s16, $0xb8;
	[tilespmem:$0xD1E0] =	vst v63  }
0xb4: {  	s18 =	simm.s32 $0x0  }
0xb5: {  	[tilespmem:s29], [sflag:$0x1] =	stream.indirect.gather [hbm4b:s3+s16], $0x10, s28, s16, $0xb8;
	[tilespmem:$0xD1E0] =	vst v63  }
.LBB2_2:
0xb6: {  	v0 =	vld [tilespmem:$0x7290];
	_ =	sdelay $0x1  }
0xb7: {  	s19 =	sshllo.u32 s18, $0x1  }
0xb8: {  	s20 =	smul.u32 $0x1A, s19;
	_ =	sdelay $0x1  }
0xb9: {  	v0 =	vadd.s32 s20, v0;
	_ =	sdelay $0x1  }
0xba: {  	v1 =	vld [tilespmem:$0x72A0];
	_ =	sdelay $0x1  }
0xbb: {  	v2 =	vld [tilespmem:$0x7550];
	s21 =	simm.s32 $0x0  }
0xbc: {  	v0 =	vld.idx.msk [tilespmem:v0+s21+$0x0], $0xffff;
	_ =	sdelay $0x1  }
0xbd: {  	v1 =	vadd.s32 s20, v1;
	_ =	sdelay $0x1  }
0xbe: {  	v3 =	vld [tilespmem:$0x72B0]  }
0xbf: {  	v0 =	vadd.s32 v2, v0  }
0xc0: {  	[tilespmem:$0x7AC0] =	vst v0;
	v0 =	vld [tilespmem:$0x7560]  }
0xc1: {  	v1 =	vld.idx.msk [tilespmem:v1+s21+$0x0], $0xffff;
	_ =	sdelay $0x1  }
0xc2: {  	v2 =	vadd.s32 s20, v3;
	_ =	sdelay $0x1  }
0xc3: {  	v3 =	vld [tilespmem:$0x72C0]  }
0xc4: {  	v0 =	vadd.s32 v0, v1  }
0xc5: {  	[tilespmem:$0x7AD0] =	vst v0;
	v0 =	vld [tilespmem:$0x7570]  }
0xc6: {  	v1 =	vld.idx.msk [tilespmem:v2+s21+$0x0], $0xffff;
	_ =	sdelay $0x1  }
0xc7: {  	v2 =	vadd.s32 s20, v3;
	_ =	sdelay $0x1  }
0xc8: {  	v3 =	vld [tilespmem:$0x72D0]  }
0xc9: {  	v0 =	vadd.s32 v0, v1  }
0xca: {  	[tilespmem:$0x7AE0] =	vst v0;
	v0 =	vld [tilespmem:$0x7580]  }
0xcb: {  	v1 =	vld.idx.msk [tilespmem:v2+s21+$0x0], $0xffff;
	_ =	sdelay $0x1  }
0xcc: {  	v2 =	vadd.s32 s20, v3;
	_ =	sdelay $0x1  }
0xcd: {  	v3 =	vld [tilespmem:$0x72E0]  }
0xce: {  	v0 =	vadd.s32 v0, v1  }
0xcf: {  	[tilespmem:$0x7AF0] =	vst v0;
	v0 =	vld [tilespmem:$0x7590]  }
0xd0: {  	v1 =	vld.idx.msk [tilespmem:v2+s21+$0x0], $0xffff;
	_ =	sdelay $0x1  }
0xd1: {  	v2 =	vadd.s32 s20, v3;
	_ =	sdelay $0x1  }
0xd2: {  	v3 =	vld [tilespmem:$0x72F0]  }
0xd3: {  	v0 =	vadd.s32 v0, v1  }
0xd4: {  	[tilespmem:$0x7B00] =	vst v0;
	v0 =	vld [tilespmem:$0x75A0]  }
0xd5: {  	v1 =	vld.idx.msk [tilespmem:v2+s21+$0x0], $0xffff;
	_ =	sdelay $0x1  }
0xd6: {  	v2 =	vadd.s32 s20, v3;
	_ =	sdelay $0x1  }
0xd7: {  	v3 =	vld [tilespmem:$0x7300]  }
0xd8: {  	v0 =	vadd.s32 v0, v1  }
0xd9: {  	[tilespmem:$0x7B10] =	vst v0;
	v0 =	vld [tilespmem:$0x75B0]  }
0xda: {  	v1 =	vld.idx.msk [tilespmem:v2+s21+$0x0], $0xffff;
	_ =	sdelay $0x1  }
0xdb: {  	v2 =	vadd.s32 s20, v3;
	_ =	sdelay $0x1  }
0xdc: {  	v3 =	vld [tilespmem:$0x7310]  }
0xdd: {  	v0 =	vadd.s32 v0, v1  }
0xde: {  	[tilespmem:$0x7B20] =	vst v0;
	v0 =	vld [tilespmem:$0x75C0]  }
0xdf: {  	v1 =	vld.idx.msk [tilespmem:v2+s21+$0x0], $0xffff;
	_ =	sdelay $0x1  }
0xe0: {  	v2 =	vadd.s32 s20, v3;
	_ =	sdelay $0x1  }
0xe1: {  	v3 =	vld [tilespmem:$0x7320]  }
0xe2: {  	v0 =	vadd.s32 v0, v1  }
0xe3: {  	[tilespmem:$0x7B30] =	vst v0;
	v0 =	vld [tilespmem:$0x75D0]  }
0xe4: {  	v1 =	vld.idx.msk [tilespmem:v2+s21+$0x0], $0xffff;
	_ =	sdelay $0x1  }
0xe5: {  	v2 =	vadd.s32 s20, v3;
	_ =	sdelay $0x1  }
0xe6: {  	v3 =	vld [tilespmem:$0x7330]  }
0xe7: {  	v0 =	vadd.s32 v0, v1  }
0xe8: {  	[tilespmem:$0x7B40] =	vst v0;
	v0 =	vld [tilespmem:$0x75E0]  }
0xe9: {  	v1 =	vld.idx.msk [tilespmem:v2+s21+$0x0], $0xffff;
	_ =	sdelay $0x1  }
0xea: {  	v2 =	vadd.s32 s20, v3;
	_ =	sdelay $0x1  }
0xeb: {  	v3 =	vld [tilespmem:$0x7340]  }
0xec: {  	v0 =	vadd.s32 v0, v1  }
0xed: {  	[tilespmem:$0x7B50] =	vst v0;
	v0 =	vld [tilespmem:$0x75F0]  }
0xee: {  	v1 =	vld.idx.msk [tilespmem:v2+s21+$0x0], $0xffff;
	_ =	sdelay $0x1  }
0xef: {  	v2 =	vadd.s32 s20, v3;
	_ =	sdelay $0x1  }
0xf0: {  	v3 =	vld [tilespmem:$0x7350]  }
0xf1: {  	v0 =	vadd.s32 v0, v1  }
0xf2: {  	[tilespmem:$0x7B60] =	vst v0;
	v0 =	vld [tilespmem:$0x7600]  }
0xf3: {  	v1 =	vld.idx.msk [tilespmem:v2+s21+$0x0], $0xffff;
	_ =	sdelay $0x1  }
0xf4: {  	v2 =	vadd.s32 s20, v3;
	_ =	sdelay $0x1  }
0xf5: {  	v3 =	vld [tilespmem:$0x7360]  }
0xf6: {  	v0 =	vadd.s32 v0, v1  }
0xf7: {  	[tilespmem:$0x7B70] =	vst v0;
	v0 =	vld [tilespmem:$0x7610]  }
0xf8: {  	v1 =	vld.idx.msk [tilespmem:v2+s21+$0x0], $0xffff;
	_ =	sdelay $0x1  }
0xf9: {  	v2 =	vadd.s32 s20, v3;
	_ =	sdelay $0x1  }
0xfa: {  	v3 =	vld [tilespmem:$0x7370]  }
0xfb: {  	v0 =	vadd.s32 v0, v1  }
0xfc: {  	[tilespmem:$0x7B80] =	vst v0;
	v0 =	vld [tilespmem:$0x7620]  }
0xfd: {  	v1 =	vld.idx.msk [tilespmem:v2+s21+$0x0], $0xffff;
	_ =	sdelay $0x1  }
0xfe: {  	v2 =	vadd.s32 s20, v3;
	_ =	sdelay $0x1  }
0xff: {  	v3 =	vld [tilespmem:$0x7380]  }
0x100: {  	v0 =	vadd.s32 v0, v1  }
0x101: {  	[tilespmem:$0x7B90] =	vst v0;
	v0 =	vld [tilespmem:$0x7630]  }
0x102: {  	v1 =	vld.idx.msk [tilespmem:v2+s21+$0x0], $0xffff;
	_ =	sdelay $0x1  }
0x103: {  	v2 =	vadd.s32 s20, v3;
	_ =	sdelay $0x1  }
0x104: {  	v3 =	vld [tilespmem:$0x7390]  }
0x105: {  	v0 =	vadd.s32 v0, v1  }
0x106: {  	[tilespmem:$0x7BA0] =	vst v0;
	v0 =	vld [tilespmem:$0x7640]  }
0x107: {  	v1 =	vld.idx.msk [tilespmem:v2+s21+$0x0], $0xffff;
	_ =	sdelay $0x1  }
0x108: {  	v2 =	vadd.s32 s20, v3;
	_ =	sdelay $0x1  }
0x109: {  	v3 =	vld [tilespmem:$0x73A0]  }
0x10a: {  	v0 =	vadd.s32 v0, v1  }
0x10b: {  	[tilespmem:$0x7BB0] =	vst v0;
	v0 =	vld [tilespmem:$0x7650]  }
0x10c: {  	v1 =	vld.idx.msk [tilespmem:v2+s21+$0x0], $0xffff;
	_ =	sdelay $0x1  }
0x10d: {  	v2 =	vadd.s32 s20, v3;
	_ =	sdelay $0x1  }
0x10e: {  	v3 =	vld [tilespmem:$0x73B0]  }
0x10f: {  	v0 =	vadd.s32 v0, v1  }
0x110: {  	[tilespmem:$0x7BC0] =	vst v0;
	v0 =	vld [tilespmem:$0x7660]  }
0x111: {  	v1 =	vld.idx.msk [tilespmem:v2+s21+$0x0], $0xffff;
	_ =	sdelay $0x1  }
0x112: {  	v2 =	vadd.s32 s20, v3;
	_ =	sdelay $0x1  }
0x113: {  	v3 =	vld [tilespmem:$0x73C0]  }
0x114: {  	v0 =	vadd.s32 v0, v1  }
0x115: {  	[tilespmem:$0x7BD0] =	vst v0;
	v0 =	vld [tilespmem:$0x7670]  }
0x116: {  	v1 =	vld.idx.msk [tilespmem:v2+s21+$0x0], $0xffff;
	_ =	sdelay $0x1  }
0x117: {  	v2 =	vadd.s32 s20, v3;
	_ =	sdelay $0x1  }
0x118: {  	v3 =	vld [tilespmem:$0x73D0]  }
0x119: {  	v0 =	vadd.s32 v0, v1  }
0x11a: {  	[tilespmem:$0x7BE0] =	vst v0;
	v0 =	vld [tilespmem:$0x7680]  }
0x11b: {  	v1 =	vld.idx.msk [tilespmem:v2+s21+$0x0], $0xffff;
	_ =	sdelay $0x1  }
0x11c: {  	v2 =	vadd.s32 s20, v3;
	_ =	sdelay $0x1  }
0x11d: {  	v3 =	vld [tilespmem:$0x73E0]  }
0x11e: {  	v0 =	vadd.s32 v0, v1  }
0x11f: {  	[tilespmem:$0x7BF0] =	vst v0;
	v0 =	vld [tilespmem:$0x7690]  }
0x120: {  	v1 =	vld.idx.msk [tilespmem:v2+s21+$0x0], $0xffff;
	_ =	sdelay $0x1  }
0x121: {  	v2 =	vadd.s32 s20, v3;
	_ =	sdelay $0x1  }
0x122: {  	v3 =	vld [tilespmem:$0x73F0]  }
0x123: {  	v0 =	vadd.s32 v0, v1  }
0x124: {  	[tilespmem:$0x7C00] =	vst v0;
	v0 =	vld [tilespmem:$0x76A0]  }
0x125: {  	v1 =	vld.idx.msk [tilespmem:v2+s21+$0x0], $0xffff;
	_ =	sdelay $0x1  }
0x126: {  	v2 =	vadd.s32 s20, v3;
	_ =	sdelay $0x1  }
0x127: {  	v3 =	vld [tilespmem:$0x7400]  }
0x128: {  	v0 =	vadd.s32 v0, v1  }
0x129: {  	[tilespmem:$0x7C10] =	vst v0;
	v0 =	vld [tilespmem:$0x76B0]  }
0x12a: {  	v1 =	vld.idx.msk [tilespmem:v2+s21+$0x0], $0xffff;
	_ =	sdelay $0x1  }
0x12b: {  	v2 =	vadd.s32 s20, v3;
	_ =	sdelay $0x1  }
0x12c: {  	v3 =	vld [tilespmem:$0x7410]  }
0x12d: {  	v0 =	vadd.s32 v0, v1  }
0x12e: {  	[tilespmem:$0x7C20] =	vst v0;
	v0 =	vld [tilespmem:$0x76C0]  }
0x12f: {  	v1 =	vld.idx.msk [tilespmem:v2+s21+$0x0], $0xffff;
	_ =	sdelay $0x1  }
0x130: {  	v2 =	vadd.s32 s20, v3;
	_ =	sdelay $0x1  }
0x131: {  	v3 =	vld [tilespmem:$0x7420]  }
0x132: {  	v0 =	vadd.s32 v0, v1  }
0x133: {  	[tilespmem:$0x7C30] =	vst v0;
	v0 =	vld [tilespmem:$0x76D0]  }
0x134: {  	v1 =	vld.idx.msk [tilespmem:v2+s21+$0x0], $0xffff;
	_ =	sdelay $0x1  }
0x135: {  	v2 =	vadd.s32 s20, v3;
	_ =	sdelay $0x1  }
0x136: {  	v3 =	vld [tilespmem:$0x7430]  }
0x137: {  	v0 =	vadd.s32 v0, v1  }
0x138: {  	[tilespmem:$0x7C40] =	vst v0;
	v0 =	vld [tilespmem:$0x76E0]  }
0x139: {  	v1 =	vld.idx.msk [tilespmem:v2+s21+$0x0], $0xffff;
	_ =	sdelay $0x1  }
0x13a: {  	v2 =	vadd.s32 s20, v3;
	_ =	sdelay $0x1  }
0x13b: {  	v3 =	vld [tilespmem:$0x7440]  }
0x13c: {  	v0 =	vadd.s32 v0, v1  }
0x13d: {  	[tilespmem:$0x7C50] =	vst v0;
	v0 =	vld [tilespmem:$0x76F0]  }
0x13e: {  	v1 =	vld.idx.msk [tilespmem:v2+s21+$0x0], $0xffff;
	_ =	sdelay $0x1  }
0x13f: {  	v2 =	vadd.s32 s20, v3;
	_ =	sdelay $0x1  }
0x140: {  	v3 =	vld [tilespmem:$0x7450]  }
0x141: {  	v0 =	vadd.s32 v0, v1  }
0x142: {  	[tilespmem:$0x7C60] =	vst v0;
	v0 =	vld [tilespmem:$0x7700]  }
0x143: {  	v1 =	vld.idx.msk [tilespmem:v2+s21+$0x0], $0xffff;
	_ =	sdelay $0x1  }
0x144: {  	v2 =	vadd.s32 s20, v3;
	_ =	sdelay $0x1  }
0x145: {  	v3 =	vld [tilespmem:$0x7460]  }
0x146: {  	v0 =	vadd.s32 v0, v1  }
0x147: {  	[tilespmem:$0x7C70] =	vst v0;
	v0 =	vld [tilespmem:$0x7710]  }
0x148: {  	v1 =	vld.idx.msk [tilespmem:v2+s21+$0x0], $0xffff;
	_ =	sdelay $0x1  }
0x149: {  	v2 =	vadd.s32 s20, v3;
	_ =	sdelay $0x1  }
0x14a: {  	v3 =	vld [tilespmem:$0x7470]  }
0x14b: {  	v0 =	vadd.s32 v0, v1  }
0x14c: {  	[tilespmem:$0x7C80] =	vst v0;
	v0 =	vld [tilespmem:$0x7720]  }
0x14d: {  	v1 =	vld.idx.msk [tilespmem:v2+s21+$0x0], $0xffff;
	_ =	sdelay $0x1  }
0x14e: {  	v2 =	vadd.s32 s20, v3;
	_ =	sdelay $0x1  }
0x14f: {  	v3 =	vld [tilespmem:$0x7480]  }
0x150: {  	v0 =	vadd.s32 v0, v1  }
0x151: {  	[tilespmem:$0x7C90] =	vst v0;
	v0 =	vld [tilespmem:$0x7730]  }
0x152: {  	v1 =	vld.idx.msk [tilespmem:v2+s21+$0x0], $0xffff;
	_ =	sdelay $0x1  }
0x153: {  	v2 =	vadd.s32 s20, v3;
	_ =	sdelay $0x1  }
0x154: {  	v3 =	vld [tilespmem:$0x7490]  }
0x155: {  	v0 =	vadd.s32 v0, v1  }
0x156: {  	[tilespmem:$0x7CA0] =	vst v0;
	v0 =	vld [tilespmem:$0x7740]  }
0x157: {  	v1 =	vld.idx.msk [tilespmem:v2+s21+$0x0], $0xffff;
	_ =	sdelay $0x1  }
0x158: {  	v2 =	vadd.s32 s20, v3;
	_ =	sdelay $0x1  }
0x159: {  	v3 =	vld [tilespmem:$0x74A0]  }
0x15a: {  	v0 =	vadd.s32 v0, v1  }
0x15b: {  	[tilespmem:$0x7CB0] =	vst v0;
	v0 =	vld [tilespmem:$0x7750]  }
0x15c: {  	v1 =	vld.idx.msk [tilespmem:v2+s21+$0x0], $0xffff;
	_ =	sdelay $0x1  }
0x15d: {  	v2 =	vadd.s32 s20, v3;
	_ =	sdelay $0x1  }
0x15e: {  	v3 =	vld [tilespmem:$0x74B0]  }
0x15f: {  	v0 =	vadd.s32 v0, v1  }
0x160: {  	[tilespmem:$0x7CC0] =	vst v0;
	v0 =	vld [tilespmem:$0x7760]  }
0x161: {  	v1 =	vld.idx.msk [tilespmem:v2+s21+$0x0], $0xffff;
	_ =	sdelay $0x1  }
0x162: {  	v2 =	vadd.s32 s20, v3;
	_ =	sdelay $0x1  }
0x163: {  	v3 =	vld [tilespmem:$0x74C0]  }
0x164: {  	v0 =	vadd.s32 v0, v1  }
0x165: {  	[tilespmem:$0x7CD0] =	vst v0;
	v0 =	vld [tilespmem:$0x7770]  }
0x166: {  	v1 =	vld.idx.msk [tilespmem:v2+s21+$0x0], $0xffff;
	_ =	sdelay $0x1  }
0x167: {  	v2 =	vadd.s32 s20, v3;
	_ =	sdelay $0x1  }
0x168: {  	v3 =	vld [tilespmem:$0x74D0]  }
0x169: {  	v0 =	vadd.s32 v0, v1  }
0x16a: {  	[tilespmem:$0x7CE0] =	vst v0;
	v0 =	vld [tilespmem:$0x7780]  }
0x16b: {  	v1 =	vld.idx.msk [tilespmem:v2+s21+$0x0], $0xffff;
	_ =	sdelay $0x1  }
0x16c: {  	v2 =	vadd.s32 s20, v3;
	_ =	sdelay $0x1  }
0x16d: {  	v3 =	vld [tilespmem:$0x74E0]  }
0x16e: {  	v0 =	vadd.s32 v0, v1  }
0x16f: {  	[tilespmem:$0x7CF0] =	vst v0;
	v0 =	vld [tilespmem:$0x7790]  }
0x170: {  	v1 =	vld.idx.msk [tilespmem:v2+s21+$0x0], $0xffff;
	_ =	sdelay $0x1  }
0x171: {  	v2 =	vadd.s32 s20, v3;
	_ =	sdelay $0x1  }
0x172: {  	v3 =	vld [tilespmem:$0x74F0]  }
0x173: {  	v0 =	vadd.s32 v0, v1  }
0x174: {  	[tilespmem:$0x7D00] =	vst v0;
	v0 =	vld [tilespmem:$0x77A0]  }
0x175: {  	v1 =	vld.idx.msk [tilespmem:v2+s21+$0x0], $0xffff;
	_ =	sdelay $0x1  }
0x176: {  	v2 =	vadd.s32 s20, v3;
	_ =	sdelay $0x1  }
0x177: {  	v3 =	vld [tilespmem:$0x7500]  }
0x178: {  	v0 =	vadd.s32 v0, v1  }
0x179: {  	[tilespmem:$0x7D10] =	vst v0;
	v0 =	vld [tilespmem:$0x77B0]  }
0x17a: {  	v1 =	vld.idx.msk [tilespmem:v2+s21+$0x0], $0xffff;
	_ =	sdelay $0x1  }
0x17b: {  	v2 =	vadd.s32 s20, v3;
	_ =	sdelay $0x1  }
0x17c: {  	v3 =	vld [tilespmem:$0x7510]  }
0x17d: {  	v0 =	vadd.s32 v0, v1  }
0x17e: {  	[tilespmem:$0x7D20] =	vst v0;
	v0 =	vld [tilespmem:$0x77C0]  }
0x17f: {  	v1 =	vld.idx.msk [tilespmem:v2+s21+$0x0], $0xffff;
	_ =	sdelay $0x1  }
0x180: {  	v2 =	vadd.s32 s20, v3;
	_ =	sdelay $0x1  }
0x181: {  	v3 =	vld [tilespmem:$0x7520]  }
0x182: {  	v0 =	vadd.s32 v0, v1  }
0x183: {  	[tilespmem:$0x7D30] =	vst v0;
	v0 =	vld [tilespmem:$0x77D0]  }
0x184: {  	v1 =	vld.idx.msk [tilespmem:v2+s21+$0x0], $0xffff;
	_ =	sdelay $0x1  }
0x185: {  	v2 =	vadd.s32 s20, v3;
	_ =	sdelay $0x2  }
0x186: {  	v0 =	vadd.s32 v0, v1  }
0x187: {  	[tilespmem:$0x7D40] =	vst v0;
	v0 =	vld [tilespmem:$0x77E0]  }
0x188: {  	v1 =	vld.idx.msk [tilespmem:v2+s21+$0x0], $0xffff;
	_ =	sdelay $0x4  }
0x189: {  	v0 =	vadd.s32 v0, v1  }
0x18a: {  	[tilespmem:$0x7D50] =	vst v0  }
0x18b: {  	[tilespmem:s31], [sflag:$0x2] =	stream.indirect.gather [hbm4b:s3+s16], $0x10, s30, s16, $0xb8;
	[tilespmem:$0xD1E0] =	vst v63  }
0x18c: {  	_ = 	snop  }
0x18d: {  	[tilespmem:s0], [sflag:$0x2] =	stream.indirect.gather [hbm4b:s3+s16], $0x10, s1, s16, $0xb8;
	[tilespmem:$0xD1E0] =	vst v63  }
0x18e: {  	_ = 	snop  }
0x18f: {  	[tilespmem:s14], [sflag:$0x2] =	stream.indirect.gather [hbm4b:s3+s16], $0x10, s13, s16, $0xb8;
	[tilespmem:$0xD1E0] =	vst v63  }
0x190: {  	_ = 	snop  }
0x191: {  	[tilespmem:s4], [sflag:$0x2] =	stream.indirect.gather [hbm4b:s3+s16], $0x10, s15, s16, $0xb8;
	[tilespmem:$0xD1E0] =	vst v63  }
0x192: {  	_ = 	snop  }
0x193: {  	[tilespmem:s6], [sflag:$0x2] =	stream.indirect.gather [hbm4b:s3+s16], $0x10, s5, s16, $0xb8;
	[tilespmem:$0xD1E0] =	vst v63  }
0x194: {  	_ = 	snop  }
0x195: {  	[tilespmem:s8], [sflag:$0x2] =	stream.indirect.gather [hbm4b:s3+s16], $0x10, s7, s16, $0xb8;
	[tilespmem:$0xD1E0] =	vst v63  }
0x196: {  	_ =	swait.ge [sflag:s9], $0x700  }
0x197: {  	[sflag:s9] =	ssyncset.done $0x0  }
0x198: {  	[sflag:s9] =	ssyncadd.s32 $0xFFFFF900  }
0x199: {  	_ =	swait.ge [sflag:s9], $0x700  }
0x19a: {  	[sflag:s9] =	ssyncset.done $0x0  }
0x19b: {  	[sflag:s9] =	ssyncadd.s32 $0xFFFFF900  }
0x19c: {  	_ =	swait.ge [sflag:s9], $0x700  }
0x19d: {  	[sflag:s9] =	ssyncset.done $0x0  }
0x19e: {  	[sflag:s9] =	ssyncadd.s32 $0xFFFFF900  }
0x19f: {  	_ =	swait.ge [sflag:s9], $0x700  }
0x1a0: {  	[sflag:s9] =	ssyncset.done $0x0  }
0x1a1: {  	[sflag:s9] =	ssyncadd.s32 $0xFFFFF900  }
0x1a2: {  	_ =	swait.ge [sflag:s9], $0x700  }
0x1a3: {  	[sflag:s9] =	ssyncset.done $0x0  }
0x1a4: {  	[sflag:s9] =	ssyncadd.s32 $0xFFFFF900  }
0x1a5: {  	_ =	swait.ge [sflag:s9], $0x700  }
0x1a6: {  	[sflag:s9] =	ssyncset.done $0x0  }
0x1a7: {  	s21 =	simm.s32 $0x0;
	[sflag:s9] =	ssyncadd.s32 $0xFFFFF900  }
0x1a8: {  	v0 =	vld [tilespmem:s21+$0x7D60]  }
0x1a9: {  	v1 =	vld [tilespmem:s21+$0x9260]  }
0x1aa: {  	v2 =	vld [tilespmem:s21+$0x7D70]  }
0x1ab: {  	v4 =	vld [tilespmem:s21+$0x9270]  }
0x1ac: {  	v7 =	vld [tilespmem:s21+$0x7D80]  }
0x1ad: {  	v8 =	vld [tilespmem:s21+$0x9280]  }
0x1ae: {  	v3 =	vld [tilespmem:s21+$0x9290];
	v0 =	vmul.f32 v1, v0  }
0x1af: {  	v5 =	vimm.f32 $0.0e+00;
	v1 =	vld [tilespmem:s21+$0x7D90]  }
0x1b0: {  	v9 =	vmul.f32 v4, v2;
	v2 =	vld [tilespmem:s21+$0x7DA0];
	v6 =	vadd.f32 v0, v5  }
0x1b1: {  	s22 =	simm.s32 $0x50;
	v4 =	vld [tilespmem:s21+$0x92A0]  }
0x1b2: {  	s21 =	sshll.u32 s18, $0x1;
	v7 =	vmul.f32 v8, v7;
	v0 =	vmov s20;
	v5 =	vld [tilespmem:s22+$0x7D60];
	s20 =	simm.s32 $0x280;
	v6 =	vadd.f32 v9, v6  }
.LBB2_3:
0x1b3: {  	p0 =	sne.s32 s20, $0x5000;
	v8 =	vld [tilespmem:s22+$0x9260]  }
0x1b4: {  	v9 =	vld [tilespmem:s22+$0x7D70];
	v6 =	vadd.f32 v7, v6;
	v1 =	vmul.f32 v3, v1  }
0x1b5: {  	v7 =	vld [tilespmem:s22+$0x9270]  }
0x1b6: {  	v10 =	vld [tilespmem:s22+$0x7D80];
	v3 =	vadd.f32 v1, v6;
	v2 =	vmul.f32 v4, v2  }
0x1b7: {  	v11 =	vld [tilespmem:s22+$0x9280]  }
.Ltmp0:
0x1b8: {  	v4 =	vmul.f32 v8, v5;
	v1 =	vld [tilespmem:s22+$0x7D90];
	v2 =	vadd.f32 v2, v3;
	(pc) =	sbr.rel @p0 .LBB2_3-.Ltmp0, $4  }
0x1b9: {  	v3 =	vld [tilespmem:s22+$0x9290]  }
0x1ba: {  	v6 =	vadd.f32 v4, v2;
	v7 =	vmul.f32 v7, v9;
	v2 =	vld [tilespmem:s22+$0x7DA0]  }
0x1bb: {  	v4 =	vld [tilespmem:s22+$0x92A0];
	s22 =	sshra.s32 s20, $0x2  }
0x1bc: {  	s20 =	sadd.s32 $0x140, s20;
	v5 =	vld [tilespmem:s22+$0x7D60];
	v6 =	vadd.f32 v7, v6;
	v7 =	vmul.f32 v11, v10  }
0x1bd: {  	v8 =	vld [tilespmem:$0x7530]  }
0x1be: {  	v9 =	vld [tilespmem:$0x7540];
	_ =	sdelay $0x1  }
0x1bf: {  	s20 =	smul.u32 $0x34, s18;
	_ =	sdelay $0x1  }
0x1c0: {  	v10 =	vld [tilespmem:s22+$0x9260];
	v8 =	vadd.s32 s20, v8  }
0x1c1: {  	v11 =	vld [tilespmem:s22+$0x7D70];
	v9 =	vadd.s32 s20, v9  }
0x1c2: {  	v12 =	vld [tilespmem:$0x77F0]  }
0x1c3: {  	v13 =	vld [tilespmem:$0x7800]  }
0x1c4: {  	v53 =	vld [tilespmem:s22+$0x9270]  }
0x1c5: {  	v6 =	vadd.f32 v7, v6;
	v1 =	vmul.f32 v3, v1;
	v8 =	vld.idx.msk [tilespmem:v8+s2+$0x0], $0xffff  }
0x1c6: {  	v3 =	vld.idx.msk [tilespmem:v9+s2+$0x0], $0xffff  }
0x1c7: {  	v54 =	vld [tilespmem:s22+$0x7D80];
	v1 =	vadd.f32 v1, v6;
	v2 =	vmul.f32 v4, v2  }
0x1c8: {  	v55 =	vld [tilespmem:s22+$0x9280]  }
0x1c9: {  	v56 =	vld [tilespmem:s22+$0x7D90];
	v5 =	vmul.f32 v10, v5;
	v1 =	vadd.f32 v2, v1  }
0x1ca: {  	v57 =	vld [tilespmem:s22+$0x9290];
	v2 =	vadd.s32 v12, v8  }
0x1cb: {  	v59 =	vld [tilespmem:s22+$0x7DA0];
	v58 =	vmul.f32 v53, v11;
	v1 =	vadd.f32 v5, v1;
	v3 =	vadd.s32 v13, v3  }
0x1cc: {  	v60 =	vld [tilespmem:s22+$0x92A0]  }
0x1cd: {  	v4 =	vmul.f32 v55, v54;
	v1 =	vadd.f32 v58, v1  }
0x1ce: {  	v62 =	vld [tilespmem:$0x7810]  }
0x1cf: {  	v61 =	vmul.f32 v57, v56;
	v1 =	vadd.f32 v4, v1;
	v2 =	vld.idx.msk [tilespmem:v2+s12+$0x0], $0xffff  }
0x1d0: {  	v3 =	vld.idx.msk [tilespmem:v3+s12+$0x0], $0xffff  }
0x1d1: {  	v63 =	vmul.f32 v60, v59;
	v1 =	vadd.f32 v61, v1;
	_ =	sdelay $0x1  }
0x1d2: {  	v1 =	vadd.f32 v63, v1;
	_ =	sdelay $0x1  }
0x1d3: {  	v3 =	vmul.f32 v62, v3;
	v1 =	vadd.f32 v2, v1;
	_ =	sdelay $0x1  }
0x1d4: {  	v1 =	vadd.f32 v3, v1;
	_ =	sdelay $0x1  }
0x1d5: {  	(xrf2) =	vadd.scan.msk.f32 $0xffff, v1;
	_ =	sdelay $0x4  }
0x1d6: {  	v1 =	vmov s21  }
0x1d7: {  	v1 =	vand.u32 $0xFFFFFFFE, v1  }
0x1d8: {  	v1 =	vbroadcast v1, $0x0  }
0x1d9: {  	p0 =	seq.s32 s18, $0x3F  }
.Ltmp1:
0x1da: {  	_ = 	snop;
	(pc) =	sbr.rel @p0 .LBB2_6-.Ltmp1, $3  }
0x1db: {  	v2, _, _ =	vpop (xrf2)  }
0x1dc: {  	v2 =	vbroadcast v2, $0xF;
	_ =	sdelay $0x1  }
0x1dd: {  	[tilespmem:v1+s10+$0x0] =	vst.idx.msk $0x1, v2  }
0x1de: {  	v1 =	vld [tilespmem:$0x7290];
	_ =	sdelay $0x3  }
0x1df: {  	s20 =	sadd.s32 $0x34, s20  }
0x1e0: {  	v1 =	vadd.s32 s20, v1;
	_ =	sdelay $0x1  }
0x1e1: {  	v2 =	vld [tilespmem:$0x72A0];
	_ =	sdelay $0x1  }
0x1e2: {  	v3 =	vld [tilespmem:$0x7550]  }
0x1e3: {  	v1 =	vld.idx.msk [tilespmem:v1+s2+$0x0], $0xffff;
	_ =	sdelay $0x1  }
0x1e4: {  	v2 =	vadd.s32 s20, v2;
	_ =	sdelay $0x1  }
0x1e5: {  	v4 =	vld [tilespmem:$0x72B0]  }
0x1e6: {  	v1 =	vadd.s32 v3, v1  }
0x1e7: {  	[tilespmem:$0x7820] =	vst v1;
	v1 =	vld [tilespmem:$0x7560]  }
0x1e8: {  	v2 =	vld.idx.msk [tilespmem:v2+s2+$0x0], $0xffff;
	_ =	sdelay $0x1  }
0x1e9: {  	v3 =	vadd.s32 s20, v4;
	_ =	sdelay $0x1  }
0x1ea: {  	v25 =	vld [tilespmem:$0x72C0]  }
0x1eb: {  	v1 =	vadd.s32 v1, v2  }
0x1ec: {  	[tilespmem:$0x7830] =	vst v1;
	v1 =	vld [tilespmem:$0x7570]  }
0x1ed: {  	v2 =	vld.idx.msk [tilespmem:v3+s2+$0x0], $0xffff;
	_ =	sdelay $0x1  }
0x1ee: {  	v3 =	vadd.s32 s20, v25;
	_ =	sdelay $0x1  }
0x1ef: {  	v26 =	vld [tilespmem:$0x72D0]  }
0x1f0: {  	v1 =	vadd.s32 v1, v2  }
0x1f1: {  	[tilespmem:$0x7840] =	vst v1;
	v1 =	vld [tilespmem:$0x7580]  }
0x1f2: {  	v2 =	vld.idx.msk [tilespmem:v3+s2+$0x0], $0xffff;
	_ =	sdelay $0x1  }
0x1f3: {  	v3 =	vadd.s32 s20, v26;
	_ =	sdelay $0x1  }
0x1f4: {  	v27 =	vld [tilespmem:$0x72E0]  }
0x1f5: {  	v1 =	vadd.s32 v1, v2  }
0x1f6: {  	[tilespmem:$0x7850] =	vst v1;
	v1 =	vld [tilespmem:$0x7590]  }
0x1f7: {  	v2 =	vld.idx.msk [tilespmem:v3+s2+$0x0], $0xffff;
	_ =	sdelay $0x1  }
0x1f8: {  	v3 =	vadd.s32 s20, v27;
	_ =	sdelay $0x1  }
0x1f9: {  	v28 =	vld [tilespmem:$0x72F0]  }
0x1fa: {  	v1 =	vadd.s32 v1, v2  }
0x1fb: {  	[tilespmem:$0x7860] =	vst v1;
	v1 =	vld [tilespmem:$0x75A0]  }
0x1fc: {  	v2 =	vld.idx.msk [tilespmem:v3+s2+$0x0], $0xffff;
	_ =	sdelay $0x1  }
0x1fd: {  	v3 =	vadd.s32 s20, v28;
	_ =	sdelay $0x1  }
0x1fe: {  	v29 =	vld [tilespmem:$0x7300]  }
0x1ff: {  	v1 =	vadd.s32 v1, v2  }
0x200: {  	[tilespmem:$0x7870] =	vst v1;
	v1 =	vld [tilespmem:$0x75B0]  }
0x201: {  	v2 =	vld.idx.msk [tilespmem:v3+s2+$0x0], $0xffff;
	_ =	sdelay $0x1  }
0x202: {  	v3 =	vadd.s32 s20, v29;
	_ =	sdelay $0x1  }
0x203: {  	v30 =	vld [tilespmem:$0x7310]  }
0x204: {  	v1 =	vadd.s32 v1, v2  }
0x205: {  	[tilespmem:$0x7880] =	vst v1;
	v1 =	vld [tilespmem:$0x75C0]  }
0x206: {  	v2 =	vld.idx.msk [tilespmem:v3+s2+$0x0], $0xffff;
	_ =	sdelay $0x1  }
0x207: {  	v3 =	vadd.s32 s20, v30;
	_ =	sdelay $0x1  }
0x208: {  	v31 =	vld [tilespmem:$0x7320]  }
0x209: {  	v1 =	vadd.s32 v1, v2  }
0x20a: {  	[tilespmem:$0x7890] =	vst v1;
	v1 =	vld [tilespmem:$0x75D0]  }
0x20b: {  	v2 =	vld.idx.msk [tilespmem:v3+s2+$0x0], $0xffff;
	_ =	sdelay $0x1  }
0x20c: {  	v3 =	vadd.s32 s20, v31;
	_ =	sdelay $0x1  }
0x20d: {  	v32 =	vld [tilespmem:$0x7330]  }
0x20e: {  	v1 =	vadd.s32 v1, v2  }
0x20f: {  	[tilespmem:$0x78A0] =	vst v1;
	v1 =	vld [tilespmem:$0x75E0]  }
0x210: {  	v2 =	vld.idx.msk [tilespmem:v3+s2+$0x0], $0xffff;
	_ =	sdelay $0x1  }
0x211: {  	v3 =	vadd.s32 s20, v32;
	_ =	sdelay $0x1  }
0x212: {  	v33 =	vld [tilespmem:$0x7340]  }
0x213: {  	v1 =	vadd.s32 v1, v2  }
0x214: {  	[tilespmem:$0x78B0] =	vst v1;
	v1 =	vld [tilespmem:$0x75F0]  }
0x215: {  	v2 =	vld.idx.msk [tilespmem:v3+s2+$0x0], $0xffff;
	_ =	sdelay $0x1  }
0x216: {  	v3 =	vadd.s32 s20, v33;
	_ =	sdelay $0x1  }
0x217: {  	v34 =	vld [tilespmem:$0x7350]  }
0x218: {  	v1 =	vadd.s32 v1, v2  }
0x219: {  	[tilespmem:$0x78C0] =	vst v1;
	v1 =	vld [tilespmem:$0x7600]  }
0x21a: {  	v2 =	vld.idx.msk [tilespmem:v3+s2+$0x0], $0xffff;
	_ =	sdelay $0x1  }
0x21b: {  	v3 =	vadd.s32 s20, v34;
	_ =	sdelay $0x1  }
0x21c: {  	v35 =	vld [tilespmem:$0x7360]  }
0x21d: {  	v1 =	vadd.s32 v1, v2  }
0x21e: {  	[tilespmem:$0x78D0] =	vst v1;
	v1 =	vld [tilespmem:$0x7610]  }
0x21f: {  	v2 =	vld.idx.msk [tilespmem:v3+s2+$0x0], $0xffff;
	_ =	sdelay $0x1  }
0x220: {  	v3 =	vadd.s32 s20, v35;
	_ =	sdelay $0x1  }
0x221: {  	v36 =	vld [tilespmem:$0x7370]  }
0x222: {  	v1 =	vadd.s32 v1, v2  }
0x223: {  	[tilespmem:$0x78E0] =	vst v1;
	v1 =	vld [tilespmem:$0x7620]  }
0x224: {  	v2 =	vld.idx.msk [tilespmem:v3+s2+$0x0], $0xffff;
	_ =	sdelay $0x1  }
0x225: {  	v3 =	vadd.s32 s20, v36;
	_ =	sdelay $0x1  }
0x226: {  	v37 =	vld [tilespmem:$0x7380]  }
0x227: {  	v1 =	vadd.s32 v1, v2  }
0x228: {  	[tilespmem:$0x78F0] =	vst v1;
	v1 =	vld [tilespmem:$0x7630]  }
0x229: {  	v2 =	vld.idx.msk [tilespmem:v3+s2+$0x0], $0xffff;
	_ =	sdelay $0x1  }
0x22a: {  	v3 =	vadd.s32 s20, v37;
	_ =	sdelay $0x1  }
0x22b: {  	v38 =	vld [tilespmem:$0x7390]  }
0x22c: {  	v1 =	vadd.s32 v1, v2  }
0x22d: {  	[tilespmem:$0x7900] =	vst v1;
	v1 =	vld [tilespmem:$0x7640]  }
0x22e: {  	v2 =	vld.idx.msk [tilespmem:v3+s2+$0x0], $0xffff;
	_ =	sdelay $0x1  }
0x22f: {  	v3 =	vadd.s32 s20, v38;
	_ =	sdelay $0x1  }
0x230: {  	v39 =	vld [tilespmem:$0x73A0]  }
0x231: {  	v1 =	vadd.s32 v1, v2  }
0x232: {  	[tilespmem:$0x7910] =	vst v1;
	v1 =	vld [tilespmem:$0x7650]  }
0x233: {  	v2 =	vld.idx.msk [tilespmem:v3+s2+$0x0], $0xffff;
	_ =	sdelay $0x1  }
0x234: {  	v3 =	vadd.s32 s20, v39;
	_ =	sdelay $0x1  }
0x235: {  	v40 =	vld [tilespmem:$0x73B0]  }
0x236: {  	v1 =	vadd.s32 v1, v2  }
0x237: {  	[tilespmem:$0x7920] =	vst v1;
	v1 =	vld [tilespmem:$0x7660]  }
0x238: {  	v2 =	vld.idx.msk [tilespmem:v3+s2+$0x0], $0xffff;
	_ =	sdelay $0x1  }
0x239: {  	v3 =	vadd.s32 s20, v40;
	_ =	sdelay $0x1  }
0x23a: {  	v41 =	vld [tilespmem:$0x73C0]  }
0x23b: {  	v1 =	vadd.s32 v1, v2  }
0x23c: {  	[tilespmem:$0x7930] =	vst v1;
	v1 =	vld [tilespmem:$0x7670]  }
0x23d: {  	v2 =	vld.idx.msk [tilespmem:v3+s2+$0x0], $0xffff;
	_ =	sdelay $0x1  }
0x23e: {  	v3 =	vadd.s32 s20, v41;
	_ =	sdelay $0x1  }
0x23f: {  	v42 =	vld [tilespmem:$0x73D0]  }
0x240: {  	v1 =	vadd.s32 v1, v2  }
0x241: {  	[tilespmem:$0x7940] =	vst v1;
	v1 =	vld [tilespmem:$0x7680]  }
0x242: {  	v2 =	vld.idx.msk [tilespmem:v3+s2+$0x0], $0xffff;
	_ =	sdelay $0x1  }
0x243: {  	v3 =	vadd.s32 s20, v42;
	_ =	sdelay $0x1  }
0x244: {  	v43 =	vld [tilespmem:$0x73E0]  }
0x245: {  	v1 =	vadd.s32 v1, v2  }
0x246: {  	[tilespmem:$0x7950] =	vst v1;
	v1 =	vld [tilespmem:$0x7690]  }
0x247: {  	v2 =	vld.idx.msk [tilespmem:v3+s2+$0x0], $0xffff;
	_ =	sdelay $0x1  }
0x248: {  	v3 =	vadd.s32 s20, v43;
	_ =	sdelay $0x1  }
0x249: {  	v44 =	vld [tilespmem:$0x73F0]  }
0x24a: {  	v1 =	vadd.s32 v1, v2  }
0x24b: {  	[tilespmem:$0x7960] =	vst v1;
	v1 =	vld [tilespmem:$0x76A0]  }
0x24c: {  	v2 =	vld.idx.msk [tilespmem:v3+s2+$0x0], $0xffff;
	_ =	sdelay $0x1  }
0x24d: {  	v3 =	vadd.s32 s20, v44;
	_ =	sdelay $0x1  }
0x24e: {  	v45 =	vld [tilespmem:$0x7400]  }
0x24f: {  	v1 =	vadd.s32 v1, v2  }
0x250: {  	[tilespmem:$0x7970] =	vst v1;
	v1 =	vld [tilespmem:$0x76B0]  }
0x251: {  	v2 =	vld.idx.msk [tilespmem:v3+s2+$0x0], $0xffff;
	_ =	sdelay $0x1  }
0x252: {  	v3 =	vadd.s32 s20, v45;
	_ =	sdelay $0x1  }
0x253: {  	v46 =	vld [tilespmem:$0x7410]  }
0x254: {  	v1 =	vadd.s32 v1, v2  }
0x255: {  	[tilespmem:$0x7980] =	vst v1;
	v1 =	vld [tilespmem:$0x76C0]  }
0x256: {  	v2 =	vld.idx.msk [tilespmem:v3+s2+$0x0], $0xffff;
	_ =	sdelay $0x1  }
0x257: {  	v3 =	vadd.s32 s20, v46;
	_ =	sdelay $0x1  }
0x258: {  	v47 =	vld [tilespmem:$0x7420]  }
0x259: {  	v1 =	vadd.s32 v1, v2  }
0x25a: {  	[tilespmem:$0x7990] =	vst v1;
	v1 =	vld [tilespmem:$0x76D0]  }
0x25b: {  	v2 =	vld.idx.msk [tilespmem:v3+s2+$0x0], $0xffff;
	_ =	sdelay $0x1  }
0x25c: {  	v3 =	vadd.s32 s20, v47;
	_ =	sdelay $0x1  }
0x25d: {  	v48 =	vld [tilespmem:$0x7430]  }
0x25e: {  	v1 =	vadd.s32 v1, v2  }
0x25f: {  	[tilespmem:$0x79A0] =	vst v1;
	v1 =	vld [tilespmem:$0x76E0]  }
0x260: {  	v2 =	vld.idx.msk [tilespmem:v3+s2+$0x0], $0xffff;
	_ =	sdelay $0x1  }
0x261: {  	v3 =	vadd.s32 s20, v48;
	_ =	sdelay $0x1  }
0x262: {  	v49 =	vld [tilespmem:$0x7440]  }
0x263: {  	v1 =	vadd.s32 v1, v2  }
0x264: {  	[tilespmem:$0x79B0] =	vst v1;
	v1 =	vld [tilespmem:$0x76F0]  }
0x265: {  	v2 =	vld.idx.msk [tilespmem:v3+s2+$0x0], $0xffff;
	_ =	sdelay $0x1  }
0x266: {  	v3 =	vadd.s32 s20, v49;
	_ =	sdelay $0x1  }
0x267: {  	v50 =	vld [tilespmem:$0x7450]  }
0x268: {  	v1 =	vadd.s32 v1, v2  }
0x269: {  	[tilespmem:$0x79C0] =	vst v1;
	v1 =	vld [tilespmem:$0x7700]  }
0x26a: {  	v2 =	vld.idx.msk [tilespmem:v3+s2+$0x0], $0xffff;
	_ =	sdelay $0x1  }
0x26b: {  	v3 =	vadd.s32 s20, v50;
	_ =	sdelay $0x1  }
0x26c: {  	v51 =	vld [tilespmem:$0x7460]  }
0x26d: {  	v1 =	vadd.s32 v1, v2  }
0x26e: {  	[tilespmem:$0x79D0] =	vst v1;
	v1 =	vld [tilespmem:$0x7710]  }
0x26f: {  	v2 =	vld.idx.msk [tilespmem:v3+s2+$0x0], $0xffff;
	_ =	sdelay $0x1  }
0x270: {  	v3 =	vadd.s32 s20, v51;
	_ =	sdelay $0x1  }
0x271: {  	v52 =	vld [tilespmem:$0x7470]  }
0x272: {  	v1 =	vadd.s32 v1, v2  }
0x273: {  	[tilespmem:$0x79E0] =	vst v1;
	v1 =	vld [tilespmem:$0x7720]  }
0x274: {  	v2 =	vld.idx.msk [tilespmem:v3+s2+$0x0], $0xffff;
	_ =	sdelay $0x1  }
0x275: {  	v3 =	vadd.s32 s20, v52;
	_ =	sdelay $0x1  }
0x276: {  	v53 =	vld [tilespmem:$0x7480]  }
0x277: {  	v1 =	vadd.s32 v1, v2  }
0x278: {  	[tilespmem:$0x79F0] =	vst v1;
	v1 =	vld [tilespmem:$0x7730]  }
0x279: {  	v2 =	vld.idx.msk [tilespmem:v3+s2+$0x0], $0xffff;
	_ =	sdelay $0x1  }
0x27a: {  	v3 =	vadd.s32 s20, v53;
	_ =	sdelay $0x1  }
0x27b: {  	v54 =	vld [tilespmem:$0x7490]  }
0x27c: {  	v1 =	vadd.s32 v1, v2  }
0x27d: {  	[tilespmem:$0x7A00] =	vst v1;
	v1 =	vld [tilespmem:$0x7740]  }
0x27e: {  	v2 =	vld.idx.msk [tilespmem:v3+s2+$0x0], $0xffff;
	_ =	sdelay $0x1  }
0x27f: {  	v3 =	vadd.s32 s20, v54;
	_ =	sdelay $0x1  }
0x280: {  	v55 =	vld [tilespmem:$0x74A0]  }
0x281: {  	v1 =	vadd.s32 v1, v2  }
0x282: {  	[tilespmem:$0x7A10] =	vst v1;
	v1 =	vld [tilespmem:$0x7750]  }
0x283: {  	v2 =	vld.idx.msk [tilespmem:v3+s2+$0x0], $0xffff;
	_ =	sdelay $0x1  }
0x284: {  	v3 =	vadd.s32 s20, v55;
	_ =	sdelay $0x1  }
0x285: {  	v56 =	vld [tilespmem:$0x74B0]  }
0x286: {  	v1 =	vadd.s32 v1, v2  }
0x287: {  	[tilespmem:$0x7A20] =	vst v1;
	v1 =	vld [tilespmem:$0x7760]  }
0x288: {  	v2 =	vld.idx.msk [tilespmem:v3+s2+$0x0], $0xffff;
	_ =	sdelay $0x1  }
0x289: {  	v3 =	vadd.s32 s20, v56;
	_ =	sdelay $0x1  }
0x28a: {  	v57 =	vld [tilespmem:$0x74C0]  }
0x28b: {  	v1 =	vadd.s32 v1, v2  }
0x28c: {  	[tilespmem:$0x7A30] =	vst v1;
	v1 =	vld [tilespmem:$0x7770]  }
0x28d: {  	v2 =	vld.idx.msk [tilespmem:v3+s2+$0x0], $0xffff;
	_ =	sdelay $0x1  }
0x28e: {  	v3 =	vadd.s32 s20, v57;
	_ =	sdelay $0x1  }
0x28f: {  	v58 =	vld [tilespmem:$0x74D0]  }
0x290: {  	v1 =	vadd.s32 v1, v2  }
0x291: {  	[tilespmem:$0x7A40] =	vst v1;
	v1 =	vld [tilespmem:$0x7780]  }
0x292: {  	v2 =	vld.idx.msk [tilespmem:v3+s2+$0x0], $0xffff;
	_ =	sdelay $0x1  }
0x293: {  	v3 =	vadd.s32 s20, v58;
	_ =	sdelay $0x1  }
0x294: {  	v59 =	vld [tilespmem:$0x74E0]  }
0x295: {  	v1 =	vadd.s32 v1, v2  }
0x296: {  	[tilespmem:$0x7A50] =	vst v1;
	v1 =	vld [tilespmem:$0x7790]  }
0x297: {  	v2 =	vld.idx.msk [tilespmem:v3+s2+$0x0], $0xffff;
	_ =	sdelay $0x1  }
0x298: {  	v3 =	vadd.s32 s20, v59;
	_ =	sdelay $0x1  }
0x299: {  	v60 =	vld [tilespmem:$0x74F0]  }
0x29a: {  	v1 =	vadd.s32 v1, v2  }
0x29b: {  	[tilespmem:$0x7A60] =	vst v1;
	v1 =	vld [tilespmem:$0x77A0]  }
0x29c: {  	v2 =	vld.idx.msk [tilespmem:v3+s2+$0x0], $0xffff;
	_ =	sdelay $0x1  }
0x29d: {  	v3 =	vadd.s32 s20, v60;
	_ =	sdelay $0x1  }
0x29e: {  	v61 =	vld [tilespmem:$0x7500]  }
0x29f: {  	v1 =	vadd.s32 v1, v2  }
0x2a0: {  	[tilespmem:$0x7A70] =	vst v1;
	v1 =	vld [tilespmem:$0x77B0]  }
0x2a1: {  	v2 =	vld.idx.msk [tilespmem:v3+s2+$0x0], $0xffff;
	_ =	sdelay $0x1  }
0x2a2: {  	v3 =	vadd.s32 s20, v61;
	_ =	sdelay $0x1  }
0x2a3: {  	v62 =	vld [tilespmem:$0x7510]  }
0x2a4: {  	v1 =	vadd.s32 v1, v2  }
0x2a5: {  	[tilespmem:$0x7A80] =	vst v1;
	v1 =	vld [tilespmem:$0x77C0]  }
0x2a6: {  	v2 =	vld.idx.msk [tilespmem:v3+s2+$0x0], $0xffff;
	_ =	sdelay $0x1  }
0x2a7: {  	v3 =	vadd.s32 s20, v62;
	_ =	sdelay $0x1  }
0x2a8: {  	v63 =	vld [tilespmem:$0x7520]  }
0x2a9: {  	v1 =	vadd.s32 v1, v2  }
0x2aa: {  	[tilespmem:$0x7A90] =	vst v1;
	v1 =	vld [tilespmem:$0x77D0]  }
0x2ab: {  	v2 =	vld.idx.msk [tilespmem:v3+s2+$0x0], $0xffff;
	_ =	sdelay $0x1  }
0x2ac: {  	v3 =	vadd.s32 s20, v63;
	_ =	sdelay $0x2  }
0x2ad: {  	v1 =	vadd.s32 v1, v2  }
0x2ae: {  	[tilespmem:$0x7AA0] =	vst v1;
	v1 =	vld [tilespmem:$0x77E0]  }
0x2af: {  	v2 =	vld.idx.msk [tilespmem:v3+s2+$0x0], $0xffff;
	_ =	sdelay $0x4  }
0x2b0: {  	v1 =	vadd.s32 v1, v2  }
0x2b1: {  	s22 =	simm.s32 $0x7820;
	s21 =	simm.s32 $0x7D60;
	[tilespmem:$0x7AB0] =	vst v1  }
0x2b2: {  	[tilespmem:s21], [sflag:$0x1] =	stream.indirect.gather [hbm4b:s3+s16], $0x10, s22, s16, $0xb8;
	[tilespmem:$0xD1E0] =	vst v63  }
0x2b3: {  	s21 =	simm.s32 $0x7890;
	s22 =	simm.s32 $0x8460  }
0x2b4: {  	[tilespmem:s22], [sflag:$0x1] =	stream.indirect.gather [hbm4b:s3+s16], $0x10, s21, s16, $0xb8;
	[tilespmem:$0xD1E0] =	vst v63  }
0x2b5: {  	s21 =	simm.s32 $0x7900;
	s22 =	simm.s32 $0x8B60  }
0x2b6: {  	[tilespmem:s22], [sflag:$0x1] =	stream.indirect.gather [hbm4b:s3+s16], $0x10, s21, s16, $0xb8;
	[tilespmem:$0xD1E0] =	vst v63  }
0x2b7: {  	_ = 	snop  }
0x2b8: {  	[tilespmem:s24], [sflag:$0x1] =	stream.indirect.gather [hbm4b:s3+s16], $0x10, s23, s16, $0xb8;
	[tilespmem:$0xD1E0] =	vst v63  }
0x2b9: {  	_ = 	snop  }
0x2ba: {  	[tilespmem:s26], [sflag:$0x1] =	stream.indirect.gather [hbm4b:s3+s16], $0x10, s25, s16, $0xb8;
	[tilespmem:$0xD1E0] =	vst v63  }
0x2bb: {  	_ = 	snop  }
0x2bc: {  	[tilespmem:s29], [sflag:$0x1] =	stream.indirect.gather [hbm4b:s3+s16], $0x10, s28, s16, $0xb8;
	[tilespmem:$0xD1E0] =	vst v63  }
.LBB2_6:
0x2bd: {  	_ =	swait.ge [sflag:s17], $0x700  }
0x2be: {  	[sflag:s17] =	ssyncset.done $0x0  }
0x2bf: {  	[sflag:s17] =	ssyncadd.s32 $0xFFFFF900  }
0x2c0: {  	_ =	swait.ge [sflag:s17], $0x700  }
0x2c1: {  	[sflag:s17] =	ssyncset.done $0x0  }
0x2c2: {  	[sflag:s17] =	ssyncadd.s32 $0xFFFFF900  }
0x2c3: {  	_ =	swait.ge [sflag:s17], $0x700  }
0x2c4: {  	[sflag:s17] =	ssyncset.done $0x0  }
0x2c5: {  	[sflag:s17] =	ssyncadd.s32 $0xFFFFF900  }
0x2c6: {  	_ =	swait.ge [sflag:s17], $0x700  }
0x2c7: {  	[sflag:s17] =	ssyncset.done $0x0  }
0x2c8: {  	[sflag:s17] =	ssyncadd.s32 $0xFFFFF900  }
0x2c9: {  	_ =	swait.ge [sflag:s17], $0x700  }
0x2ca: {  	[sflag:s17] =	ssyncset.done $0x0  }
0x2cb: {  	[sflag:s17] =	ssyncadd.s32 $0xFFFFF900  }
0x2cc: {  	_ =	swait.ge [sflag:s17], $0x700  }
0x2cd: {  	[sflag:s17] =	ssyncset.done $0x0  }
0x2ce: {  	s21 =	simm.s32 $0x0;
	[sflag:s17] =	ssyncadd.s32 $0xFFFFF900  }
0x2cf: {  	v1 =	vld [tilespmem:s21+$0xA760]  }
0x2d0: {  	v2 =	vld [tilespmem:s21+$0xBC60]  }
0x2d1: {  	v3 =	vld [tilespmem:s21+$0xA770]  }
0x2d2: {  	v5 =	vld [tilespmem:s21+$0xBC70]  }
0x2d3: {  	v7 =	vld [tilespmem:s21+$0xA780]  }
0x2d4: {  	v8 =	vld [tilespmem:s21+$0xBC80]  }
0x2d5: {  	v4 =	vld [tilespmem:s21+$0xBC90];
	v2 =	vmul.f32 v2, v1  }
0x2d6: {  	v6 =	vimm.f32 $0.0e+00;
	v1 =	vld [tilespmem:s21+$0xA790]  }
0x2d7: {  	v9 =	vmul.f32 v5, v3;
	v5 =	vld [tilespmem:s21+$0xBCA0];
	v6 =	vadd.f32 v2, v6  }
0x2d8: {  	s20 =	simm.s32 $0x50;
	v2 =	vld [tilespmem:s21+$0xA7A0]  }
0x2d9: {  	v3 =	vld [tilespmem:s20+$0xA760];
	v7 =	vmul.f32 v8, v7;
	s21 =	simm.s32 $0x280;
	v6 =	vadd.f32 v9, v6  }
.LBB2_7:
0x2da: {  	p0 =	sne.s32 s21, $0x5000;
	v8 =	vld [tilespmem:s20+$0xBC60]  }
0x2db: {  	v9 =	vld [tilespmem:s20+$0xA770];
	v6 =	vadd.f32 v7, v6;
	v1 =	vmul.f32 v4, v1  }
0x2dc: {  	v7 =	vld [tilespmem:s20+$0xBC70]  }
0x2dd: {  	v10 =	vld [tilespmem:s20+$0xA780];
	v4 =	vadd.f32 v1, v6;
	v2 =	vmul.f32 v5, v2  }
0x2de: {  	v11 =	vld [tilespmem:s20+$0xBC80]  }
.Ltmp2:
0x2df: {  	v3 =	vmul.f32 v8, v3;
	v1 =	vld [tilespmem:s20+$0xA790];
	v2 =	vadd.f32 v2, v4;
	(pc) =	sbr.rel @p0 .LBB2_7-.Ltmp2, $4  }
0x2e0: {  	v4 =	vld [tilespmem:s20+$0xBC90]  }
0x2e1: {  	v6 =	vadd.f32 v3, v2;
	v7 =	vmul.f32 v7, v9;
	v2 =	vld [tilespmem:s20+$0xA7A0]  }
0x2e2: {  	v5 =	vld [tilespmem:s20+$0xBCA0];
	s20 =	sshra.s32 s21, $0x2  }
0x2e3: {  	s21 =	sadd.s32 $0x140, s21;
	v3 =	vld [tilespmem:s20+$0xA760];
	v6 =	vadd.f32 v7, v6;
	v7 =	vmul.f32 v11, v10  }
0x2e4: {  	v8 =	vld [tilespmem:$0x7530]  }
0x2e5: {  	v9 =	vld [tilespmem:$0x7540];
	_ =	sdelay $0x3  }
0x2e6: {  	v10 =	vld [tilespmem:s20+$0xBC60];
	v8 =	vadd.s32 v0, v8  }
0x2e7: {  	v48 =	vld [tilespmem:s20+$0xA770];
	v47 =	vadd.s32 v0, v9  }
0x2e8: {  	v11 =	vld [tilespmem:$0x77F0]  }
0x2e9: {  	v12 =	vld [tilespmem:$0x7800]  }
0x2ea: {  	v49 =	vld [tilespmem:s20+$0xBC70]  }
0x2eb: {  	v6 =	vadd.f32 v7, v6;
	v1 =	vmul.f32 v4, v1;
	v8 =	vld.idx.msk [tilespmem:v8+s2+$0x0], $0xffff  }
0x2ec: {  	v0 =	vld.idx.msk [tilespmem:v47+s2+$0x0], $0xffff  }
0x2ed: {  	v50 =	vld [tilespmem:s20+$0xA780];
	v1 =	vadd.f32 v1, v6;
	v2 =	vmul.f32 v5, v2  }
0x2ee: {  	v51 =	vld [tilespmem:s20+$0xBC80]  }
0x2ef: {  	v53 =	vld [tilespmem:s20+$0xA790];
	v3 =	vmul.f32 v10, v3;
	v1 =	vadd.f32 v2, v1  }
0x2f0: {  	v54 =	vld [tilespmem:s20+$0xBC90];
	v52 =	vadd.s32 v11, v8  }
0x2f1: {  	v56 =	vld [tilespmem:s20+$0xA7A0];
	v55 =	vmul.f32 v49, v48;
	v1 =	vadd.f32 v3, v1;
	v0 =	vadd.s32 v12, v0  }
0x2f2: {  	v57 =	vld [tilespmem:s20+$0xBCA0]  }
0x2f3: {  	v58 =	vmul.f32 v51, v50;
	v1 =	vadd.f32 v55, v1  }
0x2f4: {  	v60 =	vld [tilespmem:$0x7810]  }
0x2f5: {  	v59 =	vmul.f32 v54, v53;
	v1 =	vadd.f32 v58, v1;
	v2 =	vld.idx.msk [tilespmem:v52+s12+$0x0], $0xffff  }
0x2f6: {  	v0 =	vld.idx.msk [tilespmem:v0+s12+$0x0], $0xffff  }
0x2f7: {  	v61 =	vmul.f32 v57, v56;
	v1 =	vadd.f32 v59, v1;
	_ =	sdelay $0x1  }
0x2f8: {  	v1 =	vadd.f32 v61, v1;
	_ =	sdelay $0x1  }
0x2f9: {  	v0 =	vmul.f32 v60, v0;
	v1 =	vadd.f32 v2, v1;
	_ =	sdelay $0x1  }
0x2fa: {  	v0 =	vadd.f32 v0, v1;
	_ =	sdelay $0x1  }
0x2fb: {  	(xrf2) =	vadd.scan.msk.f32 $0xffff, v0;
	_ =	sdelay $0x6  }
0x2fc: {  	s18 =	sadd.s32 $0x1, s18  }
0x2fd: {  	v62 =	vmov s19;
	p0 =	sne.s32 s18, $0x40  }
.Ltmp3:
0x2fe: {  	_ = 	snop;
	(pc) =	sbr.rel @p0 .LBB2_2-.Ltmp3, $3  }
0x2ff: {  	v63, _, _ =	vpop (xrf2)  }
0x300: {  	v1 =	vbroadcast v63, $0xF;
	_ =	sdelay $0x1  }
0x301: {  	[tilespmem:v62+s10+$0x0] =	vst.idx.msk $0x1, v1  }
0x302: {  	s18 =	rddreg [dreg:$0x8]  }
0x303: {  	[hbm4b:s18+s2] =	stream.linear.scatter [tilespmem:s10], [sflag:$0x3], $0x80, $0x38;
	[tilespmem:$0xD1E0] =	vst v63  }
0x304: {  	_ =	swait.ge [sflag:s11], $0x80  }
0x305: {  	s19 =	rddreg [dreg:$0xa]  }
0x306: {  	s22 =	rddreg [dreg:$0x9];
	s19 =	sadd.s32 $0x1, s19  }
0x307: {  	p0 =	sne.s32 s19, s22  }
.Ltmp4:
0x308: {  	_ = 	snop;
	(pc) =	sbr.rel @p0 .LBB2_1-.Ltmp4, $3  }
0x309: {  	_ =	sdelay $0x1  }
0x30a: {  	[sflag:s11] =	ssyncset.done $0x0  }
0x30b: {  	[sflag:s11] =	ssyncadd.s32 $0xFFFFFF80  }
0x30c: {  	_ =	sfence.sel $0x180000  }
0x30d: {  	[bflag:$0x0] =	sbarrier.arrive $0xFFFF  }
0x30e: {  	_ =	strace $0x9000004A  }
0x30f: {  	s0 =	stileid.u32;
	[bflag:$0x2] =	sbarrier.arrive $0xFFFF  }
0x310: {  	p0 =	sne.s32 s0, $0x0;
	s0 =	rddreg [dreg:$0x2]  }
0x311: {  	s0 =	sadd.s32 @!p0 $0x100000, s0  }
0x312: {  	[sflag:s0] =	ssyncadd.tile.s32 @!p0 $0x1;
	_ =	shalt  }
.Lfunc_end2:
_tile_overlayer_lowered:
.L_overlay_start_2:
0x313: {  	(tag) =	ssettag $0x2  }
0x314: {  	s0 =	rddreg [dreg:$0x0];
	s2 =	stileid.u32  }
0x315: {  	s1 =	rddreg [dreg:$0x1];
	p0 =	sne.s32 s2, $0x0  }
0x316: {  	s3 =	rddreg [dreg:$0x2];
	[bflag:$0x3] =	sbarrier.arrive $0xFFFF;
	s2 =	simm.s32 @!p0 $0x1C03  }
0x317: {  	[timem:s3], [sflag:s2] =	dma.local @!p0 [hbm:s0], s1  }
0x318: {  	s0 =	simm.s32 @!p0 $0x3  }
0x319: {  	_ =	swait.ge @!p0 [sflag:s0], s1  }
0x31a: {  	s1 =	ssub.s32 @!p0 $0x0, s1;
	[sflag:s0] =	ssyncset.done @!p0 $0x0  }
0x31b: {  	[sflag:s0] =	ssyncadd.s32 @!p0 s1  }
0x31c: {  	[bflag:$0x3] =	sbarrier.arrive $0xFFFF  }
0x31d: {  	_ =	shalt  }

</sc_bundles>
